<compile_context>
chip_gen: v7x
topology: tpu7x:2x2x1
jax: 0.10.2.dev20260603
libtpu: 0.0.44.dev20260713+nightly
codegen_flags: <defaults>
</compile_context>

<pallas_src>
import functools

import jax
import jax.numpy as jnp
from jax.experimental import pallas as pl

N_NODES = 50000
BLK = 5000
NB = N_NODES // BLK
NEG_SLOPE = 0.2
EPS_DENOM = 1e-16
GN_EPS = 1e-5
PACK = 128


def _leaky(x):
    return jnp.where(x >= 0, x, NEG_SLOPE * x)


def _elu(x):
    return jnp.where(x > 0, x, jnp.exp(jnp.minimum(x, 0.0)) - 1.0)


def _transform_block(x, w_ref, asrc_ref, adst_ref, hsd_ref, mx_ref):
    c = w_ref.shape[1]
    h = jnp.dot(x, w_ref[...], preferred_element_type=jnp.float32)
    s = jnp.dot(h, asrc_ref[...], preferred_element_type=jnp.float32)
    d = jnp.dot(h, adst_ref[...], preferred_element_type=jnp.float32)
    pad = jnp.zeros((x.shape[0], PACK - c - 2), jnp.float32)
    hsd_ref[...] = jnp.concatenate([h, s, d, pad], axis=1)
    bm = jnp.concatenate([jnp.max(s)[None, None], jnp.max(d)[None, None]],
                         axis=1)

    @pl.when(pl.program_id(0) == 0)
    def _():
        mx_ref[...] = bm

    @pl.when(pl.program_id(0) != 0)
    def _():
        mx_ref[...] = jnp.maximum(mx_ref[...], bm)


def _first_kernel(x_ref, w_ref, asrc_ref, adst_ref, hsd_ref, mx_ref):
    _transform_block(x_ref[...], w_ref, asrc_ref, adst_ref, hsd_ref, mx_ref)


def _stats_kernel(seg_ref, bias_ref, x0_ref, m_ref):
    cp = bias_ref.shape[1]
    seg = seg_ref[...]
    x0 = seg[:, 1:cp + 1] / (seg[:, 0:1] + EPS_DENOM) + bias_ref[...]
    x0_ref[...] = x0
    bm = jnp.concatenate([jnp.sum(x0, axis=0, keepdims=True),
                          jnp.sum(x0 * x0, axis=0, keepdims=True)], axis=1)

    @pl.when(pl.program_id(0) == 0)
    def _():
        m_ref[...] = bm

    @pl.when(pl.program_id(0) != 0)
    def _():
        m_ref[...] = m_ref[...] + bm


def _norm_kernel(x0_ref, m_ref, gnw_ref, gnb_ref, gnm_ref,
                 w_ref, asrc_ref, adst_ref, hsd_ref, mx_ref):
    cp = gnw_ref.shape[1]
    m1 = m_ref[0:1, 0:cp] / N_NODES
    m2 = m_ref[0:1, cp:2 * cp] / N_NODES
    ms = gnm_ref[...]
    var = m2 - m1 * m1 * ms * (2.0 - ms)
    cen = x0_ref[...] - m1 * ms
    xn = gnw_ref[...] * cen / jnp.sqrt(var + GN_EPS) + gnb_ref[...]
    _transform_block(_elu(xn), w_ref, asrc_ref, adst_ref, hsd_ref, mx_ref)


def _final_kernel(seg_ref, bias_ref, out_ref):
    cp = bias_ref.shape[1]
    seg = seg_ref[...]
    out_ref[...] = seg[:, 1:cp + 1] / (seg[:, 0:1] + EPS_DENOM) + bias_ref[...]


def _row_spec(cols):
    return pl.BlockSpec((BLK, cols), lambda i: (i, 0))


def _full_spec(shape):
    return pl.BlockSpec(shape, lambda i: (0,) * len(shape))


def _dense_first(x, w, a_src, a_dst):
    c = w.shape[1]
    return pl.pallas_call(
        _first_kernel,
        grid=(NB,),
        in_specs=[_row_spec(x.shape[1]), _full_spec(w.shape),
                  _full_spec((c, 1)), _full_spec((c, 1))],
        out_specs=(_row_spec(PACK), _full_spec((1, 2))),
        out_shape=(
            jax.ShapeDtypeStruct((N_NODES, PACK), jnp.float32),
            jax.ShapeDtypeStruct((1, 2), jnp.float32),
        ),
    )(x, w, a_src.reshape(c, 1), a_dst.reshape(c, 1))


def _stats(seg, bias):
    cp = bias.shape[0]
    return pl.pallas_call(
        _stats_kernel,
        grid=(NB,),
        in_specs=[_row_spec(cp + 1), _full_spec((1, cp))],
        out_specs=(_row_spec(cp), _full_spec((1, 2 * cp))),
        out_shape=(
            jax.ShapeDtypeStruct((N_NODES, cp), jnp.float32),
            jax.ShapeDtypeStruct((1, 2 * cp), jnp.float32),
        ),
    )(seg, bias.reshape(1, cp))


def _norm_transform(x0, m, gnw, gnb, gnm, w, a_src, a_dst):
    cp = x0.shape[1]
    c = w.shape[1]
    return pl.pallas_call(
        _norm_kernel,
        grid=(NB,),
        in_specs=[_row_spec(cp), _full_spec((1, 2 * cp)),
                  _full_spec((1, cp)), _full_spec((1, cp)),
                  _full_spec((1, cp)), _full_spec(w.shape),
                  _full_spec((c, 1)), _full_spec((c, 1))],
        out_specs=(_row_spec(PACK), _full_spec((1, 2))),
        out_shape=(
            jax.ShapeDtypeStruct((N_NODES, PACK), jnp.float32),
            jax.ShapeDtypeStruct((1, 2), jnp.float32),
        ),
    )(x0, m, gnw.reshape(1, cp), gnb.reshape(1, cp), gnm.reshape(1, cp),
      w, a_src.reshape(c, 1), a_dst.reshape(c, 1))


def _dense_final(seg, bias):
    cp = bias.shape[0]
    return pl.pallas_call(
        _final_kernel,
        grid=(NB,),
        in_specs=[_row_spec(cp + 1), _full_spec((1, cp))],
        out_specs=_row_spec(cp),
        out_shape=jax.ShapeDtypeStruct((N_NODES, cp), jnp.float32),
    )(seg, bias.reshape(1, cp))


def _edge_aggregate(hsd, c_dim, mx, src, dst):
    cbound = _leaky(mx[0, 0] + mx[0, 1])
    e = jnp.take(hsd[:, c_dim], src) + jnp.take(hsd[:, c_dim + 1], dst)
    ex = jnp.exp(_leaky(e) - cbound)
    payload = jnp.concatenate(
        [ex[:, None], ex[:, None] * jnp.take(hsd[:, :c_dim], src, axis=0)],
        axis=1)
    return jax.ops.segment_sum(payload, dst, num_segments=N_NODES,
                               indices_are_sorted=True)


@jax.jit
def kernel(adjacency_list, feature_vectors,
           W1, a_src1, a_dst1, b1, gn1_weight, gn1_bias, gn1_mean_scale,
           W2, a_src2, a_dst2, b2, gn2_weight, gn2_bias, gn2_mean_scale,
           W3, a_src3, a_dst3, b3):
    perm = jnp.argsort(adjacency_list[1])
    src = jnp.take(adjacency_list[0], perm)
    dst = jnp.take(adjacency_list[1], perm)
    d1, d2, d3 = W1.shape[1], W2.shape[1], W3.shape[1]

    hsd1, mx1 = _dense_first(feature_vectors, W1, a_src1, a_dst1)
    seg1 = _edge_aggregate(hsd1, d1, mx1, src, dst)

    x01, m1 = _stats(seg1, b1)
    hsd2, mx2 = _norm_transform(x01, m1, gn1_weight, gn1_bias,
                                gn1_mean_scale, W2, a_src2, a_dst2)
    seg2 = _edge_aggregate(hsd2, d2, mx2, src, dst)

    x02, m2 = _stats(seg2, b2)
    hsd3, mx3 = _norm_transform(x02, m2, gn2_weight, gn2_bias,
                                gn2_mean_scale, W3, a_src3, a_dst3)
    seg3 = _edge_aggregate(hsd3, d3, mx3, src, dst)

    return _dense_final(seg3, b3)

# --- scband reference (transcript-rebuilt; emitter-appended) ---
"""Pipeline reference for scband-gat-43911745634371 (READ-ONLY COPY).

The authoritative reference and input builder live on the scoring server;
editing this copy changes nothing except your own understanding.
"""

import jax, jax.numpy as jnp
import numpy as np

N_NODES = 50000
N_EDGES = 1600000
NEG_SLOPE = 0.2
ELU_ALPHA = 1.0


def _gat_conv(x, edge_index, W, a_src, a_dst, b):
    # PyG-style GATConv with heads=1, dropout=0 (eval mode)
    src = edge_index[0]
    dst = edge_index[1]
    n = x.shape[0]
    h = x @ W  # [N, C]
    alpha_s = h @ a_src  # [N]
    alpha_d = h @ a_dst  # [N]
    e = alpha_s[src] + alpha_d[dst]  # [E]
    e = jax.nn.leaky_relu(e, NEG_SLOPE)
    e_max = jax.ops.segment_max(e, dst, num_segments=n)
    e_max = jnp.where(jnp.isfinite(e_max), e_max, 0.0)
    ex = jnp.exp(e - e_max[dst])
    denom = jax.ops.segment_sum(ex, dst, num_segments=n)
    coeff = ex / (denom[dst] + 1e-16)
    msg = h[src] * coeff[:, None]
    out = jax.ops.segment_sum(msg, dst, num_segments=n)
    return out + b


def _graph_norm(x, weight, bias, mean_scale, eps=1e-5):
    # PyG GraphNorm over a single graph (all nodes form one graph)
    mean = jnp.mean(x, axis=0, keepdims=True)
    out = x - mean * mean_scale
    var = jnp.mean(out * out, axis=0, keepdims=True)
    return weight * out / jnp.sqrt(var + eps) + bias


def setup_inputs(seed: int = 0) -> dict:
    key = jax.random.key(seed)
    ks = jax.random.split(key, 12)
    adjacency_list = jax.random.randint(ks[0], (2, N_EDGES), 0, N_NODES, dtype=jnp.int32)
    feature_vectors = jax.random.normal(ks[1], (N_NODES, 10), dtype=jnp.float32)
    d_in, d1, d2, d3 = 10, 32, 48, 24
    W1 = jax.random.normal(ks[2], (d_in, d1), dtype=jnp.float32) / np.sqrt(d_in)
    a_src1 = jax.random.normal(ks[3], (d1,), dtype=jnp.float32) / np.sqrt(d1)
    a_dst1 = jax.random.normal(ks[4], (d1,), dtype=jnp.float32) / np.sqrt(d1)
    b1 = jnp.zeros((d1,), dtype=jnp.float32)
    gn1_weight = jnp.ones((d1,), dtype=jnp.float32)
    gn1_bias = jnp.zeros((d1,), dtype=jnp.float32)
    gn1_mean_scale = jnp.ones((d1,), dtype=jnp.float32)
    W2 = jax.random.normal(ks[5], (d1, d2), dtype=jnp.float32) / np.sqrt(d1)
    a_src2 = jax.random.normal(ks[6], (d2,), dtype=jnp.float32) / np.sqrt(d2)
    a_dst2 = jax.random.normal(ks[7], (d2,), dtype=jnp.float32) / np.sqrt(d2)
    b2 = jnp.zeros((d2,), dtype=jnp.float32)
    gn2_weight = jnp.ones((d2,), dtype=jnp.float32)
    gn2_bias = jnp.zeros((d2,), dtype=jnp.float32)
    gn2_mean_scale = jnp.ones((d2,), dtype=jnp.float32)
    W3 = jax.random.normal(ks[8], (d2, d3), dtype=jnp.float32) / np.sqrt(d2)
    a_src3 = jax.random.normal(ks[9], (d3,), dtype=jnp.float32) / np.sqrt(d3)
    a_dst3 = jax.random.normal(ks[10], (d3,), dtype=jnp.float32) / np.sqrt(d3)
    b3 = jnp.zeros((d3,), dtype=jnp.float32)
    return {
        "adjacency_list": adjacency_list,
        "feature_vectors": feature_vectors,
        "W1": W1, "a_src1": a_src1, "a_dst1": a_dst1, "b1": b1,
        "gn1_weight": gn1_weight, "gn1_bias": gn1_bias, "gn1_mean_scale": gn1_mean_scale,
        "W2": W2, "a_src2": a_src2, "a_dst2": a_dst2, "b2": b2,
        "gn2_weight": gn2_weight, "gn2_bias": gn2_bias, "gn2_mean_scale": gn2_mean_scale,
        "W3": W3, "a_src3": a_src3, "a_dst3": a_dst3, "b3": b3,
    }


def reference(adjacency_list, feature_vectors,
              W1, a_src1, a_dst1, b1, gn1_weight, gn1_bias, gn1_mean_scale,
              W2, a_src2, a_dst2, b2, gn2_weight, gn2_bias, gn2_mean_scale,
              W3, a_src3, a_dst3, b3):
    out = _gat_conv(feature_vectors, adjacency_list, W1, a_src1, a_dst1, b1)
    out = jax.nn.elu(_graph_norm(out, gn1_weight, gn1_bias, gn1_mean_scale), ELU_ALPHA)
    out = _gat_conv(out, adjacency_list, W2, a_src2, a_dst2, b2)
    out = jax.nn.elu(_graph_norm(out, gn2_weight, gn2_bias, gn2_mean_scale), ELU_ALPHA)
    out = _gat_conv(out, adjacency_list, W3, a_src3, a_dst3, b3)
    return out

if __name__ == "__main__":
    import jax
    _d = setup_inputs()
    print(jax.jit(kernel)(*tuple(_d.values())))

</pallas_src>

<mosaic_0001>
module attributes {stable_mosaic.version = 14 : i64} {
  func.func @_first_kernel(%arg0: i32, %arg1: memref<5000x10xf32, #tpu.memory_space<vmem>>, %arg2: memref<10x32xf32, #tpu.memory_space<vmem>>, %arg3: memref<32x1xf32, #tpu.memory_space<vmem>>, %arg4: memref<32x1xf32, #tpu.memory_space<vmem>>, %arg5: memref<5000x128xf32, #tpu.memory_space<vmem>>, %arg6: memref<1x2xf32, #tpu.memory_space<vmem>>) attributes {dimension_semantics = [#tpu.dimension_semantics<arbitrary>], iteration_bounds = array<i64: 10>, scalar_prefetch = 0 : i64, scratch_operands = 0 : i64, tpu.core_type = #tpu.core_type<tc>, window_params = [{transform_indices = @transform_0, window_bounds = array<i64: 5000, 10>}, {pipeline_mode = #tpu.pipeline_mode<synchronous>, transform_indices = @transform_1, window_bounds = array<i64: 10, 32>}, {pipeline_mode = #tpu.pipeline_mode<synchronous>, transform_indices = @transform_2, window_bounds = array<i64: 32, 1>}, {pipeline_mode = #tpu.pipeline_mode<synchronous>, transform_indices = @transform_3, window_bounds = array<i64: 32, 1>}, {transform_indices = @transform_4, window_bounds = array<i64: 5000, 128>}, {pipeline_mode = #tpu.pipeline_mode<synchronous>, transform_indices = @transform_5, window_bounds = array<i64: 1, 2>}]} {
    %get3A = arith.constant 0 : index
    %get3A_0 = arith.constant 0 : index
    %get3A_1 = vector.load %arg1[%get3A, %get3A_0] : memref<5000x10xf32, #tpu.memory_space<vmem>>, vector<5000x10xf32>
    %get3A_2 = arith.constant 0 : index
    %get3A_3 = arith.constant 0 : index
    %get3A_4 = vector.load %arg2[%get3A_2, %get3A_3] : memref<10x32xf32, #tpu.memory_space<vmem>>, vector<10x32xf32>
    %dot_general3A = arith.constant dense<0.000000e+00> : vector<5000x32xf32>
    %dot_general3A_5 = tpu.matmul %get3A_1, %get3A_4, %dot_general3A {dimension_numbers = #tpu.dot_dimension_numbers<[1], [0], [0], [1], [0, 0, 1, 1], [], []>, transpose_lhs_hint = false} : vector<5000x10xf32>, vector<10x32xf32>, vector<5000x32xf32> -> vector<5000x32xf32>
    %get3A_6 = arith.constant 0 : index
    %get3A_7 = arith.constant 0 : index
    %get3A_8 = vector.load %arg3[%get3A_6, %get3A_7] : memref<32x1xf32, #tpu.memory_space<vmem>>, vector<32x1xf32>
    %dot_general3A_9 = arith.constant dense<0.000000e+00> : vector<5000x1xf32>
    %dot_general3A_10 = tpu.matmul %dot_general3A_5, %get3A_8, %dot_general3A_9 {dimension_numbers = #tpu.dot_dimension_numbers<[1], [0], [0], [1], [0, 0, 1, 1], [], []>, transpose_lhs_hint = false} : vector<5000x32xf32>, vector<32x1xf32>, vector<5000x1xf32> -> vector<5000x1xf32>
    %get3A_11 = arith.constant 0 : index
    %get3A_12 = arith.constant 0 : index
    %get3A_13 = vector.load %arg4[%get3A_11, %get3A_12] : memref<32x1xf32, #tpu.memory_space<vmem>>, vector<32x1xf32>
    %dot_general3A_14 = arith.constant dense<0.000000e+00> : vector<5000x1xf32>
    %dot_general3A_15 = tpu.matmul %dot_general3A_5, %get3A_13, %dot_general3A_14 {dimension_numbers = #tpu.dot_dimension_numbers<[1], [0], [0], [1], [0, 0, 1, 1], [], []>, transpose_lhs_hint = false} : vector<5000x32xf32>, vector<32x1xf32>, vector<5000x1xf32> -> vector<5000x1xf32>
    %broadcast_in_dim3A = arith.constant 0.000000e+00 : f32
    %broadcast_in_dim3A_16 = vector.broadcast %broadcast_in_dim3A : f32 to vector<5000x94xf32>
    %concatenate3A = tpu.concatenate %dot_general3A_5, %dot_general3A_10, %dot_general3A_15, %broadcast_in_dim3A_16 in 1 : vector<5000x32xf32>, vector<5000x1xf32>, vector<5000x1xf32>, vector<5000x94xf32> -> vector<5000x128xf32>
    %swap3A = arith.constant 0 : index
    %swap3A_17 = arith.constant 0 : index
    %swap3A_18 = vector.load %arg5[%swap3A, %swap3A_17] : memref<5000x128xf32, #tpu.memory_space<vmem>>, vector<5000x128xf32>
    tpu.vector_store %arg5[%swap3A, %swap3A_17], %concatenate3A {strides = array<i32>} : memref<5000x128xf32, #tpu.memory_space<vmem>>, vector<5000x128xf32>,
    %reduce_max3A = vector.shape_cast %dot_general3A_10 : vector<5000x1xf32> to vector<1x5000x1xf32>
    %reduce_max3A_19 = arith.constant dense<0xFF800000> : vector<1xf32>
    %reduce_max3A_20 = vector.multi_reduction <maximumf>, %reduce_max3A, %reduce_max3A_19 [1, 2] : vector<1x5000x1xf32> to vector<1xf32>
    %reduce_max3A_21 = vector.shape_cast %reduce_max3A_20 : vector<1xf32> to vector<1x1x1xf32>
    %reduce_max3A_22 = vector.extract %reduce_max3A_21[0, 0, 0] : f32 from vector<1x1x1xf32>
    %broadcast_in_dim3A_23 = vector.broadcast %reduce_max3A_22 : f32 to vector<1x1xf32>
    %reduce_max3A_24 = vector.shape_cast %dot_general3A_15 : vector<5000x1xf32> to vector<1x5000x1xf32>
    %reduce_max3A_25 = arith.constant dense<0xFF800000> : vector<1xf32>
    %reduce_max3A_26 = vector.multi_reduction <maximumf>, %reduce_max3A_24, %reduce_max3A_25 [1, 2] : vector<1x5000x1xf32> to vector<1xf32>
    %reduce_max3A_27 = vector.shape_cast %reduce_max3A_26 : vector<1xf32> to vector<1x1x1xf32>
    %reduce_max3A_28 = vector.extract %reduce_max3A_27[0, 0, 0] : f32 from vector<1x1x1xf32>
    %broadcast_in_dim3A_29 = vector.broadcast %reduce_max3A_28 : f32 to vector<1x1xf32>
    %concatenate3A_30 = tpu.concatenate %broadcast_in_dim3A_23, %broadcast_in_dim3A_29 in 1 : vector<1x1xf32>, vector<1x1xf32> -> vector<1x2xf32>
    %eq3A = arith.constant 0 : i32
    %eq3A_31 = arith.cmpi eq, %arg0, %eq3A : i32
    %convert_element_type3A = arith.extui %eq3A_31 : i1 to i32
    %cond3A = arith.constant 0 : i32
    %cond3A_32 = arith.cmpi ne, %convert_element_type3A, %cond3A : i32
    scf.if %cond3A_32 {
      %swap3A_37 = arith.constant 0 : index
      %swap3A_38 = arith.constant 0 : index
      %swap3A_39 = vector.load %arg6[%swap3A_37, %swap3A_38] : memref<1x2xf32, #tpu.memory_space<vmem>>, vector<1x2xf32>
      tpu.vector_store %arg6[%swap3A_37, %swap3A_38], %concatenate3A_30 {strides = array<i32>} : memref<1x2xf32, #tpu.memory_space<vmem>>, vector<1x2xf32>,
    } else {
    }
    %ne3A = arith.constant 0 : i32
    %ne3A_33 = arith.cmpi ne, %arg0, %ne3A : i32
    %convert_element_type3A_34 = arith.extui %ne3A_33 : i1 to i32
    %cond3A_35 = arith.constant 0 : i32
    %cond3A_36 = arith.cmpi ne, %convert_element_type3A_34, %cond3A_35 : i32
    scf.if %cond3A_36 {
      %get3A_37 = arith.constant 0 : index
      %get3A_38 = arith.constant 0 : index
      %get3A_39 = vector.load %arg6[%get3A_37, %get3A_38] : memref<1x2xf32, #tpu.memory_space<vmem>>, vector<1x2xf32>
      %max3A = arith.maximumf %get3A_39, %concatenate3A_30 : vector<1x2xf32>
      %swap3A_40 = arith.constant 0 : index
      %swap3A_41 = arith.constant 0 : index
      %swap3A_42 = vector.load %arg6[%swap3A_40, %swap3A_41] : memref<1x2xf32, #tpu.memory_space<vmem>>, vector<1x2xf32>
      tpu.vector_store %arg6[%swap3A_40, %swap3A_41], %max3A {strides = array<i32>} : memref<1x2xf32, #tpu.memory_space<vmem>>, vector<1x2xf32>,
    } else {
    }
    return
  }
  func.func @transform_0(%arg0: i32) -> (i32, i32) {
    %c0_i32 = arith.constant 0 : i32
    %c0_i32_0 = arith.constant 0 : i32
    return %arg0, %c0_i32 : i32, i32
  }
  func.func @transform_1(%arg0: i32) -> (i32, i32) {
    %c0_i32 = arith.constant 0 : i32
    %c0_i32_0 = arith.constant 0 : i32
    %c0_i32_1 = arith.constant 0 : i32
    return %c0_i32, %c0_i32_0 : i32, i32
  }
  func.func @transform_2(%arg0: i32) -> (i32, i32) {
    %c0_i32 = arith.constant 0 : i32
    %c0_i32_0 = arith.constant 0 : i32
    %c0_i32_1 = arith.constant 0 : i32
    return %c0_i32, %c0_i32_0 : i32, i32
  }
  func.func @transform_3(%arg0: i32) -> (i32, i32) {
    %c0_i32 = arith.constant 0 : i32
    %c0_i32_0 = arith.constant 0 : i32
    %c0_i32_1 = arith.constant 0 : i32
    return %c0_i32, %c0_i32_0 : i32, i32
  }
  func.func @transform_4(%arg0: i32) -> (i32, i32) {
    %c0_i32 = arith.constant 0 : i32
    %c0_i32_0 = arith.constant 0 : i32
    return %arg0, %c0_i32 : i32, i32
  }
  func.func @transform_5(%arg0: i32) -> (i32, i32) {
    %c0_i32 = arith.constant 0 : i32
    %c0_i32_0 = arith.constant 0 : i32
    %c0_i32_1 = arith.constant 0 : i32
    return %c0_i32, %c0_i32_0 : i32, i32
  }
}

module attributes {stable_mosaic.version = 14 : i64} {
  func.func @_stats_kernel(%arg0: i32, %arg1: memref<5000x33xf32, #tpu.memory_space<vmem>>, %arg2: memref<1x32xf32, #tpu.memory_space<vmem>>, %arg3: memref<5000x32xf32, #tpu.memory_space<vmem>>, %arg4: memref<1x64xf32, #tpu.memory_space<vmem>>) attributes {dimension_semantics = [#tpu.dimension_semantics<arbitrary>], iteration_bounds = array<i64: 10>, scalar_prefetch = 0 : i64, scratch_operands = 0 : i64, tpu.core_type = #tpu.core_type<tc>, window_params = [{transform_indices = @transform_0, window_bounds = array<i64: 5000, 33>}, {pipeline_mode = #tpu.pipeline_mode<synchronous>, transform_indices = @transform_1, window_bounds = array<i64: 1, 32>}, {transform_indices = @transform_2, window_bounds = array<i64: 5000, 32>}, {pipeline_mode = #tpu.pipeline_mode<synchronous>, transform_indices = @transform_3, window_bounds = array<i64: 1, 64>}]} {
    %get3A = arith.constant 0 : index
    %get3A_0 = arith.constant 0 : index
    %get3A_1 = vector.load %arg1[%get3A, %get3A_0] : memref<5000x33xf32, #tpu.memory_space<vmem>>, vector<5000x33xf32>
    %slice3A = vector.extract_strided_slice %get3A_1 {offsets = [0, 1], sizes = [5000, 32], strides = [1, 1]} : vector<5000x33xf32> to vector<5000x32xf32>
    %slice3A_2 = vector.extract_strided_slice %get3A_1 {offsets = [0, 0], sizes = [5000, 1], strides = [1, 1]} : vector<5000x33xf32> to vector<5000x1xf32>
    %add3A = arith.constant 1.000000e-16 : f32
    %add3A_3 = vector.broadcast %add3A : f32 to vector<5000x1xf32>
    %add3A_4 = arith.addf %slice3A_2, %add3A_3 : vector<5000x1xf32>
    %div3A = vector.broadcast %add3A_4 : vector<5000x1xf32> to vector<5000x32xf32>
    %div3A_5 = arith.divf %slice3A, %div3A : vector<5000x32xf32>
    %get3A_6 = arith.constant 0 : index
    %get3A_7 = arith.constant 0 : index
    %get3A_8 = vector.load %arg2[%get3A_6, %get3A_7] : memref<1x32xf32, #tpu.memory_space<vmem>>, vector<1x32xf32>
    %add3A_9 = vector.broadcast %get3A_8 : vector<1x32xf32> to vector<5000x32xf32>
    %add3A_10 = arith.addf %div3A_5, %add3A_9 : vector<5000x32xf32>
    %swap3A = arith.constant 0 : index
    %swap3A_11 = arith.constant 0 : index
    %swap3A_12 = vector.load %arg3[%swap3A, %swap3A_11] : memref<5000x32xf32, #tpu.memory_space<vmem>>, vector<5000x32xf32>
    tpu.vector_store %arg3[%swap3A, %swap3A_11], %add3A_10 {strides = array<i32>} : memref<5000x32xf32, #tpu.memory_space<vmem>>, vector<5000x32xf32>,
    %reduce_sum3A = arith.constant dense<0.000000e+00> : vector<32xf32>
    %reduce_sum3A_13 = vector.multi_reduction <add>, %add3A_10, %reduce_sum3A [0] : vector<5000x32xf32> to vector<32xf32>
    %broadcast_in_dim3A = vector.shape_cast %reduce_sum3A_13 : vector<32xf32> to vector<1x32xf32>
    %mul3A = arith.mulf %add3A_10, %add3A_10 : vector<5000x32xf32>
    %reduce_sum3A_14 = arith.constant dense<0.000000e+00> : vector<32xf32>
    %reduce_sum3A_15 = vector.multi_reduction <add>, %mul3A, %reduce_sum3A_14 [0] : vector<5000x32xf32> to vector<32xf32>
    %broadcast_in_dim3A_16 = vector.shape_cast %reduce_sum3A_15 : vector<32xf32> to vector<1x32xf32>
    %concatenate3A = tpu.concatenate %broadcast_in_dim3A, %broadcast_in_dim3A_16 in 1 : vector<1x32xf32>, vector<1x32xf32> -> vector<1x64xf32>
    %eq3A = arith.constant 0 : i32
    %eq3A_17 = arith.cmpi eq, %arg0, %eq3A : i32
    %convert_element_type3A = arith.extui %eq3A_17 : i1 to i32
    %cond3A = arith.constant 0 : i32
    %cond3A_18 = arith.cmpi ne, %convert_element_type3A, %cond3A : i32
    scf.if %cond3A_18 {
      %swap3A_23 = arith.constant 0 : index
      %swap3A_24 = arith.constant 0 : index
      %swap3A_25 = vector.load %arg4[%swap3A_23, %swap3A_24] : memref<1x64xf32, #tpu.memory_space<vmem>>, vector<1x64xf32>
      tpu.vector_store %arg4[%swap3A_23, %swap3A_24], %concatenate3A {strides = array<i32>} : memref<1x64xf32, #tpu.memory_space<vmem>>, vector<1x64xf32>,
    } else {
    }
    %ne3A = arith.constant 0 : i32
    %ne3A_19 = arith.cmpi ne, %arg0, %ne3A : i32
    %convert_element_type3A_20 = arith.extui %ne3A_19 : i1 to i32
    %cond3A_21 = arith.constant 0 : i32
    %cond3A_22 = arith.cmpi ne, %convert_element_type3A_20, %cond3A_21 : i32
    scf.if %cond3A_22 {
      %get3A_23 = arith.constant 0 : index
      %get3A_24 = arith.constant 0 : index
      %get3A_25 = vector.load %arg4[%get3A_23, %get3A_24] : memref<1x64xf32, #tpu.memory_space<vmem>>, vector<1x64xf32>
      %add3A_26 = arith.addf %get3A_25, %concatenate3A : vector<1x64xf32>
      %swap3A_27 = arith.constant 0 : index
      %swap3A_28 = arith.constant 0 : index
      %swap3A_29 = vector.load %arg4[%swap3A_27, %swap3A_28] : memref<1x64xf32, #tpu.memory_space<vmem>>, vector<1x64xf32>
      tpu.vector_store %arg4[%swap3A_27, %swap3A_28], %add3A_26 {strides = array<i32>} : memref<1x64xf32, #tpu.memory_space<vmem>>, vector<1x64xf32>,
    } else {
    }
    return
  }
  func.func @transform_0(%arg0: i32) -> (i32, i32) {
    %c0_i32 = arith.constant 0 : i32
    %c0_i32_0 = arith.constant 0 : i32
    return %arg0, %c0_i32 : i32, i32
  }
  func.func @transform_1(%arg0: i32) -> (i32, i32) {
    %c0_i32 = arith.constant 0 : i32
    %c0_i32_0 = arith.constant 0 : i32
    %c0_i32_1 = arith.constant 0 : i32
    return %c0_i32, %c0_i32_0 : i32, i32
  }
  func.func @transform_2(%arg0: i32) -> (i32, i32) {
    %c0_i32 = arith.constant 0 : i32
    %c0_i32_0 = arith.constant 0 : i32
    return %arg0, %c0_i32 : i32, i32
  }
  func.func @transform_3(%arg0: i32) -> (i32, i32) {
    %c0_i32 = arith.constant 0 : i32
    %c0_i32_0 = arith.constant 0 : i32
    %c0_i32_1 = arith.constant 0 : i32
    return %c0_i32, %c0_i32_0 : i32, i32
  }
}

module attributes {stable_mosaic.version = 14 : i64} {
  func.func @_norm_kernel(%arg0: i32, %arg1: memref<5000x32xf32, #tpu.memory_space<vmem>>, %arg2: memref<1x64xf32, #tpu.memory_space<vmem>>, %arg3: memref<1x32xf32, #tpu.memory_space<vmem>>, %arg4: memref<1x32xf32, #tpu.memory_space<vmem>>, %arg5: memref<1x32xf32, #tpu.memory_space<vmem>>, %arg6: memref<32x48xf32, #tpu.memory_space<vmem>>, %arg7: memref<48x1xf32, #tpu.memory_space<vmem>>, %arg8: memref<48x1xf32, #tpu.memory_space<vmem>>, %arg9: memref<5000x128xf32, #tpu.memory_space<vmem>>, %arg10: memref<1x2xf32, #tpu.memory_space<vmem>>) attributes {dimension_semantics = [#tpu.dimension_semantics<arbitrary>], iteration_bounds = array<i64: 10>, scalar_prefetch = 0 : i64, scratch_operands = 0 : i64, tpu.core_type = #tpu.core_type<tc>, window_params = [{transform_indices = @transform_0, window_bounds = array<i64: 5000, 32>}, {pipeline_mode = #tpu.pipeline_mode<synchronous>, transform_indices = @transform_1, window_bounds = array<i64: 1, 64>}, {pipeline_mode = #tpu.pipeline_mode<synchronous>, transform_indices = @transform_2, window_bounds = array<i64: 1, 32>}, {pipeline_mode = #tpu.pipeline_mode<synchronous>, transform_indices = @transform_3, window_bounds = array<i64: 1, 32>}, {pipeline_mode = #tpu.pipeline_mode<synchronous>, transform_indices = @transform_4, window_bounds = array<i64: 1, 32>}, {pipeline_mode = #tpu.pipeline_mode<synchronous>, transform_indices = @transform_5, window_bounds = array<i64: 32, 48>}, {pipeline_mode = #tpu.pipeline_mode<synchronous>, transform_indices = @transform_6, window_bounds = array<i64: 48, 1>}, {pipeline_mode = #tpu.pipeline_mode<synchronous>, transform_indices = @transform_7, window_bounds = array<i64: 48, 1>}, {transform_indices = @transform_8, window_bounds = array<i64: 5000, 128>}, {pipeline_mode = #tpu.pipeline_mode<synchronous>, transform_indices = @transform_9, window_bounds = array<i64: 1, 2>}]} {
    %get3A = arith.constant 0 : index
    %get3A_0 = arith.constant 0 : index
    %get3A_1 = vector.load %arg2[%get3A, %get3A_0] : memref<1x64xf32, #tpu.memory_space<vmem>>, vector<1x32xf32>
    %div3A = arith.constant 5.000000e+04 : f32
    %div3A_2 = vector.broadcast %div3A : f32 to vector<1x32xf32>
    %div3A_3 = arith.divf %get3A_1, %div3A_2 : vector<1x32xf32>
    %get3A_4 = arith.constant 0 : index
    %get3A_5 = arith.constant 32 : index
    %get3A_6 = vector.load %arg2[%get3A_4, %get3A_5] : memref<1x64xf32, #tpu.memory_space<vmem>>, vector<1x32xf32>
    %div3A_7 = arith.constant 5.000000e+04 : f32
    %div3A_8 = vector.broadcast %div3A_7 : f32 to vector<1x32xf32>
    %div3A_9 = arith.divf %get3A_6, %div3A_8 : vector<1x32xf32>
    %get3A_10 = arith.constant 0 : index
    %get3A_11 = arith.constant 0 : index
    %get3A_12 = vector.load %arg5[%get3A_10, %get3A_11] : memref<1x32xf32, #tpu.memory_space<vmem>>, vector<1x32xf32>
    %mul3A = arith.mulf %div3A_3, %div3A_3 : vector<1x32xf32>
    %mul3A_13 = arith.mulf %mul3A, %get3A_12 : vector<1x32xf32>
    %sub3A = arith.constant 2.000000e+00 : f32
    %sub3A_14 = vector.broadcast %sub3A : f32 to vector<1x32xf32>
    %sub3A_15 = arith.subf %sub3A_14, %get3A_12 : vector<1x32xf32>
    %mul3A_16 = arith.mulf %mul3A_13, %sub3A_15 : vector<1x32xf32>
    %sub3A_17 = arith.subf %div3A_9, %mul3A_16 : vector<1x32xf32>
    %get3A_18 = arith.constant 0 : index
    %get3A_19 = arith.constant 0 : index
    %get3A_20 = vector.load %arg1[%get3A_18, %get3A_19] : memref<5000x32xf32, #tpu.memory_space<vmem>>, vector<5000x32xf32>
    %mul3A_21 = arith.mulf %div3A_3, %get3A_12 : vector<1x32xf32>
    %sub3A_22 = vector.broadcast %mul3A_21 : vector<1x32xf32> to vector<5000x32xf32>
    %sub3A_23 = arith.subf %get3A_20, %sub3A_22 : vector<5000x32xf32>
    %get3A_24 = arith.constant 0 : index
    %get3A_25 = arith.constant 0 : index
    %get3A_26 = vector.load %arg3[%get3A_24, %get3A_25] : memref<1x32xf32, #tpu.memory_space<vmem>>, vector<1x32xf32>
    %mul3A_27 = vector.broadcast %get3A_26 : vector<1x32xf32> to vector<5000x32xf32>
    %mul3A_28 = arith.mulf %mul3A_27, %sub3A_23 : vector<5000x32xf32>
    %add3A = arith.constant 9.99999974E-6 : f32
    %add3A_29 = vector.broadcast %add3A : f32 to vector<1x32xf32>
    %add3A_30 = arith.addf %sub3A_17, %add3A_29 : vector<1x32xf32>
    %sqrt3A = math.sqrt %add3A_30 : vector<1x32xf32>
    %div3A_31 = vector.broadcast %sqrt3A : vector<1x32xf32> to vector<5000x32xf32>
    %div3A_32 = arith.divf %mul3A_28, %div3A_31 : vector<5000x32xf32>
    %get3A_33 = arith.constant 0 : index
    %get3A_34 = arith.constant 0 : index
    %get3A_35 = vector.load %arg4[%get3A_33, %get3A_34] : memref<1x32xf32, #tpu.memory_space<vmem>>, vector<1x32xf32>
    %add3A_36 = vector.broadcast %get3A_35 : vector<1x32xf32> to vector<5000x32xf32>
    %add3A_37 = arith.addf %div3A_32, %add3A_36 : vector<5000x32xf32>
    %gt3A = arith.constant 0.000000e+00 : f32
    %gt3A_38 = vector.broadcast %gt3A : f32 to vector<5000x32xf32>
    %gt3A_39 = arith.cmpf ogt, %add3A_37, %gt3A_38 : vector<5000x32xf32>
    %min3A = arith.constant 0.000000e+00 : f32
    %min3A_40 = vector.broadcast %min3A : f32 to vector<5000x32xf32>
    %min3A_41 = arith.minimumf %add3A_37, %min3A_40 : vector<5000x32xf32>
    %exp3A = math.exp %min3A_41 : vector<5000x32xf32>
    %sub3A_42 = arith.constant 1.000000e+00 : f32
    %sub3A_43 = vector.broadcast %sub3A_42 : f32 to vector<5000x32xf32>
    %sub3A_44 = arith.subf %exp3A, %sub3A_43 : vector<5000x32xf32>
    %select_n3A = arith.select %gt3A_39, %add3A_37, %sub3A_44 : vector<5000x32xi1>, vector<5000x32xf32>
    %get3A_45 = arith.constant 0 : index
    %get3A_46 = arith.constant 0 : index
    %get3A_47 = vector.load %arg6[%get3A_45, %get3A_46] : memref<32x48xf32, #tpu.memory_space<vmem>>, vector<32x48xf32>
    %dot_general3A = arith.constant dense<0.000000e+00> : vector<5000x48xf32>
    %dot_general3A_48 = tpu.matmul %select_n3A, %get3A_47, %dot_general3A {dimension_numbers = #tpu.dot_dimension_numbers<[1], [0], [0], [1], [0, 0, 1, 1], [], []>, transpose_lhs_hint = false} : vector<5000x32xf32>, vector<32x48xf32>, vector<5000x48xf32> -> vector<5000x48xf32>
    %get3A_49 = arith.constant 0 : index
    %get3A_50 = arith.constant 0 : index
    %get3A_51 = vector.load %arg7[%get3A_49, %get3A_50] : memref<48x1xf32, #tpu.memory_space<vmem>>, vector<48x1xf32>
    %dot_general3A_52 = arith.constant dense<0.000000e+00> : vector<5000x1xf32>
    %dot_general3A_53 = tpu.matmul %dot_general3A_48, %get3A_51, %dot_general3A_52 {dimension_numbers = #tpu.dot_dimension_numbers<[1], [0], [0], [1], [0, 0, 1, 1], [], []>, transpose_lhs_hint = false} : vector<5000x48xf32>, vector<48x1xf32>, vector<5000x1xf32> -> vector<5000x1xf32>
    %get3A_54 = arith.constant 0 : index
    %get3A_55 = arith.constant 0 : index
    %get3A_56 = vector.load %arg8[%get3A_54, %get3A_55] : memref<48x1xf32, #tpu.memory_space<vmem>>, vector<48x1xf32>
    %dot_general3A_57 = arith.constant dense<0.000000e+00> : vector<5000x1xf32>
    %dot_general3A_58 = tpu.matmul %dot_general3A_48, %get3A_56, %dot_general3A_57 {dimension_numbers = #tpu.dot_dimension_numbers<[1], [0], [0], [1], [0, 0, 1, 1], [], []>, transpose_lhs_hint = false} : vector<5000x48xf32>, vector<48x1xf32>, vector<5000x1xf32> -> vector<5000x1xf32>
    %broadcast_in_dim3A = arith.constant 0.000000e+00 : f32
    %broadcast_in_dim3A_59 = vector.broadcast %broadcast_in_dim3A : f32 to vector<5000x78xf32>
    %concatenate3A = tpu.concatenate %dot_general3A_48, %dot_general3A_53, %dot_general3A_58, %broadcast_in_dim3A_59 in 1 : vector<5000x48xf32>, vector<5000x1xf32>, vector<5000x1xf32>, vector<5000x78xf32> -> vector<5000x128xf32>
    %swap3A = arith.constant 0 : index
    %swap3A_60 = arith.constant 0 : index
    %swap3A_61 = vector.load %arg9[%swap3A, %swap3A_60] : memref<5000x128xf32, #tpu.memory_space<vmem>>, vector<5000x128xf32>
    tpu.vector_store %arg9[%swap3A, %swap3A_60], %concatenate3A {strides = array<i32>} : memref<5000x128xf32, #tpu.memory_space<vmem>>, vector<5000x128xf32>,
    %reduce_max3A = vector.shape_cast %dot_general3A_53 : vector<5000x1xf32> to vector<1x5000x1xf32>
    %reduce_max3A_62 = arith.constant dense<0xFF800000> : vector<1xf32>
    %reduce_max3A_63 = vector.multi_reduction <maximumf>, %reduce_max3A, %reduce_max3A_62 [1, 2] : vector<1x5000x1xf32> to vector<1xf32>
    %reduce_max3A_64 = vector.shape_cast %reduce_max3A_63 : vector<1xf32> to vector<1x1x1xf32>
    %reduce_max3A_65 = vector.extract %reduce_max3A_64[0, 0, 0] : f32 from vector<1x1x1xf32>
    %broadcast_in_dim3A_66 = vector.broadcast %reduce_max3A_65 : f32 to vector<1x1xf32>
    %reduce_max3A_67 = vector.shape_cast %dot_general3A_58 : vector<5000x1xf32> to vector<1x5000x1xf32>
    %reduce_max3A_68 = arith.constant dense<0xFF800000> : vector<1xf32>
    %reduce_max3A_69 = vector.multi_reduction <maximumf>, %reduce_max3A_67, %reduce_max3A_68 [1, 2] : vector<1x5000x1xf32> to vector<1xf32>
    %reduce_max3A_70 = vector.shape_cast %reduce_max3A_69 : vector<1xf32> to vector<1x1x1xf32>
    %reduce_max3A_71 = vector.extract %reduce_max3A_70[0, 0, 0] : f32 from vector<1x1x1xf32>
    %broadcast_in_dim3A_72 = vector.broadcast %reduce_max3A_71 : f32 to vector<1x1xf32>
    %concatenate3A_73 = tpu.concatenate %broadcast_in_dim3A_66, %broadcast_in_dim3A_72 in 1 : vector<1x1xf32>, vector<1x1xf32> -> vector<1x2xf32>
    %eq3A = arith.constant 0 : i32
    %eq3A_74 = arith.cmpi eq, %arg0, %eq3A : i32
    %convert_element_type3A = arith.extui %eq3A_74 : i1 to i32
    %cond3A = arith.constant 0 : i32
    %cond3A_75 = arith.cmpi ne, %convert_element_type3A, %cond3A : i32
    scf.if %cond3A_75 {
      %swap3A_80 = arith.constant 0 : index
      %swap3A_81 = arith.constant 0 : index
      %swap3A_82 = vector.load %arg10[%swap3A_80, %swap3A_81] : memref<1x2xf32, #tpu.memory_space<vmem>>, vector<1x2xf32>
      tpu.vector_store %arg10[%swap3A_80, %swap3A_81], %concatenate3A_73 {strides = array<i32>} : memref<1x2xf32, #tpu.memory_space<vmem>>, vector<1x2xf32>,
    } else {
    }
    %ne3A = arith.constant 0 : i32
    %ne3A_76 = arith.cmpi ne, %arg0, %ne3A : i32
    %convert_element_type3A_77 = arith.extui %ne3A_76 : i1 to i32
    %cond3A_78 = arith.constant 0 : i32
    %cond3A_79 = arith.cmpi ne, %convert_element_type3A_77, %cond3A_78 : i32
    scf.if %cond3A_79 {
      %get3A_80 = arith.constant 0 : index
      %get3A_81 = arith.constant 0 : index
      %get3A_82 = vector.load %arg10[%get3A_80, %get3A_81] : memref<1x2xf32, #tpu.memory_space<vmem>>, vector<1x2xf32>
      %max3A = arith.maximumf %get3A_82, %concatenate3A_73 : vector<1x2xf32>
      %swap3A_83 = arith.constant 0 : index
      %swap3A_84 = arith.constant 0 : index
      %swap3A_85 = vector.load %arg10[%swap3A_83, %swap3A_84] : memref<1x2xf32, #tpu.memory_space<vmem>>, vector<1x2xf32>
      tpu.vector_store %arg10[%swap3A_83, %swap3A_84], %max3A {strides = array<i32>} : memref<1x2xf32, #tpu.memory_space<vmem>>, vector<1x2xf32>,
    } else {
    }
    return
  }
  func.func @transform_0(%arg0: i32) -> (i32, i32) {
    %c0_i32 = arith.constant 0 : i32
    %c0_i32_0 = arith.constant 0 : i32
    return %arg0, %c0_i32 : i32, i32
  }
  func.func @transform_1(%arg0: i32) -> (i32, i32) {
    %c0_i32 = arith.constant 0 : i32
    %c0_i32_0 = arith.constant 0 : i32
    %c0_i32_1 = arith.constant 0 : i32
    return %c0_i32, %c0_i32_0 : i32, i32
  }
  func.func @transform_2(%arg0: i32) -> (i32, i32) {
    %c0_i32 = arith.constant 0 : i32
    %c0_i32_0 = arith.constant 0 : i32
    %c0_i32_1 = arith.constant 0 : i32
    return %c0_i32, %c0_i32_0 : i32, i32
  }
  func.func @transform_3(%arg0: i32) -> (i32, i32) {
    %c0_i32 = arith.constant 0 : i32
    %c0_i32_0 = arith.constant 0 : i32
    %c0_i32_1 = arith.constant 0 : i32
    return %c0_i32, %c0_i32_0 : i32, i32
  }
  func.func @transform_4(%arg0: i32) -> (i32, i32) {
    %c0_i32 = arith.constant 0 : i32
    %c0_i32_0 = arith.constant 0 : i32
    %c0_i32_1 = arith.constant 0 : i32
    return %c0_i32, %c0_i32_0 : i32, i32
  }
  func.func @transform_5(%arg0: i32) -> (i32, i32) {
    %c0_i32 = arith.constant 0 : i32
    %c0_i32_0 = arith.constant 0 : i32
    %c0_i32_1 = arith.constant 0 : i32
    return %c0_i32, %c0_i32_0 : i32, i32
  }
  func.func @transform_6(%arg0: i32) -> (i32, i32) {
    %c0_i32 = arith.constant 0 : i32
    %c0_i32_0 = arith.constant 0 : i32
    %c0_i32_1 = arith.constant 0 : i32
    return %c0_i32, %c0_i32_0 : i32, i32
  }
  func.func @transform_7(%arg0: i32) -> (i32, i32) {
    %c0_i32 = arith.constant 0 : i32
    %c0_i32_0 = arith.constant 0 : i32
    %c0_i32_1 = arith.constant 0 : i32
    return %c0_i32, %c0_i32_0 : i32, i32
  }
  func.func @transform_8(%arg0: i32) -> (i32, i32) {
    %c0_i32 = arith.constant 0 : i32
    %c0_i32_0 = arith.constant 0 : i32
    return %arg0, %c0_i32 : i32, i32
  }
  func.func @transform_9(%arg0: i32) -> (i32, i32) {
    %c0_i32 = arith.constant 0 : i32
    %c0_i32_0 = arith.constant 0 : i32
    %c0_i32_1 = arith.constant 0 : i32
    return %c0_i32, %c0_i32_0 : i32, i32
  }
}

module attributes {stable_mosaic.version = 14 : i64} {
  func.func @_stats_kernel(%arg0: i32, %arg1: memref<5000x49xf32, #tpu.memory_space<vmem>>, %arg2: memref<1x48xf32, #tpu.memory_space<vmem>>, %arg3: memref<5000x48xf32, #tpu.memory_space<vmem>>, %arg4: memref<1x96xf32, #tpu.memory_space<vmem>>) attributes {dimension_semantics = [#tpu.dimension_semantics<arbitrary>], iteration_bounds = array<i64: 10>, scalar_prefetch = 0 : i64, scratch_operands = 0 : i64, tpu.core_type = #tpu.core_type<tc>, window_params = [{transform_indices = @transform_0, window_bounds = array<i64: 5000, 49>}, {pipeline_mode = #tpu.pipeline_mode<synchronous>, transform_indices = @transform_1, window_bounds = array<i64: 1, 48>}, {transform_indices = @transform_2, window_bounds = array<i64: 5000, 48>}, {pipeline_mode = #tpu.pipeline_mode<synchronous>, transform_indices = @transform_3, window_bounds = array<i64: 1, 96>}]} {
    %get3A = arith.constant 0 : index
    %get3A_0 = arith.constant 0 : index
    %get3A_1 = vector.load %arg1[%get3A, %get3A_0] : memref<5000x49xf32, #tpu.memory_space<vmem>>, vector<5000x49xf32>
    %slice3A = vector.extract_strided_slice %get3A_1 {offsets = [0, 1], sizes = [5000, 48], strides = [1, 1]} : vector<5000x49xf32> to vector<5000x48xf32>
    %slice3A_2 = vector.extract_strided_slice %get3A_1 {offsets = [0, 0], sizes = [5000, 1], strides = [1, 1]} : vector<5000x49xf32> to vector<5000x1xf32>
    %add3A = arith.constant 1.000000e-16 : f32
    %add3A_3 = vector.broadcast %add3A : f32 to vector<5000x1xf32>
    %add3A_4 = arith.addf %slice3A_2, %add3A_3 : vector<5000x1xf32>
    %div3A = vector.broadcast %add3A_4 : vector<5000x1xf32> to vector<5000x48xf32>
    %div3A_5 = arith.divf %slice3A, %div3A : vector<5000x48xf32>
    %get3A_6 = arith.constant 0 : index
    %get3A_7 = arith.constant 0 : index
    %get3A_8 = vector.load %arg2[%get3A_6, %get3A_7] : memref<1x48xf32, #tpu.memory_space<vmem>>, vector<1x48xf32>
    %add3A_9 = vector.broadcast %get3A_8 : vector<1x48xf32> to vector<5000x48xf32>
    %add3A_10 = arith.addf %div3A_5, %add3A_9 : vector<5000x48xf32>
    %swap3A = arith.constant 0 : index
    %swap3A_11 = arith.constant 0 : index
    %swap3A_12 = vector.load %arg3[%swap3A, %swap3A_11] : memref<5000x48xf32, #tpu.memory_space<vmem>>, vector<5000x48xf32>
    tpu.vector_store %arg3[%swap3A, %swap3A_11], %add3A_10 {strides = array<i32>} : memref<5000x48xf32, #tpu.memory_space<vmem>>, vector<5000x48xf32>,
    %reduce_sum3A = arith.constant dense<0.000000e+00> : vector<48xf32>
    %reduce_sum3A_13 = vector.multi_reduction <add>, %add3A_10, %reduce_sum3A [0] : vector<5000x48xf32> to vector<48xf32>
    %broadcast_in_dim3A = vector.shape_cast %reduce_sum3A_13 : vector<48xf32> to vector<1x48xf32>
    %mul3A = arith.mulf %add3A_10, %add3A_10 : vector<5000x48xf32>
    %reduce_sum3A_14 = arith.constant dense<0.000000e+00> : vector<48xf32>
    %reduce_sum3A_15 = vector.multi_reduction <add>, %mul3A, %reduce_sum3A_14 [0] : vector<5000x48xf32> to vector<48xf32>
    %broadcast_in_dim3A_16 = vector.shape_cast %reduce_sum3A_15 : vector<48xf32> to vector<1x48xf32>
    %concatenate3A = tpu.concatenate %broadcast_in_dim3A, %broadcast_in_dim3A_16 in 1 : vector<1x48xf32>, vector<1x48xf32> -> vector<1x96xf32>
    %eq3A = arith.constant 0 : i32
    %eq3A_17 = arith.cmpi eq, %arg0, %eq3A : i32
    %convert_element_type3A = arith.extui %eq3A_17 : i1 to i32
    %cond3A = arith.constant 0 : i32
    %cond3A_18 = arith.cmpi ne, %convert_element_type3A, %cond3A : i32
    scf.if %cond3A_18 {
      %swap3A_23 = arith.constant 0 : index
      %swap3A_24 = arith.constant 0 : index
      %swap3A_25 = vector.load %arg4[%swap3A_23, %swap3A_24] : memref<1x96xf32, #tpu.memory_space<vmem>>, vector<1x96xf32>
      tpu.vector_store %arg4[%swap3A_23, %swap3A_24], %concatenate3A {strides = array<i32>} : memref<1x96xf32, #tpu.memory_space<vmem>>, vector<1x96xf32>,
    } else {
    }
    %ne3A = arith.constant 0 : i32
    %ne3A_19 = arith.cmpi ne, %arg0, %ne3A : i32
    %convert_element_type3A_20 = arith.extui %ne3A_19 : i1 to i32
    %cond3A_21 = arith.constant 0 : i32
    %cond3A_22 = arith.cmpi ne, %convert_element_type3A_20, %cond3A_21 : i32
    scf.if %cond3A_22 {
      %get3A_23 = arith.constant 0 : index
      %get3A_24 = arith.constant 0 : index
      %get3A_25 = vector.load %arg4[%get3A_23, %get3A_24] : memref<1x96xf32, #tpu.memory_space<vmem>>, vector<1x96xf32>
      %add3A_26 = arith.addf %get3A_25, %concatenate3A : vector<1x96xf32>
      %swap3A_27 = arith.constant 0 : index
      %swap3A_28 = arith.constant 0 : index
      %swap3A_29 = vector.load %arg4[%swap3A_27, %swap3A_28] : memref<1x96xf32, #tpu.memory_space<vmem>>, vector<1x96xf32>
      tpu.vector_store %arg4[%swap3A_27, %swap3A_28], %add3A_26 {strides = array<i32>} : memref<1x96xf32, #tpu.memory_space<vmem>>, vector<1x96xf32>,
    } else {
    }
    return
  }
  func.func @transform_0(%arg0: i32) -> (i32, i32) {
    %c0_i32 = arith.constant 0 : i32
    %c0_i32_0 = arith.constant 0 : i32
    return %arg0, %c0_i32 : i32, i32
  }
  func.func @transform_1(%arg0: i32) -> (i32, i32) {
    %c0_i32 = arith.constant 0 : i32
    %c0_i32_0 = arith.constant 0 : i32
    %c0_i32_1 = arith.constant 0 : i32
    return %c0_i32, %c0_i32_0 : i32, i32
  }
  func.func @transform_2(%arg0: i32) -> (i32, i32) {
    %c0_i32 = arith.constant 0 : i32
    %c0_i32_0 = arith.constant 0 : i32
    return %arg0, %c0_i32 : i32, i32
  }
  func.func @transform_3(%arg0: i32) -> (i32, i32) {
    %c0_i32 = arith.constant 0 : i32
    %c0_i32_0 = arith.constant 0 : i32
    %c0_i32_1 = arith.constant 0 : i32
    return %c0_i32, %c0_i32_0 : i32, i32
  }
}

module attributes {stable_mosaic.version = 14 : i64} {
  func.func @_norm_kernel(%arg0: i32, %arg1: memref<5000x48xf32, #tpu.memory_space<vmem>>, %arg2: memref<1x96xf32, #tpu.memory_space<vmem>>, %arg3: memref<1x48xf32, #tpu.memory_space<vmem>>, %arg4: memref<1x48xf32, #tpu.memory_space<vmem>>, %arg5: memref<1x48xf32, #tpu.memory_space<vmem>>, %arg6: memref<48x24xf32, #tpu.memory_space<vmem>>, %arg7: memref<24x1xf32, #tpu.memory_space<vmem>>, %arg8: memref<24x1xf32, #tpu.memory_space<vmem>>, %arg9: memref<5000x128xf32, #tpu.memory_space<vmem>>, %arg10: memref<1x2xf32, #tpu.memory_space<vmem>>) attributes {dimension_semantics = [#tpu.dimension_semantics<arbitrary>], iteration_bounds = array<i64: 10>, scalar_prefetch = 0 : i64, scratch_operands = 0 : i64, tpu.core_type = #tpu.core_type<tc>, window_params = [{transform_indices = @transform_0, window_bounds = array<i64: 5000, 48>}, {pipeline_mode = #tpu.pipeline_mode<synchronous>, transform_indices = @transform_1, window_bounds = array<i64: 1, 96>}, {pipeline_mode = #tpu.pipeline_mode<synchronous>, transform_indices = @transform_2, window_bounds = array<i64: 1, 48>}, {pipeline_mode = #tpu.pipeline_mode<synchronous>, transform_indices = @transform_3, window_bounds = array<i64: 1, 48>}, {pipeline_mode = #tpu.pipeline_mode<synchronous>, transform_indices = @transform_4, window_bounds = array<i64: 1, 48>}, {pipeline_mode = #tpu.pipeline_mode<synchronous>, transform_indices = @transform_5, window_bounds = array<i64: 48, 24>}, {pipeline_mode = #tpu.pipeline_mode<synchronous>, transform_indices = @transform_6, window_bounds = array<i64: 24, 1>}, {pipeline_mode = #tpu.pipeline_mode<synchronous>, transform_indices = @transform_7, window_bounds = array<i64: 24, 1>}, {transform_indices = @transform_8, window_bounds = array<i64: 5000, 128>}, {pipeline_mode = #tpu.pipeline_mode<synchronous>, transform_indices = @transform_9, window_bounds = array<i64: 1, 2>}]} {
    %get3A = arith.constant 0 : index
    %get3A_0 = arith.constant 0 : index
    %get3A_1 = vector.load %arg2[%get3A, %get3A_0] : memref<1x96xf32, #tpu.memory_space<vmem>>, vector<1x48xf32>
    %div3A = arith.constant 5.000000e+04 : f32
    %div3A_2 = vector.broadcast %div3A : f32 to vector<1x48xf32>
    %div3A_3 = arith.divf %get3A_1, %div3A_2 : vector<1x48xf32>
    %get3A_4 = arith.constant 0 : index
    %get3A_5 = arith.constant 48 : index
    %get3A_6 = vector.load %arg2[%get3A_4, %get3A_5] : memref<1x96xf32, #tpu.memory_space<vmem>>, vector<1x48xf32>
    %div3A_7 = arith.constant 5.000000e+04 : f32
    %div3A_8 = vector.broadcast %div3A_7 : f32 to vector<1x48xf32>
    %div3A_9 = arith.divf %get3A_6, %div3A_8 : vector<1x48xf32>
    %get3A_10 = arith.constant 0 : index
    %get3A_11 = arith.constant 0 : index
    %get3A_12 = vector.load %arg5[%get3A_10, %get3A_11] : memref<1x48xf32, #tpu.memory_space<vmem>>, vector<1x48xf32>
    %mul3A = arith.mulf %div3A_3, %div3A_3 : vector<1x48xf32>
    %mul3A_13 = arith.mulf %mul3A, %get3A_12 : vector<1x48xf32>
    %sub3A = arith.constant 2.000000e+00 : f32
    %sub3A_14 = vector.broadcast %sub3A : f32 to vector<1x48xf32>
    %sub3A_15 = arith.subf %sub3A_14, %get3A_12 : vector<1x48xf32>
    %mul3A_16 = arith.mulf %mul3A_13, %sub3A_15 : vector<1x48xf32>
    %sub3A_17 = arith.subf %div3A_9, %mul3A_16 : vector<1x48xf32>
    %get3A_18 = arith.constant 0 : index
    %get3A_19 = arith.constant 0 : index
    %get3A_20 = vector.load %arg1[%get3A_18, %get3A_19] : memref<5000x48xf32, #tpu.memory_space<vmem>>, vector<5000x48xf32>
    %mul3A_21 = arith.mulf %div3A_3, %get3A_12 : vector<1x48xf32>
    %sub3A_22 = vector.broadcast %mul3A_21 : vector<1x48xf32> to vector<5000x48xf32>
    %sub3A_23 = arith.subf %get3A_20, %sub3A_22 : vector<5000x48xf32>
    %get3A_24 = arith.constant 0 : index
    %get3A_25 = arith.constant 0 : index
    %get3A_26 = vector.load %arg3[%get3A_24, %get3A_25] : memref<1x48xf32, #tpu.memory_space<vmem>>, vector<1x48xf32>
    %mul3A_27 = vector.broadcast %get3A_26 : vector<1x48xf32> to vector<5000x48xf32>
    %mul3A_28 = arith.mulf %mul3A_27, %sub3A_23 : vector<5000x48xf32>
    %add3A = arith.constant 9.99999974E-6 : f32
    %add3A_29 = vector.broadcast %add3A : f32 to vector<1x48xf32>
    %add3A_30 = arith.addf %sub3A_17, %add3A_29 : vector<1x48xf32>
    %sqrt3A = math.sqrt %add3A_30 : vector<1x48xf32>
    %div3A_31 = vector.broadcast %sqrt3A : vector<1x48xf32> to vector<5000x48xf32>
    %div3A_32 = arith.divf %mul3A_28, %div3A_31 : vector<5000x48xf32>
    %get3A_33 = arith.constant 0 : index
    %get3A_34 = arith.constant 0 : index
    %get3A_35 = vector.load %arg4[%get3A_33, %get3A_34] : memref<1x48xf32, #tpu.memory_space<vmem>>, vector<1x48xf32>
    %add3A_36 = vector.broadcast %get3A_35 : vector<1x48xf32> to vector<5000x48xf32>
    %add3A_37 = arith.addf %div3A_32, %add3A_36 : vector<5000x48xf32>
    %gt3A = arith.constant 0.000000e+00 : f32
    %gt3A_38 = vector.broadcast %gt3A : f32 to vector<5000x48xf32>
    %gt3A_39 = arith.cmpf ogt, %add3A_37, %gt3A_38 : vector<5000x48xf32>
    %min3A = arith.constant 0.000000e+00 : f32
    %min3A_40 = vector.broadcast %min3A : f32 to vector<5000x48xf32>
    %min3A_41 = arith.minimumf %add3A_37, %min3A_40 : vector<5000x48xf32>
    %exp3A = math.exp %min3A_41 : vector<5000x48xf32>
    %sub3A_42 = arith.constant 1.000000e+00 : f32
    %sub3A_43 = vector.broadcast %sub3A_42 : f32 to vector<5000x48xf32>
    %sub3A_44 = arith.subf %exp3A, %sub3A_43 : vector<5000x48xf32>
    %select_n3A = arith.select %gt3A_39, %add3A_37, %sub3A_44 : vector<5000x48xi1>, vector<5000x48xf32>
    %get3A_45 = arith.constant 0 : index
    %get3A_46 = arith.constant 0 : index
    %get3A_47 = vector.load %arg6[%get3A_45, %get3A_46] : memref<48x24xf32, #tpu.memory_space<vmem>>, vector<48x24xf32>
    %dot_general3A = arith.constant dense<0.000000e+00> : vector<5000x24xf32>
    %dot_general3A_48 = tpu.matmul %select_n3A, %get3A_47, %dot_general3A {dimension_numbers = #tpu.dot_dimension_numbers<[1], [0], [0], [1], [0, 0, 1, 1], [], []>, transpose_lhs_hint = false} : vector<5000x48xf32>, vector<48x24xf32>, vector<5000x24xf32> -> vector<5000x24xf32>
    %get3A_49 = arith.constant 0 : index
    %get3A_50 = arith.constant 0 : index
    %get3A_51 = vector.load %arg7[%get3A_49, %get3A_50] : memref<24x1xf32, #tpu.memory_space<vmem>>, vector<24x1xf32>
    %dot_general3A_52 = arith.constant dense<0.000000e+00> : vector<5000x1xf32>
    %dot_general3A_53 = tpu.matmul %dot_general3A_48, %get3A_51, %dot_general3A_52 {dimension_numbers = #tpu.dot_dimension_numbers<[1], [0], [0], [1], [0, 0, 1, 1], [], []>, transpose_lhs_hint = false} : vector<5000x24xf32>, vector<24x1xf32>, vector<5000x1xf32> -> vector<5000x1xf32>
    %get3A_54 = arith.constant 0 : index
    %get3A_55 = arith.constant 0 : index
    %get3A_56 = vector.load %arg8[%get3A_54, %get3A_55] : memref<24x1xf32, #tpu.memory_space<vmem>>, vector<24x1xf32>
    %dot_general3A_57 = arith.constant dense<0.000000e+00> : vector<5000x1xf32>
    %dot_general3A_58 = tpu.matmul %dot_general3A_48, %get3A_56, %dot_general3A_57 {dimension_numbers = #tpu.dot_dimension_numbers<[1], [0], [0], [1], [0, 0, 1, 1], [], []>, transpose_lhs_hint = false} : vector<5000x24xf32>, vector<24x1xf32>, vector<5000x1xf32> -> vector<5000x1xf32>
    %broadcast_in_dim3A = arith.constant 0.000000e+00 : f32
    %broadcast_in_dim3A_59 = vector.broadcast %broadcast_in_dim3A : f32 to vector<5000x102xf32>
    %concatenate3A = tpu.concatenate %dot_general3A_48, %dot_general3A_53, %dot_general3A_58, %broadcast_in_dim3A_59 in 1 : vector<5000x24xf32>, vector<5000x1xf32>, vector<5000x1xf32>, vector<5000x102xf32> -> vector<5000x128xf32>
    %swap3A = arith.constant 0 : index
    %swap3A_60 = arith.constant 0 : index
    %swap3A_61 = vector.load %arg9[%swap3A, %swap3A_60] : memref<5000x128xf32, #tpu.memory_space<vmem>>, vector<5000x128xf32>
    tpu.vector_store %arg9[%swap3A, %swap3A_60], %concatenate3A {strides = array<i32>} : memref<5000x128xf32, #tpu.memory_space<vmem>>, vector<5000x128xf32>,
    %reduce_max3A = vector.shape_cast %dot_general3A_53 : vector<5000x1xf32> to vector<1x5000x1xf32>
    %reduce_max3A_62 = arith.constant dense<0xFF800000> : vector<1xf32>
    %reduce_max3A_63 = vector.multi_reduction <maximumf>, %reduce_max3A, %reduce_max3A_62 [1, 2] : vector<1x5000x1xf32> to vector<1xf32>
    %reduce_max3A_64 = vector.shape_cast %reduce_max3A_63 : vector<1xf32> to vector<1x1x1xf32>
    %reduce_max3A_65 = vector.extract %reduce_max3A_64[0, 0, 0] : f32 from vector<1x1x1xf32>
    %broadcast_in_dim3A_66 = vector.broadcast %reduce_max3A_65 : f32 to vector<1x1xf32>
    %reduce_max3A_67 = vector.shape_cast %dot_general3A_58 : vector<5000x1xf32> to vector<1x5000x1xf32>
    %reduce_max3A_68 = arith.constant dense<0xFF800000> : vector<1xf32>
    %reduce_max3A_69 = vector.multi_reduction <maximumf>, %reduce_max3A_67, %reduce_max3A_68 [1, 2] : vector<1x5000x1xf32> to vector<1xf32>
    %reduce_max3A_70 = vector.shape_cast %reduce_max3A_69 : vector<1xf32> to vector<1x1x1xf32>
    %reduce_max3A_71 = vector.extract %reduce_max3A_70[0, 0, 0] : f32 from vector<1x1x1xf32>
    %broadcast_in_dim3A_72 = vector.broadcast %reduce_max3A_71 : f32 to vector<1x1xf32>
    %concatenate3A_73 = tpu.concatenate %broadcast_in_dim3A_66, %broadcast_in_dim3A_72 in 1 : vector<1x1xf32>, vector<1x1xf32> -> vector<1x2xf32>
    %eq3A = arith.constant 0 : i32
    %eq3A_74 = arith.cmpi eq, %arg0, %eq3A : i32
    %convert_element_type3A = arith.extui %eq3A_74 : i1 to i32
    %cond3A = arith.constant 0 : i32
    %cond3A_75 = arith.cmpi ne, %convert_element_type3A, %cond3A : i32
    scf.if %cond3A_75 {
      %swap3A_80 = arith.constant 0 : index
      %swap3A_81 = arith.constant 0 : index
      %swap3A_82 = vector.load %arg10[%swap3A_80, %swap3A_81] : memref<1x2xf32, #tpu.memory_space<vmem>>, vector<1x2xf32>
      tpu.vector_store %arg10[%swap3A_80, %swap3A_81], %concatenate3A_73 {strides = array<i32>} : memref<1x2xf32, #tpu.memory_space<vmem>>, vector<1x2xf32>,
    } else {
    }
    %ne3A = arith.constant 0 : i32
    %ne3A_76 = arith.cmpi ne, %arg0, %ne3A : i32
    %convert_element_type3A_77 = arith.extui %ne3A_76 : i1 to i32
    %cond3A_78 = arith.constant 0 : i32
    %cond3A_79 = arith.cmpi ne, %convert_element_type3A_77, %cond3A_78 : i32
    scf.if %cond3A_79 {
      %get3A_80 = arith.constant 0 : index
      %get3A_81 = arith.constant 0 : index
      %get3A_82 = vector.load %arg10[%get3A_80, %get3A_81] : memref<1x2xf32, #tpu.memory_space<vmem>>, vector<1x2xf32>
      %max3A = arith.maximumf %get3A_82, %concatenate3A_73 : vector<1x2xf32>
      %swap3A_83 = arith.constant 0 : index
      %swap3A_84 = arith.constant 0 : index
      %swap3A_85 = vector.load %arg10[%swap3A_83, %swap3A_84] : memref<1x2xf32, #tpu.memory_space<vmem>>, vector<1x2xf32>
      tpu.vector_store %arg10[%swap3A_83, %swap3A_84], %max3A {strides = array<i32>} : memref<1x2xf32, #tpu.memory_space<vmem>>, vector<1x2xf32>,
    } else {
    }
    return
  }
  func.func @transform_0(%arg0: i32) -> (i32, i32) {
    %c0_i32 = arith.constant 0 : i32
    %c0_i32_0 = arith.constant 0 : i32
    return %arg0, %c0_i32 : i32, i32
  }
  func.func @transform_1(%arg0: i32) -> (i32, i32) {
    %c0_i32 = arith.constant 0 : i32
    %c0_i32_0 = arith.constant 0 : i32
    %c0_i32_1 = arith.constant 0 : i32
    return %c0_i32, %c0_i32_0 : i32, i32
  }
  func.func @transform_2(%arg0: i32) -> (i32, i32) {
    %c0_i32 = arith.constant 0 : i32
    %c0_i32_0 = arith.constant 0 : i32
    %c0_i32_1 = arith.constant 0 : i32
    return %c0_i32, %c0_i32_0 : i32, i32
  }
  func.func @transform_3(%arg0: i32) -> (i32, i32) {
    %c0_i32 = arith.constant 0 : i32
    %c0_i32_0 = arith.constant 0 : i32
    %c0_i32_1 = arith.constant 0 : i32
    return %c0_i32, %c0_i32_0 : i32, i32
  }
  func.func @transform_4(%arg0: i32) -> (i32, i32) {
    %c0_i32 = arith.constant 0 : i32
    %c0_i32_0 = arith.constant 0 : i32
    %c0_i32_1 = arith.constant 0 : i32
    return %c0_i32, %c0_i32_0 : i32, i32
  }
  func.func @transform_5(%arg0: i32) -> (i32, i32) {
    %c0_i32 = arith.constant 0 : i32
    %c0_i32_0 = arith.constant 0 : i32
    %c0_i32_1 = arith.constant 0 : i32
    return %c0_i32, %c0_i32_0 : i32, i32
  }
  func.func @transform_6(%arg0: i32) -> (i32, i32) {
    %c0_i32 = arith.constant 0 : i32
    %c0_i32_0 = arith.constant 0 : i32
    %c0_i32_1 = arith.constant 0 : i32
    return %c0_i32, %c0_i32_0 : i32, i32
  }
  func.func @transform_7(%arg0: i32) -> (i32, i32) {
    %c0_i32 = arith.constant 0 : i32
    %c0_i32_0 = arith.constant 0 : i32
    %c0_i32_1 = arith.constant 0 : i32
    return %c0_i32, %c0_i32_0 : i32, i32
  }
  func.func @transform_8(%arg0: i32) -> (i32, i32) {
    %c0_i32 = arith.constant 0 : i32
    %c0_i32_0 = arith.constant 0 : i32
    return %arg0, %c0_i32 : i32, i32
  }
  func.func @transform_9(%arg0: i32) -> (i32, i32) {
    %c0_i32 = arith.constant 0 : i32
    %c0_i32_0 = arith.constant 0 : i32
    %c0_i32_1 = arith.constant 0 : i32
    return %c0_i32, %c0_i32_0 : i32, i32
  }
}

module attributes {stable_mosaic.version = 14 : i64} {
  func.func @_final_kernel(%arg0: i32, %arg1: memref<5000x25xf32, #tpu.memory_space<vmem>>, %arg2: memref<1x24xf32, #tpu.memory_space<vmem>>, %arg3: memref<5000x24xf32, #tpu.memory_space<vmem>>) attributes {dimension_semantics = [#tpu.dimension_semantics<arbitrary>], iteration_bounds = array<i64: 10>, scalar_prefetch = 0 : i64, scratch_operands = 0 : i64, tpu.core_type = #tpu.core_type<tc>, window_params = [{transform_indices = @transform_0, window_bounds = array<i64: 5000, 25>}, {pipeline_mode = #tpu.pipeline_mode<synchronous>, transform_indices = @transform_1, window_bounds = array<i64: 1, 24>}, {transform_indices = @transform_2, window_bounds = array<i64: 5000, 24>}]} {
    %get3A = arith.constant 0 : index
    %get3A_0 = arith.constant 0 : index
    %get3A_1 = vector.load %arg1[%get3A, %get3A_0] : memref<5000x25xf32, #tpu.memory_space<vmem>>, vector<5000x25xf32>
    %slice3A = vector.extract_strided_slice %get3A_1 {offsets = [0, 1], sizes = [5000, 24], strides = [1, 1]} : vector<5000x25xf32> to vector<5000x24xf32>
    %slice3A_2 = vector.extract_strided_slice %get3A_1 {offsets = [0, 0], sizes = [5000, 1], strides = [1, 1]} : vector<5000x25xf32> to vector<5000x1xf32>
    %add3A = arith.constant 1.000000e-16 : f32
    %add3A_3 = vector.broadcast %add3A : f32 to vector<5000x1xf32>
    %add3A_4 = arith.addf %slice3A_2, %add3A_3 : vector<5000x1xf32>
    %div3A = vector.broadcast %add3A_4 : vector<5000x1xf32> to vector<5000x24xf32>
    %div3A_5 = arith.divf %slice3A, %div3A : vector<5000x24xf32>
    %get3A_6 = arith.constant 0 : index
    %get3A_7 = arith.constant 0 : index
    %get3A_8 = vector.load %arg2[%get3A_6, %get3A_7] : memref<1x24xf32, #tpu.memory_space<vmem>>, vector<1x24xf32>
    %add3A_9 = vector.broadcast %get3A_8 : vector<1x24xf32> to vector<5000x24xf32>
    %add3A_10 = arith.addf %div3A_5, %add3A_9 : vector<5000x24xf32>
    %swap3A = arith.constant 0 : index
    %swap3A_11 = arith.constant 0 : index
    %swap3A_12 = vector.load %arg3[%swap3A, %swap3A_11] : memref<5000x24xf32, #tpu.memory_space<vmem>>, vector<5000x24xf32>
    tpu.vector_store %arg3[%swap3A, %swap3A_11], %add3A_10 {strides = array<i32>} : memref<5000x24xf32, #tpu.memory_space<vmem>>, vector<5000x24xf32>,
    return
  }
  func.func @transform_0(%arg0: i32) -> (i32, i32) {
    %c0_i32 = arith.constant 0 : i32
    %c0_i32_0 = arith.constant 0 : i32
    return %arg0, %c0_i32 : i32, i32
  }
  func.func @transform_1(%arg0: i32) -> (i32, i32) {
    %c0_i32 = arith.constant 0 : i32
    %c0_i32_0 = arith.constant 0 : i32
    %c0_i32_1 = arith.constant 0 : i32
    return %c0_i32, %c0_i32_0 : i32, i32
  }
  func.func @transform_2(%arg0: i32) -> (i32, i32) {
    %c0_i32 = arith.constant 0 : i32
    %c0_i32_0 = arith.constant 0 : i32
    return %arg0, %c0_i32 : i32, i32
  }
}

</mosaic_0001>

<sc_bundles>
// kernel: gather_offload_async_start.1
scs
__scs_entry_jumppad:
0x0: {  	(pc) =	sbr.rel $0x88, $3  }
0x1: {  	(tag) =	ssettag $0x0;
	lr =	simm.s32 $0x1  }
0x2: {  	[smem:$0x3F8D] =	sst lr;
	_ =	strace $0xD0000000  }
0x3: {  	_ = 	snop  }
0x4: {  	_ = 	snop  }
0x5: {  	_ = 	snop  }
0x6: {  	_ = 	snop  }
0x7: {  	_ = 	snop  }
__scs_overlays_trampoline_lowered:
0x8: {  	[smem:$0x3F9C] =	sst s0  }
0x9: {  	[smem:$0x3F9D] =	sst s1  }
0xa: {  	[smem:$0x3F9E] =	sst s2  }
0xb: {  	[smem:$0x3F9F] =	sst s3  }
0xc: {  	[smem:$0x3FA0] =	sst s4  }
0xd: {  	[smem:$0x3FA1] =	sst s5  }
0xe: {  	[smem:$0x3FA2] =	sst s6  }
0xf: {  	[smem:$0x3FA3] =	sst s7  }
0x10: {  	[smem:$0x3FA4] =	sst s8  }
0x11: {  	[smem:$0x3FA5] =	sst s9;
	s0 =	simm.s32 @!p0 $0x0  }
0x12: {  	s1 =	sld [smem:$0x3F8B];
	s0 =	simm.s32 @p0 $0x1  }
0x13: {  	[smem:$0x3FA6] =	sst s0;
	s0 =	simm.s32 @!p1 $0x0  }
0x14: {  	s2 =	sld [smem:$0x3F8A];
	s0 =	simm.s32 @p1 $0x1  }
0x15: {  	[smem:$0x3FA7] =	sst s0;
	s0 =	simm.s32 @!p2 $0x0  }
0x16: {  	s3 =	sld [smem:$0x3FDB];
	s0 =	simm.s32 @p2 $0x1  }
0x17: {  	s4 =	simm.s32 $0x1BF5;
	[smem:$0x3FA9] =	sst s0  }
0x18: {  	s0 =	sld [smem:$0x3F8C];
	_ =	swait.ge [sflag:s4], $0x0  }
0x19: {  	s7 =	sld [smem:$0x3F8D]  }
0x1a: {  	s8 =	sadd.s32 $0xFFFFE003, lr  }
0x1b: {  	s9 =	sadd.s32 $0xFFFFFEF7, lr;
	s5 =	simm.s32 $0xFFFFFFFF;
	p2 =	slt.u32 s8, $0xFFFFF086  }
0x1c: {  	p1 =	slt.u32 s9, $0xF7A;
	s5 =	simm.s32 @!p2 $0x0  }
0x1d: {  	s5 =	simm.s32 @p1 $0x1;
	p0 =	seq.s32 s7, s2  }
0x1e: {  	s7 =	smul.u32 @!p0 $0xF7A, s2;
	p2 =	seq.s32 @!p0 s5, $0x0  }
0x1f: {  	s9 =	smul.u32 $0xF7A, s1;
	s8 =	simm.s32 @!p0 $0x1BF5;
	p2 =	por !p2, p0  }
0x20: {  	[sflag:s8] =	ssyncset.s32 @!p0 $0xFFFFF086;
	s6 =	sadd.s32 @!p0 s3, s7;
	s7 =	simm.s32 @!p0 $0x108  }
0x21: {  	s3 =	sadd.s32 s3, s9;
	s6 =	sadd.s32 @!p0 $0x88, s6;
	s7 =	simm.s32 @p2 $0x1082  }
0x22: {  	[simem:s7], [sflag:s8] =	dma.local @!p0 [hbm:s6], $0xF7A  }
0x23: {  	s9 =	sor.u32 $0xD0000000, s2;
	s6 =	simm.s32 $0x108;
	_ =	swait.ge @!p0 [sflag:s8], $0x0  }
0x24: {  	s3 =	sadd.s32 $0x88, s3;
	s6 =	simm.s32 @!p1 $0x1082;
	[sflag:s4] =	ssyncset.s32 $0xFFFFF086  }
0x25: {  	[simem:s6], [sflag:s4] =	dma.local [hbm:s3], $0xF7A  }
0x26: {  	[smem:$0x3F8D] =	sst s1;
	(tag) =	ssettag s2;
	_ =	strace s9  }
0x27: {  	s1 =	sld [smem:$0x3F9D]  }
0x28: {  	s2 =	sld [smem:$0x3F9E]  }
0x29: {  	s4 =	sld [smem:$0x3FA0]  }
0x2a: {  	p0 =	seq.s32 s5, $0x0;
	s5 =	sld [smem:$0x3FA1]  }
0x2b: {  	s6 =	sld [smem:$0x3FA2]  }
0x2c: {  	s7 =	sld [smem:$0x3FA3]  }
0x2d: {  	s3 =	simm.s32 $0x108;
	s8 =	sld [smem:$0x3FA4]  }
0x2e: {  	s3 =	simm.s32 @!p0 $0x1082;
	s9 =	sld [smem:$0x3FA5]  }
0x2f: {  	lr =	sadd.s32 s0, s3;
	s0 =	sld [smem:$0x3F9C]  }
0x30: {  	s3 =	sld [smem:$0x3F9F]  }
0x31: {  	[smem:$0x3FA8] =	sst s10  }
0x32: {  	s10 =	sld [smem:$0x3FA6];
	_ =	sdelay $0x3  }
0x33: {  	p0 =	seq.s32 s10, $0x1;
	s10 =	sld [smem:$0x3FA8];
	_ =	sdelay $0x3  }
0x34: {  	[smem:$0x3FA8] =	sst s10  }
0x35: {  	s10 =	sld [smem:$0x3FA7];
	_ =	sdelay $0x3  }
0x36: {  	p1 =	seq.s32 s10, $0x1;
	s10 =	sld [smem:$0x3FA8];
	_ =	sdelay $0x3  }
0x37: {  	[smem:$0x3FA8] =	sst s10  }
0x38: {  	s10 =	sld [smem:$0x3FA9]  }
0x39: {  	_ = 	snop;
	(pc) =	sbr.ind lr, $3  }
0x3a: {  	_ = 	snop  }
0x3b: {  	_ = 	snop  }
0x3c: {  	p2 =	seq.s32 s10, $0x1;
	s10 =	sld [smem:$0x3FA8]  }
0x3d: {  	_ =	shalt  }
0x3e: {  	_ =	shalt  }
0x3f: {  	_ =	shalt  }
0x40: {  	_ =	shalt  }
0x41: {  	_ =	shalt  }
0x42: {  	_ =	shalt  }
0x43: {  	_ =	shalt  }
0x44: {  	_ =	shalt  }
0x45: {  	_ =	shalt  }
0x46: {  	_ =	shalt  }
0x47: {  	_ =	shalt  }
0x48: {  	_ =	shalt  }
0x49: {  	_ =	shalt  }
0x4a: {  	_ =	shalt  }
0x4b: {  	_ =	shalt  }
0x4c: {  	_ =	shalt  }
0x4d: {  	_ =	shalt  }
0x4e: {  	_ =	shalt  }
0x4f: {  	_ =	shalt  }
0x50: {  	_ =	shalt  }
0x51: {  	_ =	shalt  }
0x52: {  	_ =	shalt  }
0x53: {  	_ =	shalt  }
0x54: {  	_ =	shalt  }
0x55: {  	_ =	shalt  }
0x56: {  	_ =	shalt  }
0x57: {  	_ =	shalt  }
0x58: {  	_ =	shalt  }
0x59: {  	_ =	shalt  }
0x5a: {  	_ =	shalt  }
0x5b: {  	_ =	shalt  }
0x5c: {  	_ =	shalt  }
0x5d: {  	_ =	shalt  }
0x5e: {  	_ =	shalt  }
0x5f: {  	_ =	shalt  }
0x60: {  	_ =	shalt  }
0x61: {  	_ =	shalt  }
0x62: {  	_ =	shalt  }
0x63: {  	_ =	shalt  }
0x64: {  	_ =	shalt  }
0x65: {  	_ =	shalt  }
0x66: {  	_ =	shalt  }
0x67: {  	_ =	shalt  }
0x68: {  	_ =	shalt  }
0x69: {  	_ =	shalt  }
0x6a: {  	_ =	shalt  }
0x6b: {  	_ =	shalt  }
0x6c: {  	_ =	shalt  }
0x6d: {  	_ =	shalt  }
0x6e: {  	_ =	shalt  }
0x6f: {  	_ =	shalt  }
0x70: {  	_ =	shalt  }
0x71: {  	_ =	shalt  }
0x72: {  	_ =	shalt  }
0x73: {  	_ =	shalt  }
0x74: {  	_ =	shalt  }
0x75: {  	_ =	shalt  }
0x76: {  	_ =	shalt  }
0x77: {  	_ =	shalt  }
0x78: {  	_ =	shalt  }
0x79: {  	_ =	shalt  }
0x7a: {  	_ =	shalt  }
0x7b: {  	_ =	shalt  }
0x7c: {  	_ =	shalt  }
0x7d: {  	_ =	shalt  }
0x7e: {  	_ =	shalt  }
0x7f: {  	_ =	shalt  }
0x80: {  	_ =	shalt  }
0x81: {  	_ =	shalt  }
0x82: {  	_ =	shalt  }
0x83: {  	_ =	shalt  }
0x84: {  	_ =	shalt  }
0x85: {  	_ =	shalt  }
0x86: {  	_ =	shalt  }
0x87: {  	_ =	shalt  }
.Lfunc_end0:
.L_simem_size_0:
called_computation.4_lowered:
.L_overlay_start_0:
0x88: {  	s2 =	sld [smem:$0x3FD9]  }
0x89: {  	s3 =	sld [smem:$0x3FFE];
	_ =	sdelay $0x1  }
0x8a: {  	s1 =	srdreg.scid  }
0x8b: {  	s0 =	sand.u32 $0x1, s1  }
0x8c: {  	s17 =	sshll.u32 s0, $0xA;
	s2 =	sadd.s32 s3, s2  }
0x8d: {  	s2 =	sadd.s32 s2, s17  }
0x8e: {  	[smem:$0x3FB4] =	sst s2  }
0x8f: {  	_ = 	snop  }
0x90: {  	(tm) =	ssettm $0x1  }
0x91: {  	s18 =	sld [smem:$0x3FFB];
	_ =	sdelay $0x3  }
0x92: {  	_ =	strace s18  }
0x93: {  	s2 =	sld [smem:$0x3FFC];
	_ =	sdelay $0x3  }
0x94: {  	_ =	strace s2  }
0x95: {  	s2 =	sld [smem:$0x3FFD];
	_ =	sdelay $0x3  }
0x96: {  	_ =	strace s2  }
0x97: {  	_ =	strace $0x8FFFFFFF  }
0x98: {  	s19 =	sld [smem:$0x3FDB];
	_ =	sdelay $0x1  }
0x99: {  	s20 =	simm.s32 $_scs_section_size  }
0x9a: {  	s4 =	simm.s32 $_size__tile_overlayer_lowered;
	s5 =	simm.s32 $_tile_overlayer_lowered  }
0x9b: {  	s6 =	simm.s32 $0x1BFF;
	s21 =	sshll.u32 s5, $0x1;
	s3 =	sadd.s32 s20, s19  }
0x9c: {  	s22 =	simm.s32 $0x0;
	s4 =	sshll.u32 s4, $0x1;
	s5 =	sadd.s32 s21, s3  }
0x9d: {  	[timem:s22], [sflag:s6] =	dma.local [hbm:s5], s4  }
0x9e: {  	_ =	swait.ge [sflag:s6], s4  }
0x9f: {  	s4 =	ssub.s32 $0x0, s4;
	[sflag:s6] =	ssyncset.done $0x0  }
0xa0: {  	[sflag:s6] =	ssyncadd.s32 s4;
	_ =	sdelay $0x1  }
0xa1: {  	s23 =	simm.s32 $0x1B8B  }
0xa2: {  	_ =	swait.ge [sflag:s23], $0x1  }
0xa3: {  	[sflag:s23] =	ssyncset.done $0x0  }
0xa4: {  	[sflag:s23] =	ssyncadd.s32 $0xFFFFFFFF  }
0xa5: {  	s4 =	sld [smem:$0x0]  }
0xa6: {  	s5 =	sand.u32 $0xFFFFFFFE, s1  }
0xa7: {  	p0 =	sne.s32 s1, s5  }
0xa8: {  	s5 =	sshll.u32 @p0 s5, $0xE  }
0xa9: {  	s5 =	sadd.s32 @p0 $0x11B8D, s5;
	s6 =	sshll.u32 @p0 s4, $0x11  }
0xaa: {  	s5 =	sor.u32 @p0 s6, s5  }
0xab: {  	[sflag:s5] =	ssyncadd.remote.s32 @p0 $0x1;
	_ =	sdelay $0x1  }
0xac: {  	s5 =	simm.s32 @p0 $0x1B8D  }
0xad: {  	_ =	swait.eq @p0 [sflag:s5], $0x1  }
0xae: {  	[sflag:s5] =	ssyncadd.s32 @p0 $0xFFFFFFFF  }
0xaf: {  	s6 =	sshll.u32 @!p0 s1, $0xE  }
0xb0: {  	s6 =	sor.u32 @!p0 $0x4000, s6;
	s5 =	simm.s32 @!p0 $0x1B8D  }
0xb1: {  	s4 =	sshll.u32 @!p0 s4, $0x11;
	s6 =	sadd.s32 @!p0 $0x11B8D, s6;
	_ =	swait.eq @!p0 [sflag:s5], $0x1  }
0xb2: {  	s4 =	sor.u32 @!p0 s4, s6;
	[sflag:s5] =	ssyncadd.s32 @!p0 $0xFFFFFFFF  }
0xb3: {  	s25 =	simm.s32 $0x1B8E;
	s24 =	sld [smem:$0x3FFE];
	[sflag:s4] =	ssyncadd.remote.s32 @!p0 $0x1  }
0xb4: {  	s26 =	simm.s32 $execute0_lowered;
	[smem:$0x3FD2] =	sst s25  }
0xb5: {  	s5 =	sshll.u32 s26, $0x1;
	_ =	strace $0x80000049;
	[dreg:$0x1] =	wrdreg $0xFFFFFFFF  }
0xb6: {  	s28 =	simm.s32 $_size_execute0_lowered;
	s3 =	sadd.s32 s3, s5;
	[dreg:$0x0] =	wrdreg $0x0  }
0xb7: {  	s5 =	sshll.u32 s28, $0x1;
	[dreg:$0x2] =	wrdreg s3  }
0xb8: {  	[dreg:$0x3] =	wrdreg s5  }
0xb9: {  	[dreg:$0x4] =	wrdreg $0xC0  }
0xba: {  	_ =	task [dreg:s22], $0x5FFFF  }
0xbb: {  	[dreg:$0x1] =	wrdreg $0xFFFFFFFF  }
0xbc: {  	[dreg:$0x0] =	wrdreg $0x60  }
0xbd: {  	[dreg:$0x2] =	wrdreg s24  }
0xbe: {  	[dreg:$0x3] =	wrdreg $0xA  }
0xbf: {  	_ =	task.clear_ibuf [dreg:s22], $0x4FFFF;
	_ =	strace $0x90000049  }
0xc0: {  	s29 =	simm.s32 $0xA;
	_ =	strace $0x8000004B  }
0xc1: {  	_ =	swait.ge [sflag:s29], $0x1  }
0xc2: {  	[sflag:s29] =	ssyncadd.s32 $0xFFFFFFFF  }
0xc3: {  	_ =	strace $0x9000004B  }
0xc4: {  	_ =	sfence  }
0xc5: {  	s30 =	sld [smem:$0x0];
	_ =	sdelay $0x2  }
0xc6: {  	s31 =	sshll.u32 s1, $0xD;
	s1 =	sshrl.u32 s1, $0x2  }
0xc7: {  	s4 =	sand.u32 $0x4000, s31;
	s1 =	sadd.s32 s1, s30  }
0xc8: {  	s0 =	sor.u32 s4, s0;
	s1 =	sshll.u32 s1, $0x11  }
0xc9: {  	s0 =	sor.u32 s1, s0  }
0xca: {  	s0 =	sadd.s32 $0x8F2B, s0  }
0xcb: {  	[sflag:s0] =	ssyncadd.remote.s32 $0x1  }
0xcc: {  	_ =	sfence.sel $0xFFFF  }
0xcd: {  	[dreg:$0x0] =	wrdreg $0xFFFFFFFF;
	(pc) =	sbr.abs _section_cstart, $3  }
0xce: {  	[dreg:$0x1] =	wrdreg $0xFFFFFFFF  }
0xcf: {  	_ =	task.clear_ibuf [dreg:s22], $0x2FFFF;
	_ =	strace $0x9FFFFFFF  }
0xd0: {  	(tm) =	ssettm $0x7FFFFFFF  }
0xd1: {  	_ =	shalt  }
tec
execute0_lowered:
.L_overlay_start_1:
0x0: {  	(tag) =	ssettag $0x1  }
0x1: {  	s8 =	rddreg [dreg:$0x0]  }
0x2: {  	s0 =	rddreg [dreg:$0x1];
	_ =	strace $0x8000004A;
	s1 =	stileid.u32  }
0x3: {  	s3 =	srdreg.scid;
	s4 =	simm.s32 $0x1;
	s7 =	simm.s32 $0x1  }
0x4: {  	s9 =	simm.s32 $0x1;
	s10 =	simm.s32 $0x3;
	s13 =	simm.s32 $0x0  }
0x5: {  	s12 =	simm.s32 $0x0;
	s5 =	sand.u32 $0x1, s3;
	s6 =	sshll.u32 s1, $0x1  }
0x6: {  	s2 =	sadd.s32 $0x4C00, s8;
	s3 =	sadd.s32 $0x97600, s8;
	s5 =	sor.u32 s6, s5  }
.Ltmp0:
0x7: {  	[sflag:s4] =	ssyncpa.u1 $0x0;
	p0 =	slt.u32 s5, $0x13;
	(pc) =	sbr.rel .LBB2_1-.Ltmp0, $4  }
0x8: {  	s6 =	simm.s32 $0x2;
	s7 =	simm.s32 @!p0 $0x0;
	p0 =	sne.s32 s5, $0x12  }
0x9: {  	[sflag:s6] =	ssyncpa.u1 $0x0;
	s5 =	smul.u32 $0x7D00, s5;
	s9 =	simm.s32 @!p0 $0x0  }
0xa: {  	s8 =	sadd.s32 $0xFAC00, s8;
	[sflag:s10] =	ssyncpa.u1 $0x0;
	s7 =	sadd.s32 s9, s7  }
0xb: {  	vm0 =	vmmov $0xffff;
	s10 =	simm.s32 $0x0;
	s11 =	smov.u32 s5;
	s9 =	sadd.s32 $0x1, s7  }
.LBB2_4:
0xc: {  	v2 =	vnsel vm1, $0x0, v2  }
0xd: {  	vm1 =	vgt.s32 v0, $0x0;
	v2 =	vmin.u32 v2, $0x1869FF  }
0xe: {  	v0 =	vnsel vm1, $0x0, v0  }
0xf: {  	v0 =	vmin.u32 v0, $0x1869FF  }
0x10: {  	[tilespmem:s18], [sflag:$0x1] =	stream.indirect_vreg.gather [hbm4b:s2+s10], $0x1, v1, vm0, $0x4038;
	[tilespmem:$0x1F400] =	vst v63  }
0x11: {  	(ifvalue) =	ssetifvalue $0x7FFFFFFF  }
0x12: {  	[tilespmem:s15], [sflag:$0x1] =	stream.indirect_vreg.gather [hbm4b:s2+s10], $0x1, v2, vm0, $0x4038;
	[tilespmem:$0x1F400] =	vst v63  }
0x13: {  	s29 =	sadd.s32 $0x10, s15;
	(ifvalue) =	ssetifvalue $0x7FFFFFFF  }
0x14: {  	[tilespmem:s29], [sflag:$0x1] =	stream.indirect_vreg.gather [hbm4b:s2+s10], $0x1, v0, vm0, $0x4038;
	[tilespmem:$0x1F400] =	vst v63  }
0x15: {  	_ =	swait.ge [sflag:s4], $0x7D00  }
0x16: {  	s30 =	sshrl.u32 s13, $0x3;
	[sflag:s4] =	ssyncset.done $0x0  }
0x17: {  	s31 =	sand.u32 $0x7, s13;
	s15 =	sadd.s32 s8, s30;
	[sflag:s4] =	ssyncadd.s32 $0xFFFF8300  }
0x18: {  	[hbm4b:s15+s31] =	stream.linear.scatter [tilespmem:s14], [sflag:$0x3], $0x7D00, $0x38;
	[tilespmem:$0x1F400] =	vst v63  }
.LBB2_5:
0x19: {  	s15 =	sadd.s32 $0xFA000, s11  }
0x1a: {  	p1 =	sgt.s32 s15, $0x1869FF  }
0x1b: {  	s15 =	smov.u32 @p1 s5;
	p1 =	sne.s32 s12, s9  }
.Ltmp1:
0x1c: {  	p0 =	slt.u32 s12, $0x2;
	(pc) =	sbr.rel @!p1 .LBB2_6-.Ltmp1, $4  }
0x1d: {  	s14 =	simm.s32 @!p0 $0x3  }
0x1e: {  	_ =	swait.ge @!p0 [sflag:s14], $0x7D00  }
0x1f: {  	s16 =	sadd.s32 $0x1, s12;
	s13 =	smov.u32 s11;
	[sflag:s14] =	ssyncset.done @!p0 $0x0  }
0x20: {  	s12 =	smov.u32 s16;
	s11 =	smov.u32 s15;
	[sflag:s14] =	ssyncadd.s32 @!p0 $0xFFFF8300  }
.LBB2_1:
0x21: {  	p0 =	sge.u32 s12, s7  }
0x22: {  	s14 =	sxor.u32 @!p0 $0x1, s12  }
0x23: {  	s14 =	smul.u32 @!p0 $0x1F400, s14  }
0x24: {  	s31 =	sadd.s32 $0xFFFFFFFF, s12;
	s15 =	sshrl.u32 @!p0 s11, $0x3  }
0x25: {  	s16 =	sand.u32 @!p0 $0x7, s11;
	s15 =	sadd.s32 @!p0 s3, s15;
	s14 =	sshra.s32 @!p0 s14, $0x2  }
0x26: {  	[tilespmem:s14], [sflag:$0x2] =	stream.linear.gather @!p0 [hbm4b:s15+s16], $0x7D00, $0x38;
	[tilespmem:$0x1F400] =	vst v63  }
0x27: {  	p0 =	sge.u32 s31, s7  }
.Ltmp2:
0x28: {  	_ = 	snop;
	(pc) =	sbr.rel @p0 .LBB2_5-.Ltmp2, $1  }
0x29: {  	_ =	sdelay $0x3  }
0x2a: {  	s14 =	sand.u32 $0x1, s12  }
0x2b: {  	_ =	swait.ge [sflag:s6], $0x7D00;
	p0 =	seq.s32 s14, $0x1;
	s14 =	simm.s32 $0x7D00  }
0x2c: {  	[sflag:s6] =	ssyncset.done $0x0;
	s14 =	simm.s32 @!p0 $0x0  }
0x2d: {  	[sflag:s6] =	ssyncadd.s32 $0xFFFF8300;
	(ifvalue) =	ssetifvalue $0x7FFFFFFF;
	v0 =	vld.msk [tilespmem:s14+$0x0 ss:$0x1], $0xffff;
	_ =	sdelay $0x4  }
0x2e: {  	s15 =	sadd.s32 $0x10, s14;
	vm1 =	vgt.s32 v0, $0x0  }
0x2f: {  	v2 =	vld.msk [tilespmem:s15+$0x0 ss:$0x1], $0xffff;
	v1 =	vnsel vm1, $0x0, v0  }
0x30: {  	v1 =	vmin.u32 v1, $0x1869FF;
	_ =	sdelay $0x2  }
0x31: {  	s17 =	simm.s32 $0x20;
	s14 =	sadd.s32 $0xFA00, s14;
	s16 =	sadd.s32 $0x10, s15  }
0x32: {  	s15 =	sadd.s32 $0x10, s14;
	s18 =	smov.u32 s14;
	v0 =	vld.msk [tilespmem:s16+$0x0 ss:$0x1], $0xffff;
	vm1 =	vgt.s32 v2, $0x0;
	(ifvalue) =	ssetifvalue $0x7FFFFFFF  }
.LBB2_3:
0x33: {  	[tilespmem:s18], [sflag:$0x1] =	stream.indirect_vreg.gather [hbm4b:s2+s10], $0x1, v1, vm0, $0x4038;
	[tilespmem:$0x1F400] =	vst v63  }
0x34: {  	s17 =	sadd.s32 $0x10, s17  }
0x35: {  	v2 =	vnsel vm1, $0x0, v2;
	p0 =	slt.u32 s17, $0x7CF0  }
.Ltmp3:
0x36: {  	s18 =	smov.u32 s15;
	v1 =	vmin.u32 v2, $0x1869FF;
	(pc) =	sbr.rel @p0 .LBB2_3-.Ltmp3, $3  }
0x37: {  	_ =	sdelay $0x1  }
0x38: {  	s16 =	sadd.s32 $0x10, s16  }
0x39: {  	vm1 =	vgt.s32 v0, $0x0;
	s15 =	sadd.s32 $0x10, s15;
	v2 =	vmov v0;
	(ifvalue) =	ssetifvalue $0x7FFFFFFF;
	v0 =	vld.msk [tilespmem:s16+$0x0 ss:$0x1], $0xffff  }
.Ltmp4:
0x3a: {  	_ = 	snop;
	(pc) =	sbr.rel .LBB2_4-.Ltmp4, $1  }
0x3b: {  	_ =	sdelay $0x3  }
.LBB2_6:
0x3c: {  	_ =	sfence.sel $0x180000  }
0x3d: {  	s2 =	simm.s32 $0x2;
	[bflag:$0x0] =	sbarrier.arrive $0xFFFF  }
0x3e: {  	s30 =	simm.s32 $0x3;
	[sflag:s2] =	ssyncpa.u1 $0x1  }
0x3f: {  	s31 =	simm.s32 $0x1;
	[sflag:s30] =	ssyncpa.u1 $0x1  }
0x40: {  	[sflag:s31] =	ssyncpa.u1 $0x1  }
0x41: {  	p0 =	sne.s32 s1, $0x0;
	_ =	strace $0x9000004A  }
0x42: {  	s0 =	sadd.s32 @!p0 $0x100000, s0;
	[bflag:$0x2] =	sbarrier.arrive $0xFFFF  }
0x43: {  	[sflag:s0] =	ssyncadd.tile.s32 @!p0 $0x1;
	_ =	shalt  }
.Lfunc_end2:
_tile_overlayer_lowered:
.L_overlay_start_2:
0x44: {  	(tag) =	ssettag $0x2  }
0x45: {  	s0 =	rddreg [dreg:$0x0];
	s2 =	stileid.u32  }
0x46: {  	s1 =	rddreg [dreg:$0x1];
	p0 =	sne.s32 s2, $0x0  }
0x47: {  	s3 =	rddreg [dreg:$0x2];
	[bflag:$0x3] =	sbarrier.arrive $0xFFFF;
	s2 =	simm.s32 @!p0 $0x1C01  }
0x48: {  	[timem:s3], [sflag:s2] =	dma.local @!p0 [hbm:s0], s1  }
0x49: {  	s0 =	simm.s32 @!p0 $0x1  }
0x4a: {  	_ =	swait.ge @!p0 [sflag:s0], s1  }
0x4b: {  	s1 =	ssub.s32 @!p0 $0x0, s1;
	[sflag:s0] =	ssyncset.done @!p0 $0x0  }
0x4c: {  	[sflag:s0] =	ssyncadd.s32 @!p0 s1  }
0x4d: {  	[bflag:$0x3] =	sbarrier.arrive $0xFFFF  }
0x4e: {  	_ =	shalt  }

// kernel: gather_offload_async_start
scs
__scs_entry_jumppad:
0x0: {  	(pc) =	sbr.rel $0x88, $3  }
0x1: {  	(tag) =	ssettag $0x0;
	lr =	simm.s32 $0x1  }
0x2: {  	[smem:$0x3F8D] =	sst lr;
	_ =	strace $0xD0000000  }
0x3: {  	_ = 	snop  }
0x4: {  	_ = 	snop  }
0x5: {  	_ = 	snop  }
0x6: {  	_ = 	snop  }
0x7: {  	_ = 	snop  }
__scs_overlays_trampoline_lowered:
0x8: {  	[smem:$0x3F9C] =	sst s0  }
0x9: {  	[smem:$0x3F9D] =	sst s1  }
0xa: {  	[smem:$0x3F9E] =	sst s2  }
0xb: {  	[smem:$0x3F9F] =	sst s3  }
0xc: {  	[smem:$0x3FA0] =	sst s4  }
0xd: {  	[smem:$0x3FA1] =	sst s5  }
0xe: {  	[smem:$0x3FA2] =	sst s6  }
0xf: {  	[smem:$0x3FA3] =	sst s7  }
0x10: {  	[smem:$0x3FA4] =	sst s8  }
0x11: {  	[smem:$0x3FA5] =	sst s9;
	s0 =	simm.s32 @!p0 $0x0  }
0x12: {  	s1 =	sld [smem:$0x3F8B];
	s0 =	simm.s32 @p0 $0x1  }
0x13: {  	[smem:$0x3FA6] =	sst s0;
	s0 =	simm.s32 @!p1 $0x0  }
0x14: {  	s2 =	sld [smem:$0x3F8A];
	s0 =	simm.s32 @p1 $0x1  }
0x15: {  	[smem:$0x3FA7] =	sst s0;
	s0 =	simm.s32 @!p2 $0x0  }
0x16: {  	s3 =	sld [smem:$0x3FDB];
	s0 =	simm.s32 @p2 $0x1  }
0x17: {  	s4 =	simm.s32 $0x1BF5;
	[smem:$0x3FA9] =	sst s0  }
0x18: {  	s0 =	sld [smem:$0x3F8C];
	_ =	swait.ge [sflag:s4], $0x0  }
0x19: {  	s7 =	sld [smem:$0x3F8D]  }
0x1a: {  	s8 =	sadd.s32 $0xFFFFE003, lr  }
0x1b: {  	s9 =	sadd.s32 $0xFFFFFEF7, lr;
	s5 =	simm.s32 $0xFFFFFFFF;
	p2 =	slt.u32 s8, $0xFFFFF086  }
0x1c: {  	p1 =	slt.u32 s9, $0xF7A;
	s5 =	simm.s32 @!p2 $0x0  }
0x1d: {  	s5 =	simm.s32 @p1 $0x1;
	p0 =	seq.s32 s7, s2  }
0x1e: {  	s7 =	smul.u32 @!p0 $0xF7A, s2;
	p2 =	seq.s32 @!p0 s5, $0x0  }
0x1f: {  	s9 =	smul.u32 $0xF7A, s1;
	s8 =	simm.s32 @!p0 $0x1BF5;
	p2 =	por !p2, p0  }
0x20: {  	[sflag:s8] =	ssyncset.s32 @!p0 $0xFFFFF086;
	s6 =	sadd.s32 @!p0 s3, s7;
	s7 =	simm.s32 @!p0 $0x108  }
0x21: {  	s3 =	sadd.s32 s3, s9;
	s6 =	sadd.s32 @!p0 $0x88, s6;
	s7 =	simm.s32 @p2 $0x1082  }
0x22: {  	[simem:s7], [sflag:s8] =	dma.local @!p0 [hbm:s6], $0xF7A  }
0x23: {  	s9 =	sor.u32 $0xD0000000, s2;
	s6 =	simm.s32 $0x108;
	_ =	swait.ge @!p0 [sflag:s8], $0x0  }
0x24: {  	s3 =	sadd.s32 $0x88, s3;
	s6 =	simm.s32 @!p1 $0x1082;
	[sflag:s4] =	ssyncset.s32 $0xFFFFF086  }
0x25: {  	[simem:s6], [sflag:s4] =	dma.local [hbm:s3], $0xF7A  }
0x26: {  	[smem:$0x3F8D] =	sst s1;
	(tag) =	ssettag s2;
	_ =	strace s9  }
0x27: {  	s1 =	sld [smem:$0x3F9D]  }
0x28: {  	s2 =	sld [smem:$0x3F9E]  }
0x29: {  	s4 =	sld [smem:$0x3FA0]  }
0x2a: {  	p0 =	seq.s32 s5, $0x0;
	s5 =	sld [smem:$0x3FA1]  }
0x2b: {  	s6 =	sld [smem:$0x3FA2]  }
0x2c: {  	s7 =	sld [smem:$0x3FA3]  }
0x2d: {  	s3 =	simm.s32 $0x108;
	s8 =	sld [smem:$0x3FA4]  }
0x2e: {  	s3 =	simm.s32 @!p0 $0x1082;
	s9 =	sld [smem:$0x3FA5]  }
0x2f: {  	lr =	sadd.s32 s0, s3;
	s0 =	sld [smem:$0x3F9C]  }
0x30: {  	s3 =	sld [smem:$0x3F9F]  }
0x31: {  	[smem:$0x3FA8] =	sst s10  }
0x32: {  	s10 =	sld [smem:$0x3FA6];
	_ =	sdelay $0x3  }
0x33: {  	p0 =	seq.s32 s10, $0x1;
	s10 =	sld [smem:$0x3FA8];
	_ =	sdelay $0x3  }
0x34: {  	[smem:$0x3FA8] =	sst s10  }
0x35: {  	s10 =	sld [smem:$0x3FA7];
	_ =	sdelay $0x3  }
0x36: {  	p1 =	seq.s32 s10, $0x1;
	s10 =	sld [smem:$0x3FA8];
	_ =	sdelay $0x3  }
0x37: {  	[smem:$0x3FA8] =	sst s10  }
0x38: {  	s10 =	sld [smem:$0x3FA9]  }
0x39: {  	_ = 	snop;
	(pc) =	sbr.ind lr, $3  }
0x3a: {  	_ = 	snop  }
0x3b: {  	_ = 	snop  }
0x3c: {  	p2 =	seq.s32 s10, $0x1;
	s10 =	sld [smem:$0x3FA8]  }
0x3d: {  	_ =	shalt  }
0x3e: {  	_ =	shalt  }
0x3f: {  	_ =	shalt  }
0x40: {  	_ =	shalt  }
0x41: {  	_ =	shalt  }
0x42: {  	_ =	shalt  }
0x43: {  	_ =	shalt  }
0x44: {  	_ =	shalt  }
0x45: {  	_ =	shalt  }
0x46: {  	_ =	shalt  }
0x47: {  	_ =	shalt  }
0x48: {  	_ =	shalt  }
0x49: {  	_ =	shalt  }
0x4a: {  	_ =	shalt  }
0x4b: {  	_ =	shalt  }
0x4c: {  	_ =	shalt  }
0x4d: {  	_ =	shalt  }
0x4e: {  	_ =	shalt  }
0x4f: {  	_ =	shalt  }
0x50: {  	_ =	shalt  }
0x51: {  	_ =	shalt  }
0x52: {  	_ =	shalt  }
0x53: {  	_ =	shalt  }
0x54: {  	_ =	shalt  }
0x55: {  	_ =	shalt  }
0x56: {  	_ =	shalt  }
0x57: {  	_ =	shalt  }
0x58: {  	_ =	shalt  }
0x59: {  	_ =	shalt  }
0x5a: {  	_ =	shalt  }
0x5b: {  	_ =	shalt  }
0x5c: {  	_ =	shalt  }
0x5d: {  	_ =	shalt  }
0x5e: {  	_ =	shalt  }
0x5f: {  	_ =	shalt  }
0x60: {  	_ =	shalt  }
0x61: {  	_ =	shalt  }
0x62: {  	_ =	shalt  }
0x63: {  	_ =	shalt  }
0x64: {  	_ =	shalt  }
0x65: {  	_ =	shalt  }
0x66: {  	_ =	shalt  }
0x67: {  	_ =	shalt  }
0x68: {  	_ =	shalt  }
0x69: {  	_ =	shalt  }
0x6a: {  	_ =	shalt  }
0x6b: {  	_ =	shalt  }
0x6c: {  	_ =	shalt  }
0x6d: {  	_ =	shalt  }
0x6e: {  	_ =	shalt  }
0x6f: {  	_ =	shalt  }
0x70: {  	_ =	shalt  }
0x71: {  	_ =	shalt  }
0x72: {  	_ =	shalt  }
0x73: {  	_ =	shalt  }
0x74: {  	_ =	shalt  }
0x75: {  	_ =	shalt  }
0x76: {  	_ =	shalt  }
0x77: {  	_ =	shalt  }
0x78: {  	_ =	shalt  }
0x79: {  	_ =	shalt  }
0x7a: {  	_ =	shalt  }
0x7b: {  	_ =	shalt  }
0x7c: {  	_ =	shalt  }
0x7d: {  	_ =	shalt  }
0x7e: {  	_ =	shalt  }
0x7f: {  	_ =	shalt  }
0x80: {  	_ =	shalt  }
0x81: {  	_ =	shalt  }
0x82: {  	_ =	shalt  }
0x83: {  	_ =	shalt  }
0x84: {  	_ =	shalt  }
0x85: {  	_ =	shalt  }
0x86: {  	_ =	shalt  }
0x87: {  	_ =	shalt  }
.Lfunc_end0:
.L_simem_size_0:
called_computation.3_lowered:
.L_overlay_start_0:
0x88: {  	s2 =	sld [smem:$0x3FD9]  }
0x89: {  	s3 =	sld [smem:$0x3FFE];
	_ =	sdelay $0x1  }
0x8a: {  	s1 =	srdreg.scid  }
0x8b: {  	s0 =	sand.u32 $0x1, s1  }
0x8c: {  	s16 =	sshll.u32 s0, $0xA;
	s2 =	sadd.s32 s3, s2  }
0x8d: {  	s2 =	sadd.s32 s2, s16  }
0x8e: {  	[smem:$0x3FB4] =	sst s2  }
0x8f: {  	_ = 	snop  }
0x90: {  	(tm) =	ssettm $0x1  }
0x91: {  	s17 =	sld [smem:$0x3FFB];
	_ =	sdelay $0x3  }
0x92: {  	_ =	strace s17  }
0x93: {  	s2 =	sld [smem:$0x3FFC];
	_ =	sdelay $0x3  }
0x94: {  	_ =	strace s2  }
0x95: {  	s2 =	sld [smem:$0x3FFD];
	_ =	sdelay $0x3  }
0x96: {  	_ =	strace s2  }
0x97: {  	_ =	strace $0x8FFFFFFF  }
0x98: {  	s18 =	sld [smem:$0x3FDB];
	_ =	sdelay $0x1  }
0x99: {  	s19 =	simm.s32 $_scs_section_size  }
0x9a: {  	s4 =	simm.s32 $_size__tile_overlayer_lowered;
	s5 =	simm.s32 $_tile_overlayer_lowered  }
0x9b: {  	s22 =	simm.s32 $0x1BFF;
	s21 =	sshll.u32 s5, $0x1;
	s2 =	sadd.s32 s19, s18  }
0x9c: {  	s6 =	simm.s32 $0x0;
	s20 =	sshll.u32 s4, $0x1;
	s4 =	sadd.s32 s21, s2  }
0x9d: {  	[timem:s6], [sflag:s22] =	dma.local [hbm:s4], s20  }
0x9e: {  	_ =	swait.ge [sflag:s22], s20  }
0x9f: {  	s3 =	ssub.s32 $0x0, s20;
	[sflag:s22] =	ssyncset.done $0x0  }
0xa0: {  	[sflag:s22] =	ssyncadd.s32 s3;
	_ =	sdelay $0x1  }
0xa1: {  	s23 =	simm.s32 $0x1B8B  }
0xa2: {  	_ =	swait.ge [sflag:s23], $0x1  }
0xa3: {  	[sflag:s23] =	ssyncset.done $0x0  }
0xa4: {  	s25 =	simm.s32 $0x1B8E;
	s24 =	sld [smem:$0x3FFE];
	[sflag:s23] =	ssyncadd.s32 $0xFFFFFFFF  }
0xa5: {  	s26 =	simm.s32 $execute0_lowered;
	[smem:$0x3FD2] =	sst s25  }
0xa6: {  	s4 =	sshll.u32 s26, $0x1;
	_ =	strace $0x80000046;
	[dreg:$0x1] =	wrdreg $0xFFFFFFFF  }
0xa7: {  	s28 =	simm.s32 $_size_execute0_lowered;
	s2 =	sadd.s32 s2, s4;
	[dreg:$0x0] =	wrdreg $0x0  }
0xa8: {  	s4 =	sshll.u32 s28, $0x1;
	[dreg:$0x2] =	wrdreg s2  }
0xa9: {  	[dreg:$0x3] =	wrdreg s4  }
0xaa: {  	[dreg:$0x4] =	wrdreg $0xC0  }
0xab: {  	_ =	task [dreg:s6], $0x5FFFF  }
0xac: {  	[dreg:$0x1] =	wrdreg $0xFFFFFFFF  }
0xad: {  	[dreg:$0x0] =	wrdreg $0x60  }
0xae: {  	[dreg:$0x2] =	wrdreg s24  }
0xaf: {  	[dreg:$0x3] =	wrdreg $0x9  }
0xb0: {  	_ =	task.clear_ibuf [dreg:s6], $0x4FFFF;
	_ =	strace $0x90000046  }
0xb1: {  	s29 =	simm.s32 $0x9;
	_ =	strace $0x80000048  }
0xb2: {  	_ =	swait.ge [sflag:s29], $0x1  }
0xb3: {  	[sflag:s29] =	ssyncadd.s32 $0xFFFFFFFF  }
0xb4: {  	_ =	strace $0x90000048  }
0xb5: {  	_ =	sfence  }
0xb6: {  	s30 =	sld [smem:$0x0];
	_ =	sdelay $0x2  }
0xb7: {  	s31 =	sshll.u32 s1, $0xD;
	s1 =	sshrl.u32 s1, $0x2  }
0xb8: {  	s3 =	sand.u32 $0x4000, s31;
	s1 =	sadd.s32 s1, s30  }
0xb9: {  	s0 =	sor.u32 s3, s0;
	s1 =	sshll.u32 s1, $0x11  }
0xba: {  	s0 =	sor.u32 s1, s0  }
0xbb: {  	s0 =	sadd.s32 $0x8F2B, s0  }
0xbc: {  	[sflag:s0] =	ssyncadd.remote.s32 $0x1  }
0xbd: {  	_ =	sfence.sel $0xFFFF  }
0xbe: {  	[dreg:$0x0] =	wrdreg $0xFFFFFFFF;
	(pc) =	sbr.abs _section_cstart, $3  }
0xbf: {  	[dreg:$0x1] =	wrdreg $0xFFFFFFFF  }
0xc0: {  	_ =	task.clear_ibuf [dreg:s6], $0x2FFFF;
	_ =	strace $0x9FFFFFFF  }
0xc1: {  	(tm) =	ssettm $0x7FFFFFFF  }
tec
execute0_lowered:
.L_overlay_start_1:
0x0: {  	(tag) =	ssettag $0x1  }
0x1: {  	s8 =	rddreg [dreg:$0x0]  }
0x2: {  	s0 =	rddreg [dreg:$0x1];
	_ =	strace $0x80000047;
	s1 =	stileid.u32  }
0x3: {  	s3 =	srdreg.scid;
	s4 =	simm.s32 $0x1;
	s7 =	simm.s32 $0x1  }
0x4: {  	s9 =	simm.s32 $0x1;
	s10 =	simm.s32 $0x3;
	s13 =	simm.s32 $0x0  }
0x5: {  	s12 =	simm.s32 $0x0;
	s5 =	sand.u32 $0x1, s3;
	s6 =	sshll.u32 s1, $0x1  }
0x6: {  	s2 =	sadd.s32 $0x35A00, s8;
	s3 =	sadd.s32 $0x97600, s8;
	s5 =	sor.u32 s6, s5  }
.Ltmp0:
0x7: {  	[sflag:s4] =	ssyncpa.u1 $0x0;
	p0 =	slt.u32 s5, $0x13;
	(pc) =	sbr.rel .LBB2_1-.Ltmp0, $4  }
0x8: {  	s6 =	simm.s32 $0x2;
	s7 =	simm.s32 @!p0 $0x0;
	p0 =	sne.s32 s5, $0x12  }
0x9: {  	[sflag:s6] =	ssyncpa.u1 $0x0;
	s5 =	smul.u32 $0x7D00, s5;
	s9 =	simm.s32 @!p0 $0x0  }
0xa: {  	s8 =	sadd.s32 $0xC9E00, s8;
	[sflag:s10] =	ssyncpa.u1 $0x0;
	s7 =	sadd.s32 s9, s7  }
0xb: {  	vm0 =	vmmov $0xffff;
	s10 =	simm.s32 $0x0;
	s11 =	smov.u32 s5;
	s9 =	sadd.s32 $0x1, s7  }
.LBB2_4:
0xc: {  	v2 =	vnsel vm1, $0x0, v2  }
0xd: {  	vm1 =	vgt.s32 v0, $0x0;
	v2 =	vmin.u32 v2, $0x1869FF  }
0xe: {  	v0 =	vnsel vm1, $0x0, v0  }
0xf: {  	v0 =	vmin.u32 v0, $0x1869FF  }
0x10: {  	[tilespmem:s18], [sflag:$0x1] =	stream.indirect_vreg.gather [hbm4b:s2+s10], $0x1, v1, vm0, $0x4038;
	[tilespmem:$0x1F400] =	vst v63  }
0x11: {  	(ifvalue) =	ssetifvalue $0x7FFFFFFF  }
0x12: {  	[tilespmem:s15], [sflag:$0x1] =	stream.indirect_vreg.gather [hbm4b:s2+s10], $0x1, v2, vm0, $0x4038;
	[tilespmem:$0x1F400] =	vst v63  }
0x13: {  	s29 =	sadd.s32 $0x10, s15;
	(ifvalue) =	ssetifvalue $0x7FFFFFFF  }
0x14: {  	[tilespmem:s29], [sflag:$0x1] =	stream.indirect_vreg.gather [hbm4b:s2+s10], $0x1, v0, vm0, $0x4038;
	[tilespmem:$0x1F400] =	vst v63  }
0x15: {  	_ =	swait.ge [sflag:s4], $0x7D00  }
0x16: {  	s30 =	sshrl.u32 s13, $0x3;
	[sflag:s4] =	ssyncset.done $0x0  }
0x17: {  	s31 =	sand.u32 $0x7, s13;
	s15 =	sadd.s32 s8, s30;
	[sflag:s4] =	ssyncadd.s32 $0xFFFF8300  }
0x18: {  	[hbm4b:s15+s31] =	stream.linear.scatter [tilespmem:s14], [sflag:$0x3], $0x7D00, $0x38;
	[tilespmem:$0x1F400] =	vst v63  }
.LBB2_5:
0x19: {  	s15 =	sadd.s32 $0xFA000, s11  }
0x1a: {  	p1 =	sgt.s32 s15, $0x1869FF  }
0x1b: {  	s15 =	smov.u32 @p1 s5;
	p1 =	sne.s32 s12, s9  }
.Ltmp1:
0x1c: {  	p0 =	slt.u32 s12, $0x2;
	(pc) =	sbr.rel @!p1 .LBB2_6-.Ltmp1, $4  }
0x1d: {  	s14 =	simm.s32 @!p0 $0x3  }
0x1e: {  	_ =	swait.ge @!p0 [sflag:s14], $0x7D00  }
0x1f: {  	s16 =	sadd.s32 $0x1, s12;
	s13 =	smov.u32 s11;
	[sflag:s14] =	ssyncset.done @!p0 $0x0  }
0x20: {  	s12 =	smov.u32 s16;
	s11 =	smov.u32 s15;
	[sflag:s14] =	ssyncadd.s32 @!p0 $0xFFFF8300  }
.LBB2_1:
0x21: {  	p0 =	sge.u32 s12, s7  }
0x22: {  	s14 =	sxor.u32 @!p0 $0x1, s12  }
0x23: {  	s14 =	smul.u32 @!p0 $0x1F400, s14  }
0x24: {  	s31 =	sadd.s32 $0xFFFFFFFF, s12;
	s15 =	sshrl.u32 @!p0 s11, $0x3  }
0x25: {  	s16 =	sand.u32 @!p0 $0x7, s11;
	s15 =	sadd.s32 @!p0 s3, s15;
	s14 =	sshra.s32 @!p0 s14, $0x2  }
0x26: {  	[tilespmem:s14], [sflag:$0x2] =	stream.linear.gather @!p0 [hbm4b:s15+s16], $0x7D00, $0x38;
	[tilespmem:$0x1F400] =	vst v63  }
0x27: {  	p0 =	sge.u32 s31, s7  }
.Ltmp2:
0x28: {  	_ = 	snop;
	(pc) =	sbr.rel @p0 .LBB2_5-.Ltmp2, $1  }
0x29: {  	_ =	sdelay $0x3  }
0x2a: {  	s14 =	sand.u32 $0x1, s12  }
0x2b: {  	_ =	swait.ge [sflag:s6], $0x7D00;
	p0 =	seq.s32 s14, $0x1;
	s14 =	simm.s32 $0x7D00  }
0x2c: {  	[sflag:s6] =	ssyncset.done $0x0;
	s14 =	simm.s32 @!p0 $0x0  }
0x2d: {  	[sflag:s6] =	ssyncadd.s32 $0xFFFF8300;
	(ifvalue) =	ssetifvalue $0x7FFFFFFF;
	v0 =	vld.msk [tilespmem:s14+$0x0 ss:$0x1], $0xffff;
	_ =	sdelay $0x4  }
0x2e: {  	s15 =	sadd.s32 $0x10, s14;
	vm1 =	vgt.s32 v0, $0x0  }
0x2f: {  	v2 =	vld.msk [tilespmem:s15+$0x0 ss:$0x1], $0xffff;
	v1 =	vnsel vm1, $0x0, v0  }
0x30: {  	v1 =	vmin.u32 v1, $0x1869FF;
	_ =	sdelay $0x2  }
0x31: {  	s17 =	simm.s32 $0x20;
	s14 =	sadd.s32 $0xFA00, s14;
	s16 =	sadd.s32 $0x10, s15  }
0x32: {  	s15 =	sadd.s32 $0x10, s14;
	s18 =	smov.u32 s14;
	v0 =	vld.msk [tilespmem:s16+$0x0 ss:$0x1], $0xffff;
	vm1 =	vgt.s32 v2, $0x0;
	(ifvalue) =	ssetifvalue $0x7FFFFFFF  }
.LBB2_3:
0x33: {  	[tilespmem:s18], [sflag:$0x1] =	stream.indirect_vreg.gather [hbm4b:s2+s10], $0x1, v1, vm0, $0x4038;
	[tilespmem:$0x1F400] =	vst v63  }
0x34: {  	s17 =	sadd.s32 $0x10, s17  }
0x35: {  	v2 =	vnsel vm1, $0x0, v2;
	p0 =	slt.u32 s17, $0x7CF0  }
.Ltmp3:
0x36: {  	s18 =	smov.u32 s15;
	v1 =	vmin.u32 v2, $0x1869FF;
	(pc) =	sbr.rel @p0 .LBB2_3-.Ltmp3, $3  }
0x37: {  	_ =	sdelay $0x1  }
0x38: {  	s16 =	sadd.s32 $0x10, s16  }
0x39: {  	vm1 =	vgt.s32 v0, $0x0;
	s15 =	sadd.s32 $0x10, s15;
	v2 =	vmov v0;
	(ifvalue) =	ssetifvalue $0x7FFFFFFF;
	v0 =	vld.msk [tilespmem:s16+$0x0 ss:$0x1], $0xffff  }
.Ltmp4:
0x3a: {  	_ = 	snop;
	(pc) =	sbr.rel .LBB2_4-.Ltmp4, $1  }
0x3b: {  	_ =	sdelay $0x3  }
.LBB2_6:
0x3c: {  	_ =	sfence.sel $0x180000  }
0x3d: {  	s2 =	simm.s32 $0x2;
	[bflag:$0x0] =	sbarrier.arrive $0xFFFF  }
0x3e: {  	s30 =	simm.s32 $0x3;
	[sflag:s2] =	ssyncpa.u1 $0x1  }
0x3f: {  	s31 =	simm.s32 $0x1;
	[sflag:s30] =	ssyncpa.u1 $0x1  }
0x40: {  	[sflag:s31] =	ssyncpa.u1 $0x1  }
0x41: {  	p0 =	sne.s32 s1, $0x0;
	_ =	strace $0x90000047  }
0x42: {  	s0 =	sadd.s32 @!p0 $0x100000, s0;
	[bflag:$0x2] =	sbarrier.arrive $0xFFFF  }
0x43: {  	[sflag:s0] =	ssyncadd.tile.s32 @!p0 $0x1;
	_ =	shalt  }
.Lfunc_end2:
_tile_overlayer_lowered:
.L_overlay_start_2:
0x44: {  	(tag) =	ssettag $0x2  }
0x45: {  	s0 =	rddreg [dreg:$0x0];
	s2 =	stileid.u32  }
0x46: {  	s1 =	rddreg [dreg:$0x1];
	p0 =	sne.s32 s2, $0x0  }
0x47: {  	s3 =	rddreg [dreg:$0x2];
	[bflag:$0x3] =	sbarrier.arrive $0xFFFF;
	s2 =	simm.s32 @!p0 $0x1C01  }
0x48: {  	[timem:s3], [sflag:s2] =	dma.local @!p0 [hbm:s0], s1  }
0x49: {  	s0 =	simm.s32 @!p0 $0x1  }
0x4a: {  	_ =	swait.ge @!p0 [sflag:s0], s1  }
0x4b: {  	s1 =	ssub.s32 @!p0 $0x0, s1;
	[sflag:s0] =	ssyncset.done @!p0 $0x0  }
0x4c: {  	[sflag:s0] =	ssyncadd.s32 @!p0 s1  }
0x4d: {  	[bflag:$0x3] =	sbarrier.arrive $0xFFFF  }
0x4e: {  	_ =	shalt  }

// kernel: scatter_offload_async_start.1
scs
__scs_entry_jumppad:
0x0: {  	(pc) =	sbr.rel $0x88, $3  }
0x1: {  	(tag) =	ssettag $0x0;
	lr =	simm.s32 $0x1  }
0x2: {  	[smem:$0x3F8D] =	sst lr;
	_ =	strace $0xD0000000  }
0x3: {  	_ = 	snop  }
0x4: {  	_ = 	snop  }
0x5: {  	_ = 	snop  }
0x6: {  	_ = 	snop  }
0x7: {  	_ = 	snop  }
__scs_overlays_trampoline_lowered:
0x8: {  	[smem:$0x3F9C] =	sst s0  }
0x9: {  	[smem:$0x3F9D] =	sst s1  }
0xa: {  	[smem:$0x3F9E] =	sst s2  }
0xb: {  	[smem:$0x3F9F] =	sst s3  }
0xc: {  	[smem:$0x3FA0] =	sst s4  }
0xd: {  	[smem:$0x3FA1] =	sst s5  }
0xe: {  	[smem:$0x3FA2] =	sst s6  }
0xf: {  	[smem:$0x3FA3] =	sst s7  }
0x10: {  	[smem:$0x3FA4] =	sst s8  }
0x11: {  	[smem:$0x3FA5] =	sst s9;
	s0 =	simm.s32 @!p0 $0x0  }
0x12: {  	s1 =	sld [smem:$0x3F8B];
	s0 =	simm.s32 @p0 $0x1  }
0x13: {  	[smem:$0x3FA6] =	sst s0;
	s0 =	simm.s32 @!p1 $0x0  }
0x14: {  	s2 =	sld [smem:$0x3F8A];
	s0 =	simm.s32 @p1 $0x1  }
0x15: {  	[smem:$0x3FA7] =	sst s0;
	s0 =	simm.s32 @!p2 $0x0  }
0x16: {  	s3 =	sld [smem:$0x3FDB];
	s0 =	simm.s32 @p2 $0x1  }
0x17: {  	s4 =	simm.s32 $0x1BF5;
	[smem:$0x3FA9] =	sst s0  }
0x18: {  	s0 =	sld [smem:$0x3F8C];
	_ =	swait.ge [sflag:s4], $0x0  }
0x19: {  	s7 =	sld [smem:$0x3F8D]  }
0x1a: {  	s8 =	sadd.s32 $0xFFFFE003, lr  }
0x1b: {  	s9 =	sadd.s32 $0xFFFFFEF7, lr;
	s5 =	simm.s32 $0xFFFFFFFF;
	p2 =	slt.u32 s8, $0xFFFFF086  }
0x1c: {  	p1 =	slt.u32 s9, $0xF7A;
	s5 =	simm.s32 @!p2 $0x0  }
0x1d: {  	s5 =	simm.s32 @p1 $0x1;
	p0 =	seq.s32 s7, s2  }
0x1e: {  	s7 =	smul.u32 @!p0 $0xF7A, s2;
	p2 =	seq.s32 @!p0 s5, $0x0  }
0x1f: {  	s9 =	smul.u32 $0xF7A, s1;
	s8 =	simm.s32 @!p0 $0x1BF5;
	p2 =	por !p2, p0  }
0x20: {  	[sflag:s8] =	ssyncset.s32 @!p0 $0xFFFFF086;
	s6 =	sadd.s32 @!p0 s3, s7;
	s7 =	simm.s32 @!p0 $0x108  }
0x21: {  	s3 =	sadd.s32 s3, s9;
	s6 =	sadd.s32 @!p0 $0x88, s6;
	s7 =	simm.s32 @p2 $0x1082  }
0x22: {  	[simem:s7], [sflag:s8] =	dma.local @!p0 [hbm:s6], $0xF7A  }
0x23: {  	s9 =	sor.u32 $0xD0000000, s2;
	s6 =	simm.s32 $0x108;
	_ =	swait.ge @!p0 [sflag:s8], $0x0  }
0x24: {  	s3 =	sadd.s32 $0x88, s3;
	s6 =	simm.s32 @!p1 $0x1082;
	[sflag:s4] =	ssyncset.s32 $0xFFFFF086  }
0x25: {  	[simem:s6], [sflag:s4] =	dma.local [hbm:s3], $0xF7A  }
0x26: {  	[smem:$0x3F8D] =	sst s1;
	(tag) =	ssettag s2;
	_ =	strace s9  }
0x27: {  	s1 =	sld [smem:$0x3F9D]  }
0x28: {  	s2 =	sld [smem:$0x3F9E]  }
0x29: {  	s4 =	sld [smem:$0x3FA0]  }
0x2a: {  	p0 =	seq.s32 s5, $0x0;
	s5 =	sld [smem:$0x3FA1]  }
0x2b: {  	s6 =	sld [smem:$0x3FA2]  }
0x2c: {  	s7 =	sld [smem:$0x3FA3]  }
0x2d: {  	s3 =	simm.s32 $0x108;
	s8 =	sld [smem:$0x3FA4]  }
0x2e: {  	s3 =	simm.s32 @!p0 $0x1082;
	s9 =	sld [smem:$0x3FA5]  }
0x2f: {  	lr =	sadd.s32 s0, s3;
	s0 =	sld [smem:$0x3F9C]  }
0x30: {  	s3 =	sld [smem:$0x3F9F]  }
0x31: {  	[smem:$0x3FA8] =	sst s10  }
0x32: {  	s10 =	sld [smem:$0x3FA6];
	_ =	sdelay $0x3  }
0x33: {  	p0 =	seq.s32 s10, $0x1;
	s10 =	sld [smem:$0x3FA8];
	_ =	sdelay $0x3  }
0x34: {  	[smem:$0x3FA8] =	sst s10  }
0x35: {  	s10 =	sld [smem:$0x3FA7];
	_ =	sdelay $0x3  }
0x36: {  	p1 =	seq.s32 s10, $0x1;
	s10 =	sld [smem:$0x3FA8];
	_ =	sdelay $0x3  }
0x37: {  	[smem:$0x3FA8] =	sst s10  }
0x38: {  	s10 =	sld [smem:$0x3FA9]  }
0x39: {  	_ = 	snop;
	(pc) =	sbr.ind lr, $3  }
0x3a: {  	_ = 	snop  }
0x3b: {  	_ = 	snop  }
0x3c: {  	p2 =	seq.s32 s10, $0x1;
	s10 =	sld [smem:$0x3FA8]  }
0x3d: {  	_ =	shalt  }
0x3e: {  	_ =	shalt  }
0x3f: {  	_ =	shalt  }
0x40: {  	_ =	shalt  }
0x41: {  	_ =	shalt  }
0x42: {  	_ =	shalt  }
0x43: {  	_ =	shalt  }
0x44: {  	_ =	shalt  }
0x45: {  	_ =	shalt  }
0x46: {  	_ =	shalt  }
0x47: {  	_ =	shalt  }
0x48: {  	_ =	shalt  }
0x49: {  	_ =	shalt  }
0x4a: {  	_ =	shalt  }
0x4b: {  	_ =	shalt  }
0x4c: {  	_ =	shalt  }
0x4d: {  	_ =	shalt  }
0x4e: {  	_ =	shalt  }
0x4f: {  	_ =	shalt  }
0x50: {  	_ =	shalt  }
0x51: {  	_ =	shalt  }
0x52: {  	_ =	shalt  }
0x53: {  	_ =	shalt  }
0x54: {  	_ =	shalt  }
0x55: {  	_ =	shalt  }
0x56: {  	_ =	shalt  }
0x57: {  	_ =	shalt  }
0x58: {  	_ =	shalt  }
0x59: {  	_ =	shalt  }
0x5a: {  	_ =	shalt  }
0x5b: {  	_ =	shalt  }
0x5c: {  	_ =	shalt  }
0x5d: {  	_ =	shalt  }
0x5e: {  	_ =	shalt  }
0x5f: {  	_ =	shalt  }
0x60: {  	_ =	shalt  }
0x61: {  	_ =	shalt  }
0x62: {  	_ =	shalt  }
0x63: {  	_ =	shalt  }
0x64: {  	_ =	shalt  }
0x65: {  	_ =	shalt  }
0x66: {  	_ =	shalt  }
0x67: {  	_ =	shalt  }
0x68: {  	_ =	shalt  }
0x69: {  	_ =	shalt  }
0x6a: {  	_ =	shalt  }
0x6b: {  	_ =	shalt  }
0x6c: {  	_ =	shalt  }
0x6d: {  	_ =	shalt  }
0x6e: {  	_ =	shalt  }
0x6f: {  	_ =	shalt  }
0x70: {  	_ =	shalt  }
0x71: {  	_ =	shalt  }
0x72: {  	_ =	shalt  }
0x73: {  	_ =	shalt  }
0x74: {  	_ =	shalt  }
0x75: {  	_ =	shalt  }
0x76: {  	_ =	shalt  }
0x77: {  	_ =	shalt  }
0x78: {  	_ =	shalt  }
0x79: {  	_ =	shalt  }
0x7a: {  	_ =	shalt  }
0x7b: {  	_ =	shalt  }
0x7c: {  	_ =	shalt  }
0x7d: {  	_ =	shalt  }
0x7e: {  	_ =	shalt  }
0x7f: {  	_ =	shalt  }
0x80: {  	_ =	shalt  }
0x81: {  	_ =	shalt  }
0x82: {  	_ =	shalt  }
0x83: {  	_ =	shalt  }
0x84: {  	_ =	shalt  }
0x85: {  	_ =	shalt  }
0x86: {  	_ =	shalt  }
0x87: {  	_ =	shalt  }
.Lfunc_end0:
.L_simem_size_0:
called_computation.1_lowered:
.L_overlay_start_0:
0x88: {  	s2 =	sld [smem:$0x3FD9]  }
0x89: {  	s3 =	sld [smem:$0x3FFE];
	_ =	sdelay $0x1  }
0x8a: {  	s1 =	srdreg.scid  }
0x8b: {  	s0 =	sand.u32 $0x1, s1  }
0x8c: {  	s15 =	sshll.u32 s0, $0xA;
	s2 =	sadd.s32 s3, s2  }
0x8d: {  	s2 =	sadd.s32 s2, s15  }
0x8e: {  	[smem:$0x3FB4] =	sst s2  }
0x8f: {  	_ = 	snop  }
0x90: {  	(tm) =	ssettm $0x1  }
0x91: {  	s16 =	sld [smem:$0x3FFB];
	_ =	sdelay $0x3  }
0x92: {  	_ =	strace s16  }
0x93: {  	s2 =	sld [smem:$0x3FFC];
	_ =	sdelay $0x3  }
0x94: {  	_ =	strace s2  }
0x95: {  	s2 =	sld [smem:$0x3FFD];
	_ =	sdelay $0x3  }
0x96: {  	_ =	strace s2  }
0x97: {  	_ =	strace $0x8FFFFFFF  }
0x98: {  	s17 =	sld [smem:$0x3FDB];
	_ =	sdelay $0x1  }
0x99: {  	s18 =	simm.s32 $_scs_section_size  }
0x9a: {  	s4 =	simm.s32 $_size__tile_overlayer_lowered;
	s5 =	simm.s32 $_tile_overlayer_lowered  }
0x9b: {  	s21 =	simm.s32 $0x1BFF;
	s20 =	sshll.u32 s5, $0x1;
	s2 =	sadd.s32 s18, s17  }
0x9c: {  	s6 =	simm.s32 $0x0;
	s19 =	sshll.u32 s4, $0x1;
	s4 =	sadd.s32 s20, s2  }
0x9d: {  	[timem:s6], [sflag:s21] =	dma.local [hbm:s4], s19  }
0x9e: {  	_ =	swait.ge [sflag:s21], s19  }
0x9f: {  	s3 =	ssub.s32 $0x0, s19;
	[sflag:s21] =	ssyncset.done $0x0  }
0xa0: {  	[sflag:s21] =	ssyncadd.s32 s3;
	_ =	sdelay $0x1  }
0xa1: {  	s22 =	simm.s32 $0x1B8B  }
0xa2: {  	_ =	swait.ge [sflag:s22], $0x1  }
0xa3: {  	[sflag:s22] =	ssyncset.done $0x0  }
0xa4: {  	s23 =	sld [smem:$0x3FFE];
	[sflag:s22] =	ssyncadd.s32 $0xFFFFFFFF  }
0xa5: {  	s25 =	simm.s32 $0x1B8E;
	s24 =	sld [smem:$0x0]  }
0xa6: {  	s26 =	simm.s32 $execute0_lowered;
	[smem:$0x3FD2] =	sst s25  }
0xa7: {  	s5 =	sshll.u32 s26, $0x1;
	_ =	strace $0x8000004F;
	[dreg:$0x1] =	wrdreg $0xFFFFFFFF  }
0xa8: {  	s28 =	simm.s32 $_size_execute0_lowered;
	s2 =	sadd.s32 s2, s5;
	[dreg:$0x0] =	wrdreg $0x0  }
0xa9: {  	s5 =	sshll.u32 s28, $0x1;
	[dreg:$0x2] =	wrdreg s2  }
0xaa: {  	[dreg:$0x3] =	wrdreg s5  }
0xab: {  	[dreg:$0x4] =	wrdreg $0xC0  }
0xac: {  	_ =	task [dreg:s6], $0x5FFFF  }
0xad: {  	[dreg:$0x1] =	wrdreg $0xFFFFFFFF  }
0xae: {  	[dreg:$0x0] =	wrdreg $0x60  }
0xaf: {  	[dreg:$0x2] =	wrdreg s23  }
0xb0: {  	[dreg:$0x3] =	wrdreg s1  }
0xb1: {  	[dreg:$0x4] =	wrdreg s24  }
0xb2: {  	[dreg:$0x5] =	wrdreg $0x9  }
0xb3: {  	_ =	task.clear_ibuf [dreg:s6], $0x6FFFF;
	_ =	strace $0x9000004F  }
0xb4: {  	s29 =	simm.s32 $0x9;
	_ =	strace $0x80000051  }
0xb5: {  	_ =	swait.ge [sflag:s29], $0x1  }
0xb6: {  	[sflag:s29] =	ssyncadd.s32 $0xFFFFFFFF  }
0xb7: {  	_ =	strace $0x90000051  }
0xb8: {  	_ =	sfence  }
0xb9: {  	s30 =	sld [smem:$0x0];
	_ =	sdelay $0x2  }
0xba: {  	s31 =	sshll.u32 s1, $0xD;
	s1 =	sshrl.u32 s1, $0x2  }
0xbb: {  	s3 =	sand.u32 $0x4000, s31;
	s1 =	sadd.s32 s1, s30  }
0xbc: {  	s0 =	sor.u32 s3, s0;
	s1 =	sshll.u32 s1, $0x11  }
0xbd: {  	s0 =	sor.u32 s1, s0  }
0xbe: {  	s0 =	sadd.s32 $0x8F2B, s0  }
0xbf: {  	[sflag:s0] =	ssyncadd.remote.s32 $0x1  }
0xc0: {  	_ =	sfence.sel $0xFFFF  }
0xc1: {  	[dreg:$0x0] =	wrdreg $0xFFFFFFFF;
	(pc) =	sbr.abs _section_cstart, $3  }
0xc2: {  	[dreg:$0x1] =	wrdreg $0xFFFFFFFF  }
0xc3: {  	_ =	task.clear_ibuf [dreg:s6], $0x2FFFF;
	_ =	strace $0x9FFFFFFF  }
0xc4: {  	(tm) =	ssettm $0x7FFFFFFF  }
0xc5: {  	_ =	shalt  }
tec
execute0_lowered:
.L_overlay_start_1:
0x0: {  	(tag) =	ssettag $0x1  }
0x1: {  	s2 =	rddreg [dreg:$0x0]  }
0x2: {  	s4 =	rddreg [dreg:$0x1]  }
0x3: {  	s3 =	rddreg [dreg:$0x2];
	_ =	strace $0x80000050;
	s1 =	simm.s32 $0x1  }
0x4: {  	s9 =	simm.s32 $0x88;
	v0 =	vimm.s32 $0x0;
	[sflag:s1] =	ssyncpa.u1 $0x0  }
0x5: {  	[tilespmem:s9+$0x30] =	vst v0  }
0x6: {  	s1 =	sadd.s32 $0x15C800, s2;
	[tilespmem:s9+$0x20] =	vst v0  }
0x7: {  	s5 =	sadd.s32 $0x12BA00, s2;
	s6 =	sadd.s32 $0x32F3E00, s2;
	s2 =	simm.s32 $0x40;
	[tilespmem:s9+$0x10] =	vst v0  }
.LBB2_1:
0x8: {  	s2 =	sadd.s32 $0x40, s2  }
0x9: {  	[tilespmem:s9+$0x0] =	vst v0;
	s9 =	sadd.s32 $0x40, s9;
	p0 =	slt.u32 s2, $0x5040  }
.Ltmp0:
0xa: {  	(pc) =	sbr.rel @p0 .LBB2_1-.Ltmp0, $4  }
0xb: {  	_ = 	snop  }
0xc: {  	[tilespmem:s9+$0x30] =	vst v0  }
0xd: {  	[tilespmem:s9+$0x20] =	vst v0  }
0xe: {  	[tilespmem:s9+$0x10] =	vst v0  }
0xf: {  	s2 =	srdreg.scid  }
0x10: {  	s7 =	sshll.u32 s2, $0x4  }
0x11: {  	s2 =	stileid.u32;
	s7 =	sand.u32 $0x10, s7  }
0x12: {  	s8 =	sor.u32 s2, s7  }
0x13: {  	s7 =	smul.u32 $0x9C, s8  }
0x14: {  	s10 =	smin.u32 s8, $0x8  }
0x15: {  	s7 =	sadd.s32 s10, s7  }
0x16: {  	p0 =	slt.u32 s8, $0x8;
	s8 =	simm.s32 $0xC440;
	s7 =	smul.u32 $0x140, s7  }
0x17: {  	s8 =	simm.s32 @!p0 $0xC300  }
0x18: {  	s8 =	sadd.s32 s8, s7  }
0x19: {  	s8 =	smin.u32 s8, $0x186A00  }
0x1a: {  	s11 =	ssub.s32 s8, s7  }
0x1b: {  	p0 =	sgt.s32 s11, $0x0  }
0x1c: {  	s11 =	simm.s32 @!p0 $0x0  }
0x1d: {  	s31 =	smulhi.u32 $0x66666667, s11;
	_ =	sdelay $0x1  }
0x1e: {  	s12 =	sshrl.u32 s31, $0x7  }
0x1f: {  	[tilespmem:s9+$0x0] =	vst v0;
	s9 =	simm.s32 $0x2;
	s13 =	smul.u32 $0x140, s12  }
.Ltmp1:
0x20: {  	s17 =	simm.s32 $0x0;
	s14 =	simm.s32 $0xA;
	(pc) =	sbr.rel .LBB2_3-.Ltmp1, $4  }
0x21: {  	v0 =	vimm.s32 $0xFFFFFFFF;
	s16 =	simm.s32 $0x0;
	[sflag:s9] =	ssyncpa.u1 $0x0;
	s10 =	simm.s32 $0x9  }
0x22: {  	[tilespmem:$0xA108] =	vst v0;
	[sflag:s10] =	ssyncpa.u1 $0x0;
	p0 =	sne.s32 s11, s13;
	s13 =	simm.s32 $0x1  }
0x23: {  	s15 =	smov.u32 s7;
	s11 =	simm.s32 $0x1;
	s13 =	simm.s32 @!p0 $0x0  }
0x24: {  	v0 =	vlaneseq.u32;
	p0 =	por $0x0, $0x0;
	s12 =	sadd.s32 s13, s12;
	s13 =	sshll.u32 s2, $0x7  }
.LBB2_18:
0x25: {  	s18 =	sshrl.u32 s25, $0x2  }
.LBB2_20:
0x26: {  	_ =	swait.ge [sflag:s14], s18  }
0x27: {  	s0 =	ssub.s32 $0x0, s18;
	v1 =	vmov s20;
	vm0 =	veq.s32 v0, $0x0;
	[sflag:s14] =	ssyncset.done $0x0  }
0x28: {  	vm15 =	veq.s32 v0, $0x2;
	v1 =	vsel vm0, s24, v1;
	[sflag:s14] =	ssyncadd.s32 s0  }
0x29: {  	v1 =	vsel vm15, s17, v1;
	[sflag:s14] =	ssyncpa.u1 $0x1  }
0x2a: {  	[tilespmem:$0xA108] =	vst v1  }
.LBB2_21:
0x2b: {  	s0 =	sadd.s32 $0x140, s15  }
0x2c: {  	s18 =	smov.u32 s7;
	p1 =	slt.s32 s0, s8  }
0x2d: {  	s18 =	smov.u32 @p1 s0;
	p1 =	sne.s32 s16, s12  }
.Ltmp2:
0x2e: {  	_ = 	snop;
	(pc) =	sbr.rel @!p1 .LBB2_22-.Ltmp2, $3  }
0x2f: {  	_ =	sdelay $0x1  }
0x30: {  	s31 =	sadd.s32 $0x1, s16;
	s17 =	smov.u32 s15  }
0x31: {  	p0 =	por !p0, !p0;
	s16 =	smov.u32 s31;
	s15 =	smov.u32 s18  }
.LBB2_3:
0x32: {  	p1 =	sge.u32 s16, s12  }
0x33: {  	p2 =	sgt.s32 @!p1 s15, $0x1868C0  }
0x34: {  	s18 =	smov.u32 s15;
	s19 =	sshra.s32 @!p1 s15, $0x1F;
	p2 =	por !p2, p1  }
0x35: {  	s19 =	sand.u32 @!p1 s19, s15;
	s18 =	simm.s32 @p2 $0x1868C0  }
0x36: {  	s18 =	ssub.s32 @!p1 s18, s19  }
0x37: {  	s19 =	sxor.u32 @!p1 $0xFFFFFFFF, s16;
	s18 =	sadd.s32 @!p1 $0xFFE79740, s18  }
0x38: {  	s19 =	sand.u32 @!p1 $0x1, s19;
	s20 =	sshll.u32 @!p1 s18, $0x2  }
0x39: {  	p2 =	sgt.s32 @!p1 s18, $0x13F;
	s18 =	ssub.s32 @!p1 $0x500, s20;
	s20 =	smul.u32 @!p1 $0x500, s19  }
0x3a: {  	s21 =	sshrl.u32 @!p1 s15, $0x3;
	s22 =	sand.u32 @!p1 $0x7, s15  }
0x3b: {  	p2 =	por !p2, p1;
	s18 =	sshrl.u32 @!p1 s18, $0x2;
	s20 =	sshrl.u32 @!p1 s20, $0x2  }
0x3c: {  	s21 =	sadd.s32 @!p1 s5, s21;
	s18 =	simm.s32 @!p2 $0x0;
	s20 =	sadd.s32 @!p1 $0xA948, s20  }
0x3d: {  	[tilespmem:s20], [sflag:$0x9] =	stream.linear.gather @!p1 [hbm4b:s21+s22], s18, $0x38;
	[tilespmem:$0x1EBC8] =	vst v63  }
0x3e: {  	s18 =	ssub.s32 @!p1 $0x186A00, s15  }
0x3f: {  	p2 =	sgt.s32 @!p1 s18, $0x0  }
0x40: {  	s19 =	smul.u32 @!p1 $0x28000, s19;
	p2 =	por !p2, p1  }
0x41: {  	s18 =	simm.s32 @p2 $0x0  }
0x42: {  	s19 =	sshrl.u32 @!p1 s19, $0x2;
	s20 =	sshll.u32 @!p1 s15, $0x4;
	s18 =	smin.u32 @!p1 s18, $0x140  }
0x43: {  	s19 =	sadd.s32 @!p1 $0xABC8, s19;
	s20 =	sadd.s32 @!p1 s6, s20;
	s18 =	sshll.u32 @!p1 s18, $0x7  }
0x44: {  	[tilespmem:s19], [sflag:$0x9] =	stream.linear.gather @!p1 [hbm:s20], s18, $0x38;
	[tilespmem:$0x1EBC8] =	vst v63  }
0x45: {  	p1 =	seq.s32 s16, $0x0  }
.Ltmp3:
0x46: {  	_ = 	snop;
	(pc) =	sbr.rel @p1 .LBB2_21-.Ltmp3, $1  }
0x47: {  	_ =	sdelay $0x3  }
0x48: {  	p1 =	sgt.s32 s17, $0x1868C0  }
0x49: {  	s18 =	smov.u32 s17;
	s19 =	sshra.s32 s17, $0x1F;
	s20 =	ssub.s32 $0x186A00, s17  }
0x4a: {  	s18 =	simm.s32 @!p1 $0x1868C0;
	s19 =	sand.u32 s19, s17;
	p1 =	sgt.s32 s20, $0x0  }
0x4b: {  	s18 =	ssub.s32 s18, s19;
	s20 =	simm.s32 @!p1 $0x0  }
0x4c: {  	s18 =	sadd.s32 $0xFFE79740, s18;
	s29 =	smin.u32 s20, $0x140  }
0x4d: {  	s21 =	sshll.u32 s18, $0x2;
	s19 =	sshll.u32 s29, $0x7  }
0x4e: {  	p1 =	sgt.s32 s18, $0x13F;
	s30 =	ssub.s32 $0x500, s21;
	_ =	swait.ge [sflag:s10], s19  }
0x4f: {  	s19 =	ssub.s32 $0x0, s19;
	[sflag:s10] =	ssyncset.done $0x0;
	s18 =	sshrl.u32 s30, $0x2  }
0x50: {  	[sflag:s10] =	ssyncadd.s32 s19;
	s18 =	simm.s32 @p1 $0x0  }
0x51: {  	_ =	swait.ge [sflag:s10], s18  }
0x52: {  	s18 =	ssub.s32 $0x0, s18;
	[sflag:s10] =	ssyncset.done $0x0  }
0x53: {  	[sflag:s10] =	ssyncadd.s32 s18  }
0x54: {  	v1 =	vld [tilespmem:$0xA108];
	_ =	sdelay $0x4  }
0x55: {  	(v2sf) =	vpush v1, $0x0  }
0x56: {  	(v2sf) =	vpush v1, $0x1  }
0x57: {  	(v2sf) =	vpush v1, $0x2;
	_ =	sdelay $0x3  }
0x58: {  	s18 =	sadd.s32 $0x140, s17  }
0x59: {  	p1 =	slt.s32 s8, s18  }
0x5a: {  	s18 =	smov.u32 @p1 s8  }
0x5b: {  	s18 =	ssub.s32 s18, s17  }
0x5c: {  	p1 =	slt.s32 s20, s18  }
0x5d: {  	s18 =	smov.u32 @p1 s20  }
0x5e: {  	s21 =	simm.s32 $0x1;
	p1 =	slt.s32 s18, $0x1  }
.Ltmp4:
0x5f: {  	s21 =	simm.s32 @!p0 $0x0;
	(pc) =	sbr.rel @p1 .LBB2_8-.Ltmp4, $4  }
0x60: {  	s31 =	smul.u32 $0x500, s21  }
0x61: {  	s22 =	spop (v2sf)  }
0x62: {  	s17 =	sshrl.u32 s31, $0x2;
	s24 =	spop (v2sf)  }
0x63: {  	s19 =	sadd.s32 $0xA948, s17;
	s17 =	spop (v2sf)  }
0x64: {  	s20 =	smin.u32 s18, $0x10  }
0x65: {  	v1 =	vmov s20  }
0x66: {  	p2 =	sgt.s32 s18, $0x10;
	vm1 =	vgt.u32 v1, v0  }
.Ltmp5:
0x67: {  	_ = 	snop;
	(pc) =	sbr.rel @!p2 .LBB2_7-.Ltmp5, $2  }
0x68: {  	_ =	sdelay $0x2  }
0x69: {  	s23 =	simm.s32 $0x10;
	s25 =	sadd.s32 $0xFFFFFFF0, s18;
	s20 =	smov.u32 s19;
	vm0 =	vmmov vm1  }
.LBB2_6:
0x6a: {  	s26 =	smin.u32 s25, $0x10;
	s23 =	sadd.s32 $0x10, s23;
	v1 =	vld.msk [tilespmem:s20+$0x0 ss:$0x1], vm1  }
0x6b: {  	v2 =	vmov s26;
	p2 =	slt.s32 s23, s18  }
0x6c: {  	vm1 =	vgt.u32 v2, v0  }
.Ltmp6:
0x6d: {  	(pc) =	sbr.rel @p2 .LBB2_6-.Ltmp6, $3  }
0x6e: {  	_ =	sdelay $0x1  }
0x6f: {  	v1 =	vshll.u32 v1, $0x4  }
0x70: {  	s25 =	sadd.s32 $0xFFFFFFF0, s25;
	[tilespmem:s20+$0x0] =	vst.msk vm0, v1;
	s20 =	sadd.s32 $0x10, s20;
	vm0 =	vmmov vm1  }
.LBB2_7:
0x71: {  	_ =	sdelay $0x4  }
0x72: {  	v1 =	vld.msk [tilespmem:s20+$0x0 ss:$0x1], vm1;
	_ =	sdelay $0x4  }
0x73: {  	v1 =	vshll.u32 v1, $0x4  }
0x74: {  	[tilespmem:s20+$0x0] =	vst.msk vm0, v1  }
.LBB2_8:
0x75: {  	s20 =	sand.u32 $0x1, s16  }
0x76: {  	s20 =	smul.u32 $0x140, s20  }
0x77: {  	p2 =	sne.s32 s24, $0xFFFFFFFF  }
0x78: {  	v1 =	vld.msk @!p2 [tilespmem:s20+$0xA948], $0x1;
	_ =	sdelay $0x4  }
0x79: {  	(v2sf) =	vpush @!p2 v1, $0x0;
	_ =	sdelay $0xc  }
.Ltmp7:
0x7a: {  	_ = 	snop;
	(pc) =	sbr.rel @p1 .LBB2_19-.Ltmp7, $4  }
0x7b: {  	_ = 	snop  }
0x7c: {  	s23 =	spop @!p2 (v2sf)  }
0x7d: {  	s17 =	simm.s32 @!p2 $0x0;
	s20 =	smov.u32 s23  }
0x7e: {  	[sflag:s14] =	ssyncpa.u1 $0x0;
	s23 =	smov.u32 @p2 s22;
	s20 =	smov.u32 @p2 s24  }
0x7f: {  	v1 =	vld.msk [tilespmem:s19+$0x0], $0x1;
	_ =	sdelay $0x4  }
0x80: {  	(v2sf) =	vpush v1, $0x0;
	_ =	sdelay $0xe  }
0x81: {  	s26 =	spop (v2sf)  }
0x82: {  	p1 =	seq.s32 s23, s26  }
0x83: {  	p2 =	sgt.s32 @!p1 s23, $0x0  }
0x84: {  	s25 =	smov.u32 s23;
	s24 =	sadd.s32 $0xFFFFFFFF, s18;
	p2 =	por !p2, p1  }
0x85: {  	s21 =	smul.u32 $0x28000, s21;
	s25 =	simm.s32 @p2 $0x0;
	p2 =	sne.s32 s24, $0x0  }
.Ltmp8:
0x86: {  	_ = 	snop;
	(pc) =	sbr.rel @!p2 .LBB2_11-.Ltmp8, $4  }
0x87: {  	s22 =	simm.s32 $0x0;
	s21 =	sshrl.u32 s21, $0x2  }
0x88: {  	s21 =	sadd.s32 $0xABE8, s21;
	s28 =	simm.s32 @!p1 $0x1;
	s25 =	smin.u32 @!p1 s25, $0xC34F9  }
0x89: {  	s29 =	simm.s32 @!p1 $0x50C8;
	s28 =	smov.u32 @p1 s22;
	s31 =	sand.u32 @!p1 $0xFFFF8, s25  }
0x8a: {  	s30 =	sand.u32 @!p1 $0x7, s25;
	s25 =	sadd.s32 $0x1, s19;
	s31 =	sadd.s32 @!p1 s1, s31  }
.LBB2_10:
0x8b: {  	s0 =	smov.u32 s28  }
0x8c: {  	[tilespmem:s29], [sflag:$0x2] =	stream.linear.gather @!p1 [hbm4b:s31+s30], $0x31, $0x38;
	[tilespmem:$0x1EBC8] =	vst v63  }
0x8d: {  	s24 =	sadd.s32 $0xFFFFFFFF, s24;
	s30 =	smov.u32 s26;
	v1 =	vld.msk [tilespmem:s25+$0x0], $0x1  }
0x8e: {  	p2 =	sne.s32 s24, $0x0;
	_ =	sdelay $0x3  }
0x8f: {  	(v2sf) =	vpush v1, $0x0;
	_ =	sdelay $0xe  }
0x90: {  	s26 =	spop (v2sf)  }
0x91: {  	p1 =	seq.s32 s30, s26  }
0x92: {  	p3 =	sgt.s32 @!p1 s30, $0x0;
	s29 =	sshll.u32 @!p1 s28, $0x8;
	s28 =	sadd.s32 @!p1 $0x1, s28  }
.Ltmp9:
0x93: {  	p3 =	por !p3, p1;
	s29 =	sshra.s32 @!p1 s29, $0x2;
	(pc) =	sbr.rel @p2 .LBB2_10-.Ltmp9, $4  }
0x94: {  	s28 =	smov.u32 @p1 s0;
	s30 =	simm.s32 @p3 $0x0;
	s29 =	sadd.s32 @!p1 $0x50C8, s29  }
0x95: {  	s0 =	smin.u32 @!p1 s30, $0xC34F9  }
0x96: {  	s31 =	sand.u32 @!p1 $0xFFFF8, s0;
	s30 =	sand.u32 @!p1 $0x7, s0  }
0x97: {  	s25 =	sadd.s32 $0x1, s25;
	s31 =	sadd.s32 @!p1 s1, s31  }
.LBB2_11:
0x98: {  	s0 =	smul.u32 $0xC4, s28  }
0x99: {  	[tilespmem:s29], [sflag:$0x2] =	stream.linear.gather @!p1 [hbm4b:s31+s30], $0x31, $0x38;
	[tilespmem:$0x1EBC8] =	vst v63  }
.Ltmp10:
0x9a: {  	_ = 	snop;
	(pc) =	sbr.rel .LBB2_12-.Ltmp10, $4  }
0x9b: {  	s0 =	sshrl.u32 s0, $0x2  }
0x9c: {  	_ =	swait.ge [sflag:s9], s0  }
0x9d: {  	s0 =	ssub.s32 $0x0, s0;
	[sflag:s9] =	ssyncset.done $0x0  }
0x9e: {  	s25 =	simm.s32 $0x0;
	[sflag:s9] =	ssyncadd.s32 s0  }
.LBB2_13:
0x9f: {  	v1 =	vld [tilespmem:s21+$0xFFFFFFE0];
	_ =	sdelay $0x3  }
0xa0: {  	s0 =	sshra.s32 s26, $0x2  }
0xa1: {  	[tilespmem:s0+$0x88] =	vst.add.f32.msk $0xffff, v1  }
0xa2: {  	v1 =	vld [tilespmem:s21+$0xFFFFFFF0];
	_ =	sdelay $0x4  }
0xa3: {  	[tilespmem:s0+$0x98] =	vst.add.f32.msk $0xffff, v1  }
0xa4: {  	v1 =	vld [tilespmem:s21+$0x0];
	_ =	sdelay $0x4  }
0xa5: {  	[tilespmem:s0+$0xA8] =	vst.add.f32.msk $0xffff, v1  }
0xa6: {  	v1 =	vld.msk [tilespmem:s21+$0x10], $0x1;
	_ =	sdelay $0x4  }
0xa7: {  	[tilespmem:s0+$0xB8] =	vst.add.f32.msk $0x1, v1  }
.LBB2_17:
0xa8: {  	s18 =	sadd.s32 $0xFFFFFFFF, s18  }
0xa9: {  	p1 =	sne.s32 s18, $0x0  }
.Ltmp11:
0xaa: {  	_ = 	snop;
	(pc) =	sbr.rel @!p1 .LBB2_18-.Ltmp11, $2  }
0xab: {  	_ =	sdelay $0x2  }
0xac: {  	s21 =	sadd.s32 $0x80, s21;
	s19 =	sadd.s32 $0x1, s19;
	s23 =	smov.u32 s24  }
.LBB2_12:
0xad: {  	v1 =	vld.msk [tilespmem:s19+$0x0], $0x1;
	_ =	sdelay $0x4  }
0xae: {  	(v2sf) =	vpush v1, $0x0;
	_ =	sdelay $0xe  }
0xaf: {  	s24 =	spop (v2sf)  }
0xb0: {  	p1 =	sne.s32 s23, s24  }
.Ltmp12:
0xb1: {  	_ = 	snop;
	(pc) =	sbr.rel @!p1 .LBB2_13-.Ltmp12, $2  }
0xb2: {  	_ =	sdelay $0x2  }
0xb3: {  	s26 =	sshll.u32 s17, $0x8  }
0xb4: {  	p1 =	seq.s32 s23, s20  }
.Ltmp13:
0xb5: {  	_ = 	snop;
	(pc) =	sbr.rel @!p1 .LBB2_15-.Ltmp13, $1  }
0xb6: {  	_ =	sdelay $0x3  }
0xb7: {  	s0 =	sshra.s32 s26, $0x2  }
.Ltmp14:
0xb8: {  	s0 =	sadd.s32 $0x88, s0;
	(pc) =	sbr.rel .LBB2_16-.Ltmp14, $4  }
0xb9: {  	[spmem:s13] =	stream.linear.scatter [tilespmem:s0], [sflag:$0x1], $0x31, $0x38;
	[tilespmem:$0x1EBC8] =	vst v63  }
0xba: {  	_ =	swait.ge [sflag:s11], $0x31  }
0xbb: {  	[sflag:s11] =	ssyncset.done $0x0  }
0xbc: {  	[sflag:s11] =	ssyncadd.s32 $0xFFFFFFCF  }
.LBB2_15:
0xbd: {  	s0 =	sshll.u32 s22, $0x8  }
0xbe: {  	s0 =	sshra.s32 s0, $0x2  }
0xbf: {  	v1 =	vld [tilespmem:s0+$0x50C8];
	_ =	sdelay $0x3  }
0xc0: {  	s26 =	sshra.s32 s26, $0x2  }
0xc1: {  	[tilespmem:s26+$0x88] =	vst.add.f32.msk $0xffff, v1  }
0xc2: {  	v1 =	vld [tilespmem:s0+$0x50D8];
	_ =	sdelay $0x4  }
0xc3: {  	[tilespmem:s26+$0x98] =	vst.add.f32.msk $0xffff, v1  }
0xc4: {  	v1 =	vld [tilespmem:s0+$0x50E8];
	_ =	sdelay $0x4  }
0xc5: {  	[tilespmem:s26+$0xA8] =	vst.add.f32.msk $0xffff, v1  }
0xc6: {  	v1 =	vld.msk [tilespmem:s0+$0x50F8], $0x1;
	_ =	sdelay $0x2  }
0xc7: {  	p1 =	sgt.u32 s23, $0xC34F9  }
0xc8: {  	s0 =	sand.u32 @!p1 $0xFFFF8, s23  }
0xc9: {  	s28 =	sadd.s32 $0x88, s26;
	s23 =	sand.u32 @!p1 $0x7, s23;
	s0 =	sadd.s32 @!p1 s1, s0;
	[tilespmem:s26+$0xB8] =	vst.add.f32.msk $0x1, v1  }
0xca: {  	[hbm4b:s0+s23] =	stream.linear.scatter @!p1 [tilespmem:s28], [sflag:$0xA], $0x31, $0x38;
	[tilespmem:$0x1EBC8] =	vst v63  }
0xcb: {  	s23 =	simm.s32 $0x0  }
0xcc: {  	s23 =	simm.s32 @!p1 $0xC4  }
0xcd: {  	s25 =	sadd.s32 s23, s25  }
.LBB2_16:
0xce: {  	s0 =	sadd.s32 $0x1, s17  }
0xcf: {  	s17 =	smulhi.u32 $0xCCCCCCCD, s0;
	_ =	sdelay $0x1  }
0xd0: {  	v1 =	vld [tilespmem:s21+$0xFFFFFFE0];
	s17 =	sshrl.u32 s17, $0x8  }
0xd1: {  	s17 =	smul.u32 $0x140, s17;
	_ =	sdelay $0x1  }
0xd2: {  	s17 =	ssub.s32 s0, s17  }
0xd3: {  	s0 =	sshll.u32 s17, $0x6  }
0xd4: {  	[tilespmem:s0+$0x88] =	vst v1  }
0xd5: {  	v1 =	vld [tilespmem:s21+$0xFFFFFFF0];
	_ =	sdelay $0x4  }
0xd6: {  	[tilespmem:s0+$0x98] =	vst v1  }
0xd7: {  	v1 =	vld [tilespmem:s21+$0x0];
	_ =	sdelay $0x4  }
0xd8: {  	[tilespmem:s0+$0xA8] =	vst v1  }
0xd9: {  	v1 =	vld.msk [tilespmem:s21+$0x10], $0x1  }
.Ltmp15:
0xda: {  	_ = 	snop;
	(pc) =	sbr.rel .LBB2_17-.Ltmp15, $2  }
0xdb: {  	_ =	sdelay $0x2  }
0xdc: {  	s22 =	sadd.s32 $0x1, s22;
	[tilespmem:s0+$0xB8] =	vst.msk $0x1, v1  }
.LBB2_19:
.Ltmp16:
0xdd: {  	(pc) =	sbr.rel .LBB2_20-.Ltmp16, $3  }
0xde: {  	_ =	sdelay $0x1  }
0xdf: {  	_ =	swait.ge [sflag:s9], $0x0  }
0xe0: {  	s18 =	simm.s32 $0x0;
	s24 =	smov.u32 s23;
	[sflag:s9] =	ssyncset.done $0x0  }
.LBB2_22:
0xe1: {  	_ =	sfence.sel $0x180000  }
0xe2: {  	s0 =	simm.s32 $0x9;
	[bflag:$0x0] =	sbarrier.arrive $0xFFFF  }
0xe3: {  	s26 =	simm.s32 $0x2;
	[sflag:s0] =	ssyncpa.u1 $0x1  }
0xe4: {  	[sflag:s26] =	ssyncpa.u1 $0x1  }
0xe5: {  	v0 =	vld [tilespmem:$0xA108];
	_ =	sdelay $0x4  }
0xe6: {  	(v2sf) =	vpush v0, $0x0  }
0xe7: {  	(v2sf) =	vpush v0, $0x1;
	_ =	sdelay $0x1  }
0xe8: {  	(v2sf) =	vpush v0, $0x2;
	_ =	sdelay $0xb  }
0xe9: {  	s0 =	spop (v2sf)  }
0xea: {  	s5 =	spop (v2sf)  }
0xeb: {  	s6 =	smov.u32 s0;
	p0 =	sne.s32 s0, s5  }
0xec: {  	s7 =	spop (v2sf);
	s6 =	simm.s32 @!p0 $0xFFFFFFFF  }
0xed: {  	v2 =	vimm.s32 $0x1;
	v3 =	vlaneseq.u32;
	p0 =	seq.s32 s7, $0xFFFFFFFF;
	v1 =	vmov s6  }
0xee: {  	v0 =	vperm.xlane v0, v2;
	p1 =	sne.s32 @!p0 s0, s5;
	v1 =	vperm.xlane v1, v3  }
0xef: {  	vm0 =	vcmask $0x3F04;
	s9 =	simm.s32 $0xA108;
	s0 =	simm.s32 @!p0 $0x1;
	p1 =	por !p1, p0  }
0xf0: {  	s6 =	sshll.u32 s2, $0x1;
	s5 =	sshll.u32 @!p0 s7, $0x8;
	s0 =	simm.s32 @p1 $0x0;
	v0 =	vsel vm0, v1, v0  }
0xf1: {  	s8 =	sor.u32 $0x800, s6;
	s5 =	sshra.s32 @!p0 s5, $0x2;
	s0 =	sor.u32 @!p0 s0, s6;
	[tilespmem:$0xA108] =	vst v0  }
0xf2: {  	[spmem:s8] =	stream.linear.scatter [tilespmem:s9], [sflag:$0x1], $0x2, $0x38;
	[tilespmem:$0x1EBC8] =	vst v63  }
0xf3: {  	s5 =	sadd.s32 @!p0 $0x88, s5;
	s0 =	sshll.u32 @!p0 s0, $0x6  }
0xf4: {  	[spmem:s0] =	stream.linear.scatter @!p0 [tilespmem:s5], [sflag:$0x1], $0x40, $0x38;
	[tilespmem:$0x1EBC8] =	vst v63  }
0xf5: {  	s0 =	simm.s32 @!p0 $0x42  }
0xf6: {  	s28 =	simm.s32 $0x1;
	s0 =	simm.s32 @p0 $0x2  }
0xf7: {  	_ =	swait.ge [sflag:s28], s0  }
0xf8: {  	s0 =	ssub.s32 $0x0, s0;
	[sflag:s28] =	ssyncset.done $0x0  }
0xf9: {  	p0 =	sne.s32 s2, $0x0;
	[sflag:s28] =	ssyncadd.s32 s0  }
.Ltmp17:
0xfa: {  	_ =	sfence.stream.spmem;
	(pc) =	sbr.rel @p0 .LBB2_39-.Ltmp17, $4  }
0xfb: {  	s29 =	simm.s32 $0x3;
	[bflag:$0x0] =	sbarrier.arrive $0xFFFF  }
0xfc: {  	s30 =	simm.s32 $0x4;
	[sflag:s29] =	ssyncpa.u1 $0x1  }
0xfd: {  	s31 =	simm.s32 $0x3C;
	[sflag:s30] =	ssyncpa.u1 $0x1  }
0xfe: {  	s5 =	sand.u32 $0x1, s4;
	[sflag:s31] =	ssyncpa.u1 $0x1  }
0xff: {  	_ =	sfence.stream.spmem;
	s0 =	simm.s32 $0x5  }
0x100: {  	s6 =	simm.s32 $0x800;
	s7 =	simm.s32 $0xA118;
	[sflag:s0] =	ssyncpa.u1 $0x0  }
0x101: {  	[tilespmem:s7], [sflag:$0x5] =	stream.linear.gather [spmem:s6], $0x20, $0x38;
	[tilespmem:$0x1EBC8] =	vst v63  }
0x102: {  	s26 =	simm.s32 $0x0;
	s28 =	simm.s32 $0xA138  }
0x103: {  	[tilespmem:s28], [sflag:$0x5] =	stream.linear.gather [spmem:s26], $0x800, $0x38;
	[tilespmem:$0x1EBC8] =	vst v63  }
0x104: {  	_ =	swait.ge [sflag:s0], $0x820  }
0x105: {  	[sflag:s0] =	ssyncset.done $0x0  }
0x106: {  	s29 =	simm.s32 $0x0;
	[sflag:s0] =	ssyncadd.s32 $0xFFFFF7E0  }
0x107: {  	v0 =	vld.msk [tilespmem:s29+$0xA118], $0x1;
	_ =	sdelay $0x1  }
0x108: {  	s30 =	simm.s32 $0x1  }
0x109: {  	v1 =	vld.msk [tilespmem:s30+$0xA118], $0x1;
	_ =	sdelay $0x1  }
0x10a: {  	(v2sf) =	vpush v0, $0x0;
	_ =	sdelay $0x2  }
0x10b: {  	(v2sf) =	vpush v1, $0x0;
	_ =	sdelay $0x2  }
0x10c: {  	s31 =	simm.s32 $0x2  }
0x10d: {  	v0 =	vld.msk [tilespmem:s31+$0xA118], $0x1;
	_ =	sdelay $0x2  }
0x10e: {  	s8 =	simm.s32 $0xFFFFFFFF;
	s7 =	simm.s32 $0xFFFFFFFF;
	s6 =	simm.s32 $0xC  }
.LBB2_24:
0x10f: {  	s0 =	smov.u32 s8;
	s9 =	smov.u32 s7  }
0x110: {  	s7 =	sshra.s32 s6, $0x2;
	p1 =	sne.s32 s6, $0x7C;
	s6 =	sadd.s32 $0x4, s6;
	(v2sf) =	vpush v0, $0x0  }
0x111: {  	v0 =	vld.msk [tilespmem:s7+$0xA118], $0x1  }
.Ltmp18:
0x112: {  	(pc) =	sbr.rel @p1 .LBB2_24-.Ltmp18, $4  }
0x113: {  	s8 =	spop (v2sf)  }
0x114: {  	p2 =	sne.s32 s9, $0xFFFFFFFF;
	s7 =	smov.u32 s8  }
0x115: {  	p3 =	seq.s32 s8, $0xFFFFFFFF;
	s7 =	smov.u32 @p2 s9  }
0x116: {  	s8 =	smov.u32 @p3 s0;
	s7 =	smov.u32 @p3 s9  }
0x117: {  	(v2sf) =	vpush v0, $0x0;
	_ =	sdelay $0x8  }
0x118: {  	s0 =	spop (v2sf)  }
0x119: {  	p1 =	sne.s32 s7, $0xFFFFFFFF;
	s6 =	smov.u32 s0  }
0x11a: {  	s9 =	simm.s32 $0x6;
	p2 =	seq.s32 s0, $0xFFFFFFFF;
	s6 =	smov.u32 @p1 s7  }
0x11b: {  	[sflag:s9] =	ssyncpa.u1 $0x0;
	s6 =	smov.u32 @p2 s7;
	s10 =	spop (v2sf)  }
0x11c: {  	s0 =	smov.u32 @p2 s8;
	p1 =	sne.s32 s6, $0xFFFFFFFF;
	s11 =	smov.u32 s10  }
.Ltmp19:
0x11d: {  	p2 =	seq.s32 s10, $0xFFFFFFFF;
	s11 =	smov.u32 @p1 s6;
	(pc) =	sbr.rel .LBB2_26-.Ltmp19, $4  }
0x11e: {  	s10 =	smov.u32 @p2 s0;
	s11 =	smov.u32 @p2 s6;
	s7 =	spop (v2sf)  }
0x11f: {  	p1 =	sne.s32 s11, $0xFFFFFFFF;
	s8 =	smov.u32 s7;
	p2 =	seq.s32 s7, $0xFFFFFFFF  }
0x120: {  	s6 =	simm.s32 $0x0;
	s8 =	smov.u32 @p1 s11;
	s7 =	smov.u32 @p2 s10  }
0x121: {  	s10 =	simm.s32 $0xA0C8;
	s8 =	smov.u32 @p2 s11;
	s11 =	simm.s32 $0x0  }
.LBB2_32:
0x122: {  	p1 =	sgt.u32 s12, $0xC34F9  }
0x123: {  	p2 =	seq.s32 @!p1 s12, s8  }
0x124: {  	p1 =	por p1, p2  }
0x125: {  	p2 =	sne.s32 @!p1 s12, s7  }
0x126: {  	p1 =	por p1, !p2  }
0x127: {  	s12 =	sshll.u32 @p1 s11, $0x8  }
0x128: {  	s0 =	sand.u32 @!p1 $0xFFFF8, s12  }
0x129: {  	s12 =	sand.u32 @!p1 $0x7, s12;
	s0 =	sadd.s32 @!p1 s1, s0  }
0x12a: {  	[tilespmem:s10], [sflag:$0x6] =	stream.linear.gather @!p1 [hbm4b:s0+s12], $0x31, $0x38;
	[tilespmem:$0x1EBC8] =	vst v63  }
0x12b: {  	_ =	swait.ge @!p1 [sflag:s9], $0x31  }
0x12c: {  	[sflag:s9] =	ssyncset.done @!p1 $0x0  }
0x12d: {  	[sflag:s9] =	ssyncadd.s32 @!p1 $0xFFFFFFCF  }
0x12e: {  	v1 =	vld @!p1 [tilespmem:$0xA0C8];
	_ =	sdelay $0x2  }
0x12f: {  	s12 =	sshll.u32 @!p1 s11, $0x8  }
0x130: {  	s0 =	sshrl.u32 @!p1 s12, $0x2  }
0x131: {  	[tilespmem:s0+$0xA138] =	vst.add.f32.msk @!p1 $0xffff, v1  }
0x132: {  	v1 =	vld @!p1 [tilespmem:$0xA0D8];
	_ =	sdelay $0x4  }
0x133: {  	[tilespmem:s0+$0xA148] =	vst.add.f32.msk @!p1 $0xffff, v1  }
0x134: {  	v1 =	vld @!p1 [tilespmem:$0xA0E8];
	_ =	sdelay $0x4  }
0x135: {  	[tilespmem:s0+$0xA158] =	vst.add.f32.msk @!p1 $0xffff, v1  }
0x136: {  	v1 =	vld @!p1 [tilespmem:$0xA0F8];
	_ =	sdelay $0x4  }
0x137: {  	[tilespmem:s0+$0xA168] =	vst.add.f32.msk @!p1 $0xffff, v1  }
0x138: {  	s30 =	sshrl.u32 s12, $0x2;
	[tilespmem:s6+$0xA118] =	vst.msk $0x1, v0  }
0x139: {  	v0 =	vld [tilespmem:s30+$0xA138];
	_ =	sdelay $0x2  }
0x13a: {  	s31 =	sshll.u32 s6, $0x8  }
0x13b: {  	s12 =	sshra.s32 s31, $0x2  }
0x13c: {  	[tilespmem:s12+$0xA138] =	vst v0  }
0x13d: {  	v0 =	vld [tilespmem:s30+$0xA148];
	_ =	sdelay $0x4  }
0x13e: {  	[tilespmem:s12+$0xA148] =	vst v0  }
0x13f: {  	v0 =	vld [tilespmem:s30+$0xA158];
	_ =	sdelay $0x4  }
0x140: {  	[tilespmem:s12+$0xA158] =	vst v0  }
0x141: {  	v0 =	vld [tilespmem:s30+$0xA168];
	_ =	sdelay $0x4  }
0x142: {  	s6 =	sadd.s32 $0x1, s6;
	[tilespmem:s12+$0xA168] =	vst v0  }
.LBB2_33:
0x143: {  	s11 =	sadd.s32 $0x1, s11  }
0x144: {  	p1 =	sne.s32 s11, $0x20  }
.Ltmp20:
0x145: {  	_ = 	snop;
	(pc) =	sbr.rel @!p1 .LBB2_34-.Ltmp20, $1  }
0x146: {  	_ =	sdelay $0x3  }
.LBB2_26:
0x147: {  	v0 =	vld.msk [tilespmem:s11+$0xA118], $0x1;
	_ =	sdelay $0x4  }
0x148: {  	(v2sf) =	vpush v0, $0x0;
	_ =	sdelay $0xe  }
0x149: {  	s12 =	spop (v2sf)  }
0x14a: {  	p1 =	seq.s32 s12, $0xFFFFFFFF  }
.Ltmp21:
0x14b: {  	_ = 	snop;
	(pc) =	sbr.rel @p1 .LBB2_33-.Ltmp21, $1  }
0x14c: {  	_ =	sdelay $0x3  }
0x14d: {  	p1 =	slt.s32 s6, $0x1  }
.Ltmp22:
0x14e: {  	_ = 	snop;
	(pc) =	sbr.rel @p1 .LBB2_32-.Ltmp22, $1  }
0x14f: {  	_ =	sdelay $0x3  }
0x150: {  	s13 =	simm.s32 $0xA118;
	p1 =	por $0x0, $0x0  }
0x151: {  	v1 =	vld.msk @!p1 [tilespmem:s13+$0x0], $0x1;
	_ =	sdelay $0x4  }
0x152: {  	(v2sf) =	vpush @!p1 v1, $0x0;
	_ =	sdelay $0xd  }
0x153: {  	p3 =	sne.s32 s6, $0x1  }
.Ltmp23:
0x154: {  	s0 =	spop @!p1 (v2sf);
	(pc) =	sbr.rel @!p3 .LBB2_30-.Ltmp23, $4  }
0x155: {  	p2 =	seq.s32 @!p1 s12, s0  }
0x156: {  	s14 =	simm.s32 $0x0;
	p2 =	por !p2, p1  }
0x157: {  	s0 =	simm.s32 $0xFFFFFFFF;
	s14 =	simm.s32 @p2 $0xFFFFFFFF  }
0x158: {  	s15 =	simm.s32 $0x1;
	s14 =	smov.u32 @p1 s0  }
.LBB2_29:
0x159: {  	s0 =	smov.u32 s14;
	p1 =	sne.s32 s14, $0xFFFFFFFF  }
0x15a: {  	s13 =	sadd.s32 $0x1, s13;
	s14 =	smov.u32 s15;
	s15 =	sadd.s32 $0x1, s15  }
0x15b: {  	p2 =	sne.s32 s6, s15;
	v1 =	vld.msk @!p1 [tilespmem:s13+$0x0], $0x1;
	_ =	sdelay $0x4  }
0x15c: {  	(v2sf) =	vpush @!p1 v1, $0x0;
	_ =	sdelay $0xe  }
.Ltmp24:
0x15d: {  	s16 =	spop @!p1 (v2sf);
	(pc) =	sbr.rel @p2 .LBB2_29-.Ltmp24, $4  }
0x15e: {  	p3 =	seq.s32 @!p1 s12, s16  }
0x15f: {  	p3 =	por !p3, p1  }
0x160: {  	s14 =	simm.s32 @p3 $0xFFFFFFFF  }
0x161: {  	s14 =	smov.u32 @p1 s0  }
.LBB2_30:
0x162: {  	p1 =	seq.s32 s14, $0xFFFFFFFF  }
.Ltmp25:
0x163: {  	_ = 	snop;
	(pc) =	sbr.rel @p1 .LBB2_32-.Ltmp25, $1  }
0x164: {  	_ =	sdelay $0x3  }
0x165: {  	s0 =	sshll.u32 s11, $0x6  }
0x166: {  	s0 =	sand.u32 $0x3FFFFFC0, s0  }
0x167: {  	v0 =	vld [tilespmem:s0+$0xA138];
	_ =	sdelay $0x2  }
0x168: {  	s12 =	sshll.u32 s14, $0x8  }
0x169: {  	s12 =	sshra.s32 s12, $0x2  }
0x16a: {  	[tilespmem:s12+$0xA138] =	vst.add.f32.msk $0xffff, v0  }
0x16b: {  	v0 =	vld [tilespmem:s0+$0xA148];
	_ =	sdelay $0x4  }
0x16c: {  	[tilespmem:s12+$0xA148] =	vst.add.f32.msk $0xffff, v0  }
0x16d: {  	v0 =	vld [tilespmem:s0+$0xA158];
	_ =	sdelay $0x4  }
0x16e: {  	[tilespmem:s12+$0xA158] =	vst.add.f32.msk $0xffff, v0  }
0x16f: {  	v0 =	vld [tilespmem:s0+$0xA168]  }
.Ltmp26:
0x170: {  	_ = 	snop;
	(pc) =	sbr.rel .LBB2_33-.Ltmp26, $2  }
0x171: {  	_ =	sdelay $0x2  }
0x172: {  	[tilespmem:s12+$0xA168] =	vst.add.f32.msk $0xffff, v0  }
.LBB2_34:
0x173: {  	s0 =	simm.s32 $0x6;
	p1 =	seq.s32 s6, $0x0  }
0x174: {  	[sflag:s0] =	ssyncpa.u1 $0x1;
	v0 =	vimm.s32 @p1 $0xFFFFFFFF  }
0x175: {  	s9 =	sadd.s32 $0xFFFFFFFF, s6;
	[tilespmem:$0xA938] =	vst @p1 v0  }
0x176: {  	v0 =	vld.msk @!p1 [tilespmem:s9+$0xA118], $0x1;
	_ =	sdelay $0x1  }
0x177: {  	v1 =	vld.msk @!p1 [tilespmem:$0xA118], $0x1;
	_ =	sdelay $0x2  }
0x178: {  	p2 =	seq.s32 @!p1 s9, $0x0;
	v0 =	vbroadcast @!p1 v0, $0x0  }
0x179: {  	vm0 =	vmmov @!p1 $0x1;
	p2 =	por !p2, p1  }
0x17a: {  	v1 =	vnsel @!p1 vm0, $0xFFFFFFFF, v1;
	vm0 =	vcmask @!p1 $0x308;
	v0 =	vpsel !p2, $0xFFFFFFFF, v0  }
0x17b: {  	p2 =	sne.s32 @!p1 s8, s7;
	v0 =	vsel @!p1 vm0, v1, v0  }
0x17c: {  	s0 =	simm.s32 @!p1 $0xA138;
	s7 =	simm.s32 @!p1 $0x0;
	p3 =	por !p2, p1;
	[tilespmem:$0xA938] =	vst @!p1 v0  }
0x17d: {  	[spmem:s7] =	stream.linear.scatter @!p1 [tilespmem:s0], [sflag:$0x1], $0x40, $0x38;
	[tilespmem:$0x1EBC8] =	vst v63  }
0x17e: {  	s0 =	sshll.u32 @!p3 s9, $0x8  }
0x17f: {  	s0 =	sshra.s32 @!p3 s0, $0x2  }
0x180: {  	s7 =	simm.s32 @!p3 $0x40;
	s0 =	sadd.s32 @!p3 $0xA138, s0  }
0x181: {  	[spmem:s7] =	stream.linear.scatter @!p3 [tilespmem:s0], [sflag:$0x1], $0x40, $0x38;
	[tilespmem:$0x1EBC8] =	vst v63  }
0x182: {  	s0 =	simm.s32 @!p3 $0x1  }
0x183: {  	_ =	swait.ge @!p3 [sflag:s0], $0x80  }
0x184: {  	p1 =	por p2, p1;
	[sflag:s0] =	ssyncset.done @!p3 $0x0  }
0x185: {  	[sflag:s0] =	ssyncadd.s32 @!p3 $0xFFFFFF80;
	s0 =	simm.s32 @!p1 $0x1  }
0x186: {  	_ =	swait.ge @!p1 [sflag:s0], $0x40  }
0x187: {  	s29 =	simm.s32 $0xA938;
	[sflag:s0] =	ssyncset.done @!p1 $0x0  }
0x188: {  	s30 =	simm.s32 $0x800;
	s31 =	simm.s32 $0x1;
	[sflag:s0] =	ssyncadd.s32 @!p1 $0xFFFFFFC0  }
0x189: {  	[spmem:s30] =	stream.linear.scatter [tilespmem:s29], [sflag:$0x1], $0x10, $0x38;
	[tilespmem:$0x1EBC8] =	vst v63  }
0x18a: {  	p1 =	seq.s32 s5, $0x0;
	_ =	swait.ge [sflag:s31], $0x10  }
0x18b: {  	s7 =	sshll.u32 @p1 s4, $0xE;
	[sflag:s31] =	ssyncset.done $0x0  }
0x18c: {  	s0 =	sadd.s32 @p1 $0x15C3C, s7;
	s7 =	sshll.u32 @p1 s3, $0x11;
	[sflag:s31] =	ssyncadd.s32 $0xFFFFFFF0  }
0x18d: {  	s0 =	sor.u32 @p1 s7, s0;
	_ =	sfence.stream.spmem  }
0x18e: {  	[sflag:s0] =	ssyncadd.remote.s32 @p1 $0x1;
	s0 =	simm.s32 @p1 $0x4  }
0x18f: {  	s8 =	simm.s32 @!p1 $0x3C;
	s7 =	sand.u32 $0xFFFFFFFE, s4;
	_ =	swait.ge @p1 [sflag:s0], $0x12  }
0x190: {  	s10 =	simm.s32 @!p1 $0x0;
	s7 =	sadd.s32 @!p1 $0x4, s7;
	[sflag:s0] =	ssyncset.done @p1 $0x0  }
0x191: {  	s11 =	simm.s32 @!p1 $0x80;
	[sflag:s0] =	ssyncadd.s32 @p1 $0xFFFFFFEE;
	s0 =	sshll.u32 @!p1 s7, $0x1A  }
0x192: {  	s7 =	sshll.u32 @!p1 s7, $0xD;
	s0 =	sor.u32 @!p1 s0, s3;
	_ =	swait.eq @!p1 [sflag:s8], $0x1  }
0x193: {  	s7 =	sor.u32 @!p1 $0x1C04, s7;
	s8 =	simm.s32 @!p1 $0x1C03;
	s0 =	sor.u32 @!p1 $0x80004000, s0  }
0x194: {  	[spmem:s11], [sflag:s7] =	dma.general @!p1 [spmem:s10], [sflag:s8], length:$0x10, [dreg:$0x0], stride_count:$0x0, ici_dest:s0, dma_misc:DstOpCode:WRITE  }
0x195: {  	p2 =	slt.s32 s9, $0x2;
	s10 =	simm.s32 @!p1 $0x100;
	s11 =	simm.s32 @!p1 $0x102  }
0x196: {  	[spmem:s11], [sflag:s7] =	dma.general @!p1 [spmem:s10], [sflag:s8], length:$0x2, [dreg:$0x0], stride_count:$0x0, ici_dest:s0, dma_misc:DstOpCode:WRITE  }
.Ltmp27:
0x197: {  	s0 =	simm.s32 @!p1 $0x3;
	(pc) =	sbr.rel @p2 .LBB2_38-.Ltmp27, $4  }
0x198: {  	s4 =	sshll.u32 @!p1 s4, $0xE;
	_ =	swait.ge @!p1 [sflag:s0], $0x12  }
0x199: {  	s4 =	sadd.s32 @!p1 $0x11C3C, s4;
	s3 =	sshll.u32 @!p1 s3, $0x11;
	[sflag:s0] =	ssyncset.done @!p1 $0x0  }
0x19a: {  	[sflag:s0] =	ssyncadd.s32 @!p1 $0xFFFFFFEE;
	s0 =	sor.u32 @!p1 s3, s4  }
0x19b: {  	s3 =	simm.s32 $0x0;
	[sflag:s0] =	ssyncadd.remote.s32 @!p1 $0xFFFFFFFF  }
0x19c: {  	s0 =	simm.s32 $0xA119  }
0x19d: {  	v0 =	vld.msk [tilespmem:s0+$0x0], $0x1;
	_ =	sdelay $0x4  }
0x19e: {  	(v2sf) =	vpush v0, $0x0;
	_ =	sdelay $0xc  }
0x19f: {  	s4 =	sadd.s32 $0xFFFFFFFE, s6  }
0x1a0: {  	s4 =	sadd.s32 $0xFFFFFFFF, s4  }
0x1a1: {  	p2 =	sne.s32 s4, $0x0;
	s0 =	spop (v2sf)  }
.Ltmp28:
0x1a2: {  	p1 =	sgt.u32 s0, $0xC34F9;
	(pc) =	sbr.rel @!p2 .LBB2_37-.Ltmp28, $4  }
0x1a3: {  	s3 =	simm.s32 $0xA178;
	s6 =	sand.u32 @!p1 $0xFFFF8, s0  }
0x1a4: {  	s8 =	simm.s32 $0x0;
	s0 =	sand.u32 @!p1 $0x7, s0;
	s6 =	sadd.s32 @!p1 s1, s6  }
0x1a5: {  	[hbm4b:s6+s0] =	stream.linear.scatter @!p1 [tilespmem:s3], [sflag:$0x5], $0x31, $0x38;
	[tilespmem:$0x1EBC8] =	vst v63  }
0x1a6: {  	s7 =	simm.s32 $0xA11A;
	s8 =	simm.s32 @!p1 $0xC4;
	s6 =	simm.s32 $0x0  }
.LBB2_36:
0x1a7: {  	v0 =	vld.msk [tilespmem:s7+$0x0], $0x1;
	s4 =	sadd.s32 $0xFFFFFFFF, s4;
	s6 =	sadd.s32 s6, s8  }
0x1a8: {  	p1 =	sne.s32 s4, $0x0;
	_ =	sdelay $0x3  }
0x1a9: {  	(v2sf) =	vpush v0, $0x0;
	_ =	sdelay $0xe  }
.Ltmp29:
0x1aa: {  	s0 =	spop (v2sf);
	(pc) =	sbr.rel @p1 .LBB2_36-.Ltmp29, $4  }
0x1ab: {  	s8 =	simm.s32 $0x0;
	p2 =	sgt.u32 s0, $0xC34F9  }
0x1ac: {  	s3 =	sadd.s32 $0x40, s3;
	s8 =	simm.s32 @!p2 $0xC4;
	s9 =	sand.u32 @!p2 $0xFFFF8, s0  }
0x1ad: {  	s7 =	sadd.s32 $0x1, s7;
	s0 =	sand.u32 @!p2 $0x7, s0;
	s9 =	sadd.s32 @!p2 s1, s9  }
0x1ae: {  	[hbm4b:s9+s0] =	stream.linear.scatter @!p2 [tilespmem:s3], [sflag:$0x5], $0x31, $0x38;
	[tilespmem:$0x1EBC8] =	vst v63  }
.LBB2_37:
0x1af: {  	s0 =	sadd.s32 s6, s8  }
0x1b0: {  	s3 =	sshrl.u32 s0, $0x2  }
.LBB2_38:
0x1b1: {  	s0 =	simm.s32 $0x5  }
0x1b2: {  	_ =	swait.ge [sflag:s0], s3  }
0x1b3: {  	s31 =	ssub.s32 $0x0, s3;
	[sflag:s0] =	ssyncset.done $0x0  }
0x1b4: {  	[sflag:s0] =	ssyncadd.s32 s31  }
0x1b5: {  	[sflag:s0] =	ssyncpa.u1 $0x1  }
.LBB2_39:
0x1b6: {  	s0 =	sor.u32 s5, s2  }
0x1b7: {  	p1 =	sne.s32 s0, $0x0  }
.Ltmp30:
0x1b8: {  	_ = 	snop;
	(pc) =	sbr.rel @p1 .LBB2_54-.Ltmp30, $3  }
0x1b9: {  	_ =	sdelay $0x1  }
0x1ba: {  	[bflag:$0x0] =	sbarrier.arrive $0xFFFF  }
0x1bb: {  	_ =	sfence  }
0x1bc: {  	s0 =	simm.s32 $0x7  }
0x1bd: {  	s2 =	simm.s32 $0x800;
	s3 =	simm.s32 $0xA118;
	[sflag:s0] =	ssyncpa.u1 $0x0  }
0x1be: {  	[tilespmem:s3], [sflag:$0x7] =	stream.linear.gather [spmem:s2], $0x20, $0x38;
	[tilespmem:$0x1EBC8] =	vst v63  }
0x1bf: {  	s30 =	simm.s32 $0xA138;
	s2 =	simm.s32 $0x0  }
0x1c0: {  	[tilespmem:s30], [sflag:$0x7] =	stream.linear.gather [spmem:s2], $0x800, $0x38;
	[tilespmem:$0x1EBC8] =	vst v63  }
.Ltmp31:
0x1c1: {  	_ = 	snop;
	(pc) =	sbr.rel .LBB2_41-.Ltmp31, $4  }
0x1c2: {  	_ =	swait.ge [sflag:s0], $0x820  }
0x1c3: {  	[sflag:s0] =	ssyncset.done $0x0  }
0x1c4: {  	s31 =	simm.s32 $0x8;
	[sflag:s0] =	ssyncadd.s32 $0xFFFFF7E0  }
0x1c5: {  	s3 =	simm.s32 $0x0;
	[sflag:s31] =	ssyncpa.u1 $0x0  }
.LBB2_47:
0x1c6: {  	p1 =	slt.u32 s4, $0xC34FA  }
0x1c7: {  	s0 =	sand.u32 @p1 $0xFFFF8, s4  }
0x1c8: {  	s4 =	sand.u32 @p1 $0x7, s4;
	s5 =	simm.s32 @p1 $0xA0C8;
	s0 =	sadd.s32 @p1 s1, s0  }
0x1c9: {  	[tilespmem:s5], [sflag:$0x8] =	stream.linear.gather @p1 [hbm4b:s0+s4], $0x31, $0x38;
	[tilespmem:$0x1EBC8] =	vst v63  }
0x1ca: {  	s0 =	simm.s32 @p1 $0x8  }
0x1cb: {  	_ =	swait.ge @p1 [sflag:s0], $0x31  }
0x1cc: {  	[sflag:s0] =	ssyncset.done @p1 $0x0  }
0x1cd: {  	[sflag:s0] =	ssyncadd.s32 @p1 $0xFFFFFFCF  }
0x1ce: {  	v1 =	vld @p1 [tilespmem:$0xA0C8];
	_ =	sdelay $0x2  }
0x1cf: {  	s0 =	sshll.u32 @p1 s3, $0x8  }
0x1d0: {  	s4 =	sshrl.u32 @p1 s0, $0x2  }
0x1d1: {  	[tilespmem:s4+$0xA138] =	vst.add.f32.msk @p1 $0xffff, v1  }
0x1d2: {  	v1 =	vld @p1 [tilespmem:$0xA0D8];
	_ =	sdelay $0x4  }
0x1d3: {  	[tilespmem:s4+$0xA148] =	vst.add.f32.msk @p1 $0xffff, v1  }
0x1d4: {  	v1 =	vld @p1 [tilespmem:$0xA0E8];
	_ =	sdelay $0x4  }
0x1d5: {  	[tilespmem:s4+$0xA158] =	vst.add.f32.msk @p1 $0xffff, v1  }
0x1d6: {  	v1 =	vld @p1 [tilespmem:$0xA0F8];
	_ =	sdelay $0x3  }
0x1d7: {  	s5 =	sshll.u32 @!p1 s3, $0x8  }
0x1d8: {  	s5 =	smov.u32 @p1 s0;
	[tilespmem:s4+$0xA168] =	vst.add.f32.msk @p1 $0xffff, v1  }
0x1d9: {  	s0 =	sshrl.u32 s5, $0x2;
	[tilespmem:s2+$0xA118] =	vst.msk $0x1, v0  }
0x1da: {  	v0 =	vld [tilespmem:s0+$0xA138];
	_ =	sdelay $0x2  }
0x1db: {  	s31 =	sshll.u32 s2, $0x8  }
0x1dc: {  	s4 =	sshra.s32 s31, $0x2  }
0x1dd: {  	[tilespmem:s4+$0xA138] =	vst v0  }
0x1de: {  	v0 =	vld [tilespmem:s0+$0xA148];
	_ =	sdelay $0x4  }
0x1df: {  	[tilespmem:s4+$0xA148] =	vst v0  }
0x1e0: {  	v0 =	vld [tilespmem:s0+$0xA158];
	_ =	sdelay $0x4  }
0x1e1: {  	[tilespmem:s4+$0xA158] =	vst v0  }
0x1e2: {  	v0 =	vld [tilespmem:s0+$0xA168];
	_ =	sdelay $0x4  }
0x1e3: {  	s2 =	sadd.s32 $0x1, s2;
	[tilespmem:s4+$0xA168] =	vst v0  }
.LBB2_48:
0x1e4: {  	s3 =	sadd.s32 $0x1, s3  }
0x1e5: {  	p1 =	sne.s32 s3, $0x20  }
.Ltmp32:
0x1e6: {  	_ = 	snop;
	(pc) =	sbr.rel @!p1 .LBB2_49-.Ltmp32, $1  }
0x1e7: {  	_ =	sdelay $0x3  }
.LBB2_41:
0x1e8: {  	v0 =	vld.msk [tilespmem:s3+$0xA118], $0x1;
	_ =	sdelay $0x4  }
0x1e9: {  	(v2sf) =	vpush v0, $0x0;
	_ =	sdelay $0xe  }
0x1ea: {  	s4 =	spop (v2sf)  }
0x1eb: {  	p1 =	seq.s32 s4, $0xFFFFFFFF  }
.Ltmp33:
0x1ec: {  	_ = 	snop;
	(pc) =	sbr.rel @p1 .LBB2_48-.Ltmp33, $1  }
0x1ed: {  	_ =	sdelay $0x3  }
0x1ee: {  	p1 =	slt.s32 s2, $0x1  }
.Ltmp34:
0x1ef: {  	_ = 	snop;
	(pc) =	sbr.rel @p1 .LBB2_47-.Ltmp34, $1  }
0x1f0: {  	_ =	sdelay $0x3  }
0x1f1: {  	s5 =	simm.s32 $0xA118;
	p1 =	por $0x0, $0x0  }
0x1f2: {  	v1 =	vld.msk @!p1 [tilespmem:s5+$0x0], $0x1;
	_ =	sdelay $0x4  }
0x1f3: {  	(v2sf) =	vpush @!p1 v1, $0x0;
	_ =	sdelay $0xd  }
0x1f4: {  	p3 =	sne.s32 s2, $0x1  }
.Ltmp35:
0x1f5: {  	s0 =	spop @!p1 (v2sf);
	(pc) =	sbr.rel @!p3 .LBB2_45-.Ltmp35, $4  }
0x1f6: {  	p2 =	seq.s32 @!p1 s4, s0  }
0x1f7: {  	s6 =	simm.s32 $0x0;
	p2 =	por !p2, p1  }
0x1f8: {  	s0 =	simm.s32 $0xFFFFFFFF;
	s6 =	simm.s32 @p2 $0xFFFFFFFF  }
0x1f9: {  	s7 =	simm.s32 $0x1;
	s6 =	smov.u32 @p1 s0  }
.LBB2_44:
0x1fa: {  	s0 =	smov.u32 s6;
	p1 =	sne.s32 s6, $0xFFFFFFFF  }
0x1fb: {  	s5 =	sadd.s32 $0x1, s5;
	s6 =	smov.u32 s7;
	s7 =	sadd.s32 $0x1, s7  }
0x1fc: {  	p2 =	sne.s32 s2, s7;
	v1 =	vld.msk @!p1 [tilespmem:s5+$0x0], $0x1;
	_ =	sdelay $0x4  }
0x1fd: {  	(v2sf) =	vpush @!p1 v1, $0x0;
	_ =	sdelay $0xe  }
.Ltmp36:
0x1fe: {  	s8 =	spop @!p1 (v2sf);
	(pc) =	sbr.rel @p2 .LBB2_44-.Ltmp36, $4  }
0x1ff: {  	p3 =	seq.s32 @!p1 s4, s8  }
0x200: {  	p3 =	por !p3, p1  }
0x201: {  	s6 =	simm.s32 @p3 $0xFFFFFFFF  }
0x202: {  	s6 =	smov.u32 @p1 s0  }
.LBB2_45:
0x203: {  	p1 =	seq.s32 s6, $0xFFFFFFFF  }
.Ltmp37:
0x204: {  	_ = 	snop;
	(pc) =	sbr.rel @p1 .LBB2_47-.Ltmp37, $1  }
0x205: {  	_ =	sdelay $0x3  }
0x206: {  	s0 =	sshll.u32 s3, $0x6  }
0x207: {  	s0 =	sand.u32 $0x3FFFFFC0, s0  }
0x208: {  	v0 =	vld [tilespmem:s0+$0xA138];
	_ =	sdelay $0x2  }
0x209: {  	s4 =	sshll.u32 s6, $0x8  }
0x20a: {  	s4 =	sshra.s32 s4, $0x2  }
0x20b: {  	[tilespmem:s4+$0xA138] =	vst.add.f32.msk $0xffff, v0  }
0x20c: {  	v0 =	vld [tilespmem:s0+$0xA148];
	_ =	sdelay $0x4  }
0x20d: {  	[tilespmem:s4+$0xA148] =	vst.add.f32.msk $0xffff, v0  }
0x20e: {  	v0 =	vld [tilespmem:s0+$0xA158];
	_ =	sdelay $0x4  }
0x20f: {  	[tilespmem:s4+$0xA158] =	vst.add.f32.msk $0xffff, v0  }
0x210: {  	v0 =	vld [tilespmem:s0+$0xA168]  }
.Ltmp38:
0x211: {  	_ = 	snop;
	(pc) =	sbr.rel .LBB2_48-.Ltmp38, $2  }
0x212: {  	_ =	sdelay $0x2  }
0x213: {  	[tilespmem:s4+$0xA168] =	vst.add.f32.msk $0xffff, v0  }
.LBB2_49:
0x214: {  	p1 =	slt.s32 s2, $0x1  }
.Ltmp39:
0x215: {  	_ = 	snop;
	(pc) =	sbr.rel @p1 .LBB2_53-.Ltmp39, $3  }
0x216: {  	_ =	sdelay $0x1  }
0x217: {  	s0 =	simm.s32 $0x8  }
0x218: {  	s3 =	simm.s32 $0x0;
	[sflag:s0] =	ssyncpa.u1 $0x1  }
0x219: {  	s0 =	simm.s32 $0xA118  }
0x21a: {  	v0 =	vld.msk [tilespmem:s0+$0x0], $0x1;
	_ =	sdelay $0x4  }
0x21b: {  	(v2sf) =	vpush v0, $0x0;
	_ =	sdelay $0xd  }
0x21c: {  	s2 =	sadd.s32 $0xFFFFFFFF, s2  }
0x21d: {  	p2 =	sne.s32 s2, $0x0;
	s0 =	spop (v2sf)  }
.Ltmp40:
0x21e: {  	p1 =	sgt.u32 s0, $0xC34F9;
	(pc) =	sbr.rel @!p2 .LBB2_52-.Ltmp40, $4  }
0x21f: {  	s4 =	simm.s32 $0xA138;
	s5 =	sand.u32 @!p1 $0xFFFF8, s0  }
0x220: {  	s6 =	simm.s32 $0x0;
	s0 =	sand.u32 @!p1 $0x7, s0;
	s5 =	sadd.s32 @!p1 s1, s5  }
0x221: {  	[hbm4b:s5+s0] =	stream.linear.scatter @!p1 [tilespmem:s4], [sflag:$0x7], $0x31, $0x38;
	[tilespmem:$0x1EBC8] =	vst v63  }
0x222: {  	s6 =	simm.s32 @!p1 $0xC4;
	s5 =	simm.s32 $0xA119  }
.LBB2_51:
0x223: {  	v0 =	vld.msk [tilespmem:s5+$0x0], $0x1;
	s2 =	sadd.s32 $0xFFFFFFFF, s2;
	s3 =	sadd.s32 s3, s6  }
0x224: {  	p1 =	sne.s32 s2, $0x0;
	_ =	sdelay $0x3  }
0x225: {  	(v2sf) =	vpush v0, $0x0;
	_ =	sdelay $0xe  }
.Ltmp41:
0x226: {  	s0 =	spop (v2sf);
	(pc) =	sbr.rel @p1 .LBB2_51-.Ltmp41, $4  }
0x227: {  	s6 =	simm.s32 $0x0;
	p2 =	sgt.u32 s0, $0xC34F9  }
0x228: {  	s4 =	sadd.s32 $0x40, s4;
	s6 =	simm.s32 @!p2 $0xC4;
	s7 =	sand.u32 @!p2 $0xFFFF8, s0  }
0x229: {  	s5 =	sadd.s32 $0x1, s5;
	s0 =	sand.u32 @!p2 $0x7, s0;
	s7 =	sadd.s32 @!p2 s1, s7  }
0x22a: {  	[hbm4b:s7+s0] =	stream.linear.scatter @!p2 [tilespmem:s4], [sflag:$0x7], $0x31, $0x38;
	[tilespmem:$0x1EBC8] =	vst v63  }
.LBB2_52:
0x22b: {  	s0 =	sadd.s32 s3, s6  }
0x22c: {  	s3 =	sshrl.u32 s0, $0x2  }
.LBB2_53:
0x22d: {  	s0 =	simm.s32 $0x7  }
0x22e: {  	_ =	swait.ge [sflag:s0], s3  }
0x22f: {  	s1 =	ssub.s32 $0x0, s3;
	[sflag:s0] =	ssyncset.done $0x0  }
0x230: {  	[sflag:s0] =	ssyncadd.s32 s1  }
0x231: {  	[sflag:s0] =	ssyncpa.u1 $0x1  }
.LBB2_54:
0x232: {  	_ =	sfence;
	s0 =	simm.s32 $0x1  }
0x233: {  	[sflag:s0] =	ssyncpa.u1 $0x1  }
0x234: {  	_ =	strace $0x90000050  }
0x235: {  	[bflag:$0x2] =	sbarrier.arrive $0xFFFF  }
0x236: {  	s0 =	rddreg [dreg:$0x3]  }
0x237: {  	s0 =	sadd.s32 @!p0 $0x100000, s0  }
0x238: {  	[sflag:s0] =	ssyncadd.tile.s32 @!p0 $0x1;
	_ =	shalt  }
.Lfunc_end2:
_tile_overlayer_lowered:
.L_overlay_start_2:
0x239: {  	(tag) =	ssettag $0x2  }
0x23a: {  	s0 =	rddreg [dreg:$0x0];
	s2 =	stileid.u32  }
0x23b: {  	s1 =	rddreg [dreg:$0x1];
	p0 =	sne.s32 s2, $0x0  }
0x23c: {  	s3 =	rddreg [dreg:$0x2];
	[bflag:$0x3] =	sbarrier.arrive $0xFFFF;
	s2 =	simm.s32 @!p0 $0x1C01  }
0x23d: {  	[timem:s3], [sflag:s2] =	dma.local @!p0 [hbm:s0], s1  }
0x23e: {  	s0 =	simm.s32 @!p0 $0x1  }
0x23f: {  	_ =	swait.ge @!p0 [sflag:s0], s1  }
0x240: {  	s1 =	ssub.s32 @!p0 $0x0, s1;
	[sflag:s0] =	ssyncset.done @!p0 $0x0  }
0x241: {  	[sflag:s0] =	ssyncadd.s32 @!p0 s1  }
0x242: {  	[bflag:$0x3] =	sbarrier.arrive $0xFFFF  }
0x243: {  	_ =	shalt  }

// kernel: scatter_offload_async_start.2
scs
__scs_entry_jumppad:
0x0: {  	(pc) =	sbr.rel $0x88, $3  }
0x1: {  	(tag) =	ssettag $0x0;
	lr =	simm.s32 $0x1  }
0x2: {  	[smem:$0x3F8D] =	sst lr;
	_ =	strace $0xD0000000  }
0x3: {  	_ = 	snop  }
0x4: {  	_ = 	snop  }
0x5: {  	_ = 	snop  }
0x6: {  	_ = 	snop  }
0x7: {  	_ = 	snop  }
__scs_overlays_trampoline_lowered:
0x8: {  	[smem:$0x3F9C] =	sst s0  }
0x9: {  	[smem:$0x3F9D] =	sst s1  }
0xa: {  	[smem:$0x3F9E] =	sst s2  }
0xb: {  	[smem:$0x3F9F] =	sst s3  }
0xc: {  	[smem:$0x3FA0] =	sst s4  }
0xd: {  	[smem:$0x3FA1] =	sst s5  }
0xe: {  	[smem:$0x3FA2] =	sst s6  }
0xf: {  	[smem:$0x3FA3] =	sst s7  }
0x10: {  	[smem:$0x3FA4] =	sst s8  }
0x11: {  	[smem:$0x3FA5] =	sst s9;
	s0 =	simm.s32 @!p0 $0x0  }
0x12: {  	s1 =	sld [smem:$0x3F8B];
	s0 =	simm.s32 @p0 $0x1  }
0x13: {  	[smem:$0x3FA6] =	sst s0;
	s0 =	simm.s32 @!p1 $0x0  }
0x14: {  	s2 =	sld [smem:$0x3F8A];
	s0 =	simm.s32 @p1 $0x1  }
0x15: {  	[smem:$0x3FA7] =	sst s0;
	s0 =	simm.s32 @!p2 $0x0  }
0x16: {  	s3 =	sld [smem:$0x3FDB];
	s0 =	simm.s32 @p2 $0x1  }
0x17: {  	s4 =	simm.s32 $0x1BF5;
	[smem:$0x3FA9] =	sst s0  }
0x18: {  	s0 =	sld [smem:$0x3F8C];
	_ =	swait.ge [sflag:s4], $0x0  }
0x19: {  	s7 =	sld [smem:$0x3F8D]  }
0x1a: {  	s8 =	sadd.s32 $0xFFFFE003, lr  }
0x1b: {  	s9 =	sadd.s32 $0xFFFFFEF7, lr;
	s5 =	simm.s32 $0xFFFFFFFF;
	p2 =	slt.u32 s8, $0xFFFFF086  }
0x1c: {  	p1 =	slt.u32 s9, $0xF7A;
	s5 =	simm.s32 @!p2 $0x0  }
0x1d: {  	s5 =	simm.s32 @p1 $0x1;
	p0 =	seq.s32 s7, s2  }
0x1e: {  	s7 =	smul.u32 @!p0 $0xF7A, s2;
	p2 =	seq.s32 @!p0 s5, $0x0  }
0x1f: {  	s9 =	smul.u32 $0xF7A, s1;
	s8 =	simm.s32 @!p0 $0x1BF5;
	p2 =	por !p2, p0  }
0x20: {  	[sflag:s8] =	ssyncset.s32 @!p0 $0xFFFFF086;
	s6 =	sadd.s32 @!p0 s3, s7;
	s7 =	simm.s32 @!p0 $0x108  }
0x21: {  	s3 =	sadd.s32 s3, s9;
	s6 =	sadd.s32 @!p0 $0x88, s6;
	s7 =	simm.s32 @p2 $0x1082  }
0x22: {  	[simem:s7], [sflag:s8] =	dma.local @!p0 [hbm:s6], $0xF7A  }
0x23: {  	s9 =	sor.u32 $0xD0000000, s2;
	s6 =	simm.s32 $0x108;
	_ =	swait.ge @!p0 [sflag:s8], $0x0  }
0x24: {  	s3 =	sadd.s32 $0x88, s3;
	s6 =	simm.s32 @!p1 $0x1082;
	[sflag:s4] =	ssyncset.s32 $0xFFFFF086  }
0x25: {  	[simem:s6], [sflag:s4] =	dma.local [hbm:s3], $0xF7A  }
0x26: {  	[smem:$0x3F8D] =	sst s1;
	(tag) =	ssettag s2;
	_ =	strace s9  }
0x27: {  	s1 =	sld [smem:$0x3F9D]  }
0x28: {  	s2 =	sld [smem:$0x3F9E]  }
0x29: {  	s4 =	sld [smem:$0x3FA0]  }
0x2a: {  	p0 =	seq.s32 s5, $0x0;
	s5 =	sld [smem:$0x3FA1]  }
0x2b: {  	s6 =	sld [smem:$0x3FA2]  }
0x2c: {  	s7 =	sld [smem:$0x3FA3]  }
0x2d: {  	s3 =	simm.s32 $0x108;
	s8 =	sld [smem:$0x3FA4]  }
0x2e: {  	s3 =	simm.s32 @!p0 $0x1082;
	s9 =	sld [smem:$0x3FA5]  }
0x2f: {  	lr =	sadd.s32 s0, s3;
	s0 =	sld [smem:$0x3F9C]  }
0x30: {  	s3 =	sld [smem:$0x3F9F]  }
0x31: {  	[smem:$0x3FA8] =	sst s10  }
0x32: {  	s10 =	sld [smem:$0x3FA6];
	_ =	sdelay $0x3  }
0x33: {  	p0 =	seq.s32 s10, $0x1;
	s10 =	sld [smem:$0x3FA8];
	_ =	sdelay $0x3  }
0x34: {  	[smem:$0x3FA8] =	sst s10  }
0x35: {  	s10 =	sld [smem:$0x3FA7];
	_ =	sdelay $0x3  }
0x36: {  	p1 =	seq.s32 s10, $0x1;
	s10 =	sld [smem:$0x3FA8];
	_ =	sdelay $0x3  }
0x37: {  	[smem:$0x3FA8] =	sst s10  }
0x38: {  	s10 =	sld [smem:$0x3FA9]  }
0x39: {  	_ = 	snop;
	(pc) =	sbr.ind lr, $3  }
0x3a: {  	_ = 	snop  }
0x3b: {  	_ = 	snop  }
0x3c: {  	p2 =	seq.s32 s10, $0x1;
	s10 =	sld [smem:$0x3FA8]  }
0x3d: {  	_ =	shalt  }
0x3e: {  	_ =	shalt  }
0x3f: {  	_ =	shalt  }
0x40: {  	_ =	shalt  }
0x41: {  	_ =	shalt  }
0x42: {  	_ =	shalt  }
0x43: {  	_ =	shalt  }
0x44: {  	_ =	shalt  }
0x45: {  	_ =	shalt  }
0x46: {  	_ =	shalt  }
0x47: {  	_ =	shalt  }
0x48: {  	_ =	shalt  }
0x49: {  	_ =	shalt  }
0x4a: {  	_ =	shalt  }
0x4b: {  	_ =	shalt  }
0x4c: {  	_ =	shalt  }
0x4d: {  	_ =	shalt  }
0x4e: {  	_ =	shalt  }
0x4f: {  	_ =	shalt  }
0x50: {  	_ =	shalt  }
0x51: {  	_ =	shalt  }
0x52: {  	_ =	shalt  }
0x53: {  	_ =	shalt  }
0x54: {  	_ =	shalt  }
0x55: {  	_ =	shalt  }
0x56: {  	_ =	shalt  }
0x57: {  	_ =	shalt  }
0x58: {  	_ =	shalt  }
0x59: {  	_ =	shalt  }
0x5a: {  	_ =	shalt  }
0x5b: {  	_ =	shalt  }
0x5c: {  	_ =	shalt  }
0x5d: {  	_ =	shalt  }
0x5e: {  	_ =	shalt  }
0x5f: {  	_ =	shalt  }
0x60: {  	_ =	shalt  }
0x61: {  	_ =	shalt  }
0x62: {  	_ =	shalt  }
0x63: {  	_ =	shalt  }
0x64: {  	_ =	shalt  }
0x65: {  	_ =	shalt  }
0x66: {  	_ =	shalt  }
0x67: {  	_ =	shalt  }
0x68: {  	_ =	shalt  }
0x69: {  	_ =	shalt  }
0x6a: {  	_ =	shalt  }
0x6b: {  	_ =	shalt  }
0x6c: {  	_ =	shalt  }
0x6d: {  	_ =	shalt  }
0x6e: {  	_ =	shalt  }
0x6f: {  	_ =	shalt  }
0x70: {  	_ =	shalt  }
0x71: {  	_ =	shalt  }
0x72: {  	_ =	shalt  }
0x73: {  	_ =	shalt  }
0x74: {  	_ =	shalt  }
0x75: {  	_ =	shalt  }
0x76: {  	_ =	shalt  }
0x77: {  	_ =	shalt  }
0x78: {  	_ =	shalt  }
0x79: {  	_ =	shalt  }
0x7a: {  	_ =	shalt  }
0x7b: {  	_ =	shalt  }
0x7c: {  	_ =	shalt  }
0x7d: {  	_ =	shalt  }
0x7e: {  	_ =	shalt  }
0x7f: {  	_ =	shalt  }
0x80: {  	_ =	shalt  }
0x81: {  	_ =	shalt  }
0x82: {  	_ =	shalt  }
0x83: {  	_ =	shalt  }
0x84: {  	_ =	shalt  }
0x85: {  	_ =	shalt  }
0x86: {  	_ =	shalt  }
0x87: {  	_ =	shalt  }
.Lfunc_end0:
.L_simem_size_0:
called_computation.2_lowered:
.L_overlay_start_0:
0x88: {  	s2 =	sld [smem:$0x3FD9]  }
0x89: {  	s3 =	sld [smem:$0x3FFE];
	_ =	sdelay $0x1  }
0x8a: {  	s1 =	srdreg.scid  }
0x8b: {  	s0 =	sand.u32 $0x1, s1  }
0x8c: {  	s15 =	sshll.u32 s0, $0xA;
	s2 =	sadd.s32 s3, s2  }
0x8d: {  	s2 =	sadd.s32 s2, s15  }
0x8e: {  	[smem:$0x3FB4] =	sst s2  }
0x8f: {  	_ = 	snop  }
0x90: {  	(tm) =	ssettm $0x1  }
0x91: {  	s16 =	sld [smem:$0x3FFB];
	_ =	sdelay $0x3  }
0x92: {  	_ =	strace s16  }
0x93: {  	s2 =	sld [smem:$0x3FFC];
	_ =	sdelay $0x3  }
0x94: {  	_ =	strace s2  }
0x95: {  	s2 =	sld [smem:$0x3FFD];
	_ =	sdelay $0x3  }
0x96: {  	_ =	strace s2  }
0x97: {  	_ =	strace $0x8FFFFFFF  }
0x98: {  	s17 =	sld [smem:$0x3FDB];
	_ =	sdelay $0x1  }
0x99: {  	s18 =	simm.s32 $_scs_section_size  }
0x9a: {  	s4 =	simm.s32 $_size__tile_overlayer_lowered;
	s5 =	simm.s32 $_tile_overlayer_lowered  }
0x9b: {  	s21 =	simm.s32 $0x1BFF;
	s20 =	sshll.u32 s5, $0x1;
	s2 =	sadd.s32 s18, s17  }
0x9c: {  	s6 =	simm.s32 $0x0;
	s19 =	sshll.u32 s4, $0x1;
	s4 =	sadd.s32 s20, s2  }
0x9d: {  	[timem:s6], [sflag:s21] =	dma.local [hbm:s4], s19  }
0x9e: {  	_ =	swait.ge [sflag:s21], s19  }
0x9f: {  	s3 =	ssub.s32 $0x0, s19;
	[sflag:s21] =	ssyncset.done $0x0  }
0xa0: {  	[sflag:s21] =	ssyncadd.s32 s3;
	_ =	sdelay $0x1  }
0xa1: {  	s22 =	simm.s32 $0x1B8B  }
0xa2: {  	_ =	swait.ge [sflag:s22], $0x1  }
0xa3: {  	[sflag:s22] =	ssyncset.done $0x0  }
0xa4: {  	s23 =	sld [smem:$0x3FFE];
	[sflag:s22] =	ssyncadd.s32 $0xFFFFFFFF  }
0xa5: {  	s25 =	simm.s32 $0x1B8E;
	s24 =	sld [smem:$0x0]  }
0xa6: {  	s26 =	simm.s32 $execute0_lowered;
	[smem:$0x3FD2] =	sst s25  }
0xa7: {  	s5 =	sshll.u32 s26, $0x1;
	_ =	strace $0x80000052;
	[dreg:$0x1] =	wrdreg $0xFFFFFFFF  }
0xa8: {  	s28 =	simm.s32 $_size_execute0_lowered;
	s2 =	sadd.s32 s2, s5;
	[dreg:$0x0] =	wrdreg $0x0  }
0xa9: {  	s5 =	sshll.u32 s28, $0x1;
	[dreg:$0x2] =	wrdreg s2  }
0xaa: {  	[dreg:$0x3] =	wrdreg s5  }
0xab: {  	[dreg:$0x4] =	wrdreg $0xC0  }
0xac: {  	_ =	task [dreg:s6], $0x5FFFF  }
0xad: {  	[dreg:$0x1] =	wrdreg $0xFFFFFFFF  }
0xae: {  	[dreg:$0x0] =	wrdreg $0x60  }
0xaf: {  	[dreg:$0x2] =	wrdreg s23  }
0xb0: {  	[dreg:$0x3] =	wrdreg s1  }
0xb1: {  	[dreg:$0x4] =	wrdreg s24  }
0xb2: {  	[dreg:$0x5] =	wrdreg $0x9  }
0xb3: {  	_ =	task.clear_ibuf [dreg:s6], $0x6FFFF;
	_ =	strace $0x90000052  }
0xb4: {  	s29 =	simm.s32 $0x9;
	_ =	strace $0x80000054  }
0xb5: {  	_ =	swait.ge [sflag:s29], $0x1  }
0xb6: {  	[sflag:s29] =	ssyncadd.s32 $0xFFFFFFFF  }
0xb7: {  	_ =	strace $0x90000054  }
0xb8: {  	_ =	sfence  }
0xb9: {  	s30 =	sld [smem:$0x0];
	_ =	sdelay $0x2  }
0xba: {  	s31 =	sshll.u32 s1, $0xD;
	s1 =	sshrl.u32 s1, $0x2  }
0xbb: {  	s3 =	sand.u32 $0x4000, s31;
	s1 =	sadd.s32 s1, s30  }
0xbc: {  	s0 =	sor.u32 s3, s0;
	s1 =	sshll.u32 s1, $0x11  }
0xbd: {  	s0 =	sor.u32 s1, s0  }
0xbe: {  	s0 =	sadd.s32 $0x8F2B, s0  }
0xbf: {  	[sflag:s0] =	ssyncadd.remote.s32 $0x1  }
0xc0: {  	_ =	sfence.sel $0xFFFF  }
0xc1: {  	[dreg:$0x0] =	wrdreg $0xFFFFFFFF;
	(pc) =	sbr.abs _section_cstart, $3  }
0xc2: {  	[dreg:$0x1] =	wrdreg $0xFFFFFFFF  }
0xc3: {  	_ =	task.clear_ibuf [dreg:s6], $0x2FFFF;
	_ =	strace $0x9FFFFFFF  }
0xc4: {  	(tm) =	ssettm $0x7FFFFFFF  }
0xc5: {  	_ =	shalt  }
tec
execute0_lowered:
.L_overlay_start_1:
0x0: {  	(tag) =	ssettag $0x1  }
0x1: {  	s5 =	rddreg [dreg:$0x0]  }
0x2: {  	s2 =	rddreg [dreg:$0x1]  }
0x3: {  	s1 =	rddreg [dreg:$0x2]  }
0x4: {  	s0 =	rddreg [dreg:$0x3];
	_ =	strace $0x80000053;
	s3 =	simm.s32 $0x1  }
0x5: {  	v0 =	vimm.s32 $0x0;
	[sflag:s3] =	ssyncpa.u1 $0x0  }
0x6: {  	[tilespmem:$0x48] =	vst v0  }
0x7: {  	[tilespmem:$0x58] =	vst v0  }
0x8: {  	[tilespmem:$0x68] =	vst v0  }
0x9: {  	[tilespmem:$0x78] =	vst v0  }
0xa: {  	[tilespmem:$0x88] =	vst v0  }
0xb: {  	[tilespmem:$0x98] =	vst v0  }
0xc: {  	[tilespmem:$0xA8] =	vst v0  }
0xd: {  	[tilespmem:$0xB8] =	vst v0  }
0xe: {  	[tilespmem:$0xC8] =	vst v0  }
0xf: {  	[tilespmem:$0xD8] =	vst v0  }
0x10: {  	[tilespmem:$0xE8] =	vst v0  }
0x11: {  	[tilespmem:$0xF8] =	vst v0  }
0x12: {  	[tilespmem:$0x108] =	vst v0  }
0x13: {  	[tilespmem:$0x118] =	vst v0  }
0x14: {  	[tilespmem:$0x128] =	vst v0  }
0x15: {  	[tilespmem:$0x138] =	vst v0  }
0x16: {  	[tilespmem:$0x148] =	vst v0  }
0x17: {  	[tilespmem:$0x158] =	vst v0  }
0x18: {  	[tilespmem:$0x168] =	vst v0  }
0x19: {  	[tilespmem:$0x178] =	vst v0  }
0x1a: {  	[tilespmem:$0x188] =	vst v0  }
0x1b: {  	[tilespmem:$0x198] =	vst v0  }
0x1c: {  	[tilespmem:$0x1A8] =	vst v0  }
0x1d: {  	[tilespmem:$0x1B8] =	vst v0  }
0x1e: {  	[tilespmem:$0x1C8] =	vst v0  }
0x1f: {  	[tilespmem:$0x1D8] =	vst v0  }
0x20: {  	[tilespmem:$0x1E8] =	vst v0  }
0x21: {  	[tilespmem:$0x1F8] =	vst v0  }
0x22: {  	[tilespmem:$0x208] =	vst v0  }
0x23: {  	[tilespmem:$0x218] =	vst v0  }
0x24: {  	[tilespmem:$0x228] =	vst v0  }
0x25: {  	[tilespmem:$0x238] =	vst v0  }
0x26: {  	[tilespmem:$0x248] =	vst v0  }
0x27: {  	[tilespmem:$0x258] =	vst v0  }
0x28: {  	[tilespmem:$0x268] =	vst v0  }
0x29: {  	[tilespmem:$0x278] =	vst v0  }
0x2a: {  	[tilespmem:$0x288] =	vst v0  }
0x2b: {  	[tilespmem:$0x298] =	vst v0  }
0x2c: {  	[tilespmem:$0x2A8] =	vst v0  }
0x2d: {  	[tilespmem:$0x2B8] =	vst v0  }
0x2e: {  	[tilespmem:$0x2C8] =	vst v0  }
0x2f: {  	[tilespmem:$0x2D8] =	vst v0  }
0x30: {  	[tilespmem:$0x2E8] =	vst v0  }
0x31: {  	[tilespmem:$0x2F8] =	vst v0  }
0x32: {  	[tilespmem:$0x308] =	vst v0  }
0x33: {  	[tilespmem:$0x318] =	vst v0  }
0x34: {  	[tilespmem:$0x328] =	vst v0  }
0x35: {  	[tilespmem:$0x338] =	vst v0  }
0x36: {  	[tilespmem:$0x348] =	vst v0  }
0x37: {  	[tilespmem:$0x358] =	vst v0  }
0x38: {  	[tilespmem:$0x368] =	vst v0  }
0x39: {  	[tilespmem:$0x378] =	vst v0  }
0x3a: {  	[tilespmem:$0x388] =	vst v0  }
0x3b: {  	[tilespmem:$0x398] =	vst v0  }
0x3c: {  	[tilespmem:$0x3A8] =	vst v0  }
0x3d: {  	[tilespmem:$0x3B8] =	vst v0  }
0x3e: {  	[tilespmem:$0x3C8] =	vst v0  }
0x3f: {  	[tilespmem:$0x3D8] =	vst v0  }
0x40: {  	[tilespmem:$0x3E8] =	vst v0  }
0x41: {  	[tilespmem:$0x3F8] =	vst v0  }
0x42: {  	[tilespmem:$0x408] =	vst v0  }
0x43: {  	[tilespmem:$0x418] =	vst v0  }
0x44: {  	[tilespmem:$0x428] =	vst v0  }
0x45: {  	[tilespmem:$0x438] =	vst v0  }
0x46: {  	[tilespmem:$0x448] =	vst v0  }
0x47: {  	[tilespmem:$0x458] =	vst v0  }
0x48: {  	[tilespmem:$0x468] =	vst v0  }
0x49: {  	[tilespmem:$0x478] =	vst v0  }
0x4a: {  	[tilespmem:$0x488] =	vst v0  }
0x4b: {  	[tilespmem:$0x498] =	vst v0  }
0x4c: {  	[tilespmem:$0x4A8] =	vst v0  }
0x4d: {  	[tilespmem:$0x4B8] =	vst v0  }
0x4e: {  	[tilespmem:$0x4C8] =	vst v0  }
0x4f: {  	[tilespmem:$0x4D8] =	vst v0  }
0x50: {  	[tilespmem:$0x4E8] =	vst v0  }
0x51: {  	[tilespmem:$0x4F8] =	vst v0  }
0x52: {  	[tilespmem:$0x508] =	vst v0  }
0x53: {  	[tilespmem:$0x518] =	vst v0  }
0x54: {  	[tilespmem:$0x528] =	vst v0  }
0x55: {  	[tilespmem:$0x538] =	vst v0  }
0x56: {  	[tilespmem:$0x548] =	vst v0  }
0x57: {  	[tilespmem:$0x558] =	vst v0  }
0x58: {  	[tilespmem:$0x568] =	vst v0  }
0x59: {  	[tilespmem:$0x578] =	vst v0  }
0x5a: {  	[tilespmem:$0x588] =	vst v0  }
0x5b: {  	[tilespmem:$0x598] =	vst v0  }
0x5c: {  	[tilespmem:$0x5A8] =	vst v0  }
0x5d: {  	[tilespmem:$0x5B8] =	vst v0  }
0x5e: {  	[tilespmem:$0x5C8] =	vst v0  }
0x5f: {  	[tilespmem:$0x5D8] =	vst v0  }
0x60: {  	[tilespmem:$0x5E8] =	vst v0  }
0x61: {  	[tilespmem:$0x5F8] =	vst v0  }
0x62: {  	[tilespmem:$0x608] =	vst v0  }
0x63: {  	[tilespmem:$0x618] =	vst v0  }
0x64: {  	[tilespmem:$0x628] =	vst v0  }
0x65: {  	[tilespmem:$0x638] =	vst v0  }
0x66: {  	[tilespmem:$0x648] =	vst v0  }
0x67: {  	[tilespmem:$0x658] =	vst v0  }
0x68: {  	[tilespmem:$0x668] =	vst v0  }
0x69: {  	[tilespmem:$0x678] =	vst v0  }
0x6a: {  	[tilespmem:$0x688] =	vst v0  }
0x6b: {  	[tilespmem:$0x698] =	vst v0  }
0x6c: {  	[tilespmem:$0x6A8] =	vst v0  }
0x6d: {  	[tilespmem:$0x6B8] =	vst v0  }
0x6e: {  	[tilespmem:$0x6C8] =	vst v0  }
0x6f: {  	[tilespmem:$0x6D8] =	vst v0  }
0x70: {  	[tilespmem:$0x6E8] =	vst v0  }
0x71: {  	[tilespmem:$0x6F8] =	vst v0  }
0x72: {  	[tilespmem:$0x708] =	vst v0  }
0x73: {  	[tilespmem:$0x718] =	vst v0  }
0x74: {  	[tilespmem:$0x728] =	vst v0  }
0x75: {  	[tilespmem:$0x738] =	vst v0  }
0x76: {  	[tilespmem:$0x748] =	vst v0  }
0x77: {  	[tilespmem:$0x758] =	vst v0  }
0x78: {  	[tilespmem:$0x768] =	vst v0  }
0x79: {  	[tilespmem:$0x778] =	vst v0  }
0x7a: {  	[tilespmem:$0x788] =	vst v0  }
0x7b: {  	[tilespmem:$0x798] =	vst v0  }
0x7c: {  	[tilespmem:$0x7A8] =	vst v0  }
0x7d: {  	[tilespmem:$0x7B8] =	vst v0  }
0x7e: {  	[tilespmem:$0x7C8] =	vst v0  }
0x7f: {  	[tilespmem:$0x7D8] =	vst v0  }
0x80: {  	[tilespmem:$0x7E8] =	vst v0  }
0x81: {  	[tilespmem:$0x7F8] =	vst v0  }
0x82: {  	[tilespmem:$0x808] =	vst v0  }
0x83: {  	[tilespmem:$0x818] =	vst v0  }
0x84: {  	[tilespmem:$0x828] =	vst v0  }
0x85: {  	[tilespmem:$0x838] =	vst v0  }
0x86: {  	[tilespmem:$0x848] =	vst v0  }
0x87: {  	[tilespmem:$0x858] =	vst v0  }
0x88: {  	[tilespmem:$0x868] =	vst v0  }
0x89: {  	[tilespmem:$0x878] =	vst v0  }
0x8a: {  	[tilespmem:$0x888] =	vst v0  }
0x8b: {  	[tilespmem:$0x898] =	vst v0  }
0x8c: {  	[tilespmem:$0x8A8] =	vst v0  }
0x8d: {  	[tilespmem:$0x8B8] =	vst v0  }
0x8e: {  	[tilespmem:$0x8C8] =	vst v0  }
0x8f: {  	[tilespmem:$0x8D8] =	vst v0  }
0x90: {  	[tilespmem:$0x8E8] =	vst v0  }
0x91: {  	[tilespmem:$0x8F8] =	vst v0  }
0x92: {  	[tilespmem:$0x908] =	vst v0  }
0x93: {  	[tilespmem:$0x918] =	vst v0  }
0x94: {  	[tilespmem:$0x928] =	vst v0  }
0x95: {  	[tilespmem:$0x938] =	vst v0  }
0x96: {  	[tilespmem:$0x948] =	vst v0  }
0x97: {  	[tilespmem:$0x958] =	vst v0  }
0x98: {  	[tilespmem:$0x968] =	vst v0  }
0x99: {  	[tilespmem:$0x978] =	vst v0  }
0x9a: {  	[tilespmem:$0x988] =	vst v0  }
0x9b: {  	[tilespmem:$0x998] =	vst v0  }
0x9c: {  	[tilespmem:$0x9A8] =	vst v0  }
0x9d: {  	[tilespmem:$0x9B8] =	vst v0  }
0x9e: {  	[tilespmem:$0x9C8] =	vst v0  }
0x9f: {  	[tilespmem:$0x9D8] =	vst v0  }
0xa0: {  	[tilespmem:$0x9E8] =	vst v0  }
0xa1: {  	[tilespmem:$0x9F8] =	vst v0  }
0xa2: {  	[tilespmem:$0xA08] =	vst v0  }
0xa3: {  	[tilespmem:$0xA18] =	vst v0  }
0xa4: {  	[tilespmem:$0xA28] =	vst v0  }
0xa5: {  	[tilespmem:$0xA38] =	vst v0  }
0xa6: {  	[tilespmem:$0xA48] =	vst v0  }
0xa7: {  	[tilespmem:$0xA58] =	vst v0  }
0xa8: {  	[tilespmem:$0xA68] =	vst v0  }
0xa9: {  	[tilespmem:$0xA78] =	vst v0  }
0xaa: {  	[tilespmem:$0xA88] =	vst v0  }
0xab: {  	[tilespmem:$0xA98] =	vst v0  }
0xac: {  	[tilespmem:$0xAA8] =	vst v0  }
0xad: {  	[tilespmem:$0xAB8] =	vst v0  }
0xae: {  	[tilespmem:$0xAC8] =	vst v0  }
0xaf: {  	[tilespmem:$0xAD8] =	vst v0  }
0xb0: {  	[tilespmem:$0xAE8] =	vst v0  }
0xb1: {  	[tilespmem:$0xAF8] =	vst v0  }
0xb2: {  	[tilespmem:$0xB08] =	vst v0  }
0xb3: {  	[tilespmem:$0xB18] =	vst v0  }
0xb4: {  	[tilespmem:$0xB28] =	vst v0  }
0xb5: {  	[tilespmem:$0xB38] =	vst v0  }
0xb6: {  	[tilespmem:$0xB48] =	vst v0  }
0xb7: {  	[tilespmem:$0xB58] =	vst v0  }
0xb8: {  	[tilespmem:$0xB68] =	vst v0  }
0xb9: {  	[tilespmem:$0xB78] =	vst v0  }
0xba: {  	[tilespmem:$0xB88] =	vst v0  }
0xbb: {  	[tilespmem:$0xB98] =	vst v0  }
0xbc: {  	[tilespmem:$0xBA8] =	vst v0  }
0xbd: {  	[tilespmem:$0xBB8] =	vst v0  }
0xbe: {  	[tilespmem:$0xBC8] =	vst v0  }
0xbf: {  	[tilespmem:$0xBD8] =	vst v0  }
0xc0: {  	[tilespmem:$0xBE8] =	vst v0  }
0xc1: {  	[tilespmem:$0xBF8] =	vst v0  }
0xc2: {  	[tilespmem:$0xC08] =	vst v0  }
0xc3: {  	[tilespmem:$0xC18] =	vst v0  }
0xc4: {  	[tilespmem:$0xC28] =	vst v0  }
0xc5: {  	[tilespmem:$0xC38] =	vst v0  }
0xc6: {  	[tilespmem:$0xC48] =	vst v0  }
0xc7: {  	[tilespmem:$0xC58] =	vst v0  }
0xc8: {  	[tilespmem:$0xC68] =	vst v0  }
0xc9: {  	[tilespmem:$0xC78] =	vst v0  }
0xca: {  	[tilespmem:$0xC88] =	vst v0  }
0xcb: {  	[tilespmem:$0xC98] =	vst v0  }
0xcc: {  	[tilespmem:$0xCA8] =	vst v0  }
0xcd: {  	[tilespmem:$0xCB8] =	vst v0  }
0xce: {  	[tilespmem:$0xCC8] =	vst v0  }
0xcf: {  	[tilespmem:$0xCD8] =	vst v0  }
0xd0: {  	[tilespmem:$0xCE8] =	vst v0  }
0xd1: {  	[tilespmem:$0xCF8] =	vst v0  }
0xd2: {  	[tilespmem:$0xD08] =	vst v0  }
0xd3: {  	[tilespmem:$0xD18] =	vst v0  }
0xd4: {  	[tilespmem:$0xD28] =	vst v0  }
0xd5: {  	[tilespmem:$0xD38] =	vst v0  }
0xd6: {  	[tilespmem:$0xD48] =	vst v0  }
0xd7: {  	[tilespmem:$0xD58] =	vst v0  }
0xd8: {  	[tilespmem:$0xD68] =	vst v0  }
0xd9: {  	[tilespmem:$0xD78] =	vst v0  }
0xda: {  	[tilespmem:$0xD88] =	vst v0  }
0xdb: {  	[tilespmem:$0xD98] =	vst v0  }
0xdc: {  	[tilespmem:$0xDA8] =	vst v0  }
0xdd: {  	[tilespmem:$0xDB8] =	vst v0  }
0xde: {  	[tilespmem:$0xDC8] =	vst v0  }
0xdf: {  	[tilespmem:$0xDD8] =	vst v0  }
0xe0: {  	[tilespmem:$0xDE8] =	vst v0  }
0xe1: {  	[tilespmem:$0xDF8] =	vst v0  }
0xe2: {  	[tilespmem:$0xE08] =	vst v0  }
0xe3: {  	[tilespmem:$0xE18] =	vst v0  }
0xe4: {  	[tilespmem:$0xE28] =	vst v0  }
0xe5: {  	[tilespmem:$0xE38] =	vst v0  }
0xe6: {  	[tilespmem:$0xE48] =	vst v0  }
0xe7: {  	[tilespmem:$0xE58] =	vst v0  }
0xe8: {  	[tilespmem:$0xE68] =	vst v0  }
0xe9: {  	[tilespmem:$0xE78] =	vst v0  }
0xea: {  	[tilespmem:$0xE88] =	vst v0  }
0xeb: {  	[tilespmem:$0xE98] =	vst v0  }
0xec: {  	[tilespmem:$0xEA8] =	vst v0  }
0xed: {  	[tilespmem:$0xEB8] =	vst v0  }
0xee: {  	[tilespmem:$0xEC8] =	vst v0  }
0xef: {  	[tilespmem:$0xED8] =	vst v0  }
0xf0: {  	[tilespmem:$0xEE8] =	vst v0  }
0xf1: {  	[tilespmem:$0xEF8] =	vst v0  }
0xf2: {  	[tilespmem:$0xF08] =	vst v0  }
0xf3: {  	[tilespmem:$0xF18] =	vst v0  }
0xf4: {  	[tilespmem:$0xF28] =	vst v0  }
0xf5: {  	[tilespmem:$0xF38] =	vst v0  }
0xf6: {  	[tilespmem:$0xF48] =	vst v0  }
0xf7: {  	[tilespmem:$0xF58] =	vst v0  }
0xf8: {  	[tilespmem:$0xF68] =	vst v0  }
0xf9: {  	[tilespmem:$0xF78] =	vst v0  }
0xfa: {  	[tilespmem:$0xF88] =	vst v0  }
0xfb: {  	[tilespmem:$0xF98] =	vst v0  }
0xfc: {  	[tilespmem:$0xFA8] =	vst v0  }
0xfd: {  	[tilespmem:$0xFB8] =	vst v0  }
0xfe: {  	[tilespmem:$0xFC8] =	vst v0  }
0xff: {  	[tilespmem:$0xFD8] =	vst v0  }
0x100: {  	[tilespmem:$0xFE8] =	vst v0  }
0x101: {  	[tilespmem:$0xFF8] =	vst v0  }
0x102: {  	[tilespmem:$0x1008] =	vst v0  }
0x103: {  	[tilespmem:$0x1018] =	vst v0  }
0x104: {  	[tilespmem:$0x1028] =	vst v0  }
0x105: {  	[tilespmem:$0x1038] =	vst v0  }
0x106: {  	[tilespmem:$0x1048] =	vst v0  }
0x107: {  	[tilespmem:$0x1058] =	vst v0  }
0x108: {  	[tilespmem:$0x1068] =	vst v0  }
0x109: {  	[tilespmem:$0x1078] =	vst v0  }
0x10a: {  	[tilespmem:$0x1088] =	vst v0  }
0x10b: {  	[tilespmem:$0x1098] =	vst v0  }
0x10c: {  	[tilespmem:$0x10A8] =	vst v0  }
0x10d: {  	[tilespmem:$0x10B8] =	vst v0  }
0x10e: {  	[tilespmem:$0x10C8] =	vst v0  }
0x10f: {  	[tilespmem:$0x10D8] =	vst v0  }
0x110: {  	[tilespmem:$0x10E8] =	vst v0  }
0x111: {  	[tilespmem:$0x10F8] =	vst v0  }
0x112: {  	[tilespmem:$0x1108] =	vst v0  }
0x113: {  	[tilespmem:$0x1118] =	vst v0  }
0x114: {  	[tilespmem:$0x1128] =	vst v0  }
0x115: {  	[tilespmem:$0x1138] =	vst v0  }
0x116: {  	[tilespmem:$0x1148] =	vst v0  }
0x117: {  	[tilespmem:$0x1158] =	vst v0  }
0x118: {  	[tilespmem:$0x1168] =	vst v0  }
0x119: {  	[tilespmem:$0x1178] =	vst v0  }
0x11a: {  	[tilespmem:$0x1188] =	vst v0  }
0x11b: {  	[tilespmem:$0x1198] =	vst v0  }
0x11c: {  	[tilespmem:$0x11A8] =	vst v0  }
0x11d: {  	[tilespmem:$0x11B8] =	vst v0  }
0x11e: {  	[tilespmem:$0x11C8] =	vst v0  }
0x11f: {  	[tilespmem:$0x11D8] =	vst v0  }
0x120: {  	[tilespmem:$0x11E8] =	vst v0  }
0x121: {  	[tilespmem:$0x11F8] =	vst v0  }
0x122: {  	[tilespmem:$0x1208] =	vst v0  }
0x123: {  	[tilespmem:$0x1218] =	vst v0  }
0x124: {  	[tilespmem:$0x1228] =	vst v0  }
0x125: {  	[tilespmem:$0x1238] =	vst v0  }
0x126: {  	[tilespmem:$0x1248] =	vst v0  }
0x127: {  	[tilespmem:$0x1258] =	vst v0  }
0x128: {  	[tilespmem:$0x1268] =	vst v0  }
0x129: {  	[tilespmem:$0x1278] =	vst v0  }
0x12a: {  	[tilespmem:$0x1288] =	vst v0  }
0x12b: {  	[tilespmem:$0x1298] =	vst v0  }
0x12c: {  	[tilespmem:$0x12A8] =	vst v0  }
0x12d: {  	[tilespmem:$0x12B8] =	vst v0  }
0x12e: {  	[tilespmem:$0x12C8] =	vst v0  }
0x12f: {  	[tilespmem:$0x12D8] =	vst v0  }
0x130: {  	[tilespmem:$0x12E8] =	vst v0  }
0x131: {  	[tilespmem:$0x12F8] =	vst v0  }
0x132: {  	[tilespmem:$0x1308] =	vst v0  }
0x133: {  	[tilespmem:$0x1318] =	vst v0  }
0x134: {  	[tilespmem:$0x1328] =	vst v0  }
0x135: {  	[tilespmem:$0x1338] =	vst v0  }
0x136: {  	[tilespmem:$0x1348] =	vst v0  }
0x137: {  	[tilespmem:$0x1358] =	vst v0  }
0x138: {  	[tilespmem:$0x1368] =	vst v0  }
0x139: {  	[tilespmem:$0x1378] =	vst v0  }
0x13a: {  	[tilespmem:$0x1388] =	vst v0  }
0x13b: {  	[tilespmem:$0x1398] =	vst v0  }
0x13c: {  	[tilespmem:$0x13A8] =	vst v0  }
0x13d: {  	[tilespmem:$0x13B8] =	vst v0  }
0x13e: {  	[tilespmem:$0x13C8] =	vst v0  }
0x13f: {  	[tilespmem:$0x13D8] =	vst v0  }
0x140: {  	[tilespmem:$0x13E8] =	vst v0  }
0x141: {  	[tilespmem:$0x13F8] =	vst v0  }
0x142: {  	[tilespmem:$0x1408] =	vst v0  }
0x143: {  	[tilespmem:$0x1418] =	vst v0  }
0x144: {  	[tilespmem:$0x1428] =	vst v0  }
0x145: {  	[tilespmem:$0x1438] =	vst v0  }
0x146: {  	[tilespmem:$0x1448] =	vst v0  }
0x147: {  	[tilespmem:$0x1458] =	vst v0  }
0x148: {  	[tilespmem:$0x1468] =	vst v0  }
0x149: {  	[tilespmem:$0x1478] =	vst v0  }
0x14a: {  	[tilespmem:$0x1488] =	vst v0  }
0x14b: {  	[tilespmem:$0x1498] =	vst v0  }
0x14c: {  	[tilespmem:$0x14A8] =	vst v0  }
0x14d: {  	[tilespmem:$0x14B8] =	vst v0  }
0x14e: {  	[tilespmem:$0x14C8] =	vst v0  }
0x14f: {  	[tilespmem:$0x14D8] =	vst v0  }
0x150: {  	[tilespmem:$0x14E8] =	vst v0  }
0x151: {  	[tilespmem:$0x14F8] =	vst v0  }
0x152: {  	[tilespmem:$0x1508] =	vst v0  }
0x153: {  	[tilespmem:$0x1518] =	vst v0  }
0x154: {  	[tilespmem:$0x1528] =	vst v0  }
0x155: {  	[tilespmem:$0x1538] =	vst v0  }
0x156: {  	[tilespmem:$0x1548] =	vst v0  }
0x157: {  	[tilespmem:$0x1558] =	vst v0  }
0x158: {  	[tilespmem:$0x1568] =	vst v0  }
0x159: {  	[tilespmem:$0x1578] =	vst v0  }
0x15a: {  	[tilespmem:$0x1588] =	vst v0  }
0x15b: {  	[tilespmem:$0x1598] =	vst v0  }
0x15c: {  	[tilespmem:$0x15A8] =	vst v0  }
0x15d: {  	[tilespmem:$0x15B8] =	vst v0  }
0x15e: {  	[tilespmem:$0x15C8] =	vst v0  }
0x15f: {  	[tilespmem:$0x15D8] =	vst v0  }
0x160: {  	[tilespmem:$0x15E8] =	vst v0  }
0x161: {  	[tilespmem:$0x15F8] =	vst v0  }
0x162: {  	[tilespmem:$0x1608] =	vst v0  }
0x163: {  	[tilespmem:$0x1618] =	vst v0  }
0x164: {  	[tilespmem:$0x1628] =	vst v0  }
0x165: {  	[tilespmem:$0x1638] =	vst v0  }
0x166: {  	[tilespmem:$0x1648] =	vst v0  }
0x167: {  	[tilespmem:$0x1658] =	vst v0  }
0x168: {  	[tilespmem:$0x1668] =	vst v0  }
0x169: {  	[tilespmem:$0x1678] =	vst v0  }
0x16a: {  	[tilespmem:$0x1688] =	vst v0  }
0x16b: {  	[tilespmem:$0x1698] =	vst v0  }
0x16c: {  	[tilespmem:$0x16A8] =	vst v0  }
0x16d: {  	[tilespmem:$0x16B8] =	vst v0  }
0x16e: {  	[tilespmem:$0x16C8] =	vst v0  }
0x16f: {  	[tilespmem:$0x16D8] =	vst v0  }
0x170: {  	[tilespmem:$0x16E8] =	vst v0  }
0x171: {  	[tilespmem:$0x16F8] =	vst v0  }
0x172: {  	[tilespmem:$0x1708] =	vst v0  }
0x173: {  	[tilespmem:$0x1718] =	vst v0  }
0x174: {  	[tilespmem:$0x1728] =	vst v0  }
0x175: {  	[tilespmem:$0x1738] =	vst v0  }
0x176: {  	[tilespmem:$0x1748] =	vst v0  }
0x177: {  	[tilespmem:$0x1758] =	vst v0  }
0x178: {  	[tilespmem:$0x1768] =	vst v0  }
0x179: {  	[tilespmem:$0x1778] =	vst v0  }
0x17a: {  	[tilespmem:$0x1788] =	vst v0  }
0x17b: {  	[tilespmem:$0x1798] =	vst v0  }
0x17c: {  	[tilespmem:$0x17A8] =	vst v0  }
0x17d: {  	[tilespmem:$0x17B8] =	vst v0  }
0x17e: {  	[tilespmem:$0x17C8] =	vst v0  }
0x17f: {  	[tilespmem:$0x17D8] =	vst v0  }
0x180: {  	[tilespmem:$0x17E8] =	vst v0  }
0x181: {  	[tilespmem:$0x17F8] =	vst v0  }
0x182: {  	[tilespmem:$0x1808] =	vst v0  }
0x183: {  	[tilespmem:$0x1818] =	vst v0  }
0x184: {  	[tilespmem:$0x1828] =	vst v0  }
0x185: {  	[tilespmem:$0x1838] =	vst v0  }
0x186: {  	[tilespmem:$0x1848] =	vst v0  }
0x187: {  	[tilespmem:$0x1858] =	vst v0  }
0x188: {  	[tilespmem:$0x1868] =	vst v0  }
0x189: {  	[tilespmem:$0x1878] =	vst v0  }
0x18a: {  	[tilespmem:$0x1888] =	vst v0  }
0x18b: {  	[tilespmem:$0x1898] =	vst v0  }
0x18c: {  	[tilespmem:$0x18A8] =	vst v0  }
0x18d: {  	[tilespmem:$0x18B8] =	vst v0  }
0x18e: {  	[tilespmem:$0x18C8] =	vst v0  }
0x18f: {  	[tilespmem:$0x18D8] =	vst v0  }
0x190: {  	[tilespmem:$0x18E8] =	vst v0  }
0x191: {  	[tilespmem:$0x18F8] =	vst v0  }
0x192: {  	[tilespmem:$0x1908] =	vst v0  }
0x193: {  	[tilespmem:$0x1918] =	vst v0  }
0x194: {  	[tilespmem:$0x1928] =	vst v0  }
0x195: {  	[tilespmem:$0x1938] =	vst v0  }
0x196: {  	[tilespmem:$0x1948] =	vst v0  }
0x197: {  	[tilespmem:$0x1958] =	vst v0  }
0x198: {  	[tilespmem:$0x1968] =	vst v0  }
0x199: {  	[tilespmem:$0x1978] =	vst v0  }
0x19a: {  	[tilespmem:$0x1988] =	vst v0  }
0x19b: {  	[tilespmem:$0x1998] =	vst v0  }
0x19c: {  	[tilespmem:$0x19A8] =	vst v0  }
0x19d: {  	[tilespmem:$0x19B8] =	vst v0  }
0x19e: {  	[tilespmem:$0x19C8] =	vst v0  }
0x19f: {  	[tilespmem:$0x19D8] =	vst v0  }
0x1a0: {  	[tilespmem:$0x19E8] =	vst v0  }
0x1a1: {  	[tilespmem:$0x19F8] =	vst v0  }
0x1a2: {  	[tilespmem:$0x1A08] =	vst v0  }
0x1a3: {  	[tilespmem:$0x1A18] =	vst v0  }
0x1a4: {  	[tilespmem:$0x1A28] =	vst v0  }
0x1a5: {  	[tilespmem:$0x1A38] =	vst v0  }
0x1a6: {  	[tilespmem:$0x1A48] =	vst v0  }
0x1a7: {  	[tilespmem:$0x1A58] =	vst v0  }
0x1a8: {  	[tilespmem:$0x1A68] =	vst v0  }
0x1a9: {  	[tilespmem:$0x1A78] =	vst v0  }
0x1aa: {  	[tilespmem:$0x1A88] =	vst v0  }
0x1ab: {  	[tilespmem:$0x1A98] =	vst v0  }
0x1ac: {  	[tilespmem:$0x1AA8] =	vst v0  }
0x1ad: {  	[tilespmem:$0x1AB8] =	vst v0  }
0x1ae: {  	[tilespmem:$0x1AC8] =	vst v0  }
0x1af: {  	[tilespmem:$0x1AD8] =	vst v0  }
0x1b0: {  	[tilespmem:$0x1AE8] =	vst v0  }
0x1b1: {  	[tilespmem:$0x1AF8] =	vst v0  }
0x1b2: {  	[tilespmem:$0x1B08] =	vst v0  }
0x1b3: {  	[tilespmem:$0x1B18] =	vst v0  }
0x1b4: {  	[tilespmem:$0x1B28] =	vst v0  }
0x1b5: {  	[tilespmem:$0x1B38] =	vst v0  }
0x1b6: {  	[tilespmem:$0x1B48] =	vst v0  }
0x1b7: {  	[tilespmem:$0x1B58] =	vst v0  }
0x1b8: {  	[tilespmem:$0x1B68] =	vst v0  }
0x1b9: {  	[tilespmem:$0x1B78] =	vst v0  }
0x1ba: {  	[tilespmem:$0x1B88] =	vst v0  }
0x1bb: {  	[tilespmem:$0x1B98] =	vst v0  }
0x1bc: {  	[tilespmem:$0x1BA8] =	vst v0  }
0x1bd: {  	[tilespmem:$0x1BB8] =	vst v0  }
0x1be: {  	[tilespmem:$0x1BC8] =	vst v0  }
0x1bf: {  	[tilespmem:$0x1BD8] =	vst v0  }
0x1c0: {  	[tilespmem:$0x1BE8] =	vst v0  }
0x1c1: {  	[tilespmem:$0x1BF8] =	vst v0  }
0x1c2: {  	[tilespmem:$0x1C08] =	vst v0  }
0x1c3: {  	[tilespmem:$0x1C18] =	vst v0  }
0x1c4: {  	[tilespmem:$0x1C28] =	vst v0  }
0x1c5: {  	[tilespmem:$0x1C38] =	vst v0  }
0x1c6: {  	[tilespmem:$0x1C48] =	vst v0  }
0x1c7: {  	[tilespmem:$0x1C58] =	vst v0  }
0x1c8: {  	[tilespmem:$0x1C68] =	vst v0  }
0x1c9: {  	[tilespmem:$0x1C78] =	vst v0  }
0x1ca: {  	[tilespmem:$0x1C88] =	vst v0  }
0x1cb: {  	[tilespmem:$0x1C98] =	vst v0  }
0x1cc: {  	[tilespmem:$0x1CA8] =	vst v0  }
0x1cd: {  	[tilespmem:$0x1CB8] =	vst v0  }
0x1ce: {  	[tilespmem:$0x1CC8] =	vst v0  }
0x1cf: {  	[tilespmem:$0x1CD8] =	vst v0  }
0x1d0: {  	[tilespmem:$0x1CE8] =	vst v0  }
0x1d1: {  	[tilespmem:$0x1CF8] =	vst v0  }
0x1d2: {  	[tilespmem:$0x1D08] =	vst v0  }
0x1d3: {  	[tilespmem:$0x1D18] =	vst v0  }
0x1d4: {  	[tilespmem:$0x1D28] =	vst v0  }
0x1d5: {  	[tilespmem:$0x1D38] =	vst v0  }
0x1d6: {  	[tilespmem:$0x1D48] =	vst v0  }
0x1d7: {  	[tilespmem:$0x1D58] =	vst v0  }
0x1d8: {  	[tilespmem:$0x1D68] =	vst v0  }
0x1d9: {  	[tilespmem:$0x1D78] =	vst v0  }
0x1da: {  	[tilespmem:$0x1D88] =	vst v0  }
0x1db: {  	[tilespmem:$0x1D98] =	vst v0  }
0x1dc: {  	[tilespmem:$0x1DA8] =	vst v0  }
0x1dd: {  	[tilespmem:$0x1DB8] =	vst v0  }
0x1de: {  	[tilespmem:$0x1DC8] =	vst v0  }
0x1df: {  	[tilespmem:$0x1DD8] =	vst v0  }
0x1e0: {  	[tilespmem:$0x1DE8] =	vst v0  }
0x1e1: {  	[tilespmem:$0x1DF8] =	vst v0  }
0x1e2: {  	[tilespmem:$0x1E08] =	vst v0  }
0x1e3: {  	[tilespmem:$0x1E18] =	vst v0  }
0x1e4: {  	[tilespmem:$0x1E28] =	vst v0  }
0x1e5: {  	[tilespmem:$0x1E38] =	vst v0  }
0x1e6: {  	[tilespmem:$0x1E48] =	vst v0  }
0x1e7: {  	[tilespmem:$0x1E58] =	vst v0  }
0x1e8: {  	[tilespmem:$0x1E68] =	vst v0  }
0x1e9: {  	[tilespmem:$0x1E78] =	vst v0  }
0x1ea: {  	[tilespmem:$0x1E88] =	vst v0  }
0x1eb: {  	[tilespmem:$0x1E98] =	vst v0  }
0x1ec: {  	[tilespmem:$0x1EA8] =	vst v0  }
0x1ed: {  	[tilespmem:$0x1EB8] =	vst v0  }
0x1ee: {  	[tilespmem:$0x1EC8] =	vst v0  }
0x1ef: {  	[tilespmem:$0x1ED8] =	vst v0  }
0x1f0: {  	[tilespmem:$0x1EE8] =	vst v0  }
0x1f1: {  	[tilespmem:$0x1EF8] =	vst v0  }
0x1f2: {  	[tilespmem:$0x1F08] =	vst v0  }
0x1f3: {  	[tilespmem:$0x1F18] =	vst v0  }
0x1f4: {  	[tilespmem:$0x1F28] =	vst v0  }
0x1f5: {  	[tilespmem:$0x1F38] =	vst v0  }
0x1f6: {  	[tilespmem:$0x1F48] =	vst v0  }
0x1f7: {  	[tilespmem:$0x1F58] =	vst v0  }
0x1f8: {  	[tilespmem:$0x1F68] =	vst v0  }
0x1f9: {  	[tilespmem:$0x1F78] =	vst v0  }
0x1fa: {  	[tilespmem:$0x1F88] =	vst v0  }
0x1fb: {  	[tilespmem:$0x1F98] =	vst v0  }
0x1fc: {  	[tilespmem:$0x1FA8] =	vst v0  }
0x1fd: {  	[tilespmem:$0x1FB8] =	vst v0  }
0x1fe: {  	[tilespmem:$0x1FC8] =	vst v0  }
0x1ff: {  	[tilespmem:$0x1FD8] =	vst v0  }
0x200: {  	[tilespmem:$0x1FE8] =	vst v0  }
0x201: {  	[tilespmem:$0x1FF8] =	vst v0  }
0x202: {  	[tilespmem:$0x2008] =	vst v0  }
0x203: {  	[tilespmem:$0x2018] =	vst v0  }
0x204: {  	[tilespmem:$0x2028] =	vst v0  }
0x205: {  	[tilespmem:$0x2038] =	vst v0  }
0x206: {  	[tilespmem:$0x2048] =	vst v0  }
0x207: {  	[tilespmem:$0x2058] =	vst v0  }
0x208: {  	[tilespmem:$0x2068] =	vst v0  }
0x209: {  	[tilespmem:$0x2078] =	vst v0  }
0x20a: {  	[tilespmem:$0x2088] =	vst v0  }
0x20b: {  	[tilespmem:$0x2098] =	vst v0  }
0x20c: {  	[tilespmem:$0x20A8] =	vst v0  }
0x20d: {  	[tilespmem:$0x20B8] =	vst v0  }
0x20e: {  	[tilespmem:$0x20C8] =	vst v0  }
0x20f: {  	[tilespmem:$0x20D8] =	vst v0  }
0x210: {  	[tilespmem:$0x20E8] =	vst v0  }
0x211: {  	[tilespmem:$0x20F8] =	vst v0  }
0x212: {  	[tilespmem:$0x2108] =	vst v0  }
0x213: {  	[tilespmem:$0x2118] =	vst v0  }
0x214: {  	[tilespmem:$0x2128] =	vst v0  }
0x215: {  	[tilespmem:$0x2138] =	vst v0  }
0x216: {  	[tilespmem:$0x2148] =	vst v0  }
0x217: {  	[tilespmem:$0x2158] =	vst v0  }
0x218: {  	[tilespmem:$0x2168] =	vst v0  }
0x219: {  	[tilespmem:$0x2178] =	vst v0  }
0x21a: {  	[tilespmem:$0x2188] =	vst v0  }
0x21b: {  	[tilespmem:$0x2198] =	vst v0  }
0x21c: {  	[tilespmem:$0x21A8] =	vst v0  }
0x21d: {  	[tilespmem:$0x21B8] =	vst v0  }
0x21e: {  	[tilespmem:$0x21C8] =	vst v0  }
0x21f: {  	[tilespmem:$0x21D8] =	vst v0  }
0x220: {  	[tilespmem:$0x21E8] =	vst v0  }
0x221: {  	[tilespmem:$0x21F8] =	vst v0  }
0x222: {  	[tilespmem:$0x2208] =	vst v0  }
0x223: {  	[tilespmem:$0x2218] =	vst v0  }
0x224: {  	[tilespmem:$0x2228] =	vst v0  }
0x225: {  	[tilespmem:$0x2238] =	vst v0  }
0x226: {  	[tilespmem:$0x2248] =	vst v0  }
0x227: {  	[tilespmem:$0x2258] =	vst v0  }
0x228: {  	[tilespmem:$0x2268] =	vst v0  }
0x229: {  	[tilespmem:$0x2278] =	vst v0  }
0x22a: {  	[tilespmem:$0x2288] =	vst v0  }
0x22b: {  	[tilespmem:$0x2298] =	vst v0  }
0x22c: {  	[tilespmem:$0x22A8] =	vst v0  }
0x22d: {  	[tilespmem:$0x22B8] =	vst v0  }
0x22e: {  	[tilespmem:$0x22C8] =	vst v0  }
0x22f: {  	[tilespmem:$0x22D8] =	vst v0  }
0x230: {  	[tilespmem:$0x22E8] =	vst v0  }
0x231: {  	[tilespmem:$0x22F8] =	vst v0  }
0x232: {  	[tilespmem:$0x2308] =	vst v0  }
0x233: {  	[tilespmem:$0x2318] =	vst v0  }
0x234: {  	[tilespmem:$0x2328] =	vst v0  }
0x235: {  	[tilespmem:$0x2338] =	vst v0  }
0x236: {  	[tilespmem:$0x2348] =	vst v0  }
0x237: {  	[tilespmem:$0x2368] =	vst v0  }
0x238: {  	[tilespmem:$0x2398] =	vst v0  }
0x239: {  	[tilespmem:$0x2388] =	vst v0  }
0x23a: {  	[tilespmem:$0x23A8] =	vst v0  }
0x23b: {  	[tilespmem:$0x23B8] =	vst v0  }
0x23c: {  	[tilespmem:$0x3258] =	vst v0  }
0x23d: {  	[tilespmem:$0x3248] =	vst v0  }
0x23e: {  	[tilespmem:$0x3238] =	vst v0  }
0x23f: {  	[tilespmem:$0x3228] =	vst v0  }
0x240: {  	[tilespmem:$0x3218] =	vst v0  }
0x241: {  	[tilespmem:$0x3208] =	vst v0  }
0x242: {  	[tilespmem:$0x31F8] =	vst v0  }
0x243: {  	[tilespmem:$0x31E8] =	vst v0  }
0x244: {  	[tilespmem:$0x31D8] =	vst v0  }
0x245: {  	[tilespmem:$0x31C8] =	vst v0  }
0x246: {  	[tilespmem:$0x31B8] =	vst v0  }
0x247: {  	[tilespmem:$0x31A8] =	vst v0  }
0x248: {  	[tilespmem:$0x3198] =	vst v0  }
0x249: {  	[tilespmem:$0x3188] =	vst v0  }
0x24a: {  	[tilespmem:$0x3178] =	vst v0  }
0x24b: {  	[tilespmem:$0x3168] =	vst v0  }
0x24c: {  	[tilespmem:$0x3158] =	vst v0  }
0x24d: {  	[tilespmem:$0x3148] =	vst v0  }
0x24e: {  	[tilespmem:$0x3138] =	vst v0  }
0x24f: {  	[tilespmem:$0x3128] =	vst v0  }
0x250: {  	[tilespmem:$0x3118] =	vst v0  }
0x251: {  	[tilespmem:$0x3108] =	vst v0  }
0x252: {  	[tilespmem:$0x30F8] =	vst v0  }
0x253: {  	[tilespmem:$0x30E8] =	vst v0  }
0x254: {  	[tilespmem:$0x30D8] =	vst v0  }
0x255: {  	[tilespmem:$0x30C8] =	vst v0  }
0x256: {  	[tilespmem:$0x30B8] =	vst v0  }
0x257: {  	[tilespmem:$0x30A8] =	vst v0  }
0x258: {  	[tilespmem:$0x3098] =	vst v0  }
0x259: {  	[tilespmem:$0x3088] =	vst v0  }
0x25a: {  	[tilespmem:$0x3078] =	vst v0  }
0x25b: {  	[tilespmem:$0x3068] =	vst v0  }
0x25c: {  	[tilespmem:$0x3058] =	vst v0  }
0x25d: {  	[tilespmem:$0x3048] =	vst v0  }
0x25e: {  	[tilespmem:$0x3038] =	vst v0  }
0x25f: {  	[tilespmem:$0x3028] =	vst v0  }
0x260: {  	[tilespmem:$0x3018] =	vst v0  }
0x261: {  	[tilespmem:$0x3008] =	vst v0  }
0x262: {  	[tilespmem:$0x2FF8] =	vst v0  }
0x263: {  	[tilespmem:$0x2FE8] =	vst v0  }
0x264: {  	[tilespmem:$0x2FD8] =	vst v0  }
0x265: {  	[tilespmem:$0x2FC8] =	vst v0  }
0x266: {  	[tilespmem:$0x2FB8] =	vst v0  }
0x267: {  	[tilespmem:$0x2FA8] =	vst v0  }
0x268: {  	[tilespmem:$0x2F98] =	vst v0  }
0x269: {  	[tilespmem:$0x2F88] =	vst v0  }
0x26a: {  	[tilespmem:$0x2F78] =	vst v0  }
0x26b: {  	[tilespmem:$0x2F68] =	vst v0  }
0x26c: {  	[tilespmem:$0x2F58] =	vst v0  }
0x26d: {  	[tilespmem:$0x2F48] =	vst v0  }
0x26e: {  	[tilespmem:$0x2F38] =	vst v0  }
0x26f: {  	[tilespmem:$0x2F28] =	vst v0  }
0x270: {  	[tilespmem:$0x2F18] =	vst v0  }
0x271: {  	[tilespmem:$0x2F08] =	vst v0  }
0x272: {  	[tilespmem:$0x2EF8] =	vst v0  }
0x273: {  	[tilespmem:$0x2EE8] =	vst v0  }
0x274: {  	[tilespmem:$0x2ED8] =	vst v0  }
0x275: {  	[tilespmem:$0x2EC8] =	vst v0  }
0x276: {  	[tilespmem:$0x2EB8] =	vst v0  }
0x277: {  	[tilespmem:$0x2EA8] =	vst v0  }
0x278: {  	[tilespmem:$0x2E98] =	vst v0  }
0x279: {  	[tilespmem:$0x2E88] =	vst v0  }
0x27a: {  	[tilespmem:$0x2E78] =	vst v0  }
0x27b: {  	[tilespmem:$0x2E68] =	vst v0  }
0x27c: {  	[tilespmem:$0x2E58] =	vst v0  }
0x27d: {  	[tilespmem:$0x2E48] =	vst v0  }
0x27e: {  	[tilespmem:$0x2E38] =	vst v0  }
0x27f: {  	[tilespmem:$0x2E28] =	vst v0  }
0x280: {  	[tilespmem:$0x2E18] =	vst v0  }
0x281: {  	[tilespmem:$0x2E08] =	vst v0  }
0x282: {  	[tilespmem:$0x2DF8] =	vst v0  }
0x283: {  	[tilespmem:$0x2DE8] =	vst v0  }
0x284: {  	[tilespmem:$0x2DD8] =	vst v0  }
0x285: {  	[tilespmem:$0x2DC8] =	vst v0  }
0x286: {  	[tilespmem:$0x2DB8] =	vst v0  }
0x287: {  	[tilespmem:$0x2DA8] =	vst v0  }
0x288: {  	[tilespmem:$0x2D98] =	vst v0  }
0x289: {  	[tilespmem:$0x2D88] =	vst v0  }
0x28a: {  	[tilespmem:$0x2D78] =	vst v0  }
0x28b: {  	[tilespmem:$0x2D68] =	vst v0  }
0x28c: {  	[tilespmem:$0x2D58] =	vst v0  }
0x28d: {  	[tilespmem:$0x2D48] =	vst v0  }
0x28e: {  	[tilespmem:$0x2D38] =	vst v0  }
0x28f: {  	[tilespmem:$0x2D28] =	vst v0  }
0x290: {  	[tilespmem:$0x2D18] =	vst v0  }
0x291: {  	[tilespmem:$0x2D08] =	vst v0  }
0x292: {  	[tilespmem:$0x2CF8] =	vst v0  }
0x293: {  	[tilespmem:$0x2CE8] =	vst v0  }
0x294: {  	[tilespmem:$0x2CD8] =	vst v0  }
0x295: {  	[tilespmem:$0x2CC8] =	vst v0  }
0x296: {  	[tilespmem:$0x2CB8] =	vst v0  }
0x297: {  	[tilespmem:$0x2CA8] =	vst v0  }
0x298: {  	[tilespmem:$0x2C98] =	vst v0  }
0x299: {  	[tilespmem:$0x2C88] =	vst v0  }
0x29a: {  	[tilespmem:$0x2C78] =	vst v0  }
0x29b: {  	[tilespmem:$0x2C68] =	vst v0  }
0x29c: {  	[tilespmem:$0x2C58] =	vst v0  }
0x29d: {  	[tilespmem:$0x2C48] =	vst v0  }
0x29e: {  	[tilespmem:$0x2C38] =	vst v0  }
0x29f: {  	[tilespmem:$0x2C28] =	vst v0  }
0x2a0: {  	[tilespmem:$0x2C18] =	vst v0  }
0x2a1: {  	[tilespmem:$0x2C08] =	vst v0  }
0x2a2: {  	[tilespmem:$0x2BF8] =	vst v0  }
0x2a3: {  	[tilespmem:$0x2BE8] =	vst v0  }
0x2a4: {  	[tilespmem:$0x2BD8] =	vst v0  }
0x2a5: {  	[tilespmem:$0x2BC8] =	vst v0  }
0x2a6: {  	[tilespmem:$0x2BB8] =	vst v0  }
0x2a7: {  	[tilespmem:$0x2BA8] =	vst v0  }
0x2a8: {  	[tilespmem:$0x2B98] =	vst v0  }
0x2a9: {  	[tilespmem:$0x2B88] =	vst v0  }
0x2aa: {  	[tilespmem:$0x2B78] =	vst v0  }
0x2ab: {  	[tilespmem:$0x2B68] =	vst v0  }
0x2ac: {  	[tilespmem:$0x2B58] =	vst v0  }
0x2ad: {  	[tilespmem:$0x2B48] =	vst v0  }
0x2ae: {  	[tilespmem:$0x2B38] =	vst v0  }
0x2af: {  	[tilespmem:$0x2B28] =	vst v0  }
0x2b0: {  	[tilespmem:$0x2B18] =	vst v0  }
0x2b1: {  	[tilespmem:$0x2B08] =	vst v0  }
0x2b2: {  	[tilespmem:$0x2AF8] =	vst v0  }
0x2b3: {  	[tilespmem:$0x2AE8] =	vst v0  }
0x2b4: {  	[tilespmem:$0x2AD8] =	vst v0  }
0x2b5: {  	[tilespmem:$0x2AC8] =	vst v0  }
0x2b6: {  	[tilespmem:$0x2AB8] =	vst v0  }
0x2b7: {  	[tilespmem:$0x2AA8] =	vst v0  }
0x2b8: {  	[tilespmem:$0x2A98] =	vst v0  }
0x2b9: {  	[tilespmem:$0x2A88] =	vst v0  }
0x2ba: {  	[tilespmem:$0x2A78] =	vst v0  }
0x2bb: {  	[tilespmem:$0x2A68] =	vst v0  }
0x2bc: {  	[tilespmem:$0x2A58] =	vst v0  }
0x2bd: {  	[tilespmem:$0x2A48] =	vst v0  }
0x2be: {  	[tilespmem:$0x2A38] =	vst v0  }
0x2bf: {  	[tilespmem:$0x2A28] =	vst v0  }
0x2c0: {  	[tilespmem:$0x2A18] =	vst v0  }
0x2c1: {  	[tilespmem:$0x2A08] =	vst v0  }
0x2c2: {  	[tilespmem:$0x29F8] =	vst v0  }
0x2c3: {  	[tilespmem:$0x29E8] =	vst v0  }
0x2c4: {  	[tilespmem:$0x29D8] =	vst v0  }
0x2c5: {  	[tilespmem:$0x29C8] =	vst v0  }
0x2c6: {  	[tilespmem:$0x29B8] =	vst v0  }
0x2c7: {  	[tilespmem:$0x29A8] =	vst v0  }
0x2c8: {  	[tilespmem:$0x2998] =	vst v0  }
0x2c9: {  	[tilespmem:$0x2988] =	vst v0  }
0x2ca: {  	[tilespmem:$0x2978] =	vst v0  }
0x2cb: {  	[tilespmem:$0x2968] =	vst v0  }
0x2cc: {  	[tilespmem:$0x2958] =	vst v0  }
0x2cd: {  	[tilespmem:$0x2948] =	vst v0  }
0x2ce: {  	[tilespmem:$0x2938] =	vst v0  }
0x2cf: {  	[tilespmem:$0x2928] =	vst v0  }
0x2d0: {  	[tilespmem:$0x2918] =	vst v0  }
0x2d1: {  	[tilespmem:$0x2908] =	vst v0  }
0x2d2: {  	[tilespmem:$0x28F8] =	vst v0  }
0x2d3: {  	[tilespmem:$0x28E8] =	vst v0  }
0x2d4: {  	[tilespmem:$0x28D8] =	vst v0  }
0x2d5: {  	[tilespmem:$0x28C8] =	vst v0  }
0x2d6: {  	[tilespmem:$0x28B8] =	vst v0  }
0x2d7: {  	[tilespmem:$0x28A8] =	vst v0  }
0x2d8: {  	[tilespmem:$0x2898] =	vst v0  }
0x2d9: {  	[tilespmem:$0x2888] =	vst v0  }
0x2da: {  	[tilespmem:$0x2878] =	vst v0  }
0x2db: {  	[tilespmem:$0x2868] =	vst v0  }
0x2dc: {  	[tilespmem:$0x2858] =	vst v0  }
0x2dd: {  	[tilespmem:$0x2848] =	vst v0  }
0x2de: {  	[tilespmem:$0x2838] =	vst v0  }
0x2df: {  	[tilespmem:$0x2828] =	vst v0  }
0x2e0: {  	[tilespmem:$0x2818] =	vst v0  }
0x2e1: {  	[tilespmem:$0x2808] =	vst v0  }
0x2e2: {  	[tilespmem:$0x27F8] =	vst v0  }
0x2e3: {  	[tilespmem:$0x27E8] =	vst v0  }
0x2e4: {  	[tilespmem:$0x27D8] =	vst v0  }
0x2e5: {  	[tilespmem:$0x27C8] =	vst v0  }
0x2e6: {  	[tilespmem:$0x27B8] =	vst v0  }
0x2e7: {  	[tilespmem:$0x27A8] =	vst v0  }
0x2e8: {  	[tilespmem:$0x2798] =	vst v0  }
0x2e9: {  	[tilespmem:$0x2788] =	vst v0  }
0x2ea: {  	[tilespmem:$0x2778] =	vst v0  }
0x2eb: {  	[tilespmem:$0x2768] =	vst v0  }
0x2ec: {  	[tilespmem:$0x2758] =	vst v0  }
0x2ed: {  	[tilespmem:$0x2748] =	vst v0  }
0x2ee: {  	[tilespmem:$0x2738] =	vst v0  }
0x2ef: {  	[tilespmem:$0x2728] =	vst v0  }
0x2f0: {  	[tilespmem:$0x2718] =	vst v0  }
0x2f1: {  	[tilespmem:$0x2708] =	vst v0  }
0x2f2: {  	[tilespmem:$0x26F8] =	vst v0  }
0x2f3: {  	[tilespmem:$0x26E8] =	vst v0  }
0x2f4: {  	[tilespmem:$0x26D8] =	vst v0  }
0x2f5: {  	[tilespmem:$0x26C8] =	vst v0  }
0x2f6: {  	[tilespmem:$0x26B8] =	vst v0  }
0x2f7: {  	[tilespmem:$0x26A8] =	vst v0  }
0x2f8: {  	[tilespmem:$0x2698] =	vst v0  }
0x2f9: {  	[tilespmem:$0x2688] =	vst v0  }
0x2fa: {  	[tilespmem:$0x2678] =	vst v0  }
0x2fb: {  	[tilespmem:$0x2668] =	vst v0  }
0x2fc: {  	[tilespmem:$0x2658] =	vst v0  }
0x2fd: {  	[tilespmem:$0x2648] =	vst v0  }
0x2fe: {  	[tilespmem:$0x2638] =	vst v0  }
0x2ff: {  	[tilespmem:$0x2628] =	vst v0  }
0x300: {  	[tilespmem:$0x2618] =	vst v0  }
0x301: {  	[tilespmem:$0x2608] =	vst v0  }
0x302: {  	[tilespmem:$0x25F8] =	vst v0  }
0x303: {  	[tilespmem:$0x25E8] =	vst v0  }
0x304: {  	[tilespmem:$0x25D8] =	vst v0  }
0x305: {  	[tilespmem:$0x25C8] =	vst v0  }
0x306: {  	[tilespmem:$0x25B8] =	vst v0  }
0x307: {  	[tilespmem:$0x25A8] =	vst v0  }
0x308: {  	[tilespmem:$0x2598] =	vst v0  }
0x309: {  	[tilespmem:$0x2588] =	vst v0  }
0x30a: {  	[tilespmem:$0x2578] =	vst v0  }
0x30b: {  	[tilespmem:$0x2568] =	vst v0  }
0x30c: {  	[tilespmem:$0x2558] =	vst v0  }
0x30d: {  	[tilespmem:$0x2548] =	vst v0  }
0x30e: {  	[tilespmem:$0x2538] =	vst v0  }
0x30f: {  	[tilespmem:$0x2528] =	vst v0  }
0x310: {  	[tilespmem:$0x2518] =	vst v0  }
0x311: {  	[tilespmem:$0x2508] =	vst v0  }
0x312: {  	[tilespmem:$0x24F8] =	vst v0  }
0x313: {  	[tilespmem:$0x24E8] =	vst v0  }
0x314: {  	[tilespmem:$0x24D8] =	vst v0  }
0x315: {  	[tilespmem:$0x24C8] =	vst v0  }
0x316: {  	[tilespmem:$0x24B8] =	vst v0  }
0x317: {  	[tilespmem:$0x24A8] =	vst v0  }
0x318: {  	[tilespmem:$0x2498] =	vst v0  }
0x319: {  	[tilespmem:$0x2488] =	vst v0  }
0x31a: {  	[tilespmem:$0x2478] =	vst v0  }
0x31b: {  	[tilespmem:$0x2468] =	vst v0  }
0x31c: {  	[tilespmem:$0x2458] =	vst v0  }
0x31d: {  	[tilespmem:$0x2448] =	vst v0  }
0x31e: {  	[tilespmem:$0x2438] =	vst v0  }
0x31f: {  	[tilespmem:$0x2428] =	vst v0  }
0x320: {  	[tilespmem:$0x2418] =	vst v0  }
0x321: {  	[tilespmem:$0x2408] =	vst v0  }
0x322: {  	s31 =	srdreg.scid;
	s4 =	stileid.u32;
	s6 =	simm.s32 $0x2;
	[tilespmem:$0x23F8] =	vst v0  }
0x323: {  	s9 =	simm.s32 $0x9;
	s14 =	simm.s32 $0x0;
	s3 =	sshll.u32 s31, $0x4;
	[tilespmem:$0x23E8] =	vst v0  }
.Ltmp0:
0x324: {  	s11 =	sshll.u32 s4, $0x6;
	s7 =	sand.u32 $0x10, s3;
	[tilespmem:$0x23D8] =	vst v0;
	(pc) =	sbr.rel .LBB2_1-.Ltmp0, $4  }
0x325: {  	[tilespmem:$0x23C8] =	vst v0;
	s3 =	sadd.s32 $0x4C00, s5;
	[dreg:$0x4] =	wrdreg s11;
	s8 =	sor.u32 s4, s7  }
0x326: {  	s11 =	simm.s32 $0xA;
	s13 =	simm.s32 $0x0;
	[tilespmem:$0x2378] =	vst v0;
	s8 =	smul.u32 $0xC350, s8  }
0x327: {  	[tilespmem:$0x2358] =	vst v0;
	[sflag:s6] =	ssyncpa.u1 $0x0;
	v0 =	vimm.s32 $0xFFFFFFFF;
	s7 =	sadd.s32 $0x12BA00, s5;
	s5 =	sadd.s32 $0x32F3E00, s5  }
0x328: {  	[tilespmem:$0x6488] =	vst v0;
	[sflag:s9] =	ssyncpa.u1 $0x0;
	v0 =	vlaneseq.u32;
	s10 =	sadd.s32 $0xC350, s8;
	s12 =	smov.u32 s8  }
.LBB2_12:
0x329: {  	_ =	swait.ge [sflag:s6], $0x0  }
0x32a: {  	s15 =	simm.s32 $0x0;
	[sflag:s6] =	ssyncset.done $0x0  }
.LBB2_13:
0x32b: {  	_ =	swait.ge [sflag:s11], s15  }
0x32c: {  	s31 =	ssub.s32 $0x0, s15;
	v1 =	vmov s16;
	vm0 =	veq.s32 v0, $0x0;
	[sflag:s11] =	ssyncset.done $0x0  }
0x32d: {  	vm15 =	veq.s32 v0, $0x2;
	v1 =	vsel vm0, s21, v1;
	[sflag:s11] =	ssyncadd.s32 s31  }
0x32e: {  	v1 =	vsel vm15, s14, v1;
	[sflag:s11] =	ssyncpa.u1 $0x1  }
0x32f: {  	[tilespmem:$0x6488] =	vst v1  }
.LBB2_14:
0x330: {  	s14 =	sadd.s32 $0x190, s12  }
0x331: {  	s15 =	smov.u32 s8;
	s13 =	sadd.s32 $0x1, s13;
	p0 =	slt.s32 s14, s10  }
0x332: {  	s15 =	smov.u32 @p0 s14;
	p0 =	sne.s32 s13, $0x7E  }
.Ltmp1:
0x333: {  	_ = 	snop;
	(pc) =	sbr.rel @!p0 .LBB2_15-.Ltmp1, $2  }
0x334: {  	_ =	sdelay $0x2  }
0x335: {  	s14 =	smov.u32 s12;
	s12 =	smov.u32 s15  }
.LBB2_1:
0x336: {  	p0 =	seq.s32 s13, $0x7D  }
0x337: {  	p1 =	sgt.s32 @!p0 s12, $0x186870  }
0x338: {  	s15 =	smov.u32 s12;
	s16 =	sshra.s32 @!p0 s12, $0x1F;
	p1 =	por !p1, p0  }
0x339: {  	s16 =	sand.u32 @!p0 s16, s12;
	s15 =	simm.s32 @p1 $0x186870  }
0x33a: {  	s15 =	ssub.s32 @!p0 s15, s16  }
0x33b: {  	s18 =	sand.u32 @!p0 $0x1, s13;
	s15 =	sadd.s32 @!p0 $0xFFE79790, s15  }
0x33c: {  	s16 =	sxor.u32 @!p0 $0x1, s18;
	s17 =	sshll.u32 @!p0 s15, $0x2  }
0x33d: {  	p1 =	sgt.s32 @!p0 s15, $0x18F;
	s15 =	ssub.s32 @!p0 $0x640, s17;
	s17 =	smul.u32 @!p0 $0x640, s16  }
0x33e: {  	s19 =	sshrl.u32 @!p0 s12, $0x3;
	s20 =	sand.u32 @!p0 $0x7, s12  }
0x33f: {  	p1 =	por !p1, p0;
	s15 =	sshrl.u32 @!p0 s15, $0x2;
	s17 =	sshrl.u32 @!p0 s17, $0x2  }
0x340: {  	s19 =	sadd.s32 @!p0 s7, s19;
	s15 =	simm.s32 @!p1 $0x0;
	s17 =	sadd.s32 @!p0 $0x68C8, s17  }
0x341: {  	[tilespmem:s17], [sflag:$0x9] =	stream.linear.gather @!p0 [hbm4b:s19+s20], s15, $0x38;
	[tilespmem:$0x1FBE8] =	vst v63  }
0x342: {  	s15 =	ssub.s32 @!p0 $0x186A00, s12  }
0x343: {  	p1 =	sgt.s32 @!p0 s15, $0x0  }
0x344: {  	p1 =	por !p1, p0  }
0x345: {  	s15 =	simm.s32 @p1 $0x0;
	p1 =	seq.s32 @!p0 s13, $0x0  }
0x346: {  	s16 =	smul.u32 @!p0 $0x32000, s16;
	p1 =	por p0, !p1  }
.Ltmp2:
0x347: {  	_ = 	snop;
	(pc) =	sbr.rel @!p1 .LBB2_14-.Ltmp2, $4  }
0x348: {  	_ = 	snop  }
0x349: {  	s16 =	sshrl.u32 @!p0 s16, $0x2;
	s17 =	sshll.u32 @!p0 s12, $0x4;
	s15 =	smin.u32 @!p0 s15, $0x190  }
0x34a: {  	s16 =	sadd.s32 @!p0 $0x6BE8, s16;
	s17 =	sadd.s32 @!p0 s5, s17;
	s15 =	sshll.u32 @!p0 s15, $0x7  }
0x34b: {  	[tilespmem:s16], [sflag:$0x9] =	stream.linear.gather @!p0 [hbm:s17], s15, $0x38;
	[tilespmem:$0x1FBE8] =	vst v63  }
0x34c: {  	p1 =	sgt.s32 s14, $0x186870  }
0x34d: {  	s15 =	smov.u32 s14;
	s16 =	sshra.s32 s14, $0x1F;
	s20 =	ssub.s32 $0x186A00, s14  }
0x34e: {  	s15 =	simm.s32 @!p1 $0x186870;
	s16 =	sand.u32 s16, s14;
	p1 =	sgt.s32 s20, $0x0  }
0x34f: {  	s15 =	ssub.s32 s15, s16;
	s20 =	simm.s32 @!p1 $0x0  }
0x350: {  	s15 =	sadd.s32 $0xFFE79790, s15;
	s30 =	smin.u32 s20, $0x190  }
0x351: {  	s17 =	sshll.u32 s15, $0x2;
	s16 =	sshll.u32 s30, $0x7  }
0x352: {  	p1 =	sgt.s32 s15, $0x18F;
	s31 =	ssub.s32 $0x640, s17;
	_ =	swait.ge [sflag:s9], s16  }
0x353: {  	s16 =	ssub.s32 $0x0, s16;
	[sflag:s9] =	ssyncset.done $0x0;
	s15 =	sshrl.u32 s31, $0x2  }
0x354: {  	[sflag:s9] =	ssyncadd.s32 s16;
	s15 =	simm.s32 @p1 $0x0  }
0x355: {  	_ =	swait.ge [sflag:s9], s15  }
0x356: {  	s15 =	ssub.s32 $0x0, s15;
	[sflag:s9] =	ssyncset.done $0x0  }
0x357: {  	[sflag:s9] =	ssyncadd.s32 s15  }
0x358: {  	v1 =	vld [tilespmem:$0x6488];
	_ =	sdelay $0x4  }
0x359: {  	(v2sf) =	vpush v1, $0x0  }
0x35a: {  	(v2sf) =	vpush v1, $0x1  }
0x35b: {  	(v2sf) =	vpush v1, $0x2;
	_ =	sdelay $0x3  }
0x35c: {  	s15 =	sadd.s32 $0x190, s14  }
0x35d: {  	p1 =	slt.s32 s10, s15  }
0x35e: {  	s15 =	smov.u32 @p1 s10  }
0x35f: {  	s19 =	ssub.s32 s15, s14  }
0x360: {  	s18 =	simm.s32 @p0 $0x1;
	p0 =	slt.s32 s20, s19  }
0x361: {  	s19 =	smov.u32 @p0 s20  }
0x362: {  	p0 =	slt.s32 s19, $0x1  }
.Ltmp3:
0x363: {  	_ = 	snop;
	(pc) =	sbr.rel @p0 .LBB2_6-.Ltmp3, $4  }
0x364: {  	_ = 	snop  }
0x365: {  	s16 =	smul.u32 $0x190, s18;
	s17 =	spop (v2sf)  }
0x366: {  	s20 =	spop (v2sf)  }
0x367: {  	s15 =	sadd.s32 $0x68C8, s16;
	s14 =	spop (v2sf)  }
0x368: {  	s21 =	smin.u32 s19, $0x10  }
0x369: {  	v1 =	vmov s21  }
0x36a: {  	p1 =	sgt.s32 s19, $0x10;
	vm1 =	vgt.u32 v1, v0  }
.Ltmp4:
0x36b: {  	_ = 	snop;
	(pc) =	sbr.rel @!p1 .LBB2_5-.Ltmp4, $2  }
0x36c: {  	_ =	sdelay $0x2  }
0x36d: {  	s22 =	simm.s32 $0x10;
	s23 =	sadd.s32 $0xFFFFFFF0, s19;
	s21 =	sadd.s32 $0x68C8, s16;
	vm0 =	vmmov vm1  }
.LBB2_4:
0x36e: {  	s24 =	smin.u32 s23, $0x10;
	s22 =	sadd.s32 $0x10, s22;
	v1 =	vld.msk [tilespmem:s21+$0x0 ss:$0x1], vm1  }
0x36f: {  	v2 =	vmov s24;
	p1 =	slt.s32 s22, s19  }
0x370: {  	vm1 =	vgt.u32 v2, v0  }
.Ltmp5:
0x371: {  	(pc) =	sbr.rel @p1 .LBB2_4-.Ltmp5, $3  }
0x372: {  	_ =	sdelay $0x1  }
0x373: {  	v1 =	vshll.u32 v1, $0x4  }
0x374: {  	s23 =	sadd.s32 $0xFFFFFFF0, s23;
	[tilespmem:s21+$0x0] =	vst.msk vm0, v1;
	s21 =	sadd.s32 $0x10, s21;
	vm0 =	vmmov vm1  }
.LBB2_5:
0x375: {  	_ =	sdelay $0x4  }
0x376: {  	v1 =	vld.msk [tilespmem:s21+$0x0 ss:$0x1], vm1;
	_ =	sdelay $0x4  }
0x377: {  	v1 =	vshll.u32 v1, $0x4  }
0x378: {  	[tilespmem:s21+$0x0] =	vst.msk vm0, v1  }
.LBB2_6:
0x379: {  	p1 =	sne.s32 s20, $0xFFFFFFFF  }
0x37a: {  	v1 =	vld.msk @!p1 [tilespmem:s16+$0x68C8], $0x1;
	_ =	sdelay $0x4  }
0x37b: {  	(v2sf) =	vpush @!p1 v1, $0x0;
	_ =	sdelay $0xc  }
.Ltmp6:
0x37c: {  	_ = 	snop;
	(pc) =	sbr.rel @p0 .LBB2_12-.Ltmp6, $4  }
0x37d: {  	_ = 	snop  }
0x37e: {  	s21 =	spop @!p1 (v2sf)  }
0x37f: {  	s14 =	simm.s32 @!p1 $0x0;
	s16 =	smov.u32 s21  }
0x380: {  	[sflag:s11] =	ssyncpa.u1 $0x0;
	s21 =	smov.u32 @p1 s17;
	s16 =	smov.u32 @p1 s20  }
0x381: {  	v1 =	vld.msk [tilespmem:s15+$0x0], $0x1;
	_ =	sdelay $0x4  }
0x382: {  	(v2sf) =	vpush v1, $0x0;
	_ =	sdelay $0xe  }
0x383: {  	s23 =	spop (v2sf)  }
0x384: {  	p0 =	seq.s32 s21, s23  }
0x385: {  	p1 =	sgt.s32 @!p0 s21, $0x0  }
0x386: {  	s22 =	smov.u32 s21;
	s20 =	sadd.s32 $0xFFFFFFFF, s19;
	p1 =	por !p1, p0  }
0x387: {  	s22 =	simm.s32 @p1 $0x0;
	p1 =	sne.s32 s20, $0x0  }
.Ltmp7:
0x388: {  	_ = 	snop;
	(pc) =	sbr.rel @!p1 .LBB2_9-.Ltmp7, $4  }
0x389: {  	_ = 	snop  }
0x38a: {  	s17 =	simm.s32 $0x0;
	s24 =	simm.s32 @!p0 $0x1;
	s22 =	smin.u32 @!p0 s22, $0xC34FC  }
0x38b: {  	s25 =	simm.s32 @!p0 $0x3268;
	s24 =	smov.u32 @p0 s17;
	s28 =	sand.u32 @!p0 $0xFFFF8, s22  }
0x38c: {  	s26 =	sand.u32 @!p0 $0x7, s22;
	s22 =	sadd.s32 $0x1, s15;
	s28 =	sadd.s32 @!p0 s3, s28  }
.LBB2_8:
0x38d: {  	s29 =	smov.u32 s24  }
0x38e: {  	[tilespmem:s25], [sflag:$0x2] =	stream.linear.gather @!p0 [hbm4b:s28+s26], $0x19, $0x38;
	[tilespmem:$0x1FBE8] =	vst v63  }
0x38f: {  	s20 =	sadd.s32 $0xFFFFFFFF, s20;
	s26 =	smov.u32 s23;
	v1 =	vld.msk [tilespmem:s22+$0x0], $0x1  }
0x390: {  	p1 =	sne.s32 s20, $0x0;
	_ =	sdelay $0x3  }
0x391: {  	(v2sf) =	vpush v1, $0x0;
	_ =	sdelay $0xe  }
0x392: {  	s23 =	spop (v2sf)  }
0x393: {  	p0 =	seq.s32 s26, s23  }
0x394: {  	p2 =	sgt.s32 @!p0 s26, $0x0;
	s25 =	sshll.u32 @!p0 s24, $0x7;
	s24 =	sadd.s32 @!p0 $0x1, s24  }
.Ltmp8:
0x395: {  	p2 =	por !p2, p0;
	s25 =	sshra.s32 @!p0 s25, $0x2;
	(pc) =	sbr.rel @p1 .LBB2_8-.Ltmp8, $4  }
0x396: {  	s24 =	smov.u32 @p0 s29;
	s26 =	simm.s32 @p2 $0x0;
	s25 =	sadd.s32 @!p0 $0x3268, s25  }
0x397: {  	s26 =	smin.u32 @!p0 s26, $0xC34FC  }
0x398: {  	s28 =	sand.u32 @!p0 $0xFFFF8, s26;
	s26 =	sand.u32 @!p0 $0x7, s26  }
0x399: {  	s22 =	sadd.s32 $0x1, s22;
	s28 =	sadd.s32 @!p0 s3, s28  }
.LBB2_9:
0x39a: {  	s20 =	smul.u32 $0x64, s24  }
0x39b: {  	[tilespmem:s25], [sflag:$0x2] =	stream.linear.gather @!p0 [hbm4b:s28+s26], $0x19, $0x38;
	[tilespmem:$0x1FBE8] =	vst v63  }
0x39c: {  	s20 =	sshrl.u32 s20, $0x2  }
0x39d: {  	_ =	swait.ge [sflag:s6], s20  }
0x39e: {  	s20 =	ssub.s32 $0x0, s20;
	[sflag:s6] =	ssyncset.done $0x0  }
0x39f: {  	[sflag:s6] =	ssyncadd.s32 s20  }
0x3a0: {  	v1 =	vld.msk [tilespmem:s15+$0x0], $0x1;
	_ =	sdelay $0x4  }
0x3a1: {  	(v2sf) =	vpush v1, $0x0;
	_ =	sdelay $0xe  }
0x3a2: {  	s20 =	spop (v2sf)  }
0x3a3: {  	p0 =	sne.s32 s21, s20  }
0x3a4: {  	p2 =	sne.s32 @p0 s21, s16  }
0x3a5: {  	p1 =	por !p2, !p0  }
0x3a6: {  	s22 =	simm.s32 @!p1 $0x0  }
0x3a7: {  	v1 =	vld @!p1 [tilespmem:s22+$0x3268];
	_ =	sdelay $0x2  }
0x3a8: {  	s23 =	sshll.u32 @!p1 s14, $0x7  }
0x3a9: {  	s23 =	sshra.s32 @!p1 s23, $0x2  }
0x3aa: {  	[tilespmem:s23+$0x48] =	vst.add.f32.msk @!p1 $0xffff, v1  }
0x3ab: {  	v1 =	vld.msk @!p1 [tilespmem:s22+$0x3278], $0x1ff  }
0x3ac: {  	p3 =	sgt.u32 @!p1 s21, $0xC34FC  }
0x3ad: {  	p4 =	por @p0 p3, !p2  }
0x3ae: {  	s18 =	smul.u32 $0x32000, s18;
	p5 =	por p4, !p0;
	p4 =	por p2, !p0  }
0x3af: {  	s25 =	sand.u32 @!p5 $0xFFFF8, s21;
	s26 =	sshll.u32 @!p4 s14, $0x7;
	s21 =	sand.u32 @!p5 $0x7, s21  }
0x3b0: {  	s22 =	sadd.s32 @!p1 $0x48, s23;
	[tilespmem:s23+$0x58] =	vst.add.f32.msk @!p1 $0x1ff, v1;
	s23 =	sadd.s32 @!p5 s3, s25;
	s25 =	sshra.s32 @!p4 s26, $0x2  }
0x3b1: {  	[hbm4b:s23+s21] =	stream.linear.scatter @!p5 [tilespmem:s22], [sflag:$0xA], $0x19, $0x38;
	[tilespmem:$0x1FBE8] =	vst v63  }
0x3b2: {  	s24 =	rddreg [dreg:$0x4];
	s21 =	sadd.s32 @!p4 $0x48, s25;
	s22 =	simm.s32 @!p4 $0x1  }
0x3b3: {  	[spmem:s24] =	stream.linear.scatter @!p4 [tilespmem:s21], [sflag:$0x1], $0x19, $0x38;
	[tilespmem:$0x1FBE8] =	vst v63  }
0x3b4: {  	s21 =	sadd.s32 @p0 $0x1, s14;
	_ =	swait.ge @!p4 [sflag:s22], $0x19  }
0x3b5: {  	s18 =	sshrl.u32 s18, $0x2;
	s23 =	smulhi.u32 @p0 $0x51EB851F, s21;
	[sflag:s22] =	ssyncset.done @!p4 $0x0  }
0x3b6: {  	s18 =	sadd.s32 $0x6BF8, s18;
	[sflag:s22] =	ssyncadd.s32 @!p4 $0xFFFFFFE7  }
0x3b7: {  	s22 =	sshrl.u32 @p0 s23, $0x7;
	v1 =	vld @p0 [tilespmem:s18+$0xFFFFFFF0]  }
0x3b8: {  	s22 =	smul.u32 @p0 $0x190, s22;
	_ =	sdelay $0x1  }
0x3b9: {  	s23 =	ssub.s32 @p0 s21, s22  }
0x3ba: {  	s21 =	sshll.u32 @p0 s23, $0x5  }
0x3bb: {  	[tilespmem:s21+$0x48] =	vst @p0 v1  }
0x3bc: {  	v1 =	vld.msk @p0 [tilespmem:s18+$0x0], $0x1ff;
	_ =	sdelay $0x4  }
0x3bd: {  	p2 =	por @p0 !p3, !p2;
	[tilespmem:s21+$0x58] =	vst.msk @p0 $0x1ff, v1  }
0x3be: {  	s19 =	sadd.s32 $0xFFFFFFFF, s19;
	p2 =	por !p2, !p0;
	s22 =	simm.s32 @!p1 $0x0;
	v1 =	vld @!p0 [tilespmem:s18+$0xFFFFFFF0]  }
0x3bf: {  	s22 =	simm.s32 @!p2 $0x64;
	p2 =	sne.s32 s19, $0x0  }
.Ltmp9:
0x3c0: {  	_ = 	snop;
	(pc) =	sbr.rel @!p2 .LBB2_11-.Ltmp9, $4  }
0x3c1: {  	s24 =	sshll.u32 @!p0 s14, $0x7  }
0x3c2: {  	s26 =	sadd.s32 @!p1 $0x0, s22;
	s22 =	sshra.s32 @!p0 s24, $0x2  }
0x3c3: {  	s25 =	simm.s32 @p0 $0x1;
	s26 =	smov.u32 @p1 s17;
	s21 =	simm.s32 $0x0;
	[tilespmem:s22+$0x48] =	vst.add.f32.msk @!p0 $0xffff, v1  }
0x3c4: {  	s14 =	smov.u32 @p0 s23;
	s17 =	smov.u32 @p0 s26;
	s21 =	smov.u32 @p0 s25;
	v1 =	vld.msk @!p0 [tilespmem:s18+$0x0], $0x1ff  }
.LBB2_10:
0x3c5: {  	_ =	sdelay $0x3  }
0x3c6: {  	s15 =	sadd.s32 $0x1, s15;
	[tilespmem:s22+$0x58] =	vst.add.f32.msk @!p0 $0x1ff, v1  }
0x3c7: {  	v1 =	vld.msk [tilespmem:s15+$0x0], $0x1;
	_ =	sdelay $0x4  }
0x3c8: {  	(v2sf) =	vpush v1, $0x0;
	_ =	sdelay $0xe  }
0x3c9: {  	s23 =	smov.u32 s20;
	s20 =	spop (v2sf)  }
0x3ca: {  	p0 =	sne.s32 s23, s20  }
0x3cb: {  	p3 =	sne.s32 @p0 s23, s16  }
0x3cc: {  	p2 =	por !p3, !p0  }
0x3cd: {  	s25 =	sadd.s32 @p0 $0x1, s14;
	s28 =	sadd.s32 @p0 $0x1, s21;
	s29 =	sshll.u32 @!p2 s21, $0x7  }
0x3ce: {  	s26 =	smulhi.u32 @p0 $0x51EB851F, s25;
	s21 =	smov.u32 @p0 s28;
	s28 =	sshra.s32 @!p2 s29, $0x2  }
0x3cf: {  	v1 =	vld @!p2 [tilespmem:s28+$0x3268]  }
0x3d0: {  	s26 =	sshrl.u32 @p0 s26, $0x7  }
0x3d1: {  	s26 =	smul.u32 @p0 $0x190, s26  }
0x3d2: {  	s30 =	sshll.u32 @!p2 s14, $0x7  }
0x3d3: {  	p5 =	sgt.u32 @!p2 s23, $0xC34FC;
	s25 =	ssub.s32 @p0 s25, s26;
	s26 =	sshra.s32 @!p2 s30, $0x2  }
0x3d4: {  	p4 =	por @p0 p5, !p3;
	p5 =	por @p0 !p5, !p3;
	[tilespmem:s26+$0x48] =	vst.add.f32.msk @!p2 $0xffff, v1  }
0x3d5: {  	s29 =	simm.s32 @!p2 $0x0;
	p5 =	por !p5, !p0;
	v1 =	vld.msk @!p2 [tilespmem:s28+$0x3278], $0x1ff  }
0x3d6: {  	s29 =	simm.s32 @!p5 $0x64  }
0x3d7: {  	s24 =	smov.u32 s14;
	p3 =	por p3, !p0;
	s29 =	sadd.s32 @!p2 s29, s17  }
0x3d8: {  	p4 =	por p4, !p0;
	s24 =	sshll.u32 @!p3 s24, $0x7;
	s29 =	smov.u32 @p2 s17  }
0x3d9: {  	s24 =	sshra.s32 @!p3 s24, $0x2;
	s17 =	smov.u32 @p0 s29;
	s29 =	sand.u32 @!p4 $0xFFFF8, s23  }
0x3da: {  	s30 =	sadd.s32 @!p2 $0x48, s26;
	s23 =	sand.u32 @!p4 $0x7, s23;
	[tilespmem:s26+$0x58] =	vst.add.f32.msk @!p2 $0x1ff, v1;
	s26 =	sadd.s32 @!p4 s3, s29  }
0x3db: {  	[hbm4b:s26+s23] =	stream.linear.scatter @!p4 [tilespmem:s30], [sflag:$0xA], $0x19, $0x38;
	[tilespmem:$0x1FBE8] =	vst v63  }
0x3dc: {  	s28 =	rddreg [dreg:$0x4];
	s23 =	sadd.s32 @!p3 $0x48, s24;
	s24 =	simm.s32 @!p3 $0x1  }
0x3dd: {  	[spmem:s28] =	stream.linear.scatter @!p3 [tilespmem:s23], [sflag:$0x1], $0x19, $0x38;
	[tilespmem:$0x1FBE8] =	vst v63  }
0x3de: {  	_ =	swait.ge @!p3 [sflag:s24], $0x19  }
0x3df: {  	[sflag:s24] =	ssyncset.done @!p3 $0x0  }
0x3e0: {  	s18 =	sadd.s32 $0x80, s18;
	[sflag:s24] =	ssyncadd.s32 @!p3 $0xFFFFFFE7  }
0x3e1: {  	v1 =	vld @p0 [tilespmem:s18+$0xFFFFFFF0];
	_ =	sdelay $0x3  }
0x3e2: {  	s23 =	sshll.u32 @p0 s25, $0x5  }
0x3e3: {  	[tilespmem:s23+$0x48] =	vst @p0 v1  }
0x3e4: {  	v1 =	vld.msk @p0 [tilespmem:s18+$0x0], $0x1ff;
	_ =	sdelay $0x4  }
0x3e5: {  	[tilespmem:s23+$0x58] =	vst.msk @p0 $0x1ff, v1  }
0x3e6: {  	s19 =	sadd.s32 $0xFFFFFFFF, s19;
	v1 =	vld @!p0 [tilespmem:s18+$0xFFFFFFF0]  }
0x3e7: {  	p1 =	sne.s32 s19, $0x0  }
.Ltmp10:
0x3e8: {  	_ = 	snop;
	(pc) =	sbr.rel @p1 .LBB2_10-.Ltmp10, $4  }
0x3e9: {  	s22 =	sshll.u32 @!p0 s14, $0x7  }
0x3ea: {  	s22 =	sshra.s32 @!p0 s22, $0x2  }
0x3eb: {  	[tilespmem:s22+$0x48] =	vst.add.f32.msk @!p0 $0xffff, v1  }
0x3ec: {  	s14 =	smov.u32 @p0 s25;
	v1 =	vld.msk @!p0 [tilespmem:s18+$0x0], $0x1ff  }
.LBB2_11:
.Ltmp11:
0x3ed: {  	_ = 	snop;
	(pc) =	sbr.rel .LBB2_13-.Ltmp11, $2  }
0x3ee: {  	_ =	sdelay $0x2  }
0x3ef: {  	s15 =	sshrl.u32 s17, $0x2;
	s21 =	smov.u32 s20;
	[tilespmem:s22+$0x58] =	vst.add.f32.msk @!p0 $0x1ff, v1  }
.LBB2_15:
0x3f0: {  	_ =	sfence.sel $0x180000  }
0x3f1: {  	s5 =	simm.s32 $0x9;
	[bflag:$0x0] =	sbarrier.arrive $0xFFFF  }
0x3f2: {  	s26 =	simm.s32 $0x2;
	[sflag:s5] =	ssyncpa.u1 $0x1  }
0x3f3: {  	[sflag:s26] =	ssyncpa.u1 $0x1  }
0x3f4: {  	v0 =	vld [tilespmem:$0x6488];
	_ =	sdelay $0x4  }
0x3f5: {  	(v2sf) =	vpush v0, $0x0  }
0x3f6: {  	(v2sf) =	vpush v0, $0x1;
	_ =	sdelay $0x1  }
0x3f7: {  	(v2sf) =	vpush v0, $0x2;
	_ =	sdelay $0xb  }
0x3f8: {  	s5 =	spop (v2sf)  }
0x3f9: {  	s6 =	spop (v2sf)  }
0x3fa: {  	s7 =	smov.u32 s5;
	p0 =	sne.s32 s5, s6  }
0x3fb: {  	s8 =	spop (v2sf);
	s7 =	simm.s32 @!p0 $0xFFFFFFFF  }
0x3fc: {  	v2 =	vimm.s32 $0x1;
	v3 =	vlaneseq.u32;
	p0 =	seq.s32 s8, $0xFFFFFFFF;
	v1 =	vmov s7  }
0x3fd: {  	v0 =	vperm.xlane v0, v2;
	p1 =	sne.s32 @!p0 s5, s6;
	v1 =	vperm.xlane v1, v3  }
0x3fe: {  	vm0 =	vcmask $0x3F04;
	s10 =	simm.s32 $0x6488;
	s5 =	simm.s32 @!p0 $0x1;
	p1 =	por !p1, p0  }
0x3ff: {  	s7 =	sshll.u32 s4, $0x1;
	s6 =	sshll.u32 @!p0 s8, $0x7;
	s5 =	simm.s32 @p1 $0x0;
	v0 =	vsel vm0, v1, v0  }
0x400: {  	s9 =	sor.u32 $0x400, s7;
	s6 =	sshra.s32 @!p0 s6, $0x2;
	s5 =	sor.u32 @!p0 s5, s7;
	[tilespmem:$0x6488] =	vst v0  }
0x401: {  	[spmem:s9] =	stream.linear.scatter [tilespmem:s10], [sflag:$0x1], $0x2, $0x38;
	[tilespmem:$0x1FBE8] =	vst v63  }
0x402: {  	s6 =	sadd.s32 @!p0 $0x48, s6;
	s5 =	sshll.u32 @!p0 s5, $0x5  }
0x403: {  	[spmem:s5] =	stream.linear.scatter @!p0 [tilespmem:s6], [sflag:$0x1], $0x20, $0x38;
	[tilespmem:$0x1FBE8] =	vst v63  }
0x404: {  	s5 =	simm.s32 @!p0 $0x22  }
0x405: {  	s28 =	simm.s32 $0x1;
	s5 =	simm.s32 @p0 $0x2  }
0x406: {  	_ =	swait.ge [sflag:s28], s5  }
0x407: {  	s5 =	ssub.s32 $0x0, s5;
	[sflag:s28] =	ssyncset.done $0x0  }
0x408: {  	p0 =	sne.s32 s4, $0x0;
	[sflag:s28] =	ssyncadd.s32 s5  }
.Ltmp12:
0x409: {  	_ =	sfence.stream.spmem;
	(pc) =	sbr.rel @p0 .LBB2_32-.Ltmp12, $4  }
0x40a: {  	s29 =	simm.s32 $0x3;
	[bflag:$0x0] =	sbarrier.arrive $0xFFFF  }
0x40b: {  	s30 =	simm.s32 $0x4;
	[sflag:s29] =	ssyncpa.u1 $0x1  }
0x40c: {  	s31 =	simm.s32 $0x3C;
	[sflag:s30] =	ssyncpa.u1 $0x1  }
0x40d: {  	s5 =	sand.u32 $0x1, s2;
	[sflag:s31] =	ssyncpa.u1 $0x1  }
0x40e: {  	_ =	sfence.stream.spmem;
	s6 =	simm.s32 $0x5  }
0x40f: {  	s7 =	simm.s32 $0x400;
	s8 =	simm.s32 $0x6498;
	[sflag:s6] =	ssyncpa.u1 $0x0  }
0x410: {  	[tilespmem:s8], [sflag:$0x5] =	stream.linear.gather [spmem:s7], $0x20, $0x38;
	[tilespmem:$0x1FBE8] =	vst v63  }
0x411: {  	s26 =	simm.s32 $0x0;
	s28 =	simm.s32 $0x64B8  }
0x412: {  	[tilespmem:s28], [sflag:$0x5] =	stream.linear.gather [spmem:s26], $0x400, $0x38;
	[tilespmem:$0x1FBE8] =	vst v63  }
0x413: {  	_ =	swait.ge [sflag:s6], $0x420  }
0x414: {  	[sflag:s6] =	ssyncset.done $0x0  }
0x415: {  	s29 =	simm.s32 $0x0;
	[sflag:s6] =	ssyncadd.s32 $0xFFFFFBE0  }
0x416: {  	v0 =	vld.msk [tilespmem:s29+$0x6498], $0x1;
	_ =	sdelay $0x1  }
0x417: {  	s30 =	simm.s32 $0x1  }
0x418: {  	v1 =	vld.msk [tilespmem:s30+$0x6498], $0x1;
	_ =	sdelay $0x1  }
0x419: {  	(v2sf) =	vpush v0, $0x0;
	_ =	sdelay $0x2  }
0x41a: {  	(v2sf) =	vpush v1, $0x0;
	_ =	sdelay $0x2  }
0x41b: {  	s31 =	simm.s32 $0x2  }
0x41c: {  	v0 =	vld.msk [tilespmem:s31+$0x6498], $0x1;
	_ =	sdelay $0x2  }
0x41d: {  	s7 =	simm.s32 $0xFFFFFFFF;
	s8 =	simm.s32 $0xFFFFFFFF;
	s6 =	simm.s32 $0xC  }
.LBB2_17:
0x41e: {  	s9 =	smov.u32 s8;
	s10 =	smov.u32 s7  }
0x41f: {  	s7 =	sshra.s32 s6, $0x2;
	p1 =	sne.s32 s6, $0x7C;
	s6 =	sadd.s32 $0x4, s6;
	(v2sf) =	vpush v0, $0x0  }
0x420: {  	v0 =	vld.msk [tilespmem:s7+$0x6498], $0x1  }
.Ltmp13:
0x421: {  	(pc) =	sbr.rel @p1 .LBB2_17-.Ltmp13, $4  }
0x422: {  	s8 =	spop (v2sf)  }
0x423: {  	p2 =	sne.s32 s10, $0xFFFFFFFF;
	s7 =	smov.u32 s8  }
0x424: {  	p3 =	seq.s32 s8, $0xFFFFFFFF;
	s7 =	smov.u32 @p2 s10  }
0x425: {  	s8 =	smov.u32 @p3 s9;
	s7 =	smov.u32 @p3 s10  }
0x426: {  	(v2sf) =	vpush v0, $0x0;
	_ =	sdelay $0x7  }
0x427: {  	s6 =	spop (v2sf)  }
0x428: {  	p1 =	sne.s32 s7, $0xFFFFFFFF;
	s9 =	smov.u32 s6  }
0x429: {  	p2 =	seq.s32 s6, $0xFFFFFFFF;
	s9 =	smov.u32 @p1 s7  }
0x42a: {  	s9 =	smov.u32 @p2 s7;
	s10 =	spop (v2sf)  }
0x42b: {  	p1 =	sne.s32 s9, $0xFFFFFFFF;
	s11 =	smov.u32 s10  }
0x42c: {  	s6 =	smov.u32 @p2 s8;
	p2 =	seq.s32 s10, $0xFFFFFFFF;
	s11 =	smov.u32 @p1 s9  }
.Ltmp14:
0x42d: {  	s10 =	smov.u32 @p2 s6;
	s6 =	simm.s32 $0x0;
	(pc) =	sbr.rel .LBB2_19-.Ltmp14, $4  }
0x42e: {  	s11 =	smov.u32 @p2 s9;
	s9 =	simm.s32 $0x6;
	s7 =	spop (v2sf)  }
0x42f: {  	p1 =	sne.s32 s11, $0xFFFFFFFF;
	s8 =	smov.u32 s7;
	p2 =	seq.s32 s7, $0xFFFFFFFF  }
0x430: {  	[sflag:s9] =	ssyncpa.u1 $0x0;
	s8 =	smov.u32 @p1 s11;
	s7 =	smov.u32 @p2 s10  }
0x431: {  	s10 =	simm.s32 $0x6468;
	s8 =	smov.u32 @p2 s11;
	s11 =	simm.s32 $0x0  }
.LBB2_25:
0x432: {  	p1 =	sgt.u32 s12, $0xC34FC  }
0x433: {  	p2 =	seq.s32 @!p1 s12, s8  }
0x434: {  	p1 =	por p1, p2  }
0x435: {  	p2 =	sne.s32 @!p1 s12, s7  }
0x436: {  	p1 =	por p1, !p2  }
0x437: {  	s12 =	sshll.u32 @p1 s11, $0x7  }
0x438: {  	s13 =	sand.u32 @!p1 $0xFFFF8, s12  }
0x439: {  	s12 =	sand.u32 @!p1 $0x7, s12;
	s13 =	sadd.s32 @!p1 s3, s13  }
0x43a: {  	[tilespmem:s10], [sflag:$0x6] =	stream.linear.gather @!p1 [hbm4b:s13+s12], $0x19, $0x38;
	[tilespmem:$0x1FBE8] =	vst v63  }
0x43b: {  	_ =	swait.ge @!p1 [sflag:s9], $0x19  }
0x43c: {  	[sflag:s9] =	ssyncset.done @!p1 $0x0  }
0x43d: {  	[sflag:s9] =	ssyncadd.s32 @!p1 $0xFFFFFFE7  }
0x43e: {  	v1 =	vld @!p1 [tilespmem:$0x6468];
	_ =	sdelay $0x2  }
0x43f: {  	s12 =	sshll.u32 @!p1 s11, $0x7  }
0x440: {  	s13 =	sshrl.u32 @!p1 s12, $0x2  }
0x441: {  	[tilespmem:s13+$0x64B8] =	vst.add.f32.msk @!p1 $0xffff, v1  }
0x442: {  	v1 =	vld @!p1 [tilespmem:$0x6478];
	_ =	sdelay $0x4  }
0x443: {  	[tilespmem:s13+$0x64C8] =	vst.add.f32.msk @!p1 $0xffff, v1  }
0x444: {  	s12 =	sshrl.u32 s12, $0x2;
	[tilespmem:s6+$0x6498] =	vst.msk $0x1, v0  }
0x445: {  	v0 =	vld [tilespmem:s12+$0x64B8];
	_ =	sdelay $0x2  }
0x446: {  	s31 =	sshll.u32 s6, $0x7  }
0x447: {  	s13 =	sshra.s32 s31, $0x2  }
0x448: {  	[tilespmem:s13+$0x64B8] =	vst v0  }
0x449: {  	v0 =	vld [tilespmem:s12+$0x64C8];
	_ =	sdelay $0x4  }
0x44a: {  	s6 =	sadd.s32 $0x1, s6;
	[tilespmem:s13+$0x64C8] =	vst v0  }
.LBB2_26:
0x44b: {  	s11 =	sadd.s32 $0x1, s11  }
0x44c: {  	p1 =	sne.s32 s11, $0x20  }
.Ltmp15:
0x44d: {  	_ = 	snop;
	(pc) =	sbr.rel @!p1 .LBB2_27-.Ltmp15, $1  }
0x44e: {  	_ =	sdelay $0x3  }
.LBB2_19:
0x44f: {  	v0 =	vld.msk [tilespmem:s11+$0x6498], $0x1;
	_ =	sdelay $0x4  }
0x450: {  	(v2sf) =	vpush v0, $0x0;
	_ =	sdelay $0xe  }
0x451: {  	s12 =	spop (v2sf)  }
0x452: {  	p1 =	seq.s32 s12, $0xFFFFFFFF  }
.Ltmp16:
0x453: {  	_ = 	snop;
	(pc) =	sbr.rel @p1 .LBB2_26-.Ltmp16, $1  }
0x454: {  	_ =	sdelay $0x3  }
0x455: {  	p1 =	slt.s32 s6, $0x1  }
.Ltmp17:
0x456: {  	_ = 	snop;
	(pc) =	sbr.rel @p1 .LBB2_25-.Ltmp17, $1  }
0x457: {  	_ =	sdelay $0x3  }
0x458: {  	s13 =	simm.s32 $0x6498;
	p1 =	por $0x0, $0x0  }
0x459: {  	v1 =	vld.msk @!p1 [tilespmem:s13+$0x0], $0x1;
	_ =	sdelay $0x4  }
0x45a: {  	(v2sf) =	vpush @!p1 v1, $0x0;
	_ =	sdelay $0xd  }
0x45b: {  	p3 =	sne.s32 s6, $0x1  }
.Ltmp18:
0x45c: {  	s14 =	spop @!p1 (v2sf);
	(pc) =	sbr.rel @!p3 .LBB2_23-.Ltmp18, $4  }
0x45d: {  	p2 =	seq.s32 @!p1 s12, s14  }
0x45e: {  	s14 =	simm.s32 $0x0;
	p2 =	por !p2, p1  }
0x45f: {  	s16 =	simm.s32 $0xFFFFFFFF;
	s14 =	simm.s32 @p2 $0xFFFFFFFF  }
0x460: {  	s15 =	simm.s32 $0x1;
	s14 =	smov.u32 @p1 s16  }
.LBB2_22:
0x461: {  	s16 =	smov.u32 s14;
	p1 =	sne.s32 s14, $0xFFFFFFFF  }
0x462: {  	s13 =	sadd.s32 $0x1, s13;
	s14 =	smov.u32 s15;
	s15 =	sadd.s32 $0x1, s15  }
0x463: {  	p2 =	sne.s32 s6, s15;
	v1 =	vld.msk @!p1 [tilespmem:s13+$0x0], $0x1;
	_ =	sdelay $0x4  }
0x464: {  	(v2sf) =	vpush @!p1 v1, $0x0;
	_ =	sdelay $0xe  }
.Ltmp19:
0x465: {  	s17 =	spop @!p1 (v2sf);
	(pc) =	sbr.rel @p2 .LBB2_22-.Ltmp19, $4  }
0x466: {  	p3 =	seq.s32 @!p1 s12, s17  }
0x467: {  	p3 =	por !p3, p1  }
0x468: {  	s14 =	simm.s32 @p3 $0xFFFFFFFF  }
0x469: {  	s14 =	smov.u32 @p1 s16  }
.LBB2_23:
0x46a: {  	p1 =	seq.s32 s14, $0xFFFFFFFF  }
.Ltmp20:
0x46b: {  	_ = 	snop;
	(pc) =	sbr.rel @p1 .LBB2_25-.Ltmp20, $1  }
0x46c: {  	_ =	sdelay $0x3  }
0x46d: {  	s12 =	sshll.u32 s11, $0x5  }
0x46e: {  	s12 =	sand.u32 $0x3FFFFFE0, s12  }
0x46f: {  	v0 =	vld [tilespmem:s12+$0x64B8];
	_ =	sdelay $0x2  }
0x470: {  	s13 =	sshll.u32 s14, $0x7  }
0x471: {  	s13 =	sshra.s32 s13, $0x2  }
0x472: {  	[tilespmem:s13+$0x64B8] =	vst.add.f32.msk $0xffff, v0  }
0x473: {  	v0 =	vld [tilespmem:s12+$0x64C8]  }
.Ltmp21:
0x474: {  	_ = 	snop;
	(pc) =	sbr.rel .LBB2_26-.Ltmp21, $2  }
0x475: {  	_ =	sdelay $0x2  }
0x476: {  	[tilespmem:s13+$0x64C8] =	vst.add.f32.msk $0xffff, v0  }
.LBB2_27:
0x477: {  	s9 =	simm.s32 $0x6;
	p1 =	seq.s32 s6, $0x0  }
0x478: {  	[sflag:s9] =	ssyncpa.u1 $0x1;
	v0 =	vimm.s32 @p1 $0xFFFFFFFF  }
0x479: {  	s9 =	sadd.s32 $0xFFFFFFFF, s6;
	[tilespmem:$0x68B8] =	vst @p1 v0  }
0x47a: {  	v0 =	vld.msk @!p1 [tilespmem:s9+$0x6498], $0x1;
	_ =	sdelay $0x1  }
0x47b: {  	v1 =	vld.msk @!p1 [tilespmem:$0x6498], $0x1;
	_ =	sdelay $0x2  }
0x47c: {  	p2 =	seq.s32 @!p1 s9, $0x0;
	v0 =	vbroadcast @!p1 v0, $0x0  }
0x47d: {  	vm0 =	vmmov @!p1 $0x1;
	p2 =	por !p2, p1  }
0x47e: {  	v1 =	vnsel @!p1 vm0, $0xFFFFFFFF, v1;
	vm0 =	vcmask @!p1 $0x308;
	v0 =	vpsel !p2, $0xFFFFFFFF, v0  }
0x47f: {  	p2 =	sne.s32 @!p1 s8, s7;
	v0 =	vsel @!p1 vm0, v1, v0  }
0x480: {  	s7 =	simm.s32 @!p1 $0x64B8;
	s8 =	simm.s32 @!p1 $0x0;
	p3 =	por !p2, p1;
	[tilespmem:$0x68B8] =	vst @!p1 v0  }
0x481: {  	[spmem:s8] =	stream.linear.scatter @!p1 [tilespmem:s7], [sflag:$0x1], $0x20, $0x38;
	[tilespmem:$0x1FBE8] =	vst v63  }
0x482: {  	s7 =	sshll.u32 @!p3 s9, $0x7  }
0x483: {  	s7 =	sshra.s32 @!p3 s7, $0x2  }
0x484: {  	s8 =	simm.s32 @!p3 $0x20;
	s7 =	sadd.s32 @!p3 $0x64B8, s7  }
0x485: {  	[spmem:s8] =	stream.linear.scatter @!p3 [tilespmem:s7], [sflag:$0x1], $0x20, $0x38;
	[tilespmem:$0x1FBE8] =	vst v63  }
0x486: {  	s7 =	simm.s32 @!p3 $0x1  }
0x487: {  	_ =	swait.ge @!p3 [sflag:s7], $0x40  }
0x488: {  	p1 =	por p2, p1;
	[sflag:s7] =	ssyncset.done @!p3 $0x0  }
0x489: {  	[sflag:s7] =	ssyncadd.s32 @!p3 $0xFFFFFFC0;
	s7 =	simm.s32 @!p1 $0x1  }
0x48a: {  	_ =	swait.ge @!p1 [sflag:s7], $0x20  }
0x48b: {  	s29 =	simm.s32 $0x68B8;
	[sflag:s7] =	ssyncset.done @!p1 $0x0  }
0x48c: {  	s30 =	simm.s32 $0x400;
	s31 =	simm.s32 $0x1;
	[sflag:s7] =	ssyncadd.s32 @!p1 $0xFFFFFFE0  }
0x48d: {  	[spmem:s30] =	stream.linear.scatter [tilespmem:s29], [sflag:$0x1], $0x10, $0x38;
	[tilespmem:$0x1FBE8] =	vst v63  }
0x48e: {  	p1 =	seq.s32 s5, $0x0;
	_ =	swait.ge [sflag:s31], $0x10  }
0x48f: {  	s8 =	sshll.u32 @p1 s2, $0xE;
	[sflag:s31] =	ssyncset.done $0x0  }
0x490: {  	s7 =	sadd.s32 @p1 $0x15C3C, s8;
	s8 =	sshll.u32 @p1 s1, $0x11;
	[sflag:s31] =	ssyncadd.s32 $0xFFFFFFF0  }
0x491: {  	s7 =	sor.u32 @p1 s8, s7;
	_ =	sfence.stream.spmem  }
0x492: {  	[sflag:s7] =	ssyncadd.remote.s32 @p1 $0x1;
	s7 =	simm.s32 @p1 $0x4  }
0x493: {  	s10 =	simm.s32 @!p1 $0x3C;
	s8 =	sand.u32 $0xFFFFFFFE, s2;
	_ =	swait.ge @p1 [sflag:s7], $0xA  }
0x494: {  	s11 =	simm.s32 @!p1 $0x0;
	s8 =	sadd.s32 @!p1 $0x4, s8;
	[sflag:s7] =	ssyncset.done @p1 $0x0  }
0x495: {  	s12 =	simm.s32 @!p1 $0x40;
	[sflag:s7] =	ssyncadd.s32 @p1 $0xFFFFFFF6;
	s7 =	sshll.u32 @!p1 s8, $0x1A  }
0x496: {  	s8 =	sshll.u32 @!p1 s8, $0xD;
	s7 =	sor.u32 @!p1 s7, s1;
	_ =	swait.eq @!p1 [sflag:s10], $0x1  }
0x497: {  	s8 =	sor.u32 @!p1 $0x1C04, s8;
	s10 =	simm.s32 @!p1 $0x1C03;
	s7 =	sor.u32 @!p1 $0x80004000, s7  }
0x498: {  	[spmem:s12], [sflag:s8] =	dma.general @!p1 [spmem:s11], [sflag:s10], length:$0x8, [dreg:$0x0], stride_count:$0x0, ici_dest:s7, dma_misc:DstOpCode:WRITE  }
0x499: {  	p2 =	slt.s32 s9, $0x2;
	s11 =	simm.s32 @!p1 $0x80;
	s12 =	simm.s32 @!p1 $0x82  }
0x49a: {  	[spmem:s12], [sflag:s8] =	dma.general @!p1 [spmem:s11], [sflag:s10], length:$0x2, [dreg:$0x0], stride_count:$0x0, ici_dest:s7, dma_misc:DstOpCode:WRITE  }
.Ltmp22:
0x49b: {  	s7 =	simm.s32 @!p1 $0x3;
	(pc) =	sbr.rel @p2 .LBB2_31-.Ltmp22, $4  }
0x49c: {  	s2 =	sshll.u32 @!p1 s2, $0xE;
	_ =	swait.ge @!p1 [sflag:s7], $0xA  }
0x49d: {  	s2 =	sadd.s32 @!p1 $0x11C3C, s2;
	s1 =	sshll.u32 @!p1 s1, $0x11;
	[sflag:s7] =	ssyncset.done @!p1 $0x0  }
0x49e: {  	s1 =	sor.u32 @!p1 s1, s2;
	[sflag:s7] =	ssyncadd.s32 @!p1 $0xFFFFFFF6  }
0x49f: {  	[sflag:s1] =	ssyncadd.remote.s32 @!p1 $0xFFFFFFFF;
	s1 =	simm.s32 $0x0  }
0x4a0: {  	s1 =	simm.s32 $0x6499  }
0x4a1: {  	v0 =	vld.msk [tilespmem:s1+$0x0], $0x1;
	_ =	sdelay $0x4  }
0x4a2: {  	(v2sf) =	vpush v0, $0x0;
	_ =	sdelay $0xc  }
0x4a3: {  	s2 =	sadd.s32 $0xFFFFFFFE, s6  }
0x4a4: {  	s2 =	sadd.s32 $0xFFFFFFFF, s2  }
0x4a5: {  	p2 =	sne.s32 s2, $0x0;
	s7 =	spop (v2sf)  }
.Ltmp23:
0x4a6: {  	p1 =	sgt.u32 s7, $0xC34FC;
	(pc) =	sbr.rel @!p2 .LBB2_30-.Ltmp23, $4  }
0x4a7: {  	s8 =	simm.s32 $0x0;
	s6 =	sand.u32 @!p1 $0xFFFF8, s7  }
0x4a8: {  	s1 =	simm.s32 $0x64D8;
	s7 =	sand.u32 @!p1 $0x7, s7;
	s6 =	sadd.s32 @!p1 s3, s6  }
0x4a9: {  	[hbm4b:s6+s7] =	stream.linear.scatter @!p1 [tilespmem:s1], [sflag:$0x5], $0x19, $0x38;
	[tilespmem:$0x1FBE8] =	vst v63  }
0x4aa: {  	s8 =	simm.s32 @!p1 $0x64;
	s6 =	simm.s32 $0x0;
	s7 =	simm.s32 $0x649A  }
.LBB2_29:
0x4ab: {  	v0 =	vld.msk [tilespmem:s7+$0x0], $0x1;
	s2 =	sadd.s32 $0xFFFFFFFF, s2;
	s6 =	sadd.s32 s6, s8  }
0x4ac: {  	p1 =	sne.s32 s2, $0x0;
	_ =	sdelay $0x3  }
0x4ad: {  	(v2sf) =	vpush v0, $0x0;
	_ =	sdelay $0xe  }
.Ltmp24:
0x4ae: {  	s9 =	spop (v2sf);
	(pc) =	sbr.rel @p1 .LBB2_29-.Ltmp24, $4  }
0x4af: {  	s8 =	simm.s32 $0x0;
	p2 =	sgt.u32 s9, $0xC34FC  }
0x4b0: {  	s1 =	sadd.s32 $0x20, s1;
	s8 =	simm.s32 @!p2 $0x64;
	s10 =	sand.u32 @!p2 $0xFFFF8, s9  }
0x4b1: {  	s7 =	sadd.s32 $0x1, s7;
	s9 =	sand.u32 @!p2 $0x7, s9;
	s10 =	sadd.s32 @!p2 s3, s10  }
0x4b2: {  	[hbm4b:s10+s9] =	stream.linear.scatter @!p2 [tilespmem:s1], [sflag:$0x5], $0x19, $0x38;
	[tilespmem:$0x1FBE8] =	vst v63  }
.LBB2_30:
0x4b3: {  	s1 =	sadd.s32 s6, s8  }
0x4b4: {  	s1 =	sshrl.u32 s1, $0x2  }
.LBB2_31:
0x4b5: {  	s2 =	simm.s32 $0x5  }
0x4b6: {  	_ =	swait.ge [sflag:s2], s1  }
0x4b7: {  	s31 =	ssub.s32 $0x0, s1;
	[sflag:s2] =	ssyncset.done $0x0  }
0x4b8: {  	[sflag:s2] =	ssyncadd.s32 s31  }
0x4b9: {  	[sflag:s2] =	ssyncpa.u1 $0x1  }
.LBB2_32:
0x4ba: {  	s1 =	sor.u32 s5, s4  }
0x4bb: {  	p1 =	sne.s32 s1, $0x0  }
.Ltmp25:
0x4bc: {  	_ = 	snop;
	(pc) =	sbr.rel @p1 .LBB2_47-.Ltmp25, $3  }
0x4bd: {  	_ =	sdelay $0x1  }
0x4be: {  	[bflag:$0x0] =	sbarrier.arrive $0xFFFF  }
0x4bf: {  	_ =	sfence  }
0x4c0: {  	s2 =	simm.s32 $0x7  }
0x4c1: {  	s1 =	simm.s32 $0x400;
	s4 =	simm.s32 $0x6498;
	[sflag:s2] =	ssyncpa.u1 $0x0  }
0x4c2: {  	[tilespmem:s4], [sflag:$0x7] =	stream.linear.gather [spmem:s1], $0x20, $0x38;
	[tilespmem:$0x1FBE8] =	vst v63  }
0x4c3: {  	s30 =	simm.s32 $0x64B8;
	s1 =	simm.s32 $0x0  }
0x4c4: {  	[tilespmem:s30], [sflag:$0x7] =	stream.linear.gather [spmem:s1], $0x400, $0x38;
	[tilespmem:$0x1FBE8] =	vst v63  }
.Ltmp26:
0x4c5: {  	_ = 	snop;
	(pc) =	sbr.rel .LBB2_34-.Ltmp26, $4  }
0x4c6: {  	_ =	swait.ge [sflag:s2], $0x420  }
0x4c7: {  	[sflag:s2] =	ssyncset.done $0x0  }
0x4c8: {  	s31 =	simm.s32 $0x8;
	[sflag:s2] =	ssyncadd.s32 $0xFFFFFBE0  }
0x4c9: {  	s2 =	simm.s32 $0x0;
	[sflag:s31] =	ssyncpa.u1 $0x0  }
.LBB2_40:
0x4ca: {  	p1 =	slt.u32 s4, $0xC34FD  }
0x4cb: {  	s5 =	sand.u32 @p1 $0xFFFF8, s4  }
0x4cc: {  	s4 =	sand.u32 @p1 $0x7, s4;
	s6 =	simm.s32 @p1 $0x6468;
	s5 =	sadd.s32 @p1 s3, s5  }
0x4cd: {  	[tilespmem:s6], [sflag:$0x8] =	stream.linear.gather @p1 [hbm4b:s5+s4], $0x19, $0x38;
	[tilespmem:$0x1FBE8] =	vst v63  }
0x4ce: {  	s4 =	simm.s32 @p1 $0x8  }
0x4cf: {  	_ =	swait.ge @p1 [sflag:s4], $0x19  }
0x4d0: {  	[sflag:s4] =	ssyncset.done @p1 $0x0  }
0x4d1: {  	[sflag:s4] =	ssyncadd.s32 @p1 $0xFFFFFFE7  }
0x4d2: {  	v1 =	vld @p1 [tilespmem:$0x6468];
	_ =	sdelay $0x2  }
0x4d3: {  	s4 =	sshll.u32 @p1 s2, $0x7  }
0x4d4: {  	s5 =	sshrl.u32 @p1 s4, $0x2  }
0x4d5: {  	[tilespmem:s5+$0x64B8] =	vst.add.f32.msk @p1 $0xffff, v1  }
0x4d6: {  	v1 =	vld @p1 [tilespmem:$0x6478];
	_ =	sdelay $0x3  }
0x4d7: {  	s6 =	sshll.u32 @!p1 s2, $0x7  }
0x4d8: {  	s6 =	smov.u32 @p1 s4;
	[tilespmem:s5+$0x64C8] =	vst.add.f32.msk @p1 $0xffff, v1  }
0x4d9: {  	s4 =	sshrl.u32 s6, $0x2;
	[tilespmem:s1+$0x6498] =	vst.msk $0x1, v0  }
0x4da: {  	v0 =	vld [tilespmem:s4+$0x64B8];
	_ =	sdelay $0x2  }
0x4db: {  	s31 =	sshll.u32 s1, $0x7  }
0x4dc: {  	s5 =	sshra.s32 s31, $0x2  }
0x4dd: {  	[tilespmem:s5+$0x64B8] =	vst v0  }
0x4de: {  	v0 =	vld [tilespmem:s4+$0x64C8];
	_ =	sdelay $0x4  }
0x4df: {  	s1 =	sadd.s32 $0x1, s1;
	[tilespmem:s5+$0x64C8] =	vst v0  }
.LBB2_41:
0x4e0: {  	s2 =	sadd.s32 $0x1, s2  }
0x4e1: {  	p1 =	sne.s32 s2, $0x20  }
.Ltmp27:
0x4e2: {  	_ = 	snop;
	(pc) =	sbr.rel @!p1 .LBB2_42-.Ltmp27, $1  }
0x4e3: {  	_ =	sdelay $0x3  }
.LBB2_34:
0x4e4: {  	v0 =	vld.msk [tilespmem:s2+$0x6498], $0x1;
	_ =	sdelay $0x4  }
0x4e5: {  	(v2sf) =	vpush v0, $0x0;
	_ =	sdelay $0xe  }
0x4e6: {  	s4 =	spop (v2sf)  }
0x4e7: {  	p1 =	seq.s32 s4, $0xFFFFFFFF  }
.Ltmp28:
0x4e8: {  	_ = 	snop;
	(pc) =	sbr.rel @p1 .LBB2_41-.Ltmp28, $1  }
0x4e9: {  	_ =	sdelay $0x3  }
0x4ea: {  	p1 =	slt.s32 s1, $0x1  }
.Ltmp29:
0x4eb: {  	_ = 	snop;
	(pc) =	sbr.rel @p1 .LBB2_40-.Ltmp29, $1  }
0x4ec: {  	_ =	sdelay $0x3  }
0x4ed: {  	s5 =	simm.s32 $0x6498;
	p1 =	por $0x0, $0x0  }
0x4ee: {  	v1 =	vld.msk @!p1 [tilespmem:s5+$0x0], $0x1;
	_ =	sdelay $0x4  }
0x4ef: {  	(v2sf) =	vpush @!p1 v1, $0x0;
	_ =	sdelay $0xd  }
0x4f0: {  	p3 =	sne.s32 s1, $0x1  }
.Ltmp30:
0x4f1: {  	s6 =	spop @!p1 (v2sf);
	(pc) =	sbr.rel @!p3 .LBB2_38-.Ltmp30, $4  }
0x4f2: {  	p2 =	seq.s32 @!p1 s4, s6  }
0x4f3: {  	s6 =	simm.s32 $0x0;
	p2 =	por !p2, p1  }
0x4f4: {  	s8 =	simm.s32 $0xFFFFFFFF;
	s6 =	simm.s32 @p2 $0xFFFFFFFF  }
0x4f5: {  	s7 =	simm.s32 $0x1;
	s6 =	smov.u32 @p1 s8  }
.LBB2_37:
0x4f6: {  	s8 =	smov.u32 s6;
	p1 =	sne.s32 s6, $0xFFFFFFFF  }
0x4f7: {  	s5 =	sadd.s32 $0x1, s5;
	s6 =	smov.u32 s7;
	s7 =	sadd.s32 $0x1, s7  }
0x4f8: {  	p2 =	sne.s32 s1, s7;
	v1 =	vld.msk @!p1 [tilespmem:s5+$0x0], $0x1;
	_ =	sdelay $0x4  }
0x4f9: {  	(v2sf) =	vpush @!p1 v1, $0x0;
	_ =	sdelay $0xe  }
.Ltmp31:
0x4fa: {  	s9 =	spop @!p1 (v2sf);
	(pc) =	sbr.rel @p2 .LBB2_37-.Ltmp31, $4  }
0x4fb: {  	p3 =	seq.s32 @!p1 s4, s9  }
0x4fc: {  	p3 =	por !p3, p1  }
0x4fd: {  	s6 =	simm.s32 @p3 $0xFFFFFFFF  }
0x4fe: {  	s6 =	smov.u32 @p1 s8  }
.LBB2_38:
0x4ff: {  	p1 =	seq.s32 s6, $0xFFFFFFFF  }
.Ltmp32:
0x500: {  	_ = 	snop;
	(pc) =	sbr.rel @p1 .LBB2_40-.Ltmp32, $1  }
0x501: {  	_ =	sdelay $0x3  }
0x502: {  	s4 =	sshll.u32 s2, $0x5  }
0x503: {  	s4 =	sand.u32 $0x3FFFFFE0, s4  }
0x504: {  	v0 =	vld [tilespmem:s4+$0x64B8];
	_ =	sdelay $0x2  }
0x505: {  	s5 =	sshll.u32 s6, $0x7  }
0x506: {  	s5 =	sshra.s32 s5, $0x2  }
0x507: {  	[tilespmem:s5+$0x64B8] =	vst.add.f32.msk $0xffff, v0  }
0x508: {  	v0 =	vld [tilespmem:s4+$0x64C8]  }
.Ltmp33:
0x509: {  	_ = 	snop;
	(pc) =	sbr.rel .LBB2_41-.Ltmp33, $2  }
0x50a: {  	_ =	sdelay $0x2  }
0x50b: {  	[tilespmem:s5+$0x64C8] =	vst.add.f32.msk $0xffff, v0  }
.LBB2_42:
0x50c: {  	p1 =	slt.s32 s1, $0x1  }
.Ltmp34:
0x50d: {  	_ = 	snop;
	(pc) =	sbr.rel @p1 .LBB2_46-.Ltmp34, $3  }
0x50e: {  	_ =	sdelay $0x1  }
0x50f: {  	s2 =	simm.s32 $0x8  }
0x510: {  	[sflag:s2] =	ssyncpa.u1 $0x1;
	s2 =	simm.s32 $0x0  }
0x511: {  	s4 =	simm.s32 $0x6498  }
0x512: {  	v0 =	vld.msk [tilespmem:s4+$0x0], $0x1;
	_ =	sdelay $0x4  }
0x513: {  	(v2sf) =	vpush v0, $0x0;
	_ =	sdelay $0xe  }
0x514: {  	s1 =	sadd.s32 $0xFFFFFFFF, s1;
	s5 =	spop (v2sf)  }
0x515: {  	p2 =	sne.s32 s1, $0x0;
	p1 =	sgt.u32 s5, $0xC34FC  }
.Ltmp35:
0x516: {  	s6 =	sand.u32 @!p1 $0xFFFF8, s5;
	(pc) =	sbr.rel @!p2 .LBB2_45-.Ltmp35, $4  }
0x517: {  	s4 =	simm.s32 $0x64B8;
	s5 =	sand.u32 @!p1 $0x7, s5;
	s6 =	sadd.s32 @!p1 s3, s6  }
0x518: {  	[hbm4b:s6+s5] =	stream.linear.scatter @!p1 [tilespmem:s4], [sflag:$0x7], $0x19, $0x38;
	[tilespmem:$0x1FBE8] =	vst v63  }
0x519: {  	s6 =	simm.s32 $0x0  }
0x51a: {  	s5 =	simm.s32 $0x6499;
	s6 =	simm.s32 @!p1 $0x64  }
.LBB2_44:
0x51b: {  	v0 =	vld.msk [tilespmem:s5+$0x0], $0x1;
	s1 =	sadd.s32 $0xFFFFFFFF, s1;
	s2 =	sadd.s32 s2, s6  }
0x51c: {  	p1 =	sne.s32 s1, $0x0;
	_ =	sdelay $0x3  }
0x51d: {  	(v2sf) =	vpush v0, $0x0;
	_ =	sdelay $0xe  }
.Ltmp36:
0x51e: {  	s7 =	spop (v2sf);
	(pc) =	sbr.rel @p1 .LBB2_44-.Ltmp36, $4  }
0x51f: {  	s6 =	simm.s32 $0x0;
	p2 =	sgt.u32 s7, $0xC34FC  }
0x520: {  	s4 =	sadd.s32 $0x20, s4;
	s6 =	simm.s32 @!p2 $0x64;
	s8 =	sand.u32 @!p2 $0xFFFF8, s7  }
0x521: {  	s5 =	sadd.s32 $0x1, s5;
	s7 =	sand.u32 @!p2 $0x7, s7;
	s8 =	sadd.s32 @!p2 s3, s8  }
0x522: {  	[hbm4b:s8+s7] =	stream.linear.scatter @!p2 [tilespmem:s4], [sflag:$0x7], $0x19, $0x38;
	[tilespmem:$0x1FBE8] =	vst v63  }
.LBB2_45:
0x523: {  	s1 =	sadd.s32 s2, s6  }
0x524: {  	s2 =	sshrl.u32 s1, $0x2  }
.LBB2_46:
0x525: {  	s1 =	simm.s32 $0x7  }
0x526: {  	_ =	swait.ge [sflag:s1], s2  }
0x527: {  	s31 =	ssub.s32 $0x0, s2;
	[sflag:s1] =	ssyncset.done $0x0  }
0x528: {  	[sflag:s1] =	ssyncadd.s32 s31  }
0x529: {  	[sflag:s1] =	ssyncpa.u1 $0x1  }
.LBB2_47:
0x52a: {  	_ =	sfence;
	s1 =	simm.s32 $0x1  }
0x52b: {  	[sflag:s1] =	ssyncpa.u1 $0x1  }
0x52c: {  	_ =	strace $0x90000053  }
0x52d: {  	s0 =	sadd.s32 @!p0 $0x100000, s0;
	[bflag:$0x2] =	sbarrier.arrive $0xFFFF  }
0x52e: {  	[sflag:s0] =	ssyncadd.tile.s32 @!p0 $0x1;
	_ =	shalt  }
.Lfunc_end2:
_tile_overlayer_lowered:
.L_overlay_start_2:
0x52f: {  	(tag) =	ssettag $0x2  }
0x530: {  	s0 =	rddreg [dreg:$0x0];
	s2 =	stileid.u32  }
0x531: {  	s1 =	rddreg [dreg:$0x1];
	p0 =	sne.s32 s2, $0x0  }
0x532: {  	s3 =	rddreg [dreg:$0x2];
	[bflag:$0x3] =	sbarrier.arrive $0xFFFF;
	s2 =	simm.s32 @!p0 $0x1C01  }
0x533: {  	[timem:s3], [sflag:s2] =	dma.local @!p0 [hbm:s0], s1  }
0x534: {  	s0 =	simm.s32 @!p0 $0x1  }
0x535: {  	_ =	swait.ge @!p0 [sflag:s0], s1  }
0x536: {  	s1 =	ssub.s32 @!p0 $0x0, s1;
	[sflag:s0] =	ssyncset.done @!p0 $0x0  }
0x537: {  	[sflag:s0] =	ssyncadd.s32 @!p0 s1  }
0x538: {  	[bflag:$0x3] =	sbarrier.arrive $0xFFFF  }
0x539: {  	_ =	shalt  }

// kernel: scatter_offload_async_start
scs
__scs_entry_jumppad:
0x0: {  	(pc) =	sbr.rel $0x88, $3  }
0x1: {  	(tag) =	ssettag $0x0;
	lr =	simm.s32 $0x1  }
0x2: {  	[smem:$0x3F8D] =	sst lr;
	_ =	strace $0xD0000000  }
0x3: {  	_ = 	snop  }
0x4: {  	_ = 	snop  }
0x5: {  	_ = 	snop  }
0x6: {  	_ = 	snop  }
0x7: {  	_ = 	snop  }
__scs_overlays_trampoline_lowered:
0x8: {  	[smem:$0x3F9C] =	sst s0  }
0x9: {  	[smem:$0x3F9D] =	sst s1  }
0xa: {  	[smem:$0x3F9E] =	sst s2  }
0xb: {  	[smem:$0x3F9F] =	sst s3  }
0xc: {  	[smem:$0x3FA0] =	sst s4  }
0xd: {  	[smem:$0x3FA1] =	sst s5  }
0xe: {  	[smem:$0x3FA2] =	sst s6  }
0xf: {  	[smem:$0x3FA3] =	sst s7  }
0x10: {  	[smem:$0x3FA4] =	sst s8  }
0x11: {  	[smem:$0x3FA5] =	sst s9;
	s0 =	simm.s32 @!p0 $0x0  }
0x12: {  	s1 =	sld [smem:$0x3F8B];
	s0 =	simm.s32 @p0 $0x1  }
0x13: {  	[smem:$0x3FA6] =	sst s0;
	s0 =	simm.s32 @!p1 $0x0  }
0x14: {  	s2 =	sld [smem:$0x3F8A];
	s0 =	simm.s32 @p1 $0x1  }
0x15: {  	[smem:$0x3FA7] =	sst s0;
	s0 =	simm.s32 @!p2 $0x0  }
0x16: {  	s3 =	sld [smem:$0x3FDB];
	s0 =	simm.s32 @p2 $0x1  }
0x17: {  	s4 =	simm.s32 $0x1BF5;
	[smem:$0x3FA9] =	sst s0  }
0x18: {  	s0 =	sld [smem:$0x3F8C];
	_ =	swait.ge [sflag:s4], $0x0  }
0x19: {  	s7 =	sld [smem:$0x3F8D]  }
0x1a: {  	s8 =	sadd.s32 $0xFFFFE003, lr  }
0x1b: {  	s9 =	sadd.s32 $0xFFFFFEF7, lr;
	s5 =	simm.s32 $0xFFFFFFFF;
	p2 =	slt.u32 s8, $0xFFFFF086  }
0x1c: {  	p1 =	slt.u32 s9, $0xF7A;
	s5 =	simm.s32 @!p2 $0x0  }
0x1d: {  	s5 =	simm.s32 @p1 $0x1;
	p0 =	seq.s32 s7, s2  }
0x1e: {  	s7 =	smul.u32 @!p0 $0xF7A, s2;
	p2 =	seq.s32 @!p0 s5, $0x0  }
0x1f: {  	s9 =	smul.u32 $0xF7A, s1;
	s8 =	simm.s32 @!p0 $0x1BF5;
	p2 =	por !p2, p0  }
0x20: {  	[sflag:s8] =	ssyncset.s32 @!p0 $0xFFFFF086;
	s6 =	sadd.s32 @!p0 s3, s7;
	s7 =	simm.s32 @!p0 $0x108  }
0x21: {  	s3 =	sadd.s32 s3, s9;
	s6 =	sadd.s32 @!p0 $0x88, s6;
	s7 =	simm.s32 @p2 $0x1082  }
0x22: {  	[simem:s7], [sflag:s8] =	dma.local @!p0 [hbm:s6], $0xF7A  }
0x23: {  	s9 =	sor.u32 $0xD0000000, s2;
	s6 =	simm.s32 $0x108;
	_ =	swait.ge @!p0 [sflag:s8], $0x0  }
0x24: {  	s3 =	sadd.s32 $0x88, s3;
	s6 =	simm.s32 @!p1 $0x1082;
	[sflag:s4] =	ssyncset.s32 $0xFFFFF086  }
0x25: {  	[simem:s6], [sflag:s4] =	dma.local [hbm:s3], $0xF7A  }
0x26: {  	[smem:$0x3F8D] =	sst s1;
	(tag) =	ssettag s2;
	_ =	strace s9  }
0x27: {  	s1 =	sld [smem:$0x3F9D]  }
0x28: {  	s2 =	sld [smem:$0x3F9E]  }
0x29: {  	s4 =	sld [smem:$0x3FA0]  }
0x2a: {  	p0 =	seq.s32 s5, $0x0;
	s5 =	sld [smem:$0x3FA1]  }
0x2b: {  	s6 =	sld [smem:$0x3FA2]  }
0x2c: {  	s7 =	sld [smem:$0x3FA3]  }
0x2d: {  	s3 =	simm.s32 $0x108;
	s8 =	sld [smem:$0x3FA4]  }
0x2e: {  	s3 =	simm.s32 @!p0 $0x1082;
	s9 =	sld [smem:$0x3FA5]  }
0x2f: {  	lr =	sadd.s32 s0, s3;
	s0 =	sld [smem:$0x3F9C]  }
0x30: {  	s3 =	sld [smem:$0x3F9F]  }
0x31: {  	[smem:$0x3FA8] =	sst s10  }
0x32: {  	s10 =	sld [smem:$0x3FA6];
	_ =	sdelay $0x3  }
0x33: {  	p0 =	seq.s32 s10, $0x1;
	s10 =	sld [smem:$0x3FA8];
	_ =	sdelay $0x3  }
0x34: {  	[smem:$0x3FA8] =	sst s10  }
0x35: {  	s10 =	sld [smem:$0x3FA7];
	_ =	sdelay $0x3  }
0x36: {  	p1 =	seq.s32 s10, $0x1;
	s10 =	sld [smem:$0x3FA8];
	_ =	sdelay $0x3  }
0x37: {  	[smem:$0x3FA8] =	sst s10  }
0x38: {  	s10 =	sld [smem:$0x3FA9]  }
0x39: {  	_ = 	snop;
	(pc) =	sbr.ind lr, $3  }
0x3a: {  	_ = 	snop  }
0x3b: {  	_ = 	snop  }
0x3c: {  	p2 =	seq.s32 s10, $0x1;
	s10 =	sld [smem:$0x3FA8]  }
0x3d: {  	_ =	shalt  }
0x3e: {  	_ =	shalt  }
0x3f: {  	_ =	shalt  }
0x40: {  	_ =	shalt  }
0x41: {  	_ =	shalt  }
0x42: {  	_ =	shalt  }
0x43: {  	_ =	shalt  }
0x44: {  	_ =	shalt  }
0x45: {  	_ =	shalt  }
0x46: {  	_ =	shalt  }
0x47: {  	_ =	shalt  }
0x48: {  	_ =	shalt  }
0x49: {  	_ =	shalt  }
0x4a: {  	_ =	shalt  }
0x4b: {  	_ =	shalt  }
0x4c: {  	_ =	shalt  }
0x4d: {  	_ =	shalt  }
0x4e: {  	_ =	shalt  }
0x4f: {  	_ =	shalt  }
0x50: {  	_ =	shalt  }
0x51: {  	_ =	shalt  }
0x52: {  	_ =	shalt  }
0x53: {  	_ =	shalt  }
0x54: {  	_ =	shalt  }
0x55: {  	_ =	shalt  }
0x56: {  	_ =	shalt  }
0x57: {  	_ =	shalt  }
0x58: {  	_ =	shalt  }
0x59: {  	_ =	shalt  }
0x5a: {  	_ =	shalt  }
0x5b: {  	_ =	shalt  }
0x5c: {  	_ =	shalt  }
0x5d: {  	_ =	shalt  }
0x5e: {  	_ =	shalt  }
0x5f: {  	_ =	shalt  }
0x60: {  	_ =	shalt  }
0x61: {  	_ =	shalt  }
0x62: {  	_ =	shalt  }
0x63: {  	_ =	shalt  }
0x64: {  	_ =	shalt  }
0x65: {  	_ =	shalt  }
0x66: {  	_ =	shalt  }
0x67: {  	_ =	shalt  }
0x68: {  	_ =	shalt  }
0x69: {  	_ =	shalt  }
0x6a: {  	_ =	shalt  }
0x6b: {  	_ =	shalt  }
0x6c: {  	_ =	shalt  }
0x6d: {  	_ =	shalt  }
0x6e: {  	_ =	shalt  }
0x6f: {  	_ =	shalt  }
0x70: {  	_ =	shalt  }
0x71: {  	_ =	shalt  }
0x72: {  	_ =	shalt  }
0x73: {  	_ =	shalt  }
0x74: {  	_ =	shalt  }
0x75: {  	_ =	shalt  }
0x76: {  	_ =	shalt  }
0x77: {  	_ =	shalt  }
0x78: {  	_ =	shalt  }
0x79: {  	_ =	shalt  }
0x7a: {  	_ =	shalt  }
0x7b: {  	_ =	shalt  }
0x7c: {  	_ =	shalt  }
0x7d: {  	_ =	shalt  }
0x7e: {  	_ =	shalt  }
0x7f: {  	_ =	shalt  }
0x80: {  	_ =	shalt  }
0x81: {  	_ =	shalt  }
0x82: {  	_ =	shalt  }
0x83: {  	_ =	shalt  }
0x84: {  	_ =	shalt  }
0x85: {  	_ =	shalt  }
0x86: {  	_ =	shalt  }
0x87: {  	_ =	shalt  }
.Lfunc_end0:
.L_simem_size_0:
called_computation_lowered:
.L_overlay_start_0:
0x88: {  	s2 =	sld [smem:$0x3FD9]  }
0x89: {  	s3 =	sld [smem:$0x3FFE];
	_ =	sdelay $0x1  }
0x8a: {  	s1 =	srdreg.scid  }
0x8b: {  	s0 =	sand.u32 $0x1, s1  }
0x8c: {  	s15 =	sshll.u32 s0, $0xA;
	s2 =	sadd.s32 s3, s2  }
0x8d: {  	s2 =	sadd.s32 s2, s15  }
0x8e: {  	[smem:$0x3FB4] =	sst s2  }
0x8f: {  	_ = 	snop  }
0x90: {  	(tm) =	ssettm $0x1  }
0x91: {  	s16 =	sld [smem:$0x3FFB];
	_ =	sdelay $0x3  }
0x92: {  	_ =	strace s16  }
0x93: {  	s2 =	sld [smem:$0x3FFC];
	_ =	sdelay $0x3  }
0x94: {  	_ =	strace s2  }
0x95: {  	s2 =	sld [smem:$0x3FFD];
	_ =	sdelay $0x3  }
0x96: {  	_ =	strace s2  }
0x97: {  	_ =	strace $0x8FFFFFFF  }
0x98: {  	s17 =	sld [smem:$0x3FDB];
	_ =	sdelay $0x1  }
0x99: {  	s18 =	simm.s32 $_scs_section_size  }
0x9a: {  	s4 =	simm.s32 $_size__tile_overlayer_lowered;
	s5 =	simm.s32 $_tile_overlayer_lowered  }
0x9b: {  	s21 =	simm.s32 $0x1BFF;
	s20 =	sshll.u32 s5, $0x1;
	s2 =	sadd.s32 s18, s17  }
0x9c: {  	s6 =	simm.s32 $0x0;
	s19 =	sshll.u32 s4, $0x1;
	s4 =	sadd.s32 s20, s2  }
0x9d: {  	[timem:s6], [sflag:s21] =	dma.local [hbm:s4], s19  }
0x9e: {  	_ =	swait.ge [sflag:s21], s19  }
0x9f: {  	s3 =	ssub.s32 $0x0, s19;
	[sflag:s21] =	ssyncset.done $0x0  }
0xa0: {  	[sflag:s21] =	ssyncadd.s32 s3;
	_ =	sdelay $0x1  }
0xa1: {  	s22 =	simm.s32 $0x1B8B  }
0xa2: {  	_ =	swait.ge [sflag:s22], $0x1  }
0xa3: {  	[sflag:s22] =	ssyncset.done $0x0  }
0xa4: {  	s23 =	sld [smem:$0x3FFE];
	[sflag:s22] =	ssyncadd.s32 $0xFFFFFFFF  }
0xa5: {  	s25 =	simm.s32 $0x1B8E;
	s24 =	sld [smem:$0x0]  }
0xa6: {  	s26 =	simm.s32 $execute0_lowered;
	[smem:$0x3FD2] =	sst s25  }
0xa7: {  	s5 =	sshll.u32 s26, $0x1;
	_ =	strace $0x8000004C;
	[dreg:$0x1] =	wrdreg $0xFFFFFFFF  }
0xa8: {  	s28 =	simm.s32 $_size_execute0_lowered;
	s2 =	sadd.s32 s2, s5;
	[dreg:$0x0] =	wrdreg $0x0  }
0xa9: {  	s5 =	sshll.u32 s28, $0x1;
	[dreg:$0x2] =	wrdreg s2  }
0xaa: {  	[dreg:$0x3] =	wrdreg s5  }
0xab: {  	[dreg:$0x4] =	wrdreg $0xC0  }
0xac: {  	_ =	task [dreg:s6], $0x5FFFF  }
0xad: {  	[dreg:$0x1] =	wrdreg $0xFFFFFFFF  }
0xae: {  	[dreg:$0x0] =	wrdreg $0x60  }
0xaf: {  	[dreg:$0x2] =	wrdreg s23  }
0xb0: {  	[dreg:$0x3] =	wrdreg s1  }
0xb1: {  	[dreg:$0x4] =	wrdreg s24  }
0xb2: {  	[dreg:$0x5] =	wrdreg $0x9  }
0xb3: {  	_ =	task.clear_ibuf [dreg:s6], $0x6FFFF;
	_ =	strace $0x9000004C  }
0xb4: {  	s29 =	simm.s32 $0x9;
	_ =	strace $0x8000004E  }
0xb5: {  	_ =	swait.ge [sflag:s29], $0x1  }
0xb6: {  	[sflag:s29] =	ssyncadd.s32 $0xFFFFFFFF  }
0xb7: {  	_ =	strace $0x9000004E  }
0xb8: {  	_ =	sfence  }
0xb9: {  	s30 =	sld [smem:$0x0];
	_ =	sdelay $0x2  }
0xba: {  	s31 =	sshll.u32 s1, $0xD;
	s1 =	sshrl.u32 s1, $0x2  }
0xbb: {  	s3 =	sand.u32 $0x4000, s31;
	s1 =	sadd.s32 s1, s30  }
0xbc: {  	s0 =	sor.u32 s3, s0;
	s1 =	sshll.u32 s1, $0x11  }
0xbd: {  	s0 =	sor.u32 s1, s0  }
0xbe: {  	s0 =	sadd.s32 $0x8F2B, s0  }
0xbf: {  	[sflag:s0] =	ssyncadd.remote.s32 $0x1  }
0xc0: {  	_ =	sfence.sel $0xFFFF  }
0xc1: {  	[dreg:$0x0] =	wrdreg $0xFFFFFFFF;
	(pc) =	sbr.abs _section_cstart, $3  }
0xc2: {  	[dreg:$0x1] =	wrdreg $0xFFFFFFFF  }
0xc3: {  	_ =	task.clear_ibuf [dreg:s6], $0x2FFFF;
	_ =	strace $0x9FFFFFFF  }
0xc4: {  	(tm) =	ssettm $0x7FFFFFFF  }
0xc5: {  	_ =	shalt  }
tec
execute0_lowered:
.L_overlay_start_1:
0x0: {  	(tag) =	ssettag $0x1  }
0x1: {  	s4 =	rddreg [dreg:$0x0]  }
0x2: {  	s2 =	rddreg [dreg:$0x1]  }
0x3: {  	s1 =	rddreg [dreg:$0x2];
	_ =	strace $0x8000004D;
	s3 =	simm.s32 $0x1  }
0x4: {  	v0 =	vimm.s32 $0x0;
	[sflag:s3] =	ssyncpa.u1 $0x0  }
0x5: {  	[tilespmem:$0x68] =	vst v0  }
0x6: {  	[tilespmem:$0x78] =	vst v0  }
0x7: {  	[tilespmem:$0x88] =	vst v0  }
0x8: {  	[tilespmem:$0x98] =	vst v0  }
0x9: {  	[tilespmem:$0xA8] =	vst v0  }
0xa: {  	[tilespmem:$0xB8] =	vst v0  }
0xb: {  	[tilespmem:$0xC8] =	vst v0  }
0xc: {  	[tilespmem:$0xD8] =	vst v0  }
0xd: {  	[tilespmem:$0xE8] =	vst v0  }
0xe: {  	[tilespmem:$0xF8] =	vst v0  }
0xf: {  	[tilespmem:$0x108] =	vst v0  }
0x10: {  	[tilespmem:$0x118] =	vst v0  }
0x11: {  	[tilespmem:$0x128] =	vst v0  }
0x12: {  	[tilespmem:$0x138] =	vst v0  }
0x13: {  	[tilespmem:$0x148] =	vst v0  }
0x14: {  	[tilespmem:$0x158] =	vst v0  }
0x15: {  	[tilespmem:$0x168] =	vst v0  }
0x16: {  	[tilespmem:$0x178] =	vst v0  }
0x17: {  	[tilespmem:$0x188] =	vst v0  }
0x18: {  	[tilespmem:$0x198] =	vst v0  }
0x19: {  	[tilespmem:$0x1A8] =	vst v0  }
0x1a: {  	[tilespmem:$0x1B8] =	vst v0  }
0x1b: {  	[tilespmem:$0x1C8] =	vst v0  }
0x1c: {  	[tilespmem:$0x1D8] =	vst v0  }
0x1d: {  	[tilespmem:$0x1E8] =	vst v0  }
0x1e: {  	[tilespmem:$0x1F8] =	vst v0  }
0x1f: {  	[tilespmem:$0x208] =	vst v0  }
0x20: {  	[tilespmem:$0x218] =	vst v0  }
0x21: {  	[tilespmem:$0x228] =	vst v0  }
0x22: {  	[tilespmem:$0x238] =	vst v0  }
0x23: {  	[tilespmem:$0x248] =	vst v0  }
0x24: {  	[tilespmem:$0x258] =	vst v0  }
0x25: {  	[tilespmem:$0x268] =	vst v0  }
0x26: {  	[tilespmem:$0x278] =	vst v0  }
0x27: {  	[tilespmem:$0x288] =	vst v0  }
0x28: {  	[tilespmem:$0x298] =	vst v0  }
0x29: {  	[tilespmem:$0x2A8] =	vst v0  }
0x2a: {  	[tilespmem:$0x2B8] =	vst v0  }
0x2b: {  	[tilespmem:$0x2C8] =	vst v0  }
0x2c: {  	[tilespmem:$0x2D8] =	vst v0  }
0x2d: {  	[tilespmem:$0x2E8] =	vst v0  }
0x2e: {  	[tilespmem:$0x2F8] =	vst v0  }
0x2f: {  	[tilespmem:$0x308] =	vst v0  }
0x30: {  	[tilespmem:$0x318] =	vst v0  }
0x31: {  	[tilespmem:$0x328] =	vst v0  }
0x32: {  	[tilespmem:$0x338] =	vst v0  }
0x33: {  	[tilespmem:$0x348] =	vst v0  }
0x34: {  	[tilespmem:$0x358] =	vst v0  }
0x35: {  	[tilespmem:$0x368] =	vst v0  }
0x36: {  	[tilespmem:$0x378] =	vst v0  }
0x37: {  	[tilespmem:$0x388] =	vst v0  }
0x38: {  	[tilespmem:$0x398] =	vst v0  }
0x39: {  	[tilespmem:$0x3A8] =	vst v0  }
0x3a: {  	[tilespmem:$0x3B8] =	vst v0  }
0x3b: {  	[tilespmem:$0x3C8] =	vst v0  }
0x3c: {  	[tilespmem:$0x3D8] =	vst v0  }
0x3d: {  	[tilespmem:$0x3E8] =	vst v0  }
0x3e: {  	[tilespmem:$0x3F8] =	vst v0  }
0x3f: {  	[tilespmem:$0x408] =	vst v0  }
0x40: {  	[tilespmem:$0x418] =	vst v0  }
0x41: {  	[tilespmem:$0x428] =	vst v0  }
0x42: {  	[tilespmem:$0x438] =	vst v0  }
0x43: {  	[tilespmem:$0x448] =	vst v0  }
0x44: {  	[tilespmem:$0x458] =	vst v0  }
0x45: {  	[tilespmem:$0x468] =	vst v0  }
0x46: {  	[tilespmem:$0x478] =	vst v0  }
0x47: {  	[tilespmem:$0x488] =	vst v0  }
0x48: {  	[tilespmem:$0x498] =	vst v0  }
0x49: {  	[tilespmem:$0x4A8] =	vst v0  }
0x4a: {  	[tilespmem:$0x4B8] =	vst v0  }
0x4b: {  	[tilespmem:$0x4C8] =	vst v0  }
0x4c: {  	[tilespmem:$0x4D8] =	vst v0  }
0x4d: {  	[tilespmem:$0x4E8] =	vst v0  }
0x4e: {  	[tilespmem:$0x4F8] =	vst v0  }
0x4f: {  	[tilespmem:$0x508] =	vst v0  }
0x50: {  	[tilespmem:$0x518] =	vst v0  }
0x51: {  	[tilespmem:$0x528] =	vst v0  }
0x52: {  	[tilespmem:$0x538] =	vst v0  }
0x53: {  	[tilespmem:$0x548] =	vst v0  }
0x54: {  	[tilespmem:$0x558] =	vst v0  }
0x55: {  	[tilespmem:$0x568] =	vst v0  }
0x56: {  	[tilespmem:$0x578] =	vst v0  }
0x57: {  	[tilespmem:$0x588] =	vst v0  }
0x58: {  	[tilespmem:$0x598] =	vst v0  }
0x59: {  	[tilespmem:$0x5A8] =	vst v0  }
0x5a: {  	[tilespmem:$0x5B8] =	vst v0  }
0x5b: {  	[tilespmem:$0x5C8] =	vst v0  }
0x5c: {  	[tilespmem:$0x5D8] =	vst v0  }
0x5d: {  	[tilespmem:$0x5E8] =	vst v0  }
0x5e: {  	[tilespmem:$0x5F8] =	vst v0  }
0x5f: {  	[tilespmem:$0x608] =	vst v0  }
0x60: {  	[tilespmem:$0x618] =	vst v0  }
0x61: {  	[tilespmem:$0x628] =	vst v0  }
0x62: {  	[tilespmem:$0x638] =	vst v0  }
0x63: {  	[tilespmem:$0x648] =	vst v0  }
0x64: {  	[tilespmem:$0x658] =	vst v0  }
0x65: {  	[tilespmem:$0x668] =	vst v0  }
0x66: {  	[tilespmem:$0x678] =	vst v0  }
0x67: {  	[tilespmem:$0x688] =	vst v0  }
0x68: {  	[tilespmem:$0x698] =	vst v0  }
0x69: {  	[tilespmem:$0x6A8] =	vst v0  }
0x6a: {  	[tilespmem:$0x6B8] =	vst v0  }
0x6b: {  	[tilespmem:$0x6C8] =	vst v0  }
0x6c: {  	[tilespmem:$0x6D8] =	vst v0  }
0x6d: {  	[tilespmem:$0x6E8] =	vst v0  }
0x6e: {  	[tilespmem:$0x6F8] =	vst v0  }
0x6f: {  	[tilespmem:$0x708] =	vst v0  }
0x70: {  	[tilespmem:$0x718] =	vst v0  }
0x71: {  	[tilespmem:$0x728] =	vst v0  }
0x72: {  	[tilespmem:$0x738] =	vst v0  }
0x73: {  	[tilespmem:$0x748] =	vst v0  }
0x74: {  	[tilespmem:$0x758] =	vst v0  }
0x75: {  	[tilespmem:$0x768] =	vst v0  }
0x76: {  	[tilespmem:$0x778] =	vst v0  }
0x77: {  	[tilespmem:$0x788] =	vst v0  }
0x78: {  	[tilespmem:$0x798] =	vst v0  }
0x79: {  	[tilespmem:$0x7A8] =	vst v0  }
0x7a: {  	[tilespmem:$0x7B8] =	vst v0  }
0x7b: {  	[tilespmem:$0x7C8] =	vst v0  }
0x7c: {  	[tilespmem:$0x7D8] =	vst v0  }
0x7d: {  	[tilespmem:$0x7E8] =	vst v0  }
0x7e: {  	[tilespmem:$0x7F8] =	vst v0  }
0x7f: {  	[tilespmem:$0x808] =	vst v0  }
0x80: {  	[tilespmem:$0x818] =	vst v0  }
0x81: {  	[tilespmem:$0x828] =	vst v0  }
0x82: {  	[tilespmem:$0x838] =	vst v0  }
0x83: {  	[tilespmem:$0x848] =	vst v0  }
0x84: {  	[tilespmem:$0x858] =	vst v0  }
0x85: {  	[tilespmem:$0x868] =	vst v0  }
0x86: {  	[tilespmem:$0x878] =	vst v0  }
0x87: {  	[tilespmem:$0x888] =	vst v0  }
0x88: {  	[tilespmem:$0x898] =	vst v0  }
0x89: {  	[tilespmem:$0x8A8] =	vst v0  }
0x8a: {  	[tilespmem:$0x8B8] =	vst v0  }
0x8b: {  	[tilespmem:$0x8C8] =	vst v0  }
0x8c: {  	[tilespmem:$0x8D8] =	vst v0  }
0x8d: {  	[tilespmem:$0x8E8] =	vst v0  }
0x8e: {  	[tilespmem:$0x8F8] =	vst v0  }
0x8f: {  	[tilespmem:$0x908] =	vst v0  }
0x90: {  	[tilespmem:$0x918] =	vst v0  }
0x91: {  	[tilespmem:$0x928] =	vst v0  }
0x92: {  	[tilespmem:$0x938] =	vst v0  }
0x93: {  	[tilespmem:$0x948] =	vst v0  }
0x94: {  	[tilespmem:$0x958] =	vst v0  }
0x95: {  	[tilespmem:$0x968] =	vst v0  }
0x96: {  	[tilespmem:$0x978] =	vst v0  }
0x97: {  	[tilespmem:$0x988] =	vst v0  }
0x98: {  	[tilespmem:$0x998] =	vst v0  }
0x99: {  	[tilespmem:$0x9A8] =	vst v0  }
0x9a: {  	[tilespmem:$0x9B8] =	vst v0  }
0x9b: {  	[tilespmem:$0x9C8] =	vst v0  }
0x9c: {  	[tilespmem:$0x9D8] =	vst v0  }
0x9d: {  	[tilespmem:$0x9E8] =	vst v0  }
0x9e: {  	[tilespmem:$0x9F8] =	vst v0  }
0x9f: {  	[tilespmem:$0xA08] =	vst v0  }
0xa0: {  	[tilespmem:$0xA18] =	vst v0  }
0xa1: {  	[tilespmem:$0xA28] =	vst v0  }
0xa2: {  	[tilespmem:$0xA38] =	vst v0  }
0xa3: {  	[tilespmem:$0xA48] =	vst v0  }
0xa4: {  	[tilespmem:$0xA58] =	vst v0  }
0xa5: {  	[tilespmem:$0xA68] =	vst v0  }
0xa6: {  	[tilespmem:$0xA78] =	vst v0  }
0xa7: {  	[tilespmem:$0xA88] =	vst v0  }
0xa8: {  	[tilespmem:$0xA98] =	vst v0  }
0xa9: {  	[tilespmem:$0xAA8] =	vst v0  }
0xaa: {  	[tilespmem:$0xAB8] =	vst v0  }
0xab: {  	[tilespmem:$0xAC8] =	vst v0  }
0xac: {  	[tilespmem:$0xAD8] =	vst v0  }
0xad: {  	[tilespmem:$0xAE8] =	vst v0  }
0xae: {  	[tilespmem:$0xAF8] =	vst v0  }
0xaf: {  	[tilespmem:$0xB08] =	vst v0  }
0xb0: {  	[tilespmem:$0xB18] =	vst v0  }
0xb1: {  	[tilespmem:$0xB28] =	vst v0  }
0xb2: {  	[tilespmem:$0xB38] =	vst v0  }
0xb3: {  	[tilespmem:$0xB48] =	vst v0  }
0xb4: {  	[tilespmem:$0xB58] =	vst v0  }
0xb5: {  	[tilespmem:$0xB68] =	vst v0  }
0xb6: {  	[tilespmem:$0xB78] =	vst v0  }
0xb7: {  	[tilespmem:$0xB88] =	vst v0  }
0xb8: {  	[tilespmem:$0xB98] =	vst v0  }
0xb9: {  	[tilespmem:$0xBA8] =	vst v0  }
0xba: {  	[tilespmem:$0xBB8] =	vst v0  }
0xbb: {  	[tilespmem:$0xBC8] =	vst v0  }
0xbc: {  	[tilespmem:$0xBD8] =	vst v0  }
0xbd: {  	[tilespmem:$0xBE8] =	vst v0  }
0xbe: {  	[tilespmem:$0xBF8] =	vst v0  }
0xbf: {  	[tilespmem:$0xC08] =	vst v0  }
0xc0: {  	[tilespmem:$0xC18] =	vst v0  }
0xc1: {  	[tilespmem:$0xC28] =	vst v0  }
0xc2: {  	[tilespmem:$0xC38] =	vst v0  }
0xc3: {  	[tilespmem:$0xC48] =	vst v0  }
0xc4: {  	[tilespmem:$0xC58] =	vst v0  }
0xc5: {  	[tilespmem:$0xC68] =	vst v0  }
0xc6: {  	[tilespmem:$0xC78] =	vst v0  }
0xc7: {  	[tilespmem:$0xC88] =	vst v0  }
0xc8: {  	[tilespmem:$0xC98] =	vst v0  }
0xc9: {  	[tilespmem:$0xCA8] =	vst v0  }
0xca: {  	[tilespmem:$0xCB8] =	vst v0  }
0xcb: {  	[tilespmem:$0xCC8] =	vst v0  }
0xcc: {  	[tilespmem:$0xCD8] =	vst v0  }
0xcd: {  	[tilespmem:$0xCE8] =	vst v0  }
0xce: {  	[tilespmem:$0xCF8] =	vst v0  }
0xcf: {  	[tilespmem:$0xD08] =	vst v0  }
0xd0: {  	[tilespmem:$0xD18] =	vst v0  }
0xd1: {  	[tilespmem:$0xD28] =	vst v0  }
0xd2: {  	[tilespmem:$0xD38] =	vst v0  }
0xd3: {  	[tilespmem:$0xD48] =	vst v0  }
0xd4: {  	[tilespmem:$0xD58] =	vst v0  }
0xd5: {  	[tilespmem:$0xD68] =	vst v0  }
0xd6: {  	[tilespmem:$0xD78] =	vst v0  }
0xd7: {  	[tilespmem:$0xD88] =	vst v0  }
0xd8: {  	[tilespmem:$0xD98] =	vst v0  }
0xd9: {  	[tilespmem:$0xDA8] =	vst v0  }
0xda: {  	[tilespmem:$0xDB8] =	vst v0  }
0xdb: {  	[tilespmem:$0xDC8] =	vst v0  }
0xdc: {  	[tilespmem:$0xDD8] =	vst v0  }
0xdd: {  	[tilespmem:$0xDE8] =	vst v0  }
0xde: {  	[tilespmem:$0xDF8] =	vst v0  }
0xdf: {  	[tilespmem:$0xE08] =	vst v0  }
0xe0: {  	[tilespmem:$0xE18] =	vst v0  }
0xe1: {  	[tilespmem:$0xE28] =	vst v0  }
0xe2: {  	[tilespmem:$0xE38] =	vst v0  }
0xe3: {  	[tilespmem:$0xE48] =	vst v0  }
0xe4: {  	[tilespmem:$0xE58] =	vst v0  }
0xe5: {  	[tilespmem:$0xE68] =	vst v0  }
0xe6: {  	[tilespmem:$0xE78] =	vst v0  }
0xe7: {  	[tilespmem:$0xE88] =	vst v0  }
0xe8: {  	[tilespmem:$0xE98] =	vst v0  }
0xe9: {  	[tilespmem:$0xEA8] =	vst v0  }
0xea: {  	[tilespmem:$0xEB8] =	vst v0  }
0xeb: {  	[tilespmem:$0xEC8] =	vst v0  }
0xec: {  	[tilespmem:$0xED8] =	vst v0  }
0xed: {  	[tilespmem:$0xEE8] =	vst v0  }
0xee: {  	[tilespmem:$0xEF8] =	vst v0  }
0xef: {  	[tilespmem:$0xF08] =	vst v0  }
0xf0: {  	[tilespmem:$0xF18] =	vst v0  }
0xf1: {  	[tilespmem:$0xF28] =	vst v0  }
0xf2: {  	[tilespmem:$0xF38] =	vst v0  }
0xf3: {  	[tilespmem:$0xF48] =	vst v0  }
0xf4: {  	[tilespmem:$0xF58] =	vst v0  }
0xf5: {  	[tilespmem:$0xF68] =	vst v0  }
0xf6: {  	[tilespmem:$0xF78] =	vst v0  }
0xf7: {  	[tilespmem:$0xF88] =	vst v0  }
0xf8: {  	[tilespmem:$0xF98] =	vst v0  }
0xf9: {  	[tilespmem:$0xFA8] =	vst v0  }
0xfa: {  	[tilespmem:$0xFB8] =	vst v0  }
0xfb: {  	[tilespmem:$0xFC8] =	vst v0  }
0xfc: {  	[tilespmem:$0xFD8] =	vst v0  }
0xfd: {  	[tilespmem:$0xFE8] =	vst v0  }
0xfe: {  	[tilespmem:$0xFF8] =	vst v0  }
0xff: {  	[tilespmem:$0x1008] =	vst v0  }
0x100: {  	[tilespmem:$0x1018] =	vst v0  }
0x101: {  	[tilespmem:$0x1028] =	vst v0  }
0x102: {  	[tilespmem:$0x1038] =	vst v0  }
0x103: {  	[tilespmem:$0x1048] =	vst v0  }
0x104: {  	[tilespmem:$0x1058] =	vst v0  }
0x105: {  	[tilespmem:$0x1068] =	vst v0  }
0x106: {  	[tilespmem:$0x1078] =	vst v0  }
0x107: {  	[tilespmem:$0x1088] =	vst v0  }
0x108: {  	[tilespmem:$0x1098] =	vst v0  }
0x109: {  	[tilespmem:$0x10A8] =	vst v0  }
0x10a: {  	[tilespmem:$0x10B8] =	vst v0  }
0x10b: {  	[tilespmem:$0x10C8] =	vst v0  }
0x10c: {  	[tilespmem:$0x10D8] =	vst v0  }
0x10d: {  	[tilespmem:$0x10E8] =	vst v0  }
0x10e: {  	[tilespmem:$0x10F8] =	vst v0  }
0x10f: {  	[tilespmem:$0x1108] =	vst v0  }
0x110: {  	[tilespmem:$0x1118] =	vst v0  }
0x111: {  	[tilespmem:$0x1128] =	vst v0  }
0x112: {  	[tilespmem:$0x1138] =	vst v0  }
0x113: {  	[tilespmem:$0x1148] =	vst v0  }
0x114: {  	[tilespmem:$0x1158] =	vst v0  }
0x115: {  	[tilespmem:$0x1168] =	vst v0  }
0x116: {  	[tilespmem:$0x1178] =	vst v0  }
0x117: {  	[tilespmem:$0x1188] =	vst v0  }
0x118: {  	[tilespmem:$0x1198] =	vst v0  }
0x119: {  	[tilespmem:$0x11A8] =	vst v0  }
0x11a: {  	[tilespmem:$0x11B8] =	vst v0  }
0x11b: {  	[tilespmem:$0x11C8] =	vst v0  }
0x11c: {  	[tilespmem:$0x11D8] =	vst v0  }
0x11d: {  	[tilespmem:$0x11E8] =	vst v0  }
0x11e: {  	[tilespmem:$0x11F8] =	vst v0  }
0x11f: {  	[tilespmem:$0x1208] =	vst v0  }
0x120: {  	[tilespmem:$0x1218] =	vst v0  }
0x121: {  	[tilespmem:$0x1228] =	vst v0  }
0x122: {  	[tilespmem:$0x1238] =	vst v0  }
0x123: {  	[tilespmem:$0x1248] =	vst v0  }
0x124: {  	[tilespmem:$0x1258] =	vst v0  }
0x125: {  	[tilespmem:$0x1268] =	vst v0  }
0x126: {  	[tilespmem:$0x1278] =	vst v0  }
0x127: {  	[tilespmem:$0x1288] =	vst v0  }
0x128: {  	[tilespmem:$0x1298] =	vst v0  }
0x129: {  	[tilespmem:$0x12A8] =	vst v0  }
0x12a: {  	[tilespmem:$0x12B8] =	vst v0  }
0x12b: {  	[tilespmem:$0x12C8] =	vst v0  }
0x12c: {  	[tilespmem:$0x12D8] =	vst v0  }
0x12d: {  	[tilespmem:$0x12E8] =	vst v0  }
0x12e: {  	[tilespmem:$0x12F8] =	vst v0  }
0x12f: {  	[tilespmem:$0x1308] =	vst v0  }
0x130: {  	[tilespmem:$0x1318] =	vst v0  }
0x131: {  	[tilespmem:$0x1328] =	vst v0  }
0x132: {  	[tilespmem:$0x1338] =	vst v0  }
0x133: {  	[tilespmem:$0x1348] =	vst v0  }
0x134: {  	[tilespmem:$0x1358] =	vst v0  }
0x135: {  	[tilespmem:$0x1368] =	vst v0  }
0x136: {  	[tilespmem:$0x1378] =	vst v0  }
0x137: {  	[tilespmem:$0x1388] =	vst v0  }
0x138: {  	[tilespmem:$0x1398] =	vst v0  }
0x139: {  	[tilespmem:$0x13A8] =	vst v0  }
0x13a: {  	[tilespmem:$0x13B8] =	vst v0  }
0x13b: {  	[tilespmem:$0x13C8] =	vst v0  }
0x13c: {  	[tilespmem:$0x13D8] =	vst v0  }
0x13d: {  	[tilespmem:$0x13E8] =	vst v0  }
0x13e: {  	[tilespmem:$0x13F8] =	vst v0  }
0x13f: {  	[tilespmem:$0x1408] =	vst v0  }
0x140: {  	[tilespmem:$0x1418] =	vst v0  }
0x141: {  	[tilespmem:$0x1428] =	vst v0  }
0x142: {  	[tilespmem:$0x1438] =	vst v0  }
0x143: {  	[tilespmem:$0x1448] =	vst v0  }
0x144: {  	[tilespmem:$0x1458] =	vst v0  }
0x145: {  	[tilespmem:$0x1468] =	vst v0  }
0x146: {  	[tilespmem:$0x1478] =	vst v0  }
0x147: {  	[tilespmem:$0x1488] =	vst v0  }
0x148: {  	[tilespmem:$0x1498] =	vst v0  }
0x149: {  	[tilespmem:$0x14A8] =	vst v0  }
0x14a: {  	[tilespmem:$0x14B8] =	vst v0  }
0x14b: {  	[tilespmem:$0x14C8] =	vst v0  }
0x14c: {  	[tilespmem:$0x14D8] =	vst v0  }
0x14d: {  	[tilespmem:$0x14E8] =	vst v0  }
0x14e: {  	[tilespmem:$0x14F8] =	vst v0  }
0x14f: {  	[tilespmem:$0x1508] =	vst v0  }
0x150: {  	[tilespmem:$0x1518] =	vst v0  }
0x151: {  	[tilespmem:$0x1528] =	vst v0  }
0x152: {  	[tilespmem:$0x1538] =	vst v0  }
0x153: {  	[tilespmem:$0x1548] =	vst v0  }
0x154: {  	[tilespmem:$0x1558] =	vst v0  }
0x155: {  	[tilespmem:$0x1568] =	vst v0  }
0x156: {  	[tilespmem:$0x1578] =	vst v0  }
0x157: {  	[tilespmem:$0x1588] =	vst v0  }
0x158: {  	[tilespmem:$0x1598] =	vst v0  }
0x159: {  	[tilespmem:$0x15A8] =	vst v0  }
0x15a: {  	[tilespmem:$0x15B8] =	vst v0  }
0x15b: {  	[tilespmem:$0x15C8] =	vst v0  }
0x15c: {  	[tilespmem:$0x15D8] =	vst v0  }
0x15d: {  	[tilespmem:$0x15E8] =	vst v0  }
0x15e: {  	[tilespmem:$0x15F8] =	vst v0  }
0x15f: {  	[tilespmem:$0x1608] =	vst v0  }
0x160: {  	[tilespmem:$0x1618] =	vst v0  }
0x161: {  	[tilespmem:$0x1628] =	vst v0  }
0x162: {  	[tilespmem:$0x1638] =	vst v0  }
0x163: {  	[tilespmem:$0x1648] =	vst v0  }
0x164: {  	[tilespmem:$0x1658] =	vst v0  }
0x165: {  	[tilespmem:$0x1668] =	vst v0  }
0x166: {  	[tilespmem:$0x1678] =	vst v0  }
0x167: {  	[tilespmem:$0x1688] =	vst v0  }
0x168: {  	[tilespmem:$0x1698] =	vst v0  }
0x169: {  	[tilespmem:$0x16A8] =	vst v0  }
0x16a: {  	[tilespmem:$0x16B8] =	vst v0  }
0x16b: {  	[tilespmem:$0x16C8] =	vst v0  }
0x16c: {  	[tilespmem:$0x16D8] =	vst v0  }
0x16d: {  	[tilespmem:$0x16E8] =	vst v0  }
0x16e: {  	[tilespmem:$0x16F8] =	vst v0  }
0x16f: {  	[tilespmem:$0x1708] =	vst v0  }
0x170: {  	[tilespmem:$0x1718] =	vst v0  }
0x171: {  	[tilespmem:$0x1728] =	vst v0  }
0x172: {  	[tilespmem:$0x1738] =	vst v0  }
0x173: {  	[tilespmem:$0x1748] =	vst v0  }
0x174: {  	[tilespmem:$0x1758] =	vst v0  }
0x175: {  	[tilespmem:$0x1768] =	vst v0  }
0x176: {  	[tilespmem:$0x1778] =	vst v0  }
0x177: {  	[tilespmem:$0x1788] =	vst v0  }
0x178: {  	[tilespmem:$0x1798] =	vst v0  }
0x179: {  	[tilespmem:$0x17A8] =	vst v0  }
0x17a: {  	[tilespmem:$0x17B8] =	vst v0  }
0x17b: {  	[tilespmem:$0x17C8] =	vst v0  }
0x17c: {  	[tilespmem:$0x17D8] =	vst v0  }
0x17d: {  	[tilespmem:$0x17E8] =	vst v0  }
0x17e: {  	[tilespmem:$0x17F8] =	vst v0  }
0x17f: {  	[tilespmem:$0x1808] =	vst v0  }
0x180: {  	[tilespmem:$0x1818] =	vst v0  }
0x181: {  	[tilespmem:$0x1828] =	vst v0  }
0x182: {  	[tilespmem:$0x1838] =	vst v0  }
0x183: {  	[tilespmem:$0x1848] =	vst v0  }
0x184: {  	[tilespmem:$0x1858] =	vst v0  }
0x185: {  	[tilespmem:$0x1868] =	vst v0  }
0x186: {  	[tilespmem:$0x1878] =	vst v0  }
0x187: {  	[tilespmem:$0x1888] =	vst v0  }
0x188: {  	[tilespmem:$0x1898] =	vst v0  }
0x189: {  	[tilespmem:$0x18A8] =	vst v0  }
0x18a: {  	[tilespmem:$0x18B8] =	vst v0  }
0x18b: {  	[tilespmem:$0x18C8] =	vst v0  }
0x18c: {  	[tilespmem:$0x18D8] =	vst v0  }
0x18d: {  	[tilespmem:$0x18E8] =	vst v0  }
0x18e: {  	[tilespmem:$0x18F8] =	vst v0  }
0x18f: {  	[tilespmem:$0x1908] =	vst v0  }
0x190: {  	[tilespmem:$0x1918] =	vst v0  }
0x191: {  	[tilespmem:$0x1928] =	vst v0  }
0x192: {  	[tilespmem:$0x1938] =	vst v0  }
0x193: {  	[tilespmem:$0x1948] =	vst v0  }
0x194: {  	[tilespmem:$0x1958] =	vst v0  }
0x195: {  	[tilespmem:$0x1968] =	vst v0  }
0x196: {  	[tilespmem:$0x1978] =	vst v0  }
0x197: {  	[tilespmem:$0x1988] =	vst v0  }
0x198: {  	[tilespmem:$0x1998] =	vst v0  }
0x199: {  	[tilespmem:$0x19A8] =	vst v0  }
0x19a: {  	[tilespmem:$0x19B8] =	vst v0  }
0x19b: {  	[tilespmem:$0x19C8] =	vst v0  }
0x19c: {  	[tilespmem:$0x19D8] =	vst v0  }
0x19d: {  	[tilespmem:$0x19E8] =	vst v0  }
0x19e: {  	[tilespmem:$0x19F8] =	vst v0  }
0x19f: {  	[tilespmem:$0x1A08] =	vst v0  }
0x1a0: {  	[tilespmem:$0x1A18] =	vst v0  }
0x1a1: {  	[tilespmem:$0x1A28] =	vst v0  }
0x1a2: {  	[tilespmem:$0x1A38] =	vst v0  }
0x1a3: {  	[tilespmem:$0x1A48] =	vst v0  }
0x1a4: {  	[tilespmem:$0x1A58] =	vst v0  }
0x1a5: {  	[tilespmem:$0x1A68] =	vst v0  }
0x1a6: {  	[tilespmem:$0x1A78] =	vst v0  }
0x1a7: {  	[tilespmem:$0x1A88] =	vst v0  }
0x1a8: {  	[tilespmem:$0x1A98] =	vst v0  }
0x1a9: {  	[tilespmem:$0x1AA8] =	vst v0  }
0x1aa: {  	[tilespmem:$0x1AB8] =	vst v0  }
0x1ab: {  	[tilespmem:$0x1AC8] =	vst v0  }
0x1ac: {  	[tilespmem:$0x1AD8] =	vst v0  }
0x1ad: {  	[tilespmem:$0x1AE8] =	vst v0  }
0x1ae: {  	[tilespmem:$0x1AF8] =	vst v0  }
0x1af: {  	[tilespmem:$0x1B08] =	vst v0  }
0x1b0: {  	[tilespmem:$0x1B18] =	vst v0  }
0x1b1: {  	[tilespmem:$0x1B28] =	vst v0  }
0x1b2: {  	[tilespmem:$0x1B38] =	vst v0  }
0x1b3: {  	[tilespmem:$0x1B48] =	vst v0  }
0x1b4: {  	[tilespmem:$0x1B58] =	vst v0  }
0x1b5: {  	[tilespmem:$0x1B68] =	vst v0  }
0x1b6: {  	[tilespmem:$0x1B78] =	vst v0  }
0x1b7: {  	[tilespmem:$0x1B88] =	vst v0  }
0x1b8: {  	[tilespmem:$0x1B98] =	vst v0  }
0x1b9: {  	[tilespmem:$0x1BA8] =	vst v0  }
0x1ba: {  	[tilespmem:$0x1BB8] =	vst v0  }
0x1bb: {  	[tilespmem:$0x1BC8] =	vst v0  }
0x1bc: {  	[tilespmem:$0x1BD8] =	vst v0  }
0x1bd: {  	[tilespmem:$0x1BE8] =	vst v0  }
0x1be: {  	[tilespmem:$0x1BF8] =	vst v0  }
0x1bf: {  	[tilespmem:$0x1C08] =	vst v0  }
0x1c0: {  	[tilespmem:$0x1C18] =	vst v0  }
0x1c1: {  	[tilespmem:$0x1C28] =	vst v0  }
0x1c2: {  	[tilespmem:$0x1C38] =	vst v0  }
0x1c3: {  	[tilespmem:$0x1C48] =	vst v0  }
0x1c4: {  	[tilespmem:$0x1C58] =	vst v0  }
0x1c5: {  	[tilespmem:$0x1C68] =	vst v0  }
0x1c6: {  	[tilespmem:$0x1C78] =	vst v0  }
0x1c7: {  	[tilespmem:$0x1C88] =	vst v0  }
0x1c8: {  	[tilespmem:$0x1C98] =	vst v0  }
0x1c9: {  	[tilespmem:$0x1CA8] =	vst v0  }
0x1ca: {  	[tilespmem:$0x1CB8] =	vst v0  }
0x1cb: {  	[tilespmem:$0x1CC8] =	vst v0  }
0x1cc: {  	[tilespmem:$0x1CD8] =	vst v0  }
0x1cd: {  	[tilespmem:$0x1CE8] =	vst v0  }
0x1ce: {  	[tilespmem:$0x1CF8] =	vst v0  }
0x1cf: {  	[tilespmem:$0x1D08] =	vst v0  }
0x1d0: {  	[tilespmem:$0x1D18] =	vst v0  }
0x1d1: {  	[tilespmem:$0x1D28] =	vst v0  }
0x1d2: {  	[tilespmem:$0x1D38] =	vst v0  }
0x1d3: {  	[tilespmem:$0x1D48] =	vst v0  }
0x1d4: {  	[tilespmem:$0x1D58] =	vst v0  }
0x1d5: {  	[tilespmem:$0x1D68] =	vst v0  }
0x1d6: {  	[tilespmem:$0x1D78] =	vst v0  }
0x1d7: {  	[tilespmem:$0x1D88] =	vst v0  }
0x1d8: {  	[tilespmem:$0x1D98] =	vst v0  }
0x1d9: {  	[tilespmem:$0x1DA8] =	vst v0  }
0x1da: {  	[tilespmem:$0x1DB8] =	vst v0  }
0x1db: {  	[tilespmem:$0x1DC8] =	vst v0  }
0x1dc: {  	[tilespmem:$0x1DD8] =	vst v0  }
0x1dd: {  	[tilespmem:$0x1DE8] =	vst v0  }
0x1de: {  	[tilespmem:$0x1DF8] =	vst v0  }
0x1df: {  	[tilespmem:$0x1E08] =	vst v0  }
0x1e0: {  	[tilespmem:$0x1E18] =	vst v0  }
0x1e1: {  	[tilespmem:$0x1E28] =	vst v0  }
0x1e2: {  	[tilespmem:$0x1E38] =	vst v0  }
0x1e3: {  	[tilespmem:$0x1E48] =	vst v0  }
0x1e4: {  	[tilespmem:$0x1E58] =	vst v0  }
0x1e5: {  	[tilespmem:$0x1E68] =	vst v0  }
0x1e6: {  	[tilespmem:$0x1E78] =	vst v0  }
0x1e7: {  	[tilespmem:$0x1E88] =	vst v0  }
0x1e8: {  	[tilespmem:$0x1E98] =	vst v0  }
0x1e9: {  	[tilespmem:$0x1EA8] =	vst v0  }
0x1ea: {  	[tilespmem:$0x1EB8] =	vst v0  }
0x1eb: {  	[tilespmem:$0x1EC8] =	vst v0  }
0x1ec: {  	[tilespmem:$0x1ED8] =	vst v0  }
0x1ed: {  	[tilespmem:$0x1EE8] =	vst v0  }
0x1ee: {  	[tilespmem:$0x1EF8] =	vst v0  }
0x1ef: {  	[tilespmem:$0x1F08] =	vst v0  }
0x1f0: {  	[tilespmem:$0x1F18] =	vst v0  }
0x1f1: {  	[tilespmem:$0x1F28] =	vst v0  }
0x1f2: {  	[tilespmem:$0x1F38] =	vst v0  }
0x1f3: {  	[tilespmem:$0x1F48] =	vst v0  }
0x1f4: {  	[tilespmem:$0x1F58] =	vst v0  }
0x1f5: {  	[tilespmem:$0x1F68] =	vst v0  }
0x1f6: {  	[tilespmem:$0x1F78] =	vst v0  }
0x1f7: {  	[tilespmem:$0x1F88] =	vst v0  }
0x1f8: {  	[tilespmem:$0x1F98] =	vst v0  }
0x1f9: {  	[tilespmem:$0x1FA8] =	vst v0  }
0x1fa: {  	[tilespmem:$0x1FB8] =	vst v0  }
0x1fb: {  	[tilespmem:$0x1FC8] =	vst v0  }
0x1fc: {  	[tilespmem:$0x1FD8] =	vst v0  }
0x1fd: {  	[tilespmem:$0x1FE8] =	vst v0  }
0x1fe: {  	[tilespmem:$0x1FF8] =	vst v0  }
0x1ff: {  	[tilespmem:$0x2008] =	vst v0  }
0x200: {  	[tilespmem:$0x2018] =	vst v0  }
0x201: {  	[tilespmem:$0x2028] =	vst v0  }
0x202: {  	[tilespmem:$0x2038] =	vst v0  }
0x203: {  	[tilespmem:$0x2048] =	vst v0  }
0x204: {  	[tilespmem:$0x2058] =	vst v0  }
0x205: {  	[tilespmem:$0x2068] =	vst v0  }
0x206: {  	[tilespmem:$0x2078] =	vst v0  }
0x207: {  	[tilespmem:$0x2088] =	vst v0  }
0x208: {  	[tilespmem:$0x2098] =	vst v0  }
0x209: {  	[tilespmem:$0x20A8] =	vst v0  }
0x20a: {  	[tilespmem:$0x20B8] =	vst v0  }
0x20b: {  	[tilespmem:$0x20C8] =	vst v0  }
0x20c: {  	[tilespmem:$0x20D8] =	vst v0  }
0x20d: {  	[tilespmem:$0x20E8] =	vst v0  }
0x20e: {  	[tilespmem:$0x20F8] =	vst v0  }
0x20f: {  	[tilespmem:$0x2108] =	vst v0  }
0x210: {  	[tilespmem:$0x2118] =	vst v0  }
0x211: {  	[tilespmem:$0x2128] =	vst v0  }
0x212: {  	[tilespmem:$0x2138] =	vst v0  }
0x213: {  	[tilespmem:$0x2148] =	vst v0  }
0x214: {  	[tilespmem:$0x2158] =	vst v0  }
0x215: {  	[tilespmem:$0x2168] =	vst v0  }
0x216: {  	[tilespmem:$0x2178] =	vst v0  }
0x217: {  	[tilespmem:$0x2188] =	vst v0  }
0x218: {  	[tilespmem:$0x2198] =	vst v0  }
0x219: {  	[tilespmem:$0x21A8] =	vst v0  }
0x21a: {  	[tilespmem:$0x21B8] =	vst v0  }
0x21b: {  	[tilespmem:$0x21C8] =	vst v0  }
0x21c: {  	[tilespmem:$0x21D8] =	vst v0  }
0x21d: {  	[tilespmem:$0x21E8] =	vst v0  }
0x21e: {  	[tilespmem:$0x21F8] =	vst v0  }
0x21f: {  	[tilespmem:$0x2208] =	vst v0  }
0x220: {  	[tilespmem:$0x2218] =	vst v0  }
0x221: {  	[tilespmem:$0x2228] =	vst v0  }
0x222: {  	[tilespmem:$0x2238] =	vst v0  }
0x223: {  	[tilespmem:$0x2248] =	vst v0  }
0x224: {  	[tilespmem:$0x2258] =	vst v0  }
0x225: {  	[tilespmem:$0x2268] =	vst v0  }
0x226: {  	[tilespmem:$0x2278] =	vst v0  }
0x227: {  	[tilespmem:$0x2288] =	vst v0  }
0x228: {  	[tilespmem:$0x2298] =	vst v0  }
0x229: {  	[tilespmem:$0x22A8] =	vst v0  }
0x22a: {  	[tilespmem:$0x22B8] =	vst v0  }
0x22b: {  	[tilespmem:$0x22C8] =	vst v0  }
0x22c: {  	[tilespmem:$0x22D8] =	vst v0  }
0x22d: {  	[tilespmem:$0x22E8] =	vst v0  }
0x22e: {  	[tilespmem:$0x22F8] =	vst v0  }
0x22f: {  	[tilespmem:$0x2308] =	vst v0  }
0x230: {  	[tilespmem:$0x2318] =	vst v0  }
0x231: {  	[tilespmem:$0x2328] =	vst v0  }
0x232: {  	[tilespmem:$0x2338] =	vst v0  }
0x233: {  	[tilespmem:$0x2348] =	vst v0  }
0x234: {  	[tilespmem:$0x2358] =	vst v0  }
0x235: {  	[tilespmem:$0x2368] =	vst v0  }
0x236: {  	[tilespmem:$0x2378] =	vst v0  }
0x237: {  	[tilespmem:$0x2388] =	vst v0  }
0x238: {  	[tilespmem:$0x2398] =	vst v0  }
0x239: {  	[tilespmem:$0x23A8] =	vst v0  }
0x23a: {  	[tilespmem:$0x23B8] =	vst v0  }
0x23b: {  	[tilespmem:$0x23C8] =	vst v0  }
0x23c: {  	[tilespmem:$0x23D8] =	vst v0  }
0x23d: {  	[tilespmem:$0x23E8] =	vst v0  }
0x23e: {  	[tilespmem:$0x23F8] =	vst v0  }
0x23f: {  	[tilespmem:$0x2408] =	vst v0  }
0x240: {  	[tilespmem:$0x2418] =	vst v0  }
0x241: {  	[tilespmem:$0x2428] =	vst v0  }
0x242: {  	[tilespmem:$0x2438] =	vst v0  }
0x243: {  	[tilespmem:$0x2448] =	vst v0  }
0x244: {  	[tilespmem:$0x2458] =	vst v0  }
0x245: {  	[tilespmem:$0x2468] =	vst v0  }
0x246: {  	[tilespmem:$0x2478] =	vst v0  }
0x247: {  	[tilespmem:$0x2488] =	vst v0  }
0x248: {  	[tilespmem:$0x2498] =	vst v0  }
0x249: {  	[tilespmem:$0x24A8] =	vst v0  }
0x24a: {  	[tilespmem:$0x24B8] =	vst v0  }
0x24b: {  	[tilespmem:$0x24C8] =	vst v0  }
0x24c: {  	[tilespmem:$0x24D8] =	vst v0  }
0x24d: {  	[tilespmem:$0x24E8] =	vst v0  }
0x24e: {  	[tilespmem:$0x24F8] =	vst v0  }
0x24f: {  	[tilespmem:$0x2508] =	vst v0  }
0x250: {  	[tilespmem:$0x2518] =	vst v0  }
0x251: {  	[tilespmem:$0x2528] =	vst v0  }
0x252: {  	[tilespmem:$0x2538] =	vst v0  }
0x253: {  	[tilespmem:$0x2548] =	vst v0  }
0x254: {  	[tilespmem:$0x2558] =	vst v0  }
0x255: {  	[tilespmem:$0x2568] =	vst v0  }
0x256: {  	[tilespmem:$0x2578] =	vst v0  }
0x257: {  	[tilespmem:$0x2588] =	vst v0  }
0x258: {  	[tilespmem:$0x2598] =	vst v0  }
0x259: {  	[tilespmem:$0x25A8] =	vst v0  }
0x25a: {  	[tilespmem:$0x25B8] =	vst v0  }
0x25b: {  	[tilespmem:$0x25C8] =	vst v0  }
0x25c: {  	[tilespmem:$0x25D8] =	vst v0  }
0x25d: {  	[tilespmem:$0x25E8] =	vst v0  }
0x25e: {  	[tilespmem:$0x25F8] =	vst v0  }
0x25f: {  	[tilespmem:$0x2608] =	vst v0  }
0x260: {  	[tilespmem:$0x2618] =	vst v0  }
0x261: {  	[tilespmem:$0x2628] =	vst v0  }
0x262: {  	[tilespmem:$0x2638] =	vst v0  }
0x263: {  	[tilespmem:$0x2648] =	vst v0  }
0x264: {  	[tilespmem:$0x2658] =	vst v0  }
0x265: {  	[tilespmem:$0x2668] =	vst v0  }
0x266: {  	[tilespmem:$0x2678] =	vst v0  }
0x267: {  	[tilespmem:$0x2688] =	vst v0  }
0x268: {  	[tilespmem:$0x2698] =	vst v0  }
0x269: {  	[tilespmem:$0x26A8] =	vst v0  }
0x26a: {  	[tilespmem:$0x26B8] =	vst v0  }
0x26b: {  	[tilespmem:$0x26C8] =	vst v0  }
0x26c: {  	[tilespmem:$0x26D8] =	vst v0  }
0x26d: {  	[tilespmem:$0x26E8] =	vst v0  }
0x26e: {  	[tilespmem:$0x26F8] =	vst v0  }
0x26f: {  	[tilespmem:$0x2708] =	vst v0  }
0x270: {  	[tilespmem:$0x2718] =	vst v0  }
0x271: {  	[tilespmem:$0x2728] =	vst v0  }
0x272: {  	[tilespmem:$0x2738] =	vst v0  }
0x273: {  	[tilespmem:$0x2748] =	vst v0  }
0x274: {  	[tilespmem:$0x2758] =	vst v0  }
0x275: {  	[tilespmem:$0x2768] =	vst v0  }
0x276: {  	[tilespmem:$0x2778] =	vst v0  }
0x277: {  	[tilespmem:$0x2788] =	vst v0  }
0x278: {  	[tilespmem:$0x2798] =	vst v0  }
0x279: {  	[tilespmem:$0x27A8] =	vst v0  }
0x27a: {  	[tilespmem:$0x27B8] =	vst v0  }
0x27b: {  	[tilespmem:$0x27C8] =	vst v0  }
0x27c: {  	[tilespmem:$0x27D8] =	vst v0  }
0x27d: {  	[tilespmem:$0x27E8] =	vst v0  }
0x27e: {  	[tilespmem:$0x27F8] =	vst v0  }
0x27f: {  	[tilespmem:$0x2808] =	vst v0  }
0x280: {  	[tilespmem:$0x2818] =	vst v0  }
0x281: {  	[tilespmem:$0x2828] =	vst v0  }
0x282: {  	[tilespmem:$0x2838] =	vst v0  }
0x283: {  	[tilespmem:$0x2848] =	vst v0  }
0x284: {  	[tilespmem:$0x2858] =	vst v0  }
0x285: {  	[tilespmem:$0x2868] =	vst v0  }
0x286: {  	[tilespmem:$0x2878] =	vst v0  }
0x287: {  	[tilespmem:$0x2888] =	vst v0  }
0x288: {  	[tilespmem:$0x2898] =	vst v0  }
0x289: {  	[tilespmem:$0x28A8] =	vst v0  }
0x28a: {  	[tilespmem:$0x28B8] =	vst v0  }
0x28b: {  	[tilespmem:$0x28C8] =	vst v0  }
0x28c: {  	[tilespmem:$0x28D8] =	vst v0  }
0x28d: {  	[tilespmem:$0x28E8] =	vst v0  }
0x28e: {  	[tilespmem:$0x28F8] =	vst v0  }
0x28f: {  	[tilespmem:$0x2908] =	vst v0  }
0x290: {  	[tilespmem:$0x2918] =	vst v0  }
0x291: {  	[tilespmem:$0x2928] =	vst v0  }
0x292: {  	[tilespmem:$0x2938] =	vst v0  }
0x293: {  	[tilespmem:$0x2948] =	vst v0  }
0x294: {  	[tilespmem:$0x2958] =	vst v0  }
0x295: {  	[tilespmem:$0x2968] =	vst v0  }
0x296: {  	[tilespmem:$0x2978] =	vst v0  }
0x297: {  	[tilespmem:$0x2988] =	vst v0  }
0x298: {  	[tilespmem:$0x2998] =	vst v0  }
0x299: {  	[tilespmem:$0x29A8] =	vst v0  }
0x29a: {  	[tilespmem:$0x29B8] =	vst v0  }
0x29b: {  	[tilespmem:$0x29C8] =	vst v0  }
0x29c: {  	[tilespmem:$0x29D8] =	vst v0  }
0x29d: {  	[tilespmem:$0x29E8] =	vst v0  }
0x29e: {  	[tilespmem:$0x29F8] =	vst v0  }
0x29f: {  	[tilespmem:$0x2A08] =	vst v0  }
0x2a0: {  	[tilespmem:$0x2A18] =	vst v0  }
0x2a1: {  	[tilespmem:$0x2A28] =	vst v0  }
0x2a2: {  	[tilespmem:$0x2A38] =	vst v0  }
0x2a3: {  	[tilespmem:$0x2A48] =	vst v0  }
0x2a4: {  	[tilespmem:$0x2A58] =	vst v0  }
0x2a5: {  	[tilespmem:$0x2A68] =	vst v0  }
0x2a6: {  	[tilespmem:$0x2A78] =	vst v0  }
0x2a7: {  	[tilespmem:$0x2A88] =	vst v0  }
0x2a8: {  	[tilespmem:$0x2A98] =	vst v0  }
0x2a9: {  	[tilespmem:$0x2AA8] =	vst v0  }
0x2aa: {  	[tilespmem:$0x2AB8] =	vst v0  }
0x2ab: {  	[tilespmem:$0x2AC8] =	vst v0  }
0x2ac: {  	[tilespmem:$0x2AD8] =	vst v0  }
0x2ad: {  	[tilespmem:$0x2AE8] =	vst v0  }
0x2ae: {  	[tilespmem:$0x2AF8] =	vst v0  }
0x2af: {  	[tilespmem:$0x2B08] =	vst v0  }
0x2b0: {  	[tilespmem:$0x2B18] =	vst v0  }
0x2b1: {  	[tilespmem:$0x2B28] =	vst v0  }
0x2b2: {  	[tilespmem:$0x2B38] =	vst v0  }
0x2b3: {  	[tilespmem:$0x2B48] =	vst v0  }
0x2b4: {  	[tilespmem:$0x2B58] =	vst v0  }
0x2b5: {  	[tilespmem:$0x2B68] =	vst v0  }
0x2b6: {  	[tilespmem:$0x2B78] =	vst v0  }
0x2b7: {  	[tilespmem:$0x2B88] =	vst v0  }
0x2b8: {  	[tilespmem:$0x2B98] =	vst v0  }
0x2b9: {  	[tilespmem:$0x2BA8] =	vst v0  }
0x2ba: {  	[tilespmem:$0x2BB8] =	vst v0  }
0x2bb: {  	[tilespmem:$0x2BC8] =	vst v0  }
0x2bc: {  	[tilespmem:$0x2BD8] =	vst v0  }
0x2bd: {  	[tilespmem:$0x2BE8] =	vst v0  }
0x2be: {  	[tilespmem:$0x2BF8] =	vst v0  }
0x2bf: {  	[tilespmem:$0x2C08] =	vst v0  }
0x2c0: {  	[tilespmem:$0x2C18] =	vst v0  }
0x2c1: {  	[tilespmem:$0x2C28] =	vst v0  }
0x2c2: {  	[tilespmem:$0x2C38] =	vst v0  }
0x2c3: {  	[tilespmem:$0x2C48] =	vst v0  }
0x2c4: {  	[tilespmem:$0x2C58] =	vst v0  }
0x2c5: {  	[tilespmem:$0x2C68] =	vst v0  }
0x2c6: {  	[tilespmem:$0x2C78] =	vst v0  }
0x2c7: {  	[tilespmem:$0x2C88] =	vst v0  }
0x2c8: {  	[tilespmem:$0x2C98] =	vst v0  }
0x2c9: {  	[tilespmem:$0x2CA8] =	vst v0  }
0x2ca: {  	[tilespmem:$0x2CB8] =	vst v0  }
0x2cb: {  	[tilespmem:$0x2CC8] =	vst v0  }
0x2cc: {  	[tilespmem:$0x2CD8] =	vst v0  }
0x2cd: {  	[tilespmem:$0x2CE8] =	vst v0  }
0x2ce: {  	[tilespmem:$0x2CF8] =	vst v0  }
0x2cf: {  	[tilespmem:$0x2D08] =	vst v0  }
0x2d0: {  	[tilespmem:$0x2D18] =	vst v0  }
0x2d1: {  	[tilespmem:$0x2D28] =	vst v0  }
0x2d2: {  	[tilespmem:$0x2D38] =	vst v0  }
0x2d3: {  	[tilespmem:$0x2D48] =	vst v0  }
0x2d4: {  	[tilespmem:$0x2D58] =	vst v0  }
0x2d5: {  	[tilespmem:$0x2D68] =	vst v0  }
0x2d6: {  	[tilespmem:$0x2D78] =	vst v0  }
0x2d7: {  	[tilespmem:$0x2D88] =	vst v0  }
0x2d8: {  	[tilespmem:$0x2D98] =	vst v0  }
0x2d9: {  	[tilespmem:$0x2DA8] =	vst v0  }
0x2da: {  	[tilespmem:$0x2DB8] =	vst v0  }
0x2db: {  	[tilespmem:$0x2DC8] =	vst v0  }
0x2dc: {  	[tilespmem:$0x2DD8] =	vst v0  }
0x2dd: {  	[tilespmem:$0x2DE8] =	vst v0  }
0x2de: {  	[tilespmem:$0x2DF8] =	vst v0  }
0x2df: {  	[tilespmem:$0x2E08] =	vst v0  }
0x2e0: {  	[tilespmem:$0x2E18] =	vst v0  }
0x2e1: {  	[tilespmem:$0x2E28] =	vst v0  }
0x2e2: {  	[tilespmem:$0x2E38] =	vst v0  }
0x2e3: {  	[tilespmem:$0x2E48] =	vst v0  }
0x2e4: {  	[tilespmem:$0x2E58] =	vst v0  }
0x2e5: {  	[tilespmem:$0x2E68] =	vst v0  }
0x2e6: {  	[tilespmem:$0x2E78] =	vst v0  }
0x2e7: {  	[tilespmem:$0x2E88] =	vst v0  }
0x2e8: {  	[tilespmem:$0x2E98] =	vst v0  }
0x2e9: {  	[tilespmem:$0x2EA8] =	vst v0  }
0x2ea: {  	[tilespmem:$0x2EB8] =	vst v0  }
0x2eb: {  	[tilespmem:$0x2EC8] =	vst v0  }
0x2ec: {  	[tilespmem:$0x2ED8] =	vst v0  }
0x2ed: {  	[tilespmem:$0x2EE8] =	vst v0  }
0x2ee: {  	[tilespmem:$0x2EF8] =	vst v0  }
0x2ef: {  	[tilespmem:$0x2F08] =	vst v0  }
0x2f0: {  	[tilespmem:$0x2F18] =	vst v0  }
0x2f1: {  	[tilespmem:$0x2F28] =	vst v0  }
0x2f2: {  	[tilespmem:$0x2F38] =	vst v0  }
0x2f3: {  	[tilespmem:$0x2F48] =	vst v0  }
0x2f4: {  	[tilespmem:$0x2F58] =	vst v0  }
0x2f5: {  	[tilespmem:$0x2F68] =	vst v0  }
0x2f6: {  	[tilespmem:$0x2F78] =	vst v0  }
0x2f7: {  	[tilespmem:$0x2F88] =	vst v0  }
0x2f8: {  	[tilespmem:$0x2F98] =	vst v0  }
0x2f9: {  	[tilespmem:$0x2FA8] =	vst v0  }
0x2fa: {  	[tilespmem:$0x2FB8] =	vst v0  }
0x2fb: {  	[tilespmem:$0x2FC8] =	vst v0  }
0x2fc: {  	[tilespmem:$0x2FD8] =	vst v0  }
0x2fd: {  	[tilespmem:$0x2FE8] =	vst v0  }
0x2fe: {  	[tilespmem:$0x2FF8] =	vst v0  }
0x2ff: {  	[tilespmem:$0x3008] =	vst v0  }
0x300: {  	[tilespmem:$0x3018] =	vst v0  }
0x301: {  	[tilespmem:$0x3028] =	vst v0  }
0x302: {  	[tilespmem:$0x3038] =	vst v0  }
0x303: {  	[tilespmem:$0x3048] =	vst v0  }
0x304: {  	[tilespmem:$0x3058] =	vst v0  }
0x305: {  	[tilespmem:$0x3068] =	vst v0  }
0x306: {  	[tilespmem:$0x3078] =	vst v0  }
0x307: {  	[tilespmem:$0x3088] =	vst v0  }
0x308: {  	[tilespmem:$0x3098] =	vst v0  }
0x309: {  	[tilespmem:$0x30A8] =	vst v0  }
0x30a: {  	[tilespmem:$0x30B8] =	vst v0  }
0x30b: {  	[tilespmem:$0x30C8] =	vst v0  }
0x30c: {  	[tilespmem:$0x30D8] =	vst v0  }
0x30d: {  	[tilespmem:$0x30E8] =	vst v0  }
0x30e: {  	[tilespmem:$0x30F8] =	vst v0  }
0x30f: {  	[tilespmem:$0x3108] =	vst v0  }
0x310: {  	[tilespmem:$0x3118] =	vst v0  }
0x311: {  	[tilespmem:$0x3128] =	vst v0  }
0x312: {  	[tilespmem:$0x3138] =	vst v0  }
0x313: {  	[tilespmem:$0x3148] =	vst v0  }
0x314: {  	[tilespmem:$0x3158] =	vst v0  }
0x315: {  	[tilespmem:$0x3168] =	vst v0  }
0x316: {  	[tilespmem:$0x3178] =	vst v0  }
0x317: {  	[tilespmem:$0x3188] =	vst v0  }
0x318: {  	[tilespmem:$0x3198] =	vst v0  }
0x319: {  	[tilespmem:$0x31A8] =	vst v0  }
0x31a: {  	[tilespmem:$0x31B8] =	vst v0  }
0x31b: {  	[tilespmem:$0x31C8] =	vst v0  }
0x31c: {  	[tilespmem:$0x31D8] =	vst v0  }
0x31d: {  	[tilespmem:$0x31E8] =	vst v0  }
0x31e: {  	[tilespmem:$0x31F8] =	vst v0  }
0x31f: {  	[tilespmem:$0x3208] =	vst v0  }
0x320: {  	[tilespmem:$0x3218] =	vst v0  }
0x321: {  	[tilespmem:$0x3228] =	vst v0  }
0x322: {  	[tilespmem:$0x3238] =	vst v0  }
0x323: {  	[tilespmem:$0x3248] =	vst v0  }
0x324: {  	[tilespmem:$0x3258] =	vst v0  }
0x325: {  	[tilespmem:$0x3268] =	vst v0  }
0x326: {  	[tilespmem:$0x3278] =	vst v0  }
0x327: {  	[tilespmem:$0x3288] =	vst v0  }
0x328: {  	[tilespmem:$0x3298] =	vst v0  }
0x329: {  	[tilespmem:$0x32A8] =	vst v0  }
0x32a: {  	[tilespmem:$0x32B8] =	vst v0  }
0x32b: {  	[tilespmem:$0x32C8] =	vst v0  }
0x32c: {  	[tilespmem:$0x32D8] =	vst v0  }
0x32d: {  	[tilespmem:$0x32E8] =	vst v0  }
0x32e: {  	[tilespmem:$0x32F8] =	vst v0  }
0x32f: {  	[tilespmem:$0x3308] =	vst v0  }
0x330: {  	[tilespmem:$0x3318] =	vst v0  }
0x331: {  	[tilespmem:$0x3328] =	vst v0  }
0x332: {  	[tilespmem:$0x3338] =	vst v0  }
0x333: {  	[tilespmem:$0x3348] =	vst v0  }
0x334: {  	[tilespmem:$0x3358] =	vst v0  }
0x335: {  	[tilespmem:$0x3368] =	vst v0  }
0x336: {  	[tilespmem:$0x3388] =	vst v0  }
0x337: {  	[tilespmem:$0x3458] =	vst v0  }
0x338: {  	[tilespmem:$0x4288] =	vst v0  }
0x339: {  	[tilespmem:$0x4278] =	vst v0  }
0x33a: {  	[tilespmem:$0x4268] =	vst v0  }
0x33b: {  	[tilespmem:$0x4258] =	vst v0  }
0x33c: {  	[tilespmem:$0x4248] =	vst v0  }
0x33d: {  	[tilespmem:$0x4238] =	vst v0  }
0x33e: {  	[tilespmem:$0x4228] =	vst v0  }
0x33f: {  	[tilespmem:$0x4218] =	vst v0  }
0x340: {  	[tilespmem:$0x4208] =	vst v0  }
0x341: {  	[tilespmem:$0x41F8] =	vst v0  }
0x342: {  	[tilespmem:$0x41E8] =	vst v0  }
0x343: {  	[tilespmem:$0x41D8] =	vst v0  }
0x344: {  	[tilespmem:$0x41C8] =	vst v0  }
0x345: {  	[tilespmem:$0x41B8] =	vst v0  }
0x346: {  	[tilespmem:$0x41A8] =	vst v0  }
0x347: {  	[tilespmem:$0x4198] =	vst v0  }
0x348: {  	[tilespmem:$0x4188] =	vst v0  }
0x349: {  	[tilespmem:$0x4178] =	vst v0  }
0x34a: {  	[tilespmem:$0x4168] =	vst v0  }
0x34b: {  	[tilespmem:$0x4158] =	vst v0  }
0x34c: {  	[tilespmem:$0x4148] =	vst v0  }
0x34d: {  	[tilespmem:$0x4138] =	vst v0  }
0x34e: {  	[tilespmem:$0x4128] =	vst v0  }
0x34f: {  	[tilespmem:$0x4118] =	vst v0  }
0x350: {  	[tilespmem:$0x4108] =	vst v0  }
0x351: {  	[tilespmem:$0x40F8] =	vst v0  }
0x352: {  	[tilespmem:$0x40E8] =	vst v0  }
0x353: {  	[tilespmem:$0x40D8] =	vst v0  }
0x354: {  	[tilespmem:$0x40C8] =	vst v0  }
0x355: {  	[tilespmem:$0x40B8] =	vst v0  }
0x356: {  	[tilespmem:$0x40A8] =	vst v0  }
0x357: {  	[tilespmem:$0x4098] =	vst v0  }
0x358: {  	[tilespmem:$0x4088] =	vst v0  }
0x359: {  	[tilespmem:$0x4078] =	vst v0  }
0x35a: {  	[tilespmem:$0x4068] =	vst v0  }
0x35b: {  	[tilespmem:$0x4058] =	vst v0  }
0x35c: {  	[tilespmem:$0x4048] =	vst v0  }
0x35d: {  	[tilespmem:$0x4038] =	vst v0  }
0x35e: {  	[tilespmem:$0x4028] =	vst v0  }
0x35f: {  	[tilespmem:$0x4018] =	vst v0  }
0x360: {  	[tilespmem:$0x4008] =	vst v0  }
0x361: {  	[tilespmem:$0x3FF8] =	vst v0  }
0x362: {  	[tilespmem:$0x3FE8] =	vst v0  }
0x363: {  	[tilespmem:$0x3FD8] =	vst v0  }
0x364: {  	[tilespmem:$0x3FC8] =	vst v0  }
0x365: {  	[tilespmem:$0x3FB8] =	vst v0  }
0x366: {  	[tilespmem:$0x3FA8] =	vst v0  }
0x367: {  	[tilespmem:$0x3F98] =	vst v0  }
0x368: {  	[tilespmem:$0x3F88] =	vst v0  }
0x369: {  	[tilespmem:$0x3F78] =	vst v0  }
0x36a: {  	[tilespmem:$0x3F68] =	vst v0  }
0x36b: {  	[tilespmem:$0x3F58] =	vst v0  }
0x36c: {  	[tilespmem:$0x3F48] =	vst v0  }
0x36d: {  	[tilespmem:$0x3F38] =	vst v0  }
0x36e: {  	[tilespmem:$0x3F28] =	vst v0  }
0x36f: {  	[tilespmem:$0x3F18] =	vst v0  }
0x370: {  	[tilespmem:$0x3F08] =	vst v0  }
0x371: {  	[tilespmem:$0x3EF8] =	vst v0  }
0x372: {  	[tilespmem:$0x3EE8] =	vst v0  }
0x373: {  	[tilespmem:$0x3ED8] =	vst v0  }
0x374: {  	[tilespmem:$0x3EC8] =	vst v0  }
0x375: {  	[tilespmem:$0x3EB8] =	vst v0  }
0x376: {  	[tilespmem:$0x3EA8] =	vst v0  }
0x377: {  	[tilespmem:$0x3E98] =	vst v0  }
0x378: {  	[tilespmem:$0x3E88] =	vst v0  }
0x379: {  	[tilespmem:$0x3E78] =	vst v0  }
0x37a: {  	[tilespmem:$0x3E68] =	vst v0  }
0x37b: {  	[tilespmem:$0x3E58] =	vst v0  }
0x37c: {  	[tilespmem:$0x3E48] =	vst v0  }
0x37d: {  	[tilespmem:$0x3E38] =	vst v0  }
0x37e: {  	[tilespmem:$0x3E28] =	vst v0  }
0x37f: {  	[tilespmem:$0x3E18] =	vst v0  }
0x380: {  	[tilespmem:$0x3E08] =	vst v0  }
0x381: {  	[tilespmem:$0x3DF8] =	vst v0  }
0x382: {  	[tilespmem:$0x3DE8] =	vst v0  }
0x383: {  	[tilespmem:$0x3DD8] =	vst v0  }
0x384: {  	[tilespmem:$0x3DC8] =	vst v0  }
0x385: {  	[tilespmem:$0x3DB8] =	vst v0  }
0x386: {  	[tilespmem:$0x3DA8] =	vst v0  }
0x387: {  	[tilespmem:$0x3D98] =	vst v0  }
0x388: {  	[tilespmem:$0x3D88] =	vst v0  }
0x389: {  	[tilespmem:$0x3D78] =	vst v0  }
0x38a: {  	[tilespmem:$0x3D68] =	vst v0  }
0x38b: {  	[tilespmem:$0x3D58] =	vst v0  }
0x38c: {  	[tilespmem:$0x3D48] =	vst v0  }
0x38d: {  	[tilespmem:$0x3D38] =	vst v0  }
0x38e: {  	[tilespmem:$0x3D28] =	vst v0  }
0x38f: {  	[tilespmem:$0x3D18] =	vst v0  }
0x390: {  	[tilespmem:$0x3D08] =	vst v0  }
0x391: {  	[tilespmem:$0x3CF8] =	vst v0  }
0x392: {  	[tilespmem:$0x3CE8] =	vst v0  }
0x393: {  	[tilespmem:$0x3CD8] =	vst v0  }
0x394: {  	[tilespmem:$0x3CC8] =	vst v0  }
0x395: {  	[tilespmem:$0x3CB8] =	vst v0  }
0x396: {  	[tilespmem:$0x3CA8] =	vst v0  }
0x397: {  	[tilespmem:$0x3C98] =	vst v0  }
0x398: {  	[tilespmem:$0x3C88] =	vst v0  }
0x399: {  	[tilespmem:$0x3C78] =	vst v0  }
0x39a: {  	[tilespmem:$0x3C68] =	vst v0  }
0x39b: {  	[tilespmem:$0x3C58] =	vst v0  }
0x39c: {  	[tilespmem:$0x3C48] =	vst v0  }
0x39d: {  	[tilespmem:$0x3C38] =	vst v0  }
0x39e: {  	[tilespmem:$0x3C28] =	vst v0  }
0x39f: {  	[tilespmem:$0x3C18] =	vst v0  }
0x3a0: {  	[tilespmem:$0x3C08] =	vst v0  }
0x3a1: {  	[tilespmem:$0x3BF8] =	vst v0  }
0x3a2: {  	[tilespmem:$0x3BE8] =	vst v0  }
0x3a3: {  	[tilespmem:$0x3BD8] =	vst v0  }
0x3a4: {  	[tilespmem:$0x3BC8] =	vst v0  }
0x3a5: {  	[tilespmem:$0x3BB8] =	vst v0  }
0x3a6: {  	[tilespmem:$0x3BA8] =	vst v0  }
0x3a7: {  	[tilespmem:$0x3B98] =	vst v0  }
0x3a8: {  	[tilespmem:$0x3B88] =	vst v0  }
0x3a9: {  	[tilespmem:$0x3B78] =	vst v0  }
0x3aa: {  	[tilespmem:$0x3B68] =	vst v0  }
0x3ab: {  	[tilespmem:$0x3B58] =	vst v0  }
0x3ac: {  	[tilespmem:$0x3B48] =	vst v0  }
0x3ad: {  	[tilespmem:$0x3B38] =	vst v0  }
0x3ae: {  	[tilespmem:$0x3B28] =	vst v0  }
0x3af: {  	[tilespmem:$0x3B18] =	vst v0  }
0x3b0: {  	[tilespmem:$0x3B08] =	vst v0  }
0x3b1: {  	[tilespmem:$0x3AF8] =	vst v0  }
0x3b2: {  	[tilespmem:$0x3AE8] =	vst v0  }
0x3b3: {  	[tilespmem:$0x3AD8] =	vst v0  }
0x3b4: {  	[tilespmem:$0x3AC8] =	vst v0  }
0x3b5: {  	[tilespmem:$0x3AB8] =	vst v0  }
0x3b6: {  	[tilespmem:$0x3AA8] =	vst v0  }
0x3b7: {  	[tilespmem:$0x3A98] =	vst v0  }
0x3b8: {  	[tilespmem:$0x3A88] =	vst v0  }
0x3b9: {  	[tilespmem:$0x3A78] =	vst v0  }
0x3ba: {  	[tilespmem:$0x3A68] =	vst v0  }
0x3bb: {  	[tilespmem:$0x3A58] =	vst v0  }
0x3bc: {  	[tilespmem:$0x3A48] =	vst v0  }
0x3bd: {  	[tilespmem:$0x3A38] =	vst v0  }
0x3be: {  	[tilespmem:$0x3A28] =	vst v0  }
0x3bf: {  	[tilespmem:$0x3A18] =	vst v0  }
0x3c0: {  	[tilespmem:$0x3A08] =	vst v0  }
0x3c1: {  	[tilespmem:$0x39F8] =	vst v0  }
0x3c2: {  	[tilespmem:$0x39E8] =	vst v0  }
0x3c3: {  	[tilespmem:$0x39D8] =	vst v0  }
0x3c4: {  	[tilespmem:$0x39C8] =	vst v0  }
0x3c5: {  	[tilespmem:$0x39B8] =	vst v0  }
0x3c6: {  	[tilespmem:$0x39A8] =	vst v0  }
0x3c7: {  	[tilespmem:$0x3998] =	vst v0  }
0x3c8: {  	[tilespmem:$0x3988] =	vst v0  }
0x3c9: {  	[tilespmem:$0x3978] =	vst v0  }
0x3ca: {  	[tilespmem:$0x3968] =	vst v0  }
0x3cb: {  	[tilespmem:$0x3958] =	vst v0  }
0x3cc: {  	[tilespmem:$0x3948] =	vst v0  }
0x3cd: {  	[tilespmem:$0x3938] =	vst v0  }
0x3ce: {  	[tilespmem:$0x3928] =	vst v0  }
0x3cf: {  	[tilespmem:$0x3918] =	vst v0  }
0x3d0: {  	[tilespmem:$0x3908] =	vst v0  }
0x3d1: {  	[tilespmem:$0x38F8] =	vst v0  }
0x3d2: {  	[tilespmem:$0x38E8] =	vst v0  }
0x3d3: {  	[tilespmem:$0x38D8] =	vst v0  }
0x3d4: {  	[tilespmem:$0x38C8] =	vst v0  }
0x3d5: {  	[tilespmem:$0x38B8] =	vst v0  }
0x3d6: {  	[tilespmem:$0x38A8] =	vst v0  }
0x3d7: {  	[tilespmem:$0x3898] =	vst v0  }
0x3d8: {  	[tilespmem:$0x3888] =	vst v0  }
0x3d9: {  	[tilespmem:$0x3878] =	vst v0  }
0x3da: {  	[tilespmem:$0x3868] =	vst v0  }
0x3db: {  	[tilespmem:$0x3858] =	vst v0  }
0x3dc: {  	[tilespmem:$0x3848] =	vst v0  }
0x3dd: {  	[tilespmem:$0x3838] =	vst v0  }
0x3de: {  	[tilespmem:$0x3828] =	vst v0  }
0x3df: {  	[tilespmem:$0x3818] =	vst v0  }
0x3e0: {  	[tilespmem:$0x3808] =	vst v0  }
0x3e1: {  	[tilespmem:$0x37F8] =	vst v0  }
0x3e2: {  	[tilespmem:$0x37E8] =	vst v0  }
0x3e3: {  	[tilespmem:$0x37D8] =	vst v0  }
0x3e4: {  	[tilespmem:$0x37C8] =	vst v0  }
0x3e5: {  	[tilespmem:$0x37B8] =	vst v0  }
0x3e6: {  	[tilespmem:$0x37A8] =	vst v0  }
0x3e7: {  	[tilespmem:$0x3798] =	vst v0  }
0x3e8: {  	[tilespmem:$0x3788] =	vst v0  }
0x3e9: {  	[tilespmem:$0x3778] =	vst v0  }
0x3ea: {  	[tilespmem:$0x3768] =	vst v0  }
0x3eb: {  	[tilespmem:$0x3758] =	vst v0  }
0x3ec: {  	[tilespmem:$0x3748] =	vst v0  }
0x3ed: {  	[tilespmem:$0x3738] =	vst v0  }
0x3ee: {  	[tilespmem:$0x3728] =	vst v0  }
0x3ef: {  	[tilespmem:$0x3718] =	vst v0  }
0x3f0: {  	[tilespmem:$0x3708] =	vst v0  }
0x3f1: {  	[tilespmem:$0x36F8] =	vst v0  }
0x3f2: {  	[tilespmem:$0x36E8] =	vst v0  }
0x3f3: {  	[tilespmem:$0x36D8] =	vst v0  }
0x3f4: {  	[tilespmem:$0x36C8] =	vst v0  }
0x3f5: {  	[tilespmem:$0x36B8] =	vst v0  }
0x3f6: {  	[tilespmem:$0x36A8] =	vst v0  }
0x3f7: {  	[tilespmem:$0x3698] =	vst v0  }
0x3f8: {  	[tilespmem:$0x3688] =	vst v0  }
0x3f9: {  	[tilespmem:$0x3678] =	vst v0  }
0x3fa: {  	[tilespmem:$0x3668] =	vst v0  }
0x3fb: {  	[tilespmem:$0x3658] =	vst v0  }
0x3fc: {  	[tilespmem:$0x3648] =	vst v0  }
0x3fd: {  	[tilespmem:$0x3638] =	vst v0  }
0x3fe: {  	[tilespmem:$0x3628] =	vst v0  }
0x3ff: {  	[tilespmem:$0x3618] =	vst v0  }
0x400: {  	[tilespmem:$0x3608] =	vst v0  }
0x401: {  	[tilespmem:$0x35F8] =	vst v0  }
0x402: {  	[tilespmem:$0x35E8] =	vst v0  }
0x403: {  	[tilespmem:$0x35D8] =	vst v0  }
0x404: {  	[tilespmem:$0x35C8] =	vst v0  }
0x405: {  	[tilespmem:$0x35B8] =	vst v0  }
0x406: {  	[tilespmem:$0x35A8] =	vst v0  }
0x407: {  	[tilespmem:$0x3598] =	vst v0  }
0x408: {  	[tilespmem:$0x3588] =	vst v0  }
0x409: {  	[tilespmem:$0x3578] =	vst v0  }
0x40a: {  	[tilespmem:$0x3568] =	vst v0  }
0x40b: {  	[tilespmem:$0x3558] =	vst v0  }
0x40c: {  	[tilespmem:$0x3548] =	vst v0  }
0x40d: {  	[tilespmem:$0x3538] =	vst v0  }
0x40e: {  	[tilespmem:$0x3528] =	vst v0  }
0x40f: {  	[tilespmem:$0x3518] =	vst v0  }
0x410: {  	[tilespmem:$0x3508] =	vst v0  }
0x411: {  	[tilespmem:$0x34F8] =	vst v0  }
0x412: {  	[tilespmem:$0x34E8] =	vst v0  }
0x413: {  	[tilespmem:$0x34D8] =	vst v0  }
0x414: {  	[tilespmem:$0x34C8] =	vst v0  }
0x415: {  	s5 =	srdreg.scid;
	[tilespmem:$0x34B8] =	vst v0  }
0x416: {  	s5 =	sshll.u32 s5, $0x4;
	[tilespmem:$0x34A8] =	vst v0  }
0x417: {  	s6 =	stileid.u32;
	s5 =	sand.u32 $0x10, s5;
	[tilespmem:$0x3498] =	vst v0  }
0x418: {  	[tilespmem:$0x3488] =	vst v0;
	s5 =	sor.u32 s6, s5  }
0x419: {  	[tilespmem:$0x3478] =	vst v0;
	s7 =	smul.u32 $0x8E, s5  }
0x41a: {  	s8 =	smin.u32 s5, $0x2;
	[tilespmem:$0x3468] =	vst v0  }
0x41b: {  	[tilespmem:$0x3438] =	vst v0;
	s7 =	sadd.s32 s8, s7  }
0x41c: {  	[tilespmem:$0x3448] =	vst v0;
	p0 =	slt.u32 s5, $0x2;
	s8 =	simm.s32 $0xC4A0;
	s7 =	smul.u32 $0x160, s7  }
0x41d: {  	s8 =	simm.s32 @!p0 $0xC340;
	[tilespmem:$0x3428] =	vst v0  }
0x41e: {  	[tilespmem:$0x33B8] =	vst v0;
	s29 =	sadd.s32 s8, s7  }
0x41f: {  	[tilespmem:$0x3418] =	vst v0;
	s8 =	smin.u32 s29, $0x186AC0  }
0x420: {  	[tilespmem:$0x3408] =	vst v0;
	s12 =	ssub.s32 s8, s7  }
0x421: {  	[tilespmem:$0x33F8] =	vst v0;
	p0 =	sgt.s32 s12, $0x0  }
0x422: {  	[tilespmem:$0x33E8] =	vst v0;
	s12 =	simm.s32 @!p0 $0x0  }
0x423: {  	[tilespmem:$0x33D8] =	vst v0;
	s30 =	smulhi.u32 $0x2E8BA2E9, s12  }
0x424: {  	[tilespmem:$0x33C8] =	vst v0  }
0x425: {  	s9 =	simm.s32 $0x2;
	s11 =	simm.s32 $0x9;
	[tilespmem:$0x3398] =	vst v0;
	s13 =	sshrl.u32 s30, $0x6  }
0x426: {  	s17 =	simm.s32 $0x0;
	s16 =	simm.s32 $0x0;
	[tilespmem:$0x33A8] =	vst v0;
	s14 =	smul.u32 $0x160, s13  }
.Ltmp0:
0x427: {  	s10 =	sadd.s32 $0x12BA00, s4;
	[tilespmem:$0x3378] =	vst v0;
	[sflag:s9] =	ssyncpa.u1 $0x0;
	v0 =	vimm.s32 $0xFFFFFFFF;
	(pc) =	sbr.rel .LBB2_1-.Ltmp0, $4  }
0x428: {  	s31 =	smul.u32 $0x180, s6;
	[tilespmem:$0x84C8] =	vst v0;
	[sflag:s11] =	ssyncpa.u1 $0x0;
	s5 =	sadd.s32 $0x15C800, s4  }
0x429: {  	s4 =	sadd.s32 $0x3323000, s4;
	p0 =	sne.s32 s12, s14;
	s12 =	simm.s32 $0x1  }
0x42a: {  	s15 =	smov.u32 s7;
	s14 =	simm.s32 $0xA;
	s12 =	simm.s32 @!p0 $0x0  }
0x42b: {  	v0 =	vlaneseq.u32;
	p0 =	por $0x0, $0x0;
	s12 =	sadd.s32 s12, s13;
	s13 =	sshrl.u32 s31, $0x2  }
.LBB2_16:
0x42c: {  	s18 =	sshrl.u32 s25, $0x2  }
.LBB2_18:
0x42d: {  	_ =	swait.ge [sflag:s14], s18  }
0x42e: {  	s0 =	ssub.s32 $0x0, s18;
	v1 =	vmov s20;
	vm0 =	veq.s32 v0, $0x0;
	[sflag:s14] =	ssyncset.done $0x0  }
0x42f: {  	vm15 =	veq.s32 v0, $0x2;
	v1 =	vsel vm0, s24, v1;
	[sflag:s14] =	ssyncadd.s32 s0  }
0x430: {  	v1 =	vsel vm15, s17, v1;
	[sflag:s14] =	ssyncpa.u1 $0x1  }
0x431: {  	[tilespmem:$0x84C8] =	vst v1  }
.LBB2_19:
0x432: {  	s0 =	sadd.s32 $0x160, s15  }
0x433: {  	s18 =	smov.u32 s7;
	p1 =	slt.s32 s0, s8  }
0x434: {  	s18 =	smov.u32 @p1 s0;
	p1 =	sne.s32 s16, s12  }
.Ltmp1:
0x435: {  	_ = 	snop;
	(pc) =	sbr.rel @!p1 .LBB2_20-.Ltmp1, $3  }
0x436: {  	_ =	sdelay $0x1  }
0x437: {  	s31 =	sadd.s32 $0x1, s16;
	s17 =	smov.u32 s15  }
0x438: {  	p0 =	por !p0, !p0;
	s16 =	smov.u32 s31;
	s15 =	smov.u32 s18  }
.LBB2_1:
0x439: {  	p1 =	sge.u32 s16, s12  }
0x43a: {  	p2 =	sgt.s32 @!p1 s15, $0x186960  }
0x43b: {  	s18 =	smov.u32 s15;
	s19 =	sshra.s32 @!p1 s15, $0x1F;
	p2 =	por !p2, p1  }
0x43c: {  	s19 =	sand.u32 @!p1 s19, s15;
	s18 =	simm.s32 @p2 $0x186960  }
0x43d: {  	s18 =	ssub.s32 @!p1 s18, s19  }
0x43e: {  	s19 =	sxor.u32 @!p1 $0xFFFFFFFF, s16;
	s18 =	sadd.s32 @!p1 $0xFFE796A0, s18  }
0x43f: {  	s19 =	sand.u32 @!p1 $0x1, s19;
	s20 =	sshll.u32 @!p1 s18, $0x2  }
0x440: {  	p2 =	sgt.s32 @!p1 s18, $0x15F;
	s18 =	ssub.s32 @!p1 $0x580, s20;
	s20 =	smul.u32 @!p1 $0x580, s19  }
0x441: {  	s21 =	sshrl.u32 @!p1 s15, $0x3;
	s22 =	sand.u32 @!p1 $0x7, s15  }
0x442: {  	p2 =	por !p2, p1;
	s18 =	sshrl.u32 @!p1 s18, $0x2;
	s20 =	sshrl.u32 @!p1 s20, $0x2  }
0x443: {  	s21 =	sadd.s32 @!p1 s10, s21;
	s18 =	simm.s32 @!p2 $0x0;
	s20 =	sadd.s32 @!p1 $0x8B08, s20  }
0x444: {  	[tilespmem:s20], [sflag:$0x9] =	stream.linear.gather @!p1 [hbm4b:s21+s22], s18, $0x38;
	[tilespmem:$0x1EDC8] =	vst v63  }
0x445: {  	s18 =	ssub.s32 @!p1 $0x186A00, s15  }
0x446: {  	p2 =	sgt.s32 @!p1 s18, $0x0  }
0x447: {  	s19 =	smul.u32 @!p1 $0x2C000, s19;
	p2 =	por !p2, p1  }
0x448: {  	s18 =	simm.s32 @p2 $0x0  }
0x449: {  	s19 =	sshrl.u32 @!p1 s19, $0x2;
	s20 =	sshll.u32 @!p1 s15, $0x4;
	s18 =	smin.u32 @!p1 s18, $0x160  }
0x44a: {  	s19 =	sadd.s32 @!p1 $0x8DC8, s19;
	s20 =	sadd.s32 @!p1 s4, s20;
	s18 =	sshll.u32 @!p1 s18, $0x7  }
0x44b: {  	[tilespmem:s19], [sflag:$0x9] =	stream.linear.gather @!p1 [hbm:s20], s18, $0x38;
	[tilespmem:$0x1EDC8] =	vst v63  }
0x44c: {  	p1 =	seq.s32 s16, $0x0  }
.Ltmp2:
0x44d: {  	_ = 	snop;
	(pc) =	sbr.rel @p1 .LBB2_19-.Ltmp2, $1  }
0x44e: {  	_ =	sdelay $0x3  }
0x44f: {  	p1 =	sgt.s32 s17, $0x186960  }
0x450: {  	s18 =	smov.u32 s17;
	s19 =	sshra.s32 s17, $0x1F;
	s20 =	ssub.s32 $0x186A00, s17  }
0x451: {  	s18 =	simm.s32 @!p1 $0x186960;
	s19 =	sand.u32 s19, s17;
	p1 =	sgt.s32 s20, $0x0  }
0x452: {  	s18 =	ssub.s32 s18, s19;
	s20 =	simm.s32 @!p1 $0x0  }
0x453: {  	s18 =	sadd.s32 $0xFFE796A0, s18;
	s29 =	smin.u32 s20, $0x160  }
0x454: {  	s21 =	sshll.u32 s18, $0x2;
	s19 =	sshll.u32 s29, $0x7  }
0x455: {  	p1 =	sgt.s32 s18, $0x15F;
	s30 =	ssub.s32 $0x580, s21;
	_ =	swait.ge [sflag:s11], s19  }
0x456: {  	s19 =	ssub.s32 $0x0, s19;
	[sflag:s11] =	ssyncset.done $0x0;
	s18 =	sshrl.u32 s30, $0x2  }
0x457: {  	[sflag:s11] =	ssyncadd.s32 s19;
	s18 =	simm.s32 @p1 $0x0  }
0x458: {  	_ =	swait.ge [sflag:s11], s18  }
0x459: {  	s18 =	ssub.s32 $0x0, s18;
	[sflag:s11] =	ssyncset.done $0x0  }
0x45a: {  	[sflag:s11] =	ssyncadd.s32 s18  }
0x45b: {  	v1 =	vld [tilespmem:$0x84C8];
	_ =	sdelay $0x4  }
0x45c: {  	(v2sf) =	vpush v1, $0x0  }
0x45d: {  	(v2sf) =	vpush v1, $0x1  }
0x45e: {  	(v2sf) =	vpush v1, $0x2;
	_ =	sdelay $0x3  }
0x45f: {  	s18 =	sadd.s32 $0x160, s17  }
0x460: {  	p1 =	slt.s32 s8, s18  }
0x461: {  	s18 =	smov.u32 @p1 s8  }
0x462: {  	s18 =	ssub.s32 s18, s17  }
0x463: {  	p1 =	slt.s32 s20, s18  }
0x464: {  	s18 =	smov.u32 @p1 s20  }
0x465: {  	s21 =	simm.s32 $0x1;
	p1 =	slt.s32 s18, $0x1  }
.Ltmp3:
0x466: {  	s21 =	simm.s32 @!p0 $0x0;
	(pc) =	sbr.rel @p1 .LBB2_6-.Ltmp3, $4  }
0x467: {  	s31 =	smul.u32 $0x580, s21  }
0x468: {  	s22 =	spop (v2sf)  }
0x469: {  	s17 =	sshrl.u32 s31, $0x2;
	s24 =	spop (v2sf)  }
0x46a: {  	s19 =	sadd.s32 $0x8B08, s17;
	s17 =	spop (v2sf)  }
0x46b: {  	s20 =	smin.u32 s18, $0x10  }
0x46c: {  	v1 =	vmov s20  }
0x46d: {  	p2 =	sgt.s32 s18, $0x10;
	vm1 =	vgt.u32 v1, v0  }
.Ltmp4:
0x46e: {  	_ = 	snop;
	(pc) =	sbr.rel @!p2 .LBB2_5-.Ltmp4, $2  }
0x46f: {  	_ =	sdelay $0x2  }
0x470: {  	s23 =	simm.s32 $0x10;
	s25 =	sadd.s32 $0xFFFFFFF0, s18;
	s20 =	smov.u32 s19;
	vm0 =	vmmov vm1  }
.LBB2_4:
0x471: {  	s26 =	smin.u32 s25, $0x10;
	s23 =	sadd.s32 $0x10, s23;
	v1 =	vld.msk [tilespmem:s20+$0x0 ss:$0x1], vm1  }
0x472: {  	v2 =	vmov s26;
	p2 =	slt.s32 s23, s18  }
0x473: {  	vm1 =	vgt.u32 v2, v0  }
.Ltmp5:
0x474: {  	(pc) =	sbr.rel @p2 .LBB2_4-.Ltmp5, $3  }
0x475: {  	_ =	sdelay $0x1  }
0x476: {  	v1 =	vshll.u32 v1, $0x4  }
0x477: {  	s25 =	sadd.s32 $0xFFFFFFF0, s25;
	[tilespmem:s20+$0x0] =	vst.msk vm0, v1;
	s20 =	sadd.s32 $0x10, s20;
	vm0 =	vmmov vm1  }
.LBB2_5:
0x478: {  	_ =	sdelay $0x4  }
0x479: {  	v1 =	vld.msk [tilespmem:s20+$0x0 ss:$0x1], vm1;
	_ =	sdelay $0x4  }
0x47a: {  	v1 =	vshll.u32 v1, $0x4  }
0x47b: {  	[tilespmem:s20+$0x0] =	vst.msk vm0, v1  }
.LBB2_6:
0x47c: {  	s20 =	sand.u32 $0x1, s16  }
0x47d: {  	s20 =	smul.u32 $0x160, s20  }
0x47e: {  	p2 =	sne.s32 s24, $0xFFFFFFFF  }
0x47f: {  	v1 =	vld.msk @!p2 [tilespmem:s20+$0x8B08], $0x1;
	_ =	sdelay $0x4  }
0x480: {  	(v2sf) =	vpush @!p2 v1, $0x0;
	_ =	sdelay $0xc  }
.Ltmp6:
0x481: {  	_ = 	snop;
	(pc) =	sbr.rel @p1 .LBB2_17-.Ltmp6, $4  }
0x482: {  	_ = 	snop  }
0x483: {  	s23 =	spop @!p2 (v2sf)  }
0x484: {  	s17 =	simm.s32 @!p2 $0x0;
	s20 =	smov.u32 s23  }
0x485: {  	[sflag:s14] =	ssyncpa.u1 $0x0;
	s23 =	smov.u32 @p2 s22;
	s20 =	smov.u32 @p2 s24  }
0x486: {  	v1 =	vld.msk [tilespmem:s19+$0x0], $0x1;
	_ =	sdelay $0x4  }
0x487: {  	(v2sf) =	vpush v1, $0x0;
	_ =	sdelay $0xd  }
0x488: {  	s21 =	smul.u32 $0x2C000, s21  }
0x489: {  	s24 =	sadd.s32 $0xFFFFFFFF, s18;
	s26 =	spop (v2sf)  }
0x48a: {  	s22 =	sshrl.u32 s21, $0x2;
	s21 =	simm.s32 $0x0;
	p1 =	seq.s32 s23, s26  }
0x48b: {  	p3 =	sne.s32 s24, $0x0;
	p2 =	sgt.s32 @!p1 s23, $0x0;
	s25 =	smul.u32 @!p1 $0xC0, s21  }
.Ltmp7:
0x48c: {  	s29 =	smov.u32 s23;
	p2 =	por !p2, p1;
	(pc) =	sbr.rel @!p3 .LBB2_9-.Ltmp7, $4  }
0x48d: {  	s22 =	sadd.s32 $0x8DD8, s22;
	s29 =	simm.s32 @p2 $0x0  }
0x48e: {  	s28 =	simm.s32 @!p1 $0x1;
	s25 =	sshra.s32 @!p1 s25, $0x2;
	s30 =	smin.u32 @!p1 s29, $0xC34FB  }
0x48f: {  	s28 =	smov.u32 @p1 s21;
	s29 =	sadd.s32 @!p1 $0x4298, s25;
	s25 =	sand.u32 @!p1 $0xFFFF8, s30  }
0x490: {  	s30 =	sand.u32 @!p1 $0x7, s30;
	s31 =	sadd.s32 @!p1 s5, s25;
	s25 =	sadd.s32 $0x1, s19  }
.LBB2_8:
0x491: {  	s0 =	smov.u32 s28  }
0x492: {  	[tilespmem:s29], [sflag:$0x2] =	stream.linear.gather @!p1 [hbm4b:s31+s30], $0x21, $0x38;
	[tilespmem:$0x1EDC8] =	vst v63  }
0x493: {  	s24 =	sadd.s32 $0xFFFFFFFF, s24;
	s29 =	smov.u32 s26;
	v1 =	vld.msk [tilespmem:s25+$0x0], $0x1  }
0x494: {  	p2 =	sne.s32 s24, $0x0;
	_ =	sdelay $0x3  }
0x495: {  	(v2sf) =	vpush v1, $0x0;
	_ =	sdelay $0xe  }
0x496: {  	s26 =	spop (v2sf)  }
0x497: {  	p1 =	seq.s32 s29, s26  }
0x498: {  	p3 =	sgt.s32 @!p1 s29, $0x0;
	s30 =	smul.u32 @!p1 $0xC0, s28;
	s28 =	sadd.s32 @!p1 $0x1, s28  }
.Ltmp8:
0x499: {  	p3 =	por !p3, p1;
	s28 =	smov.u32 @p1 s0;
	(pc) =	sbr.rel @p2 .LBB2_8-.Ltmp8, $4  }
0x49a: {  	s29 =	simm.s32 @p3 $0x0;
	s0 =	sshra.s32 @!p1 s30, $0x2  }
0x49b: {  	s30 =	smin.u32 @!p1 s29, $0xC34FB;
	s29 =	sadd.s32 @!p1 $0x4298, s0  }
0x49c: {  	s0 =	sand.u32 @!p1 $0xFFFF8, s30;
	s30 =	sand.u32 @!p1 $0x7, s30  }
0x49d: {  	s25 =	sadd.s32 $0x1, s25;
	s31 =	sadd.s32 @!p1 s5, s0  }
.LBB2_9:
0x49e: {  	s0 =	smul.u32 $0x84, s28  }
0x49f: {  	[tilespmem:s29], [sflag:$0x2] =	stream.linear.gather @!p1 [hbm4b:s31+s30], $0x21, $0x38;
	[tilespmem:$0x1EDC8] =	vst v63  }
.Ltmp9:
0x4a0: {  	_ = 	snop;
	(pc) =	sbr.rel .LBB2_10-.Ltmp9, $4  }
0x4a1: {  	s0 =	sshrl.u32 s0, $0x2  }
0x4a2: {  	_ =	swait.ge [sflag:s9], s0  }
0x4a3: {  	s0 =	ssub.s32 $0x0, s0;
	[sflag:s9] =	ssyncset.done $0x0  }
0x4a4: {  	s25 =	simm.s32 $0x0;
	[sflag:s9] =	ssyncadd.s32 s0  }
.LBB2_11:
0x4a5: {  	v1 =	vld [tilespmem:s22+$0xFFFFFFF0];
	_ =	sdelay $0x3  }
0x4a6: {  	s0 =	sshra.s32 s26, $0x2  }
0x4a7: {  	[tilespmem:s0+$0x68] =	vst.add.f32.msk $0xffff, v1  }
0x4a8: {  	v1 =	vld [tilespmem:s22+$0x0];
	_ =	sdelay $0x4  }
0x4a9: {  	[tilespmem:s0+$0x78] =	vst.add.f32.msk $0xffff, v1  }
0x4aa: {  	v1 =	vld.msk [tilespmem:s22+$0x10], $0x1;
	_ =	sdelay $0x4  }
0x4ab: {  	[tilespmem:s0+$0x88] =	vst.add.f32.msk $0x1, v1  }
.LBB2_15:
0x4ac: {  	s18 =	sadd.s32 $0xFFFFFFFF, s18  }
0x4ad: {  	p1 =	sne.s32 s18, $0x0  }
.Ltmp10:
0x4ae: {  	_ = 	snop;
	(pc) =	sbr.rel @!p1 .LBB2_16-.Ltmp10, $2  }
0x4af: {  	_ =	sdelay $0x2  }
0x4b0: {  	s22 =	sadd.s32 $0x80, s22;
	s19 =	sadd.s32 $0x1, s19;
	s23 =	smov.u32 s24  }
.LBB2_10:
0x4b1: {  	v1 =	vld.msk [tilespmem:s19+$0x0], $0x1;
	_ =	sdelay $0x4  }
0x4b2: {  	(v2sf) =	vpush v1, $0x0;
	_ =	sdelay $0xe  }
0x4b3: {  	s24 =	spop (v2sf)  }
0x4b4: {  	p1 =	sne.s32 s23, s24  }
.Ltmp11:
0x4b5: {  	_ = 	snop;
	(pc) =	sbr.rel @!p1 .LBB2_11-.Ltmp11, $2  }
0x4b6: {  	_ =	sdelay $0x2  }
0x4b7: {  	s26 =	smul.u32 $0xC0, s17  }
0x4b8: {  	p1 =	seq.s32 s23, s20  }
.Ltmp12:
0x4b9: {  	_ = 	snop;
	(pc) =	sbr.rel @!p1 .LBB2_13-.Ltmp12, $1  }
0x4ba: {  	_ =	sdelay $0x3  }
0x4bb: {  	s0 =	sshra.s32 s26, $0x2  }
.Ltmp13:
0x4bc: {  	s0 =	sadd.s32 $0x68, s0;
	(pc) =	sbr.rel .LBB2_14-.Ltmp13, $4  }
0x4bd: {  	[spmem:s13] =	stream.linear.scatter [tilespmem:s0], [sflag:$0x1], $0x21, $0x38;
	[tilespmem:$0x1EDC8] =	vst v63  }
0x4be: {  	_ =	swait.ge [sflag:s3], $0x21  }
0x4bf: {  	[sflag:s3] =	ssyncset.done $0x0  }
0x4c0: {  	[sflag:s3] =	ssyncadd.s32 $0xFFFFFFDF  }
.LBB2_13:
0x4c1: {  	s0 =	smul.u32 $0xC0, s21;
	_ =	sdelay $0x1  }
0x4c2: {  	s0 =	sshra.s32 s0, $0x2  }
0x4c3: {  	v1 =	vld [tilespmem:s0+$0x4298];
	_ =	sdelay $0x3  }
0x4c4: {  	s26 =	sshra.s32 s26, $0x2  }
0x4c5: {  	[tilespmem:s26+$0x68] =	vst.add.f32.msk $0xffff, v1  }
0x4c6: {  	v1 =	vld [tilespmem:s0+$0x42A8];
	_ =	sdelay $0x4  }
0x4c7: {  	[tilespmem:s26+$0x78] =	vst.add.f32.msk $0xffff, v1  }
0x4c8: {  	v1 =	vld.msk [tilespmem:s0+$0x42B8], $0x1;
	_ =	sdelay $0x2  }
0x4c9: {  	p1 =	sgt.u32 s23, $0xC34FB  }
0x4ca: {  	s0 =	sand.u32 @!p1 $0xFFFF8, s23  }
0x4cb: {  	s28 =	sadd.s32 $0x68, s26;
	s23 =	sand.u32 @!p1 $0x7, s23;
	s0 =	sadd.s32 @!p1 s5, s0;
	[tilespmem:s26+$0x88] =	vst.add.f32.msk $0x1, v1  }
0x4cc: {  	[hbm4b:s0+s23] =	stream.linear.scatter @!p1 [tilespmem:s28], [sflag:$0xA], $0x21, $0x38;
	[tilespmem:$0x1EDC8] =	vst v63  }
0x4cd: {  	s23 =	simm.s32 $0x0  }
0x4ce: {  	s23 =	simm.s32 @!p1 $0x84  }
0x4cf: {  	s25 =	sadd.s32 s23, s25  }
.LBB2_14:
0x4d0: {  	s0 =	sadd.s32 $0x1, s17  }
0x4d1: {  	s17 =	smulhi.u32 $0xBA2E8BA3, s0;
	_ =	sdelay $0x1  }
0x4d2: {  	s17 =	sshrl.u32 s17, $0x8  }
0x4d3: {  	s17 =	smul.u32 $0x160, s17  }
0x4d4: {  	v1 =	vld [tilespmem:s22+$0xFFFFFFF0]  }
0x4d5: {  	s17 =	ssub.s32 s0, s17  }
0x4d6: {  	s0 =	smul.u32 $0xC0, s17;
	_ =	sdelay $0x1  }
0x4d7: {  	s0 =	sshrl.u32 s0, $0x2  }
0x4d8: {  	[tilespmem:s0+$0x68] =	vst v1  }
0x4d9: {  	v1 =	vld [tilespmem:s22+$0x0];
	_ =	sdelay $0x4  }
0x4da: {  	[tilespmem:s0+$0x78] =	vst v1  }
0x4db: {  	v1 =	vld.msk [tilespmem:s22+$0x10], $0x1  }
.Ltmp14:
0x4dc: {  	_ = 	snop;
	(pc) =	sbr.rel .LBB2_15-.Ltmp14, $2  }
0x4dd: {  	_ =	sdelay $0x2  }
0x4de: {  	s21 =	sadd.s32 $0x1, s21;
	[tilespmem:s0+$0x88] =	vst.msk $0x1, v1  }
.LBB2_17:
.Ltmp15:
0x4df: {  	(pc) =	sbr.rel .LBB2_18-.Ltmp15, $3  }
0x4e0: {  	_ =	sdelay $0x1  }
0x4e1: {  	_ =	swait.ge [sflag:s9], $0x0  }
0x4e2: {  	s18 =	simm.s32 $0x0;
	s24 =	smov.u32 s23;
	[sflag:s9] =	ssyncset.done $0x0  }
.LBB2_20:
0x4e3: {  	_ =	sfence.sel $0x180000  }
0x4e4: {  	s0 =	simm.s32 $0x9;
	[bflag:$0x0] =	sbarrier.arrive $0xFFFF  }
0x4e5: {  	s26 =	simm.s32 $0x2;
	[sflag:s0] =	ssyncpa.u1 $0x1  }
0x4e6: {  	[sflag:s26] =	ssyncpa.u1 $0x1  }
0x4e7: {  	v0 =	vld [tilespmem:$0x84C8];
	_ =	sdelay $0x4  }
0x4e8: {  	(v2sf) =	vpush v0, $0x0  }
0x4e9: {  	(v2sf) =	vpush v0, $0x1  }
0x4ea: {  	(v2sf) =	vpush v0, $0x2;
	_ =	sdelay $0xc  }
0x4eb: {  	s0 =	spop (v2sf)  }
0x4ec: {  	s3 =	spop (v2sf)  }
0x4ed: {  	s4 =	smov.u32 s0;
	p0 =	sne.s32 s0, s3;
	s7 =	spop (v2sf)  }
0x4ee: {  	s4 =	simm.s32 @!p0 $0xFFFFFFFF;
	p0 =	seq.s32 s7, $0xFFFFFFFF  }
0x4ef: {  	v2 =	vimm.s32 $0x1;
	v3 =	vlaneseq.u32;
	v1 =	vmov s4;
	p1 =	sne.s32 @!p0 s0, s3  }
0x4f0: {  	v0 =	vperm.xlane v0, v2;
	s0 =	simm.s32 @!p0 $0x1;
	v1 =	vperm.xlane v1, v3;
	p1 =	por !p1, p0  }
0x4f1: {  	vm0 =	vcmask $0x3F04;
	s4 =	sshll.u32 s6, $0x1;
	s3 =	smul.u32 @!p0 $0xC0, s7;
	s0 =	simm.s32 @p1 $0x0  }
0x4f2: {  	s9 =	simm.s32 $0x84C8;
	v0 =	vsel vm0, v1, v0;
	s0 =	sor.u32 @!p0 s0, s4  }
0x4f3: {  	s8 =	sor.u32 $0x600, s4;
	s3 =	sshra.s32 @!p0 s3, $0x2;
	[tilespmem:$0x84C8] =	vst v0;
	s0 =	smul.u32 @!p0 $0xC0, s0  }
0x4f4: {  	[spmem:s8] =	stream.linear.scatter [tilespmem:s9], [sflag:$0x1], $0x2, $0x38;
	[tilespmem:$0x1EDC8] =	vst v63  }
0x4f5: {  	s3 =	sadd.s32 @!p0 $0x68, s3;
	s0 =	sshrl.u32 @!p0 s0, $0x2  }
0x4f6: {  	[spmem:s0] =	stream.linear.scatter @!p0 [tilespmem:s3], [sflag:$0x1], $0x30, $0x38;
	[tilespmem:$0x1EDC8] =	vst v63  }
0x4f7: {  	s0 =	simm.s32 @!p0 $0x32  }
0x4f8: {  	s28 =	simm.s32 $0x1;
	s0 =	simm.s32 @p0 $0x2  }
0x4f9: {  	_ =	swait.ge [sflag:s28], s0  }
0x4fa: {  	s0 =	ssub.s32 $0x0, s0;
	[sflag:s28] =	ssyncset.done $0x0  }
0x4fb: {  	p0 =	sne.s32 s6, $0x0;
	[sflag:s28] =	ssyncadd.s32 s0  }
.Ltmp16:
0x4fc: {  	_ =	sfence.stream.spmem;
	(pc) =	sbr.rel @p0 .LBB2_37-.Ltmp16, $4  }
0x4fd: {  	s29 =	simm.s32 $0x3;
	[bflag:$0x0] =	sbarrier.arrive $0xFFFF  }
0x4fe: {  	s30 =	simm.s32 $0x4;
	[sflag:s29] =	ssyncpa.u1 $0x1  }
0x4ff: {  	s31 =	simm.s32 $0x3C;
	[sflag:s30] =	ssyncpa.u1 $0x1  }
0x500: {  	s3 =	sand.u32 $0x1, s2;
	[sflag:s31] =	ssyncpa.u1 $0x1  }
0x501: {  	_ =	sfence.stream.spmem;
	s0 =	simm.s32 $0x5  }
0x502: {  	s4 =	simm.s32 $0x600;
	s7 =	simm.s32 $0x84D8;
	[sflag:s0] =	ssyncpa.u1 $0x0  }
0x503: {  	[tilespmem:s7], [sflag:$0x5] =	stream.linear.gather [spmem:s4], $0x20, $0x38;
	[tilespmem:$0x1EDC8] =	vst v63  }
0x504: {  	s26 =	simm.s32 $0x0;
	s28 =	simm.s32 $0x84F8  }
0x505: {  	[tilespmem:s28], [sflag:$0x5] =	stream.linear.gather [spmem:s26], $0x600, $0x38;
	[tilespmem:$0x1EDC8] =	vst v63  }
0x506: {  	_ =	swait.ge [sflag:s0], $0x620  }
0x507: {  	[sflag:s0] =	ssyncset.done $0x0  }
0x508: {  	s29 =	simm.s32 $0x0;
	[sflag:s0] =	ssyncadd.s32 $0xFFFFF9E0  }
0x509: {  	v0 =	vld.msk [tilespmem:s29+$0x84D8], $0x1;
	_ =	sdelay $0x1  }
0x50a: {  	s30 =	simm.s32 $0x1  }
0x50b: {  	v1 =	vld.msk [tilespmem:s30+$0x84D8], $0x1;
	_ =	sdelay $0x1  }
0x50c: {  	(v2sf) =	vpush v0, $0x0;
	_ =	sdelay $0x2  }
0x50d: {  	(v2sf) =	vpush v1, $0x0;
	_ =	sdelay $0x2  }
0x50e: {  	s31 =	simm.s32 $0x2  }
0x50f: {  	v0 =	vld.msk [tilespmem:s31+$0x84D8], $0x1;
	_ =	sdelay $0x2  }
0x510: {  	s8 =	simm.s32 $0xFFFFFFFF;
	s7 =	simm.s32 $0xFFFFFFFF;
	s4 =	simm.s32 $0xC  }
.LBB2_22:
0x511: {  	s0 =	smov.u32 s8;
	s9 =	smov.u32 s7  }
0x512: {  	s7 =	sshra.s32 s4, $0x2;
	p1 =	sne.s32 s4, $0x7C;
	s4 =	sadd.s32 $0x4, s4;
	(v2sf) =	vpush v0, $0x0  }
0x513: {  	v0 =	vld.msk [tilespmem:s7+$0x84D8], $0x1  }
.Ltmp17:
0x514: {  	(pc) =	sbr.rel @p1 .LBB2_22-.Ltmp17, $4  }
0x515: {  	s8 =	spop (v2sf)  }
0x516: {  	p2 =	sne.s32 s9, $0xFFFFFFFF;
	s7 =	smov.u32 s8  }
0x517: {  	p3 =	seq.s32 s8, $0xFFFFFFFF;
	s7 =	smov.u32 @p2 s9  }
0x518: {  	s8 =	smov.u32 @p3 s0;
	s7 =	smov.u32 @p3 s9  }
0x519: {  	(v2sf) =	vpush v0, $0x0;
	_ =	sdelay $0x8  }
0x51a: {  	s0 =	spop (v2sf)  }
0x51b: {  	p1 =	sne.s32 s7, $0xFFFFFFFF;
	s4 =	smov.u32 s0  }
0x51c: {  	s9 =	simm.s32 $0x6;
	p2 =	seq.s32 s0, $0xFFFFFFFF;
	s4 =	smov.u32 @p1 s7  }
0x51d: {  	[sflag:s9] =	ssyncpa.u1 $0x0;
	s4 =	smov.u32 @p2 s7;
	s10 =	spop (v2sf)  }
0x51e: {  	s0 =	smov.u32 @p2 s8;
	p1 =	sne.s32 s4, $0xFFFFFFFF;
	s11 =	smov.u32 s10  }
.Ltmp18:
0x51f: {  	p2 =	seq.s32 s10, $0xFFFFFFFF;
	s11 =	smov.u32 @p1 s4;
	(pc) =	sbr.rel .LBB2_24-.Ltmp18, $4  }
0x520: {  	s10 =	smov.u32 @p2 s0;
	s11 =	smov.u32 @p2 s4;
	s7 =	spop (v2sf)  }
0x521: {  	p1 =	sne.s32 s11, $0xFFFFFFFF;
	s8 =	smov.u32 s7;
	p2 =	seq.s32 s7, $0xFFFFFFFF  }
0x522: {  	s4 =	simm.s32 $0x0;
	s8 =	smov.u32 @p1 s11;
	s7 =	smov.u32 @p2 s10  }
0x523: {  	s10 =	simm.s32 $0x8498;
	s8 =	smov.u32 @p2 s11;
	s11 =	simm.s32 $0x0  }
.LBB2_30:
0x524: {  	p1 =	sgt.u32 s12, $0xC34FB  }
0x525: {  	p2 =	seq.s32 @!p1 s12, s8  }
0x526: {  	p1 =	por p1, p2  }
0x527: {  	p2 =	sne.s32 @!p1 s12, s7  }
0x528: {  	p1 =	por p1, !p2  }
0x529: {  	s12 =	smul.u32 @p1 $0xC0, s11;
	_ =	sdelay $0x1  }
0x52a: {  	s0 =	sand.u32 @!p1 $0xFFFF8, s12  }
0x52b: {  	s12 =	sand.u32 @!p1 $0x7, s12;
	s0 =	sadd.s32 @!p1 s5, s0  }
0x52c: {  	[tilespmem:s10], [sflag:$0x6] =	stream.linear.gather @!p1 [hbm4b:s0+s12], $0x21, $0x38;
	[tilespmem:$0x1EDC8] =	vst v63  }
0x52d: {  	_ =	swait.ge @!p1 [sflag:s9], $0x21  }
0x52e: {  	[sflag:s9] =	ssyncset.done @!p1 $0x0  }
0x52f: {  	[sflag:s9] =	ssyncadd.s32 @!p1 $0xFFFFFFDF  }
0x530: {  	v1 =	vld @!p1 [tilespmem:$0x8498];
	_ =	sdelay $0x1  }
0x531: {  	s12 =	smul.u32 @!p1 $0xC0, s11;
	_ =	sdelay $0x1  }
0x532: {  	s0 =	sshra.s32 @!p1 s12, $0x2  }
0x533: {  	[tilespmem:s0+$0x84F8] =	vst.add.f32.msk @!p1 $0xffff, v1  }
0x534: {  	v1 =	vld @!p1 [tilespmem:$0x84A8];
	_ =	sdelay $0x4  }
0x535: {  	[tilespmem:s0+$0x8508] =	vst.add.f32.msk @!p1 $0xffff, v1  }
0x536: {  	v1 =	vld @!p1 [tilespmem:$0x84B8];
	_ =	sdelay $0x4  }
0x537: {  	[tilespmem:s0+$0x8518] =	vst.add.f32.msk @!p1 $0xffff, v1  }
0x538: {  	s30 =	sshra.s32 s12, $0x2;
	[tilespmem:s4+$0x84D8] =	vst.msk $0x1, v0  }
0x539: {  	v0 =	vld [tilespmem:s30+$0x84F8];
	_ =	sdelay $0x1  }
0x53a: {  	s31 =	smul.u32 $0xC0, s4;
	_ =	sdelay $0x1  }
0x53b: {  	s12 =	sshra.s32 s31, $0x2  }
0x53c: {  	[tilespmem:s12+$0x84F8] =	vst v0  }
0x53d: {  	v0 =	vld [tilespmem:s30+$0x8508];
	_ =	sdelay $0x4  }
0x53e: {  	[tilespmem:s12+$0x8508] =	vst v0  }
0x53f: {  	v0 =	vld [tilespmem:s30+$0x8518];
	_ =	sdelay $0x4  }
0x540: {  	s4 =	sadd.s32 $0x1, s4;
	[tilespmem:s12+$0x8518] =	vst v0  }
.LBB2_31:
0x541: {  	s11 =	sadd.s32 $0x1, s11  }
0x542: {  	p1 =	sne.s32 s11, $0x20  }
.Ltmp19:
0x543: {  	_ = 	snop;
	(pc) =	sbr.rel @!p1 .LBB2_32-.Ltmp19, $1  }
0x544: {  	_ =	sdelay $0x3  }
.LBB2_24:
0x545: {  	v0 =	vld.msk [tilespmem:s11+$0x84D8], $0x1;
	_ =	sdelay $0x4  }
0x546: {  	(v2sf) =	vpush v0, $0x0;
	_ =	sdelay $0xe  }
0x547: {  	s12 =	spop (v2sf)  }
0x548: {  	p1 =	seq.s32 s12, $0xFFFFFFFF  }
.Ltmp20:
0x549: {  	_ = 	snop;
	(pc) =	sbr.rel @p1 .LBB2_31-.Ltmp20, $1  }
0x54a: {  	_ =	sdelay $0x3  }
0x54b: {  	p1 =	slt.s32 s4, $0x1  }
.Ltmp21:
0x54c: {  	_ = 	snop;
	(pc) =	sbr.rel @p1 .LBB2_30-.Ltmp21, $1  }
0x54d: {  	_ =	sdelay $0x3  }
0x54e: {  	s13 =	simm.s32 $0x84D8;
	p1 =	por $0x0, $0x0  }
0x54f: {  	v1 =	vld.msk @!p1 [tilespmem:s13+$0x0], $0x1;
	_ =	sdelay $0x4  }
0x550: {  	(v2sf) =	vpush @!p1 v1, $0x0;
	_ =	sdelay $0xd  }
0x551: {  	p3 =	sne.s32 s4, $0x1  }
.Ltmp22:
0x552: {  	s0 =	spop @!p1 (v2sf);
	(pc) =	sbr.rel @!p3 .LBB2_28-.Ltmp22, $4  }
0x553: {  	p2 =	seq.s32 @!p1 s12, s0  }
0x554: {  	s14 =	simm.s32 $0x0;
	p2 =	por !p2, p1  }
0x555: {  	s0 =	simm.s32 $0xFFFFFFFF;
	s14 =	simm.s32 @p2 $0xFFFFFFFF  }
0x556: {  	s15 =	simm.s32 $0x1;
	s14 =	smov.u32 @p1 s0  }
.LBB2_27:
0x557: {  	s0 =	smov.u32 s14;
	p1 =	sne.s32 s14, $0xFFFFFFFF  }
0x558: {  	s13 =	sadd.s32 $0x1, s13;
	s14 =	smov.u32 s15;
	s15 =	sadd.s32 $0x1, s15  }
0x559: {  	p2 =	sne.s32 s4, s15;
	v1 =	vld.msk @!p1 [tilespmem:s13+$0x0], $0x1;
	_ =	sdelay $0x4  }
0x55a: {  	(v2sf) =	vpush @!p1 v1, $0x0;
	_ =	sdelay $0xe  }
.Ltmp23:
0x55b: {  	s16 =	spop @!p1 (v2sf);
	(pc) =	sbr.rel @p2 .LBB2_27-.Ltmp23, $4  }
0x55c: {  	p3 =	seq.s32 @!p1 s12, s16  }
0x55d: {  	p3 =	por !p3, p1  }
0x55e: {  	s14 =	simm.s32 @p3 $0xFFFFFFFF  }
0x55f: {  	s14 =	smov.u32 @p1 s0  }
.LBB2_28:
0x560: {  	p1 =	seq.s32 s14, $0xFFFFFFFF  }
.Ltmp24:
0x561: {  	_ = 	snop;
	(pc) =	sbr.rel @p1 .LBB2_30-.Ltmp24, $1  }
0x562: {  	_ =	sdelay $0x3  }
0x563: {  	s0 =	smul.u32 $0xC0, s11;
	_ =	sdelay $0x1  }
0x564: {  	s0 =	sshra.s32 s0, $0x2  }
0x565: {  	v0 =	vld [tilespmem:s0+$0x84F8];
	_ =	sdelay $0x1  }
0x566: {  	s12 =	smul.u32 $0xC0, s14;
	_ =	sdelay $0x1  }
0x567: {  	s12 =	sshra.s32 s12, $0x2  }
0x568: {  	[tilespmem:s12+$0x84F8] =	vst.add.f32.msk $0xffff, v0  }
0x569: {  	v0 =	vld [tilespmem:s0+$0x8508];
	_ =	sdelay $0x4  }
0x56a: {  	[tilespmem:s12+$0x8508] =	vst.add.f32.msk $0xffff, v0  }
0x56b: {  	v0 =	vld [tilespmem:s0+$0x8518]  }
.Ltmp25:
0x56c: {  	_ = 	snop;
	(pc) =	sbr.rel .LBB2_31-.Ltmp25, $2  }
0x56d: {  	_ =	sdelay $0x2  }
0x56e: {  	[tilespmem:s12+$0x8518] =	vst.add.f32.msk $0xffff, v0  }
.LBB2_32:
0x56f: {  	s0 =	simm.s32 $0x6;
	p1 =	seq.s32 s4, $0x0  }
0x570: {  	[sflag:s0] =	ssyncpa.u1 $0x1;
	v0 =	vimm.s32 @p1 $0xFFFFFFFF  }
0x571: {  	s9 =	sadd.s32 $0xFFFFFFFF, s4;
	[tilespmem:$0x8AF8] =	vst @p1 v0  }
0x572: {  	v0 =	vld.msk @!p1 [tilespmem:s9+$0x84D8], $0x1;
	_ =	sdelay $0x1  }
0x573: {  	v1 =	vld.msk @!p1 [tilespmem:$0x84D8], $0x1;
	_ =	sdelay $0x2  }
0x574: {  	p2 =	seq.s32 @!p1 s9, $0x0;
	v0 =	vbroadcast @!p1 v0, $0x0  }
0x575: {  	vm0 =	vmmov @!p1 $0x1;
	p3 =	por !p2, p1  }
0x576: {  	p2 =	sne.s32 @!p1 s8, s7;
	v1 =	vnsel @!p1 vm0, $0xFFFFFFFF, v1;
	vm0 =	vcmask @!p1 $0x308;
	v0 =	vpsel !p3, $0xFFFFFFFF, v0  }
0x577: {  	p3 =	por !p2, p1;
	v0 =	vsel @!p1 vm0, v1, v0  }
0x578: {  	s0 =	simm.s32 @!p1 $0x84F8;
	s7 =	simm.s32 @!p1 $0x0;
	s8 =	smul.u32 @!p3 $0xC0, s9;
	[tilespmem:$0x8AF8] =	vst @!p1 v0  }
0x579: {  	[spmem:s7] =	stream.linear.scatter @!p1 [tilespmem:s0], [sflag:$0x1], $0x30, $0x38;
	[tilespmem:$0x1EDC8] =	vst v63  }
0x57a: {  	s0 =	sshra.s32 @!p3 s8, $0x2  }
0x57b: {  	s7 =	simm.s32 @!p3 $0x30;
	s0 =	sadd.s32 @!p3 $0x84F8, s0  }
0x57c: {  	[spmem:s7] =	stream.linear.scatter @!p3 [tilespmem:s0], [sflag:$0x1], $0x30, $0x38;
	[tilespmem:$0x1EDC8] =	vst v63  }
0x57d: {  	s0 =	simm.s32 @!p3 $0x1  }
0x57e: {  	_ =	swait.ge @!p3 [sflag:s0], $0x60  }
0x57f: {  	p1 =	por p2, p1;
	[sflag:s0] =	ssyncset.done @!p3 $0x0  }
0x580: {  	[sflag:s0] =	ssyncadd.s32 @!p3 $0xFFFFFFA0;
	s0 =	simm.s32 @!p1 $0x1  }
0x581: {  	_ =	swait.ge @!p1 [sflag:s0], $0x30  }
0x582: {  	s29 =	simm.s32 $0x8AF8;
	[sflag:s0] =	ssyncset.done @!p1 $0x0  }
0x583: {  	s30 =	simm.s32 $0x600;
	s31 =	simm.s32 $0x1;
	[sflag:s0] =	ssyncadd.s32 @!p1 $0xFFFFFFD0  }
0x584: {  	[spmem:s30] =	stream.linear.scatter [tilespmem:s29], [sflag:$0x1], $0x10, $0x38;
	[tilespmem:$0x1EDC8] =	vst v63  }
0x585: {  	p1 =	seq.s32 s3, $0x0;
	_ =	swait.ge [sflag:s31], $0x10  }
0x586: {  	s7 =	sshll.u32 @p1 s2, $0xE;
	[sflag:s31] =	ssyncset.done $0x0  }
0x587: {  	s0 =	sadd.s32 @p1 $0x15C3C, s7;
	s7 =	sshll.u32 @p1 s1, $0x11;
	[sflag:s31] =	ssyncadd.s32 $0xFFFFFFF0  }
0x588: {  	s0 =	sor.u32 @p1 s7, s0;
	_ =	sfence.stream.spmem  }
0x589: {  	[sflag:s0] =	ssyncadd.remote.s32 @p1 $0x1;
	s0 =	simm.s32 @p1 $0x4  }
0x58a: {  	s8 =	simm.s32 @!p1 $0x3C;
	s7 =	sand.u32 $0xFFFFFFFE, s2;
	_ =	swait.ge @p1 [sflag:s0], $0xE  }
0x58b: {  	s10 =	simm.s32 @!p1 $0x0;
	s7 =	sadd.s32 @!p1 $0x4, s7;
	[sflag:s0] =	ssyncset.done @p1 $0x0  }
0x58c: {  	s11 =	simm.s32 @!p1 $0x60;
	[sflag:s0] =	ssyncadd.s32 @p1 $0xFFFFFFF2;
	s0 =	sshll.u32 @!p1 s7, $0x1A  }
0x58d: {  	s7 =	sshll.u32 @!p1 s7, $0xD;
	s0 =	sor.u32 @!p1 s0, s1;
	_ =	swait.eq @!p1 [sflag:s8], $0x1  }
0x58e: {  	s7 =	sor.u32 @!p1 $0x1C04, s7;
	s8 =	simm.s32 @!p1 $0x1C03;
	s0 =	sor.u32 @!p1 $0x80004000, s0  }
0x58f: {  	[spmem:s11], [sflag:s7] =	dma.general @!p1 [spmem:s10], [sflag:s8], length:$0xC, [dreg:$0x0], stride_count:$0x0, ici_dest:s0, dma_misc:DstOpCode:WRITE  }
0x590: {  	p2 =	slt.s32 s9, $0x2;
	s10 =	simm.s32 @!p1 $0xC0;
	s11 =	simm.s32 @!p1 $0xC2  }
0x591: {  	[spmem:s11], [sflag:s7] =	dma.general @!p1 [spmem:s10], [sflag:s8], length:$0x2, [dreg:$0x0], stride_count:$0x0, ici_dest:s0, dma_misc:DstOpCode:WRITE  }
.Ltmp26:
0x592: {  	s0 =	simm.s32 @!p1 $0x3;
	(pc) =	sbr.rel @p2 .LBB2_36-.Ltmp26, $4  }
0x593: {  	s2 =	sshll.u32 @!p1 s2, $0xE;
	_ =	swait.ge @!p1 [sflag:s0], $0xE  }
0x594: {  	s2 =	sadd.s32 @!p1 $0x11C3C, s2;
	s1 =	sshll.u32 @!p1 s1, $0x11;
	[sflag:s0] =	ssyncset.done @!p1 $0x0  }
0x595: {  	[sflag:s0] =	ssyncadd.s32 @!p1 $0xFFFFFFF2;
	s0 =	sor.u32 @!p1 s1, s2  }
0x596: {  	s1 =	simm.s32 $0x0;
	[sflag:s0] =	ssyncadd.remote.s32 @!p1 $0xFFFFFFFF  }
0x597: {  	s0 =	simm.s32 $0x84D9  }
0x598: {  	v0 =	vld.msk [tilespmem:s0+$0x0], $0x1;
	_ =	sdelay $0x4  }
0x599: {  	(v2sf) =	vpush v0, $0x0;
	_ =	sdelay $0xc  }
0x59a: {  	s2 =	sadd.s32 $0xFFFFFFFE, s4  }
0x59b: {  	s2 =	sadd.s32 $0xFFFFFFFF, s2  }
0x59c: {  	p2 =	sne.s32 s2, $0x0;
	s0 =	spop (v2sf)  }
.Ltmp27:
0x59d: {  	p1 =	sgt.u32 s0, $0xC34FB;
	(pc) =	sbr.rel @!p2 .LBB2_35-.Ltmp27, $4  }
0x59e: {  	s1 =	simm.s32 $0x8528;
	s4 =	sand.u32 @!p1 $0xFFFF8, s0  }
0x59f: {  	s8 =	simm.s32 $0x0;
	s0 =	sand.u32 @!p1 $0x7, s0;
	s4 =	sadd.s32 @!p1 s5, s4  }
0x5a0: {  	[hbm4b:s4+s0] =	stream.linear.scatter @!p1 [tilespmem:s1], [sflag:$0x5], $0x21, $0x38;
	[tilespmem:$0x1EDC8] =	vst v63  }
0x5a1: {  	s7 =	simm.s32 $0x84DA;
	s8 =	simm.s32 @!p1 $0x84;
	s4 =	simm.s32 $0x0  }
.LBB2_34:
0x5a2: {  	v0 =	vld.msk [tilespmem:s7+$0x0], $0x1;
	s2 =	sadd.s32 $0xFFFFFFFF, s2;
	s4 =	sadd.s32 s4, s8  }
0x5a3: {  	p1 =	sne.s32 s2, $0x0;
	_ =	sdelay $0x3  }
0x5a4: {  	(v2sf) =	vpush v0, $0x0;
	_ =	sdelay $0xe  }
.Ltmp28:
0x5a5: {  	s0 =	spop (v2sf);
	(pc) =	sbr.rel @p1 .LBB2_34-.Ltmp28, $4  }
0x5a6: {  	s8 =	simm.s32 $0x0;
	p2 =	sgt.u32 s0, $0xC34FB  }
0x5a7: {  	s1 =	sadd.s32 $0x30, s1;
	s8 =	simm.s32 @!p2 $0x84;
	s9 =	sand.u32 @!p2 $0xFFFF8, s0  }
0x5a8: {  	s7 =	sadd.s32 $0x1, s7;
	s0 =	sand.u32 @!p2 $0x7, s0;
	s9 =	sadd.s32 @!p2 s5, s9  }
0x5a9: {  	[hbm4b:s9+s0] =	stream.linear.scatter @!p2 [tilespmem:s1], [sflag:$0x5], $0x21, $0x38;
	[tilespmem:$0x1EDC8] =	vst v63  }
.LBB2_35:
0x5aa: {  	s0 =	sadd.s32 s4, s8  }
0x5ab: {  	s1 =	sshrl.u32 s0, $0x2  }
.LBB2_36:
0x5ac: {  	s0 =	simm.s32 $0x5  }
0x5ad: {  	_ =	swait.ge [sflag:s0], s1  }
0x5ae: {  	s31 =	ssub.s32 $0x0, s1;
	[sflag:s0] =	ssyncset.done $0x0  }
0x5af: {  	[sflag:s0] =	ssyncadd.s32 s31  }
0x5b0: {  	[sflag:s0] =	ssyncpa.u1 $0x1  }
.LBB2_37:
0x5b1: {  	s0 =	sor.u32 s3, s6  }
0x5b2: {  	p1 =	sne.s32 s0, $0x0  }
.Ltmp29:
0x5b3: {  	_ = 	snop;
	(pc) =	sbr.rel @p1 .LBB2_52-.Ltmp29, $3  }
0x5b4: {  	_ =	sdelay $0x1  }
0x5b5: {  	[bflag:$0x0] =	sbarrier.arrive $0xFFFF  }
0x5b6: {  	_ =	sfence  }
0x5b7: {  	s0 =	simm.s32 $0x7  }
0x5b8: {  	s1 =	simm.s32 $0x600;
	s2 =	simm.s32 $0x84D8;
	[sflag:s0] =	ssyncpa.u1 $0x0  }
0x5b9: {  	[tilespmem:s2], [sflag:$0x7] =	stream.linear.gather [spmem:s1], $0x20, $0x38;
	[tilespmem:$0x1EDC8] =	vst v63  }
0x5ba: {  	s30 =	simm.s32 $0x84F8;
	s1 =	simm.s32 $0x0  }
0x5bb: {  	[tilespmem:s30], [sflag:$0x7] =	stream.linear.gather [spmem:s1], $0x600, $0x38;
	[tilespmem:$0x1EDC8] =	vst v63  }
.Ltmp30:
0x5bc: {  	_ = 	snop;
	(pc) =	sbr.rel .LBB2_39-.Ltmp30, $4  }
0x5bd: {  	_ =	swait.ge [sflag:s0], $0x620  }
0x5be: {  	[sflag:s0] =	ssyncset.done $0x0  }
0x5bf: {  	s31 =	simm.s32 $0x8;
	[sflag:s0] =	ssyncadd.s32 $0xFFFFF9E0  }
0x5c0: {  	s2 =	simm.s32 $0x0;
	[sflag:s31] =	ssyncpa.u1 $0x0  }
.LBB2_45:
0x5c1: {  	p1 =	slt.u32 s3, $0xC34FC  }
0x5c2: {  	s0 =	sand.u32 @p1 $0xFFFF8, s3  }
0x5c3: {  	s3 =	sand.u32 @p1 $0x7, s3;
	s4 =	simm.s32 @p1 $0x8498;
	s0 =	sadd.s32 @p1 s5, s0  }
0x5c4: {  	[tilespmem:s4], [sflag:$0x8] =	stream.linear.gather @p1 [hbm4b:s0+s3], $0x21, $0x38;
	[tilespmem:$0x1EDC8] =	vst v63  }
0x5c5: {  	s0 =	simm.s32 @p1 $0x8  }
0x5c6: {  	_ =	swait.ge @p1 [sflag:s0], $0x21  }
0x5c7: {  	[sflag:s0] =	ssyncset.done @p1 $0x0  }
0x5c8: {  	[sflag:s0] =	ssyncadd.s32 @p1 $0xFFFFFFDF  }
0x5c9: {  	v1 =	vld @p1 [tilespmem:$0x8498];
	_ =	sdelay $0x1  }
0x5ca: {  	s0 =	smul.u32 @p1 $0xC0, s2;
	_ =	sdelay $0x1  }
0x5cb: {  	s3 =	sshra.s32 @p1 s0, $0x2  }
0x5cc: {  	[tilespmem:s3+$0x84F8] =	vst.add.f32.msk @p1 $0xffff, v1  }
0x5cd: {  	v1 =	vld @p1 [tilespmem:$0x84A8];
	_ =	sdelay $0x4  }
0x5ce: {  	[tilespmem:s3+$0x8508] =	vst.add.f32.msk @p1 $0xffff, v1  }
0x5cf: {  	v1 =	vld @p1 [tilespmem:$0x84B8];
	_ =	sdelay $0x2  }
0x5d0: {  	s4 =	smul.u32 @!p1 $0xC0, s2;
	_ =	sdelay $0x1  }
0x5d1: {  	s4 =	smov.u32 @p1 s0;
	[tilespmem:s3+$0x8518] =	vst.add.f32.msk @p1 $0xffff, v1  }
0x5d2: {  	s0 =	sshra.s32 s4, $0x2;
	[tilespmem:s1+$0x84D8] =	vst.msk $0x1, v0  }
0x5d3: {  	v0 =	vld [tilespmem:s0+$0x84F8];
	_ =	sdelay $0x1  }
0x5d4: {  	s31 =	smul.u32 $0xC0, s1;
	_ =	sdelay $0x1  }
0x5d5: {  	s3 =	sshra.s32 s31, $0x2  }
0x5d6: {  	[tilespmem:s3+$0x84F8] =	vst v0  }
0x5d7: {  	v0 =	vld [tilespmem:s0+$0x8508];
	_ =	sdelay $0x4  }
0x5d8: {  	[tilespmem:s3+$0x8508] =	vst v0  }
0x5d9: {  	v0 =	vld [tilespmem:s0+$0x8518];
	_ =	sdelay $0x4  }
0x5da: {  	s1 =	sadd.s32 $0x1, s1;
	[tilespmem:s3+$0x8518] =	vst v0  }
.LBB2_46:
0x5db: {  	s2 =	sadd.s32 $0x1, s2  }
0x5dc: {  	p1 =	sne.s32 s2, $0x20  }
.Ltmp31:
0x5dd: {  	_ = 	snop;
	(pc) =	sbr.rel @!p1 .LBB2_47-.Ltmp31, $1  }
0x5de: {  	_ =	sdelay $0x3  }
.LBB2_39:
0x5df: {  	v0 =	vld.msk [tilespmem:s2+$0x84D8], $0x1;
	_ =	sdelay $0x4  }
0x5e0: {  	(v2sf) =	vpush v0, $0x0;
	_ =	sdelay $0xe  }
0x5e1: {  	s3 =	spop (v2sf)  }
0x5e2: {  	p1 =	seq.s32 s3, $0xFFFFFFFF  }
.Ltmp32:
0x5e3: {  	_ = 	snop;
	(pc) =	sbr.rel @p1 .LBB2_46-.Ltmp32, $1  }
0x5e4: {  	_ =	sdelay $0x3  }
0x5e5: {  	p1 =	slt.s32 s1, $0x1  }
.Ltmp33:
0x5e6: {  	_ = 	snop;
	(pc) =	sbr.rel @p1 .LBB2_45-.Ltmp33, $1  }
0x5e7: {  	_ =	sdelay $0x3  }
0x5e8: {  	s4 =	simm.s32 $0x84D8;
	p1 =	por $0x0, $0x0  }
0x5e9: {  	v1 =	vld.msk @!p1 [tilespmem:s4+$0x0], $0x1;
	_ =	sdelay $0x4  }
0x5ea: {  	(v2sf) =	vpush @!p1 v1, $0x0;
	_ =	sdelay $0xd  }
0x5eb: {  	p3 =	sne.s32 s1, $0x1  }
.Ltmp34:
0x5ec: {  	s0 =	spop @!p1 (v2sf);
	(pc) =	sbr.rel @!p3 .LBB2_43-.Ltmp34, $4  }
0x5ed: {  	p2 =	seq.s32 @!p1 s3, s0  }
0x5ee: {  	s6 =	simm.s32 $0x0;
	p2 =	por !p2, p1  }
0x5ef: {  	s0 =	simm.s32 $0xFFFFFFFF;
	s6 =	simm.s32 @p2 $0xFFFFFFFF  }
0x5f0: {  	s7 =	simm.s32 $0x1;
	s6 =	smov.u32 @p1 s0  }
.LBB2_42:
0x5f1: {  	s0 =	smov.u32 s6;
	p1 =	sne.s32 s6, $0xFFFFFFFF  }
0x5f2: {  	s4 =	sadd.s32 $0x1, s4;
	s6 =	smov.u32 s7;
	s7 =	sadd.s32 $0x1, s7  }
0x5f3: {  	p2 =	sne.s32 s1, s7;
	v1 =	vld.msk @!p1 [tilespmem:s4+$0x0], $0x1;
	_ =	sdelay $0x4  }
0x5f4: {  	(v2sf) =	vpush @!p1 v1, $0x0;
	_ =	sdelay $0xe  }
.Ltmp35:
0x5f5: {  	s8 =	spop @!p1 (v2sf);
	(pc) =	sbr.rel @p2 .LBB2_42-.Ltmp35, $4  }
0x5f6: {  	p3 =	seq.s32 @!p1 s3, s8  }
0x5f7: {  	p3 =	por !p3, p1  }
0x5f8: {  	s6 =	simm.s32 @p3 $0xFFFFFFFF  }
0x5f9: {  	s6 =	smov.u32 @p1 s0  }
.LBB2_43:
0x5fa: {  	p1 =	seq.s32 s6, $0xFFFFFFFF  }
.Ltmp36:
0x5fb: {  	_ = 	snop;
	(pc) =	sbr.rel @p1 .LBB2_45-.Ltmp36, $1  }
0x5fc: {  	_ =	sdelay $0x3  }
0x5fd: {  	s0 =	smul.u32 $0xC0, s2;
	_ =	sdelay $0x1  }
0x5fe: {  	s0 =	sshra.s32 s0, $0x2  }
0x5ff: {  	v0 =	vld [tilespmem:s0+$0x84F8];
	_ =	sdelay $0x1  }
0x600: {  	s3 =	smul.u32 $0xC0, s6;
	_ =	sdelay $0x1  }
0x601: {  	s3 =	sshra.s32 s3, $0x2  }
0x602: {  	[tilespmem:s3+$0x84F8] =	vst.add.f32.msk $0xffff, v0  }
0x603: {  	v0 =	vld [tilespmem:s0+$0x8508];
	_ =	sdelay $0x4  }
0x604: {  	[tilespmem:s3+$0x8508] =	vst.add.f32.msk $0xffff, v0  }
0x605: {  	v0 =	vld [tilespmem:s0+$0x8518]  }
.Ltmp37:
0x606: {  	_ = 	snop;
	(pc) =	sbr.rel .LBB2_46-.Ltmp37, $2  }
0x607: {  	_ =	sdelay $0x2  }
0x608: {  	[tilespmem:s3+$0x8518] =	vst.add.f32.msk $0xffff, v0  }
.LBB2_47:
0x609: {  	p1 =	slt.s32 s1, $0x1  }
.Ltmp38:
0x60a: {  	_ = 	snop;
	(pc) =	sbr.rel @p1 .LBB2_51-.Ltmp38, $3  }
0x60b: {  	_ =	sdelay $0x1  }
0x60c: {  	s0 =	simm.s32 $0x8  }
0x60d: {  	s2 =	simm.s32 $0x0;
	[sflag:s0] =	ssyncpa.u1 $0x1  }
0x60e: {  	s0 =	simm.s32 $0x84D8  }
0x60f: {  	v0 =	vld.msk [tilespmem:s0+$0x0], $0x1;
	_ =	sdelay $0x4  }
0x610: {  	(v2sf) =	vpush v0, $0x0;
	_ =	sdelay $0xd  }
0x611: {  	s1 =	sadd.s32 $0xFFFFFFFF, s1  }
0x612: {  	p2 =	sne.s32 s1, $0x0;
	s0 =	spop (v2sf)  }
.Ltmp39:
0x613: {  	p1 =	sgt.u32 s0, $0xC34FB;
	(pc) =	sbr.rel @!p2 .LBB2_50-.Ltmp39, $4  }
0x614: {  	s3 =	simm.s32 $0x84F8;
	s4 =	sand.u32 @!p1 $0xFFFF8, s0  }
0x615: {  	s6 =	simm.s32 $0x0;
	s0 =	sand.u32 @!p1 $0x7, s0;
	s4 =	sadd.s32 @!p1 s5, s4  }
0x616: {  	[hbm4b:s4+s0] =	stream.linear.scatter @!p1 [tilespmem:s3], [sflag:$0x7], $0x21, $0x38;
	[tilespmem:$0x1EDC8] =	vst v63  }
0x617: {  	s6 =	simm.s32 @!p1 $0x84;
	s4 =	simm.s32 $0x84D9  }
.LBB2_49:
0x618: {  	v0 =	vld.msk [tilespmem:s4+$0x0], $0x1;
	s1 =	sadd.s32 $0xFFFFFFFF, s1;
	s2 =	sadd.s32 s2, s6  }
0x619: {  	p1 =	sne.s32 s1, $0x0;
	_ =	sdelay $0x3  }
0x61a: {  	(v2sf) =	vpush v0, $0x0;
	_ =	sdelay $0xe  }
.Ltmp40:
0x61b: {  	s0 =	spop (v2sf);
	(pc) =	sbr.rel @p1 .LBB2_49-.Ltmp40, $4  }
0x61c: {  	s6 =	simm.s32 $0x0;
	p2 =	sgt.u32 s0, $0xC34FB  }
0x61d: {  	s3 =	sadd.s32 $0x30, s3;
	s6 =	simm.s32 @!p2 $0x84;
	s7 =	sand.u32 @!p2 $0xFFFF8, s0  }
0x61e: {  	s4 =	sadd.s32 $0x1, s4;
	s0 =	sand.u32 @!p2 $0x7, s0;
	s7 =	sadd.s32 @!p2 s5, s7  }
0x61f: {  	[hbm4b:s7+s0] =	stream.linear.scatter @!p2 [tilespmem:s3], [sflag:$0x7], $0x21, $0x38;
	[tilespmem:$0x1EDC8] =	vst v63  }
.LBB2_50:
0x620: {  	s0 =	sadd.s32 s2, s6  }
0x621: {  	s2 =	sshrl.u32 s0, $0x2  }
.LBB2_51:
0x622: {  	s0 =	simm.s32 $0x7  }
0x623: {  	_ =	swait.ge [sflag:s0], s2  }
0x624: {  	s1 =	ssub.s32 $0x0, s2;
	[sflag:s0] =	ssyncset.done $0x0  }
0x625: {  	[sflag:s0] =	ssyncadd.s32 s1  }
0x626: {  	[sflag:s0] =	ssyncpa.u1 $0x1  }
.LBB2_52:
0x627: {  	_ =	sfence;
	s0 =	simm.s32 $0x1  }
0x628: {  	[sflag:s0] =	ssyncpa.u1 $0x1  }
0x629: {  	_ =	strace $0x9000004D  }
0x62a: {  	[bflag:$0x2] =	sbarrier.arrive $0xFFFF  }
0x62b: {  	s0 =	rddreg [dreg:$0x3]  }
0x62c: {  	s0 =	sadd.s32 @!p0 $0x100000, s0  }
0x62d: {  	[sflag:s0] =	ssyncadd.tile.s32 @!p0 $0x1;
	_ =	shalt  }
.Lfunc_end2:
_tile_overlayer_lowered:
.L_overlay_start_2:
0x62e: {  	(tag) =	ssettag $0x2  }
0x62f: {  	s0 =	rddreg [dreg:$0x0];
	s2 =	stileid.u32  }
0x630: {  	s1 =	rddreg [dreg:$0x1];
	p0 =	sne.s32 s2, $0x0  }
0x631: {  	s3 =	rddreg [dreg:$0x2];
	[bflag:$0x3] =	sbarrier.arrive $0xFFFF;
	s2 =	simm.s32 @!p0 $0x1C01  }
0x632: {  	[timem:s3], [sflag:s2] =	dma.local @!p0 [hbm:s0], s1  }
0x633: {  	s0 =	simm.s32 @!p0 $0x1  }
0x634: {  	_ =	swait.ge @!p0 [sflag:s0], s1  }
0x635: {  	s1 =	ssub.s32 @!p0 $0x0, s1;
	[sflag:s0] =	ssyncset.done @!p0 $0x0  }
0x636: {  	[sflag:s0] =	ssyncadd.s32 @!p0 s1  }
0x637: {  	[bflag:$0x3] =	sbarrier.arrive $0xFFFF  }
0x638: {  	_ =	shalt  }

</sc_bundles>
